<compile_context>
chip_gen: v7x
topology: tpu7x:2x2x1
jax: 0.10.2.dev20260603
libtpu: 0.0.44.dev20260713+nightly
codegen_flags: <defaults>
</compile_context>

<pallas_src>
import jax
import jax.numpy as jnp
from jax import lax
from jax.experimental import pallas as pl
from jax.experimental.pallas import tpu as pltpu
from jax.experimental.pallas import tpu_sc as plsc

B, L, V, D = 4096, 200, 1000000, 64
N = B * L
NW = 32
PER_W = N // NW
IDXW = 128
CHUNK_IR = 2
CHUNK = CHUNK_IR * IDXW
NCHUNK = PER_W // CHUNK
IR_PER_W = PER_W // IDXW
SCALE = float(D) ** 0.5
LANES = 16
GPC = CHUNK // LANES
GPR = IDXW // LANES
TCOL = N // IDXW


def _sc_body(table, seq2d, pos2d, neg2d,
             seq_out, pos_out, neg_out, ist_out,
             idx_all, rows_v0, rows_v1, tr_v0, tr_v1, swz_v,
             ist_v0, ist_v1, gsem0, gsem1, osem0, osem1):
    wid = lax.axis_index("s") * 2 + lax.axis_index("c")
    rows_vs = (rows_v0, rows_v1)
    tr_vs = (tr_v0, tr_v1)
    ist_vs = (ist_v0, ist_v1)
    gsems = (gsem0, gsem1)
    osems = (osem0, osem1)
    iota = lax.iota(jnp.int32, LANES)

    def run_array(idx2d, out_hbm, scaled, want_ist):
        pltpu.sync_copy(idx2d.at[pl.ds(wid * IR_PER_W, IR_PER_W)], idx_all)

        def fetch(g, b):
            for j in range(CHUNK_IR):
                pltpu.async_copy(
                    table.at[idx_all.at[g * CHUNK_IR + j]],
                    rows_vs[b].at[pl.ds(j * IDXW, IDXW)],
                    gsems[b],
                )

        def wait_gather(b):
            pltpu.make_async_copy(
                table.at[pl.ds(0, CHUNK)], rows_vs[b], gsems[b]).wait()

        def fire_out(g, b):
            tc0 = wid * IR_PER_W + g * CHUNK_IR
            pltpu.async_copy(
                tr_vs[b], out_hbm.at[:, pl.ds(tc0, CHUNK_IR), :, :],
                osems[b])
            if want_ist:
                base = wid * PER_W + g * CHUNK
                pltpu.async_copy(ist_vs[b], ist_out.at[pl.ds(base, CHUNK)],
                                 osems[b])

        def wait_out(b):
            pltpu.make_async_copy(
                tr_vs[b], out_hbm.at[:, pl.ds(0, CHUNK_IR), :, :],
                osems[b]).wait()
            if want_ist:
                pltpu.make_async_copy(
                    ist_vs[b], ist_out.at[pl.ds(0, CHUNK)], osems[b]).wait()

        def process(g, b):
            @plsc.parallel_loop(0, CHUNK, unroll=4)
            def _row_loop(r):
                xv = iota ^ (r % LANES)
                for c in range(D // LANES):
                    x = rows_vs[b][r, pl.ds(c * LANES, LANES)]
                    plsc.store_scatter(
                        swz_v, [xv + (r * D + c * LANES)], x)

            @plsc.parallel_loop(0, GPC)
            def m_body(m):
                irow = g * CHUNK_IR + m // GPR
                ioff = (m % GPR) * LANES
                v = idx_all[irow, pl.ds(ioff, LANES)]
                mult = jnp.where(
                    v != 0,
                    jnp.float32(SCALE if scaled else 1.0),
                    jnp.float32(0.0))
                if want_ist:
                    ist_vs[b][pl.ds(m * LANES, LANES)] = jnp.where(
                        v != 0, jnp.float32(1.0), jnp.float32(0.0))
                tci = m // GPR
                rc0 = (m % GPR) * LANES
                base_vec = iota * D + (m * LANES * D)

                @plsc.parallel_loop(0, D, unroll=8)
                def _j_loop(j):
                    addr = base_vec + (((j % LANES) ^ iota)
                                       + (j // LANES) * LANES)
                    x = plsc.load_gather(swz_v, [addr])
                    tr_vs[b][j // 8, tci, j % 8, pl.ds(rc0, LANES)] = (
                        x * mult)

        fetch(0, 0)

        def pair_body(g2, carry):
            for b in range(2):
                g = g2 * 2 + b
                wait_gather(b)

                @pl.when(g + 1 < NCHUNK)
                def _prefetch():
                    fetch(g + 1, 1 - b)

                @pl.when(g >= 2)
                def _reuse_wait():
                    wait_out(b)

                process(g, b)
                fire_out(g, b)
            return carry

        lax.fori_loop(0, NCHUNK // 2, pair_body, 0)
        wait_out(0)
        wait_out(1)

    run_array(seq2d, seq_out, True, False)
    run_array(pos2d, pos_out, False, True)
    run_array(neg2d, neg_out, False, False)


@jax.jit
def _sc_call(table, seq2d, pos2d, neg2d):
    mesh = plsc.VectorSubcoreMesh(core_axis_name="c", subcore_axis_name="s")
    q4d = jax.ShapeDtypeStruct((D // 8, TCOL, 8, IDXW), jnp.float32)
    f = pl.kernel(
        _sc_body,
        out_type=(
            q4d,
            q4d,
            q4d,
            jax.ShapeDtypeStruct((N,), jnp.float32),
        ),
        mesh=mesh,
        scratch_types=[
            pltpu.VMEM((IR_PER_W, IDXW), jnp.int32),
            pltpu.VMEM((CHUNK, D), jnp.float32),
            pltpu.VMEM((CHUNK, D), jnp.float32),
            pltpu.VMEM((D // 8, CHUNK_IR, 8, IDXW), jnp.float32),
            pltpu.VMEM((D // 8, CHUNK_IR, 8, IDXW), jnp.float32),
            pltpu.VMEM((CHUNK * D,), jnp.float32),
            pltpu.VMEM((CHUNK,), jnp.float32),
            pltpu.VMEM((CHUNK,), jnp.float32),
            pltpu.SemaphoreType.DMA,
            pltpu.SemaphoreType.DMA,
            pltpu.SemaphoreType.DMA,
            pltpu.SemaphoreType.DMA,
        ],
        compiler_params=pltpu.CompilerParams(
            use_tc_tiling_on_sc=False, needs_layout_passes=False,
            disable_bounds_checks=True),
    )
    return f(table, seq2d, pos2d, neg2d)


def kernel(seq_ids, pos_ids, neg_ids, item_embedding_table):
    seq2d = seq_ids.reshape(N // IDXW, IDXW)
    pos2d = pos_ids.reshape(N // IDXW, IDXW)
    neg2d = neg_ids.reshape(N // IDXW, IDXW)
    seq4, pos4, neg4, istarget = _sc_call(
        item_embedding_table, seq2d, pos2d, neg2d)

    def untile(q):
        return q.transpose(1, 3, 0, 2).reshape(N, D)

    return untile(seq4), untile(pos4), untile(neg4), istarget

# --- scband reference (transcript-rebuilt; emitter-appended) ---
"""Pipeline reference for scband-abs-seq-rec-34033320853639 (READ-ONLY COPY).

The authoritative reference and input builder live on the scoring server;
editing this copy changes nothing except your own understanding.
"""

import jax, jax.numpy as jnp
import numpy as np

B, L, V, D = 4096, 200, 1000000, 64
INPUT_SCALE = True


def setup_inputs(seed: int = 0) -> dict:
    key = jax.random.key(seed)
    k1, k2, k3, k4 = jax.random.split(key, 4)
    seq_ids = jax.random.randint(k1, (B, L), 0, V, dtype=jnp.int32)
    pos_ids = jax.random.randint(k2, (B, L), 0, V, dtype=jnp.int32)
    neg_ids = jax.random.randint(k3, (B, L), 0, V, dtype=jnp.int32)
    item_embedding_table = jax.random.normal(k4, (V, D), dtype=jnp.float32) * 0.02
    return {
        "seq_ids": seq_ids,
        "pos_ids": pos_ids,
        "neg_ids": neg_ids,
        "item_embedding_table": item_embedding_table,
    }


def reference(seq_ids, pos_ids, neg_ids, item_embedding_table):
    # zero_pad=True: row 0 of the embedding table is a constant zero vector
    # (mirrors tf embedding() that concats a zero row in-graph)
    table = jnp.concatenate(
        [jnp.zeros((1, D), dtype=item_embedding_table.dtype), item_embedding_table[1:]],
        axis=0,
    )

    # _create_net_inference: seq = embedding_lookup(table, seq_ids), optional scaling
    seq = jnp.take(table, seq_ids, axis=0)  # [B, L, D]
    if INPUT_SCALE:
        seq = seq * (D ** 0.5)

    # _create_posneg_emb_inference
    pos_flat = pos_ids.reshape(B * L)
    neg_flat = neg_ids.reshape(B * L)
    pos_emb = jnp.take(table, pos_flat, axis=0)  # [B*L, D]
    neg_emb = jnp.take(table, neg_flat, axis=0)  # [B*L, D]
    istarget = (pos_flat != 0).astype(jnp.float32)  # [B*L]

    # _create_inference: seq_emb = reshape(seq, [B*L, D])
    seq_emb = seq.reshape(B * L, D)
    return seq_emb, pos_emb, neg_emb, istarget

if __name__ == "__main__":
    import jax
    _d = setup_inputs()
    print(jax.jit(kernel)(*tuple(_d.values())))

</pallas_src>

<mosaic_0001>
#map = affine_map<(d0, d1) -> (0, 0)>
#map1 = affine_map<(d0, d1) -> (0, 0, 0, 0)>
#map2 = affine_map<(d0, d1) -> (0)>
module attributes {stable_mosaic.version = 14 : i64} {
  func.func @_sc_body(%arg0: i32, %arg1: i32, %arg2: memref<1000000x64xf32, #tpu.memory_space<hbm>>, %arg3: memref<6400x128xi32, #tpu.memory_space<hbm>>, %arg4: memref<6400x128xi32, #tpu.memory_space<hbm>>, %arg5: memref<6400x128xi32, #tpu.memory_space<hbm>>, %arg6: memref<8x6400x8x128xf32, #tpu.memory_space<hbm>>, %arg7: memref<8x6400x8x128xf32, #tpu.memory_space<hbm>>, %arg8: memref<8x6400x8x128xf32, #tpu.memory_space<hbm>>, %arg9: memref<819200xf32, #tpu.memory_space<hbm>>, %arg10: memref<200x128xi32, #tpu.memory_space<vmem>>, %arg11: memref<256x64xf32, #tpu.memory_space<vmem>>, %arg12: memref<256x64xf32, #tpu.memory_space<vmem>>, %arg13: memref<8x2x8x128xf32, #tpu.memory_space<vmem>>, %arg14: memref<8x2x8x128xf32, #tpu.memory_space<vmem>>, %arg15: memref<16384xf32, #tpu.memory_space<vmem>>, %arg16: memref<256xf32, #tpu.memory_space<vmem>>, %arg17: memref<256xf32, #tpu.memory_space<vmem>>, %arg18: memref<!tpu.dma_semaphore, #tpu.memory_space<semaphore_mem>>, %arg19: memref<!tpu.dma_semaphore, #tpu.memory_space<semaphore_mem>>, %arg20: memref<!tpu.dma_semaphore, #tpu.memory_space<semaphore_mem>>, %arg21: memref<!tpu.dma_semaphore, #tpu.memory_space<semaphore_mem>>) attributes {dimension_semantics = [#tpu.dimension_semantics<core_parallel>, #tpu.dimension_semantics<subcore_parallel>], iteration_bounds = array<i64: 2, 16>, scalar_prefetch = 0 : i64, scratch_operands = 12 : i64, tpu.core_type = #tpu.core_type<sc_vector_subcore>, window_params = [{transform_indices = #map}, {transform_indices = #map}, {transform_indices = #map}, {transform_indices = #map}, {transform_indices = #map1}, {transform_indices = #map1}, {transform_indices = #map1}, {transform_indices = #map2}]} {
    %mul3A = arith.constant 2 : i32
    %mul3A_0 = arith.muli %arg1, %mul3A : i32
    %add3A = arith.addi %mul3A_0, %arg0 : i32
    %iota3A = tpu.iota {dimensions = array<i32: 0>} : vector<16xi32>
    %mul3A_1 = arith.constant 200 : i32
    %mul3A_2 = arith.muli %add3A, %mul3A_1 : i32
    "tpu.region"() ({
      %run_scoped3A = tpu.sem_alloc : memref<!tpu.dma_semaphore, #tpu.memory_space<semaphore_mem>>
      %dma_start3A_150 = arith.constant 0 : i32
      %dma_start3A_151 = tpu.memref_slice %arg3[%mul3A_2, %dma_start3A_150] : memref<6400x128xi32, #tpu.memory_space<hbm>> -> memref<200x128xi32, #tpu.memory_space<hbm>>
      %dma_start3A_152 = arith.constant 0 : i32
      %dma_start3A_153 = tpu.memref_slice %arg3[%mul3A_2, %dma_start3A_152] : memref<6400x128xi32, #tpu.memory_space<hbm>> -> memref<200x128xi32, #tpu.memory_space<hbm>>
      tpu.enqueue_dma source(%dma_start3A_153 : memref<200x128xi32, #tpu.memory_space<hbm>>) target(%arg10 : memref<200x128xi32, #tpu.memory_space<vmem>>) target_semaphore(%run_scoped3A : memref<!tpu.dma_semaphore, #tpu.memory_space<semaphore_mem>>)
      %dma_wait3A_154 = arith.constant 0 : i32
      %dma_wait3A_155 = tpu.memref_slice %arg3[%mul3A_2, %dma_wait3A_154] : memref<6400x128xi32, #tpu.memory_space<hbm>> -> memref<200x128xi32, #tpu.memory_space<hbm>>
      %dma_wait3A_156 = arith.constant 0 : i32
      %dma_wait3A_157 = tpu.memref_slice %arg3[%mul3A_2, %dma_wait3A_156] : memref<6400x128xi32, #tpu.memory_space<hbm>> -> memref<200x128xi32, #tpu.memory_space<hbm>>
      tpu.wait_dma2 semaphore(%run_scoped3A : memref<!tpu.dma_semaphore, #tpu.memory_space<semaphore_mem>>) src(%dma_wait3A_157 : memref<200x128xi32, #tpu.memory_space<hbm>>) dst(%arg10 : memref<200x128xi32, #tpu.memory_space<vmem>>)
      tpu.yield
    }) : () -> ()
    %dma_start3A = arith.constant 0 : i32
    %dma_start3A_3 = arith.constant 0 : i32
    %dma_start3A_4 = arith.constant 0 : i32
    %dma_start3A_5 = tpu.memref_slice %arg11[%dma_start3A_3, %dma_start3A_4] : memref<256x64xf32, #tpu.memory_space<vmem>> -> memref<128x64xf32, #tpu.memory_space<vmem>>
    %dma_start3A_6 = arith.constant 0 : i32
    %dma_start3A_7 = tpu.memref_slice %arg10[%dma_start3A, %dma_start3A_6] : memref<200x128xi32, #tpu.memory_space<vmem>> -> memref<1x128xi32, #tpu.memory_space<vmem>>
    %dma_start3A_8 = tpu.memref_squeeze %dma_start3A_7 : memref<1x128xi32, #tpu.memory_space<vmem>> -> memref<128xi32, #tpu.memory_space<vmem>>
    %dma_start3A_9 = arith.constant 0 : i32
    %dma_start3A_10 = arith.constant 0 : i32
    %dma_start3A_11 = tpu.memref_slice %arg2[%dma_start3A_9, %dma_start3A_10] : memref<1000000x64xf32, #tpu.memory_space<hbm>> -> memref<1000000x64xf32, #tpu.memory_space<hbm>>
    tpu.enqueue_indirect_dma source(%dma_start3A_11 : memref<1000000x64xf32, #tpu.memory_space<hbm>>) target(%dma_start3A_5 : memref<128x64xf32, #tpu.memory_space<vmem>>) offsets(%dma_start3A_8 : memref<128xi32, #tpu.memory_space<vmem>>) semaphore(%arg18 : memref<!tpu.dma_semaphore, #tpu.memory_space<semaphore_mem>>)
    %dma_start3A_12 = arith.constant 1 : i32
    %dma_start3A_13 = arith.constant 128 : i32
    %dma_start3A_14 = arith.constant 0 : i32
    %dma_start3A_15 = tpu.memref_slice %arg11[%dma_start3A_13, %dma_start3A_14] : memref<256x64xf32, #tpu.memory_space<vmem>> -> memref<128x64xf32, #tpu.memory_space<vmem>>
    %dma_start3A_16 = arith.constant 0 : i32
    %dma_start3A_17 = tpu.memref_slice %arg10[%dma_start3A_12, %dma_start3A_16] : memref<200x128xi32, #tpu.memory_space<vmem>> -> memref<1x128xi32, #tpu.memory_space<vmem>>
    %dma_start3A_18 = tpu.memref_squeeze %dma_start3A_17 : memref<1x128xi32, #tpu.memory_space<vmem>> -> memref<128xi32, #tpu.memory_space<vmem>>
    %dma_start3A_19 = arith.constant 0 : i32
    %dma_start3A_20 = arith.constant 0 : i32
    %dma_start3A_21 = tpu.memref_slice %arg2[%dma_start3A_19, %dma_start3A_20] : memref<1000000x64xf32, #tpu.memory_space<hbm>> -> memref<1000000x64xf32, #tpu.memory_space<hbm>>
    tpu.enqueue_indirect_dma source(%dma_start3A_21 : memref<1000000x64xf32, #tpu.memory_space<hbm>>) target(%dma_start3A_15 : memref<128x64xf32, #tpu.memory_space<vmem>>) offsets(%dma_start3A_18 : memref<128xi32, #tpu.memory_space<vmem>>) semaphore(%arg18 : memref<!tpu.dma_semaphore, #tpu.memory_space<semaphore_mem>>)
    %scan3A = arith.constant 0 : i32
    %scan3A_22 = arith.constant 0 : i32
    %scan3A_23 = arith.constant 50 : i32
    %scan3A_24 = arith.addi %scan3A_22, %scan3A_23 : i32
    %scan3A_25 = arith.constant 1 : i32
    scf.for %scan3A_150 = %scan3A_22 to %scan3A_24 step %scan3A_25  : i32 {
      %mul3A_151 = arith.constant 2 : i32
      %mul3A_152 = arith.muli %scan3A_150, %mul3A_151 : i32
      %add3A_153 = arith.constant 0 : i32
      %add3A_154 = arith.addi %mul3A_152, %add3A_153 : i32
      %dma_wait3A_155 = arith.constant 0 : i32
      %dma_wait3A_156 = arith.constant 0 : i32
      %dma_wait3A_157 = tpu.memref_slice %arg2[%dma_wait3A_155, %dma_wait3A_156] : memref<1000000x64xf32, #tpu.memory_space<hbm>> -> memref<256x64xf32, #tpu.memory_space<hbm>>
      %dma_wait3A_158 = arith.constant 0 : i32
      %dma_wait3A_159 = arith.constant 0 : i32
      %dma_wait3A_160 = tpu.memref_slice %arg2[%dma_wait3A_158, %dma_wait3A_159] : memref<1000000x64xf32, #tpu.memory_space<hbm>> -> memref<256x64xf32, #tpu.memory_space<hbm>>
      tpu.wait_dma2 semaphore(%arg18 : memref<!tpu.dma_semaphore, #tpu.memory_space<semaphore_mem>>) src(%dma_wait3A_160 : memref<256x64xf32, #tpu.memory_space<hbm>>) dst(%arg11 : memref<256x64xf32, #tpu.memory_space<vmem>>)
      %add3A_161 = arith.constant 1 : i32
      %add3A_162 = arith.addi %add3A_154, %add3A_161 : i32
      %lt3A = arith.constant 100 : i32
      %lt3A_163 = arith.cmpi slt, %add3A_162, %lt3A : i32
      %convert_element_type3A = arith.extui %lt3A_163 : i1 to i32
      %cond3A = arith.constant 0 : i32
      %cond3A_164 = arith.cmpi ne, %convert_element_type3A, %cond3A : i32
      scf.if %cond3A_164 {
        %add3A_228 = arith.constant 1 : i32
        %add3A_229 = arith.addi %add3A_154, %add3A_228 : i32
        %mul3A_230 = arith.constant 2 : i32
        %mul3A_231 = arith.muli %add3A_229, %mul3A_230 : i32
        %add3A_232 = arith.constant 0 : i32
        %add3A_233 = arith.addi %mul3A_231, %add3A_232 : i32
        %dma_start3A_234 = arith.constant 0 : i32
        %dma_start3A_235 = arith.constant 0 : i32
        %dma_start3A_236 = tpu.memref_slice %arg12[%dma_start3A_234, %dma_start3A_235] : memref<256x64xf32, #tpu.memory_space<vmem>> -> memref<128x64xf32, #tpu.memory_space<vmem>>
        %dma_start3A_237 = arith.constant 0 : i32
        %dma_start3A_238 = tpu.memref_slice %arg10[%add3A_233, %dma_start3A_237] : memref<200x128xi32, #tpu.memory_space<vmem>> -> memref<1x128xi32, #tpu.memory_space<vmem>>
        %dma_start3A_239 = tpu.memref_squeeze %dma_start3A_238 : memref<1x128xi32, #tpu.memory_space<vmem>> -> memref<128xi32, #tpu.memory_space<vmem>>
        %dma_start3A_240 = arith.constant 0 : i32
        %dma_start3A_241 = arith.constant 0 : i32
        %dma_start3A_242 = tpu.memref_slice %arg2[%dma_start3A_240, %dma_start3A_241] : memref<1000000x64xf32, #tpu.memory_space<hbm>> -> memref<1000000x64xf32, #tpu.memory_space<hbm>>
        tpu.enqueue_indirect_dma source(%dma_start3A_242 : memref<1000000x64xf32, #tpu.memory_space<hbm>>) target(%dma_start3A_236 : memref<128x64xf32, #tpu.memory_space<vmem>>) offsets(%dma_start3A_239 : memref<128xi32, #tpu.memory_space<vmem>>) semaphore(%arg19 : memref<!tpu.dma_semaphore, #tpu.memory_space<semaphore_mem>>)
        %mul3A_243 = arith.constant 2 : i32
        %mul3A_244 = arith.muli %add3A_229, %mul3A_243 : i32
        %add3A_245 = arith.constant 1 : i32
        %add3A_246 = arith.addi %mul3A_244, %add3A_245 : i32
        %dma_start3A_247 = arith.constant 128 : i32
        %dma_start3A_248 = arith.constant 0 : i32
        %dma_start3A_249 = tpu.memref_slice %arg12[%dma_start3A_247, %dma_start3A_248] : memref<256x64xf32, #tpu.memory_space<vmem>> -> memref<128x64xf32, #tpu.memory_space<vmem>>
        %dma_start3A_250 = arith.constant 0 : i32
        %dma_start3A_251 = tpu.memref_slice %arg10[%add3A_246, %dma_start3A_250] : memref<200x128xi32, #tpu.memory_space<vmem>> -> memref<1x128xi32, #tpu.memory_space<vmem>>
        %dma_start3A_252 = tpu.memref_squeeze %dma_start3A_251 : memref<1x128xi32, #tpu.memory_space<vmem>> -> memref<128xi32, #tpu.memory_space<vmem>>
        %dma_start3A_253 = arith.constant 0 : i32
        %dma_start3A_254 = arith.constant 0 : i32
        %dma_start3A_255 = tpu.memref_slice %arg2[%dma_start3A_253, %dma_start3A_254] : memref<1000000x64xf32, #tpu.memory_space<hbm>> -> memref<1000000x64xf32, #tpu.memory_space<hbm>>
        tpu.enqueue_indirect_dma source(%dma_start3A_255 : memref<1000000x64xf32, #tpu.memory_space<hbm>>) target(%dma_start3A_249 : memref<128x64xf32, #tpu.memory_space<vmem>>) offsets(%dma_start3A_252 : memref<128xi32, #tpu.memory_space<vmem>>) semaphore(%arg19 : memref<!tpu.dma_semaphore, #tpu.memory_space<semaphore_mem>>)
      } else {
      }
      %ge3A = arith.constant 2 : i32
      %ge3A_165 = arith.cmpi sge, %add3A_154, %ge3A : i32
      %convert_element_type3A_166 = arith.extui %ge3A_165 : i1 to i32
      %cond3A_167 = arith.constant 0 : i32
      %cond3A_168 = arith.cmpi ne, %convert_element_type3A_166, %cond3A_167 : i32
      scf.if %cond3A_168 {
        %dma_wait3A_228 = arith.constant 0 : i32
        %dma_wait3A_229 = arith.constant 0 : i32
        %dma_wait3A_230 = arith.constant 0 : i32
        %dma_wait3A_231 = arith.constant 0 : i32
        %dma_wait3A_232 = tpu.memref_slice %arg6[%dma_wait3A_228, %dma_wait3A_229, %dma_wait3A_230, %dma_wait3A_231] : memref<8x6400x8x128xf32, #tpu.memory_space<hbm>> -> memref<8x2x8x128xf32, #tpu.memory_space<hbm>>
        %dma_wait3A_233 = arith.constant 0 : i32
        %dma_wait3A_234 = arith.constant 0 : i32
        %dma_wait3A_235 = arith.constant 0 : i32
        %dma_wait3A_236 = arith.constant 0 : i32
        %dma_wait3A_237 = tpu.memref_slice %arg6[%dma_wait3A_233, %dma_wait3A_234, %dma_wait3A_235, %dma_wait3A_236] : memref<8x6400x8x128xf32, #tpu.memory_space<hbm>> -> memref<8x2x8x128xf32, #tpu.memory_space<hbm>>
        tpu.wait_dma2 semaphore(%arg20 : memref<!tpu.dma_semaphore, #tpu.memory_space<semaphore_mem>>) src(%arg13 : memref<8x2x8x128xf32, #tpu.memory_space<vmem>>) dst(%dma_wait3A_237 : memref<8x2x8x128xf32, #tpu.memory_space<hbm>>)
      } else {
      }
      %parallel_loop3A = arith.constant 0 : i32
      %parallel_loop3A_169 = arith.constant 256 : i32
      %parallel_loop3A_170 = arith.constant 1 : i32
      scf.for %parallel_loop3A_228 = %parallel_loop3A to %parallel_loop3A_169 step %parallel_loop3A_170  : i32 {
        %parallel_loop3A_229 = arith.constant 16 : i32
        %parallel_loop3A_230 = arith.constant 0 : i32
        %parallel_loop3A_231 = arith.cmpi eq, %parallel_loop3A_229, %parallel_loop3A_230 : i32
        %parallel_loop3A_232 = arith.constant 1 : i32
        %parallel_loop3A_233 = arith.select %parallel_loop3A_231, %parallel_loop3A_232, %parallel_loop3A_229 : i32
        %parallel_loop3A_234 = arith.remsi %parallel_loop3A_228, %parallel_loop3A_233 : i32
        %parallel_loop3A_235 = arith.constant 0 : i32
        %parallel_loop3A_236 = arith.cmpi ne, %parallel_loop3A_234, %parallel_loop3A_235 : i32
        %parallel_loop3A_237 = arith.constant 0 : i32
        %parallel_loop3A_238 = arith.cmpi slt, %parallel_loop3A_234, %parallel_loop3A_237 : i32
        %parallel_loop3A_239 = arith.constant 0 : i32
        %parallel_loop3A_240 = arith.cmpi slt, %parallel_loop3A_233, %parallel_loop3A_239 : i32
        %parallel_loop3A_241 = arith.xori %parallel_loop3A_238, %parallel_loop3A_240 : i1
        %parallel_loop3A_242 = arith.andi %parallel_loop3A_241, %parallel_loop3A_236 : i1
        %parallel_loop3A_243 = arith.addi %parallel_loop3A_234, %parallel_loop3A_233 : i32
        %parallel_loop3A_244 = arith.select %parallel_loop3A_242, %parallel_loop3A_243, %parallel_loop3A_234 : i32
        %parallel_loop3A_245 = vector.broadcast %parallel_loop3A_244 : i32 to vector<16xi32>
        %parallel_loop3A_246 = arith.xori %iota3A, %parallel_loop3A_245 : vector<16xi32>
        %parallel_loop3A_247 = arith.index_cast %parallel_loop3A_228 : i32 to index
        %parallel_loop3A_248 = arith.constant 0 : index
        %parallel_loop3A_249 = tpu.vector_load %arg11[%parallel_loop3A_247, %parallel_loop3A_248] {strides = array<i32>} : memref<256x64xf32, #tpu.memory_space<vmem>>, vector<16xf32>,
        %parallel_loop3A_250 = arith.constant 64 : i32
        %parallel_loop3A_251 = arith.muli %parallel_loop3A_228, %parallel_loop3A_250 : i32
        %parallel_loop3A_252 = arith.constant 0 : i32
        %parallel_loop3A_253 = arith.addi %parallel_loop3A_251, %parallel_loop3A_252 : i32
        %parallel_loop3A_254 = vector.broadcast %parallel_loop3A_253 : i32 to vector<16xi32>
        %parallel_loop3A_255 = arith.addi %parallel_loop3A_246, %parallel_loop3A_254 : vector<16xi32>
        tpu.vector_store_idx %arg15[%parallel_loop3A_255], %parallel_loop3A_249 : memref<16384xf32, #tpu.memory_space<vmem>>[vector<16xi32>], vector<16xf32>,
        %parallel_loop3A_256 = arith.index_cast %parallel_loop3A_228 : i32 to index
        %parallel_loop3A_257 = arith.constant 16 : index
        %parallel_loop3A_258 = tpu.vector_load %arg11[%parallel_loop3A_256, %parallel_loop3A_257] {strides = array<i32>} : memref<256x64xf32, #tpu.memory_space<vmem>>, vector<16xf32>,
        %parallel_loop3A_259 = arith.constant 64 : i32
        %parallel_loop3A_260 = arith.muli %parallel_loop3A_228, %parallel_loop3A_259 : i32
        %parallel_loop3A_261 = arith.constant 16 : i32
        %parallel_loop3A_262 = arith.addi %parallel_loop3A_260, %parallel_loop3A_261 : i32
        %parallel_loop3A_263 = vector.broadcast %parallel_loop3A_262 : i32 to vector<16xi32>
        %parallel_loop3A_264 = arith.addi %parallel_loop3A_246, %parallel_loop3A_263 : vector<16xi32>
        tpu.vector_store_idx %arg15[%parallel_loop3A_264], %parallel_loop3A_258 : memref<16384xf32, #tpu.memory_space<vmem>>[vector<16xi32>], vector<16xf32>,
        %parallel_loop3A_265 = arith.index_cast %parallel_loop3A_228 : i32 to index
        %parallel_loop3A_266 = arith.constant 32 : index
        %parallel_loop3A_267 = tpu.vector_load %arg11[%parallel_loop3A_265, %parallel_loop3A_266] {strides = array<i32>} : memref<256x64xf32, #tpu.memory_space<vmem>>, vector<16xf32>,
        %parallel_loop3A_268 = arith.constant 64 : i32
        %parallel_loop3A_269 = arith.muli %parallel_loop3A_228, %parallel_loop3A_268 : i32
        %parallel_loop3A_270 = arith.constant 32 : i32
        %parallel_loop3A_271 = arith.addi %parallel_loop3A_269, %parallel_loop3A_270 : i32
        %parallel_loop3A_272 = vector.broadcast %parallel_loop3A_271 : i32 to vector<16xi32>
        %parallel_loop3A_273 = arith.addi %parallel_loop3A_246, %parallel_loop3A_272 : vector<16xi32>
        tpu.vector_store_idx %arg15[%parallel_loop3A_273], %parallel_loop3A_267 : memref<16384xf32, #tpu.memory_space<vmem>>[vector<16xi32>], vector<16xf32>,
        %parallel_loop3A_274 = arith.index_cast %parallel_loop3A_228 : i32 to index
        %parallel_loop3A_275 = arith.constant 48 : index
        %parallel_loop3A_276 = tpu.vector_load %arg11[%parallel_loop3A_274, %parallel_loop3A_275] {strides = array<i32>} : memref<256x64xf32, #tpu.memory_space<vmem>>, vector<16xf32>,
        %parallel_loop3A_277 = arith.constant 64 : i32
        %parallel_loop3A_278 = arith.muli %parallel_loop3A_228, %parallel_loop3A_277 : i32
        %parallel_loop3A_279 = arith.constant 48 : i32
        %parallel_loop3A_280 = arith.addi %parallel_loop3A_278, %parallel_loop3A_279 : i32
        %parallel_loop3A_281 = vector.broadcast %parallel_loop3A_280 : i32 to vector<16xi32>
        %parallel_loop3A_282 = arith.addi %parallel_loop3A_246, %parallel_loop3A_281 : vector<16xi32>
        tpu.vector_store_idx %arg15[%parallel_loop3A_282], %parallel_loop3A_276 : memref<16384xf32, #tpu.memory_space<vmem>>[vector<16xi32>], vector<16xf32>,
      } {sc.loop_unroll_factor = 4 : i64, sc.parallel_access}
      %parallel_loop3A_171 = arith.constant 0 : i32
      %parallel_loop3A_172 = arith.constant 16 : i32
      %parallel_loop3A_173 = arith.constant 1 : i32
      scf.for %parallel_loop3A_228 = %parallel_loop3A_171 to %parallel_loop3A_172 step %parallel_loop3A_173  : i32 {
        %parallel_loop3A_229 = arith.constant 2 : i32
        %parallel_loop3A_230 = arith.muli %add3A_154, %parallel_loop3A_229 : i32
        %parallel_loop3A_231 = arith.constant 8 : i32
        %parallel_loop3A_232 = arith.divsi %parallel_loop3A_228, %parallel_loop3A_231 : i32
        %parallel_loop3A_233 = arith.constant 0 : i32
        %parallel_loop3A_234 = arith.cmpi sgt, %parallel_loop3A_228, %parallel_loop3A_233 : i32
        %parallel_loop3A_235 = arith.extui %parallel_loop3A_234 : i1 to i32
        %parallel_loop3A_236 = arith.constant 0 : i32
        %parallel_loop3A_237 = arith.cmpi slt, %parallel_loop3A_228, %parallel_loop3A_236 : i32
        %parallel_loop3A_238 = arith.extui %parallel_loop3A_237 : i1 to i32
        %parallel_loop3A_239 = arith.subi %parallel_loop3A_235, %parallel_loop3A_238 : i32
        %parallel_loop3A_240 = arith.constant 0 : i32
        %parallel_loop3A_241 = arith.cmpi sgt, %parallel_loop3A_231, %parallel_loop3A_240 : i32
        %parallel_loop3A_242 = arith.extui %parallel_loop3A_241 : i1 to i32
        %parallel_loop3A_243 = arith.constant 0 : i32
        %parallel_loop3A_244 = arith.cmpi slt, %parallel_loop3A_231, %parallel_loop3A_243 : i32
        %parallel_loop3A_245 = arith.extui %parallel_loop3A_244 : i1 to i32
        %parallel_loop3A_246 = arith.subi %parallel_loop3A_242, %parallel_loop3A_245 : i32
        %parallel_loop3A_247 = arith.cmpi ne, %parallel_loop3A_239, %parallel_loop3A_246 : i32
        %parallel_loop3A_248 = arith.remsi %parallel_loop3A_228, %parallel_loop3A_231 : i32
        %parallel_loop3A_249 = arith.constant 0 : i32
        %parallel_loop3A_250 = arith.cmpi ne, %parallel_loop3A_248, %parallel_loop3A_249 : i32
        %parallel_loop3A_251 = arith.andi %parallel_loop3A_247, %parallel_loop3A_250 : i1
        %parallel_loop3A_252 = arith.constant 1 : i32
        %parallel_loop3A_253 = arith.subi %parallel_loop3A_232, %parallel_loop3A_252 : i32
        %parallel_loop3A_254 = arith.select %parallel_loop3A_251, %parallel_loop3A_253, %parallel_loop3A_232 : i32
        %parallel_loop3A_255 = arith.addi %parallel_loop3A_230, %parallel_loop3A_254 : i32
        %parallel_loop3A_256 = arith.constant 8 : i32
        %parallel_loop3A_257 = arith.constant 0 : i32
        %parallel_loop3A_258 = arith.cmpi eq, %parallel_loop3A_256, %parallel_loop3A_257 : i32
        %parallel_loop3A_259 = arith.constant 1 : i32
        %parallel_loop3A_260 = arith.select %parallel_loop3A_258, %parallel_loop3A_259, %parallel_loop3A_256 : i32
        %parallel_loop3A_261 = arith.remsi %parallel_loop3A_228, %parallel_loop3A_260 : i32
        %parallel_loop3A_262 = arith.constant 0 : i32
        %parallel_loop3A_263 = arith.cmpi ne, %parallel_loop3A_261, %parallel_loop3A_262 : i32
        %parallel_loop3A_264 = arith.constant 0 : i32
        %parallel_loop3A_265 = arith.cmpi slt, %parallel_loop3A_261, %parallel_loop3A_264 : i32
        %parallel_loop3A_266 = arith.constant 0 : i32
        %parallel_loop3A_267 = arith.cmpi slt, %parallel_loop3A_260, %parallel_loop3A_266 : i32
        %parallel_loop3A_268 = arith.xori %parallel_loop3A_265, %parallel_loop3A_267 : i1
        %parallel_loop3A_269 = arith.andi %parallel_loop3A_268, %parallel_loop3A_263 : i1
        %parallel_loop3A_270 = arith.addi %parallel_loop3A_261, %parallel_loop3A_260 : i32
        %parallel_loop3A_271 = arith.select %parallel_loop3A_269, %parallel_loop3A_270, %parallel_loop3A_261 : i32
        %parallel_loop3A_272 = arith.constant 16 : i32
        %parallel_loop3A_273 = arith.muli %parallel_loop3A_271, %parallel_loop3A_272 : i32
        %parallel_loop3A_274 = arith.index_cast %parallel_loop3A_255 : i32 to index
        %parallel_loop3A_275 = arith.index_cast %parallel_loop3A_273 : i32 to index
        %parallel_loop3A_276 = tpu.vector_load %arg10[%parallel_loop3A_274, %parallel_loop3A_275] {strides = array<i32>} : memref<200x128xi32, #tpu.memory_space<vmem>>, vector<16xi32>,
        %parallel_loop3A_277 = arith.constant 0 : i32
        %parallel_loop3A_278 = vector.broadcast %parallel_loop3A_277 : i32 to vector<16xi32>
        %parallel_loop3A_279 = arith.cmpi ne, %parallel_loop3A_276, %parallel_loop3A_278 : vector<16xi32>
        %parallel_loop3A_280 = arith.constant 8.000000e+00 : f32
        %parallel_loop3A_281 = arith.constant 0.000000e+00 : f32
        %parallel_loop3A_282 = vector.broadcast %parallel_loop3A_280 : f32 to vector<16xf32>
        %parallel_loop3A_283 = vector.broadcast %parallel_loop3A_281 : f32 to vector<16xf32>
        %parallel_loop3A_284 = arith.select %parallel_loop3A_279, %parallel_loop3A_282, %parallel_loop3A_283 : vector<16xi1>, vector<16xf32>
        %parallel_loop3A_285 = arith.constant 8 : i32
        %parallel_loop3A_286 = arith.divsi %parallel_loop3A_228, %parallel_loop3A_285 : i32
        %parallel_loop3A_287 = arith.constant 0 : i32
        %parallel_loop3A_288 = arith.cmpi sgt, %parallel_loop3A_228, %parallel_loop3A_287 : i32
        %parallel_loop3A_289 = arith.extui %parallel_loop3A_288 : i1 to i32
        %parallel_loop3A_290 = arith.constant 0 : i32
        %parallel_loop3A_291 = arith.cmpi slt, %parallel_loop3A_228, %parallel_loop3A_290 : i32
        %parallel_loop3A_292 = arith.extui %parallel_loop3A_291 : i1 to i32
        %parallel_loop3A_293 = arith.subi %parallel_loop3A_289, %parallel_loop3A_292 : i32
        %parallel_loop3A_294 = arith.constant 0 : i32
        %parallel_loop3A_295 = arith.cmpi sgt, %parallel_loop3A_285, %parallel_loop3A_294 : i32
        %parallel_loop3A_296 = arith.extui %parallel_loop3A_295 : i1 to i32
        %parallel_loop3A_297 = arith.constant 0 : i32
        %parallel_loop3A_298 = arith.cmpi slt, %parallel_loop3A_285, %parallel_loop3A_297 : i32
        %parallel_loop3A_299 = arith.extui %parallel_loop3A_298 : i1 to i32
        %parallel_loop3A_300 = arith.subi %parallel_loop3A_296, %parallel_loop3A_299 : i32
        %parallel_loop3A_301 = arith.cmpi ne, %parallel_loop3A_293, %parallel_loop3A_300 : i32
        %parallel_loop3A_302 = arith.remsi %parallel_loop3A_228, %parallel_loop3A_285 : i32
        %parallel_loop3A_303 = arith.constant 0 : i32
        %parallel_loop3A_304 = arith.cmpi ne, %parallel_loop3A_302, %parallel_loop3A_303 : i32
        %parallel_loop3A_305 = arith.andi %parallel_loop3A_301, %parallel_loop3A_304 : i1
        %parallel_loop3A_306 = arith.constant 1 : i32
        %parallel_loop3A_307 = arith.subi %parallel_loop3A_286, %parallel_loop3A_306 : i32
        %parallel_loop3A_308 = arith.select %parallel_loop3A_305, %parallel_loop3A_307, %parallel_loop3A_286 : i32
        %parallel_loop3A_309 = arith.constant 8 : i32
        %parallel_loop3A_310 = arith.constant 0 : i32
        %parallel_loop3A_311 = arith.cmpi eq, %parallel_loop3A_309, %parallel_loop3A_310 : i32
        %parallel_loop3A_312 = arith.constant 1 : i32
        %parallel_loop3A_313 = arith.select %parallel_loop3A_311, %parallel_loop3A_312, %parallel_loop3A_309 : i32
        %parallel_loop3A_314 = arith.remsi %parallel_loop3A_228, %parallel_loop3A_313 : i32
        %parallel_loop3A_315 = arith.constant 0 : i32
        %parallel_loop3A_316 = arith.cmpi ne, %parallel_loop3A_314, %parallel_loop3A_315 : i32
        %parallel_loop3A_317 = arith.constant 0 : i32
        %parallel_loop3A_318 = arith.cmpi slt, %parallel_loop3A_314, %parallel_loop3A_317 : i32
        %parallel_loop3A_319 = arith.constant 0 : i32
        %parallel_loop3A_320 = arith.cmpi slt, %parallel_loop3A_313, %parallel_loop3A_319 : i32
        %parallel_loop3A_321 = arith.xori %parallel_loop3A_318, %parallel_loop3A_320 : i1
        %parallel_loop3A_322 = arith.andi %parallel_loop3A_321, %parallel_loop3A_316 : i1
        %parallel_loop3A_323 = arith.addi %parallel_loop3A_314, %parallel_loop3A_313 : i32
        %parallel_loop3A_324 = arith.select %parallel_loop3A_322, %parallel_loop3A_323, %parallel_loop3A_314 : i32
        %parallel_loop3A_325 = arith.constant 16 : i32
        %parallel_loop3A_326 = arith.muli %parallel_loop3A_324, %parallel_loop3A_325 : i32
        %parallel_loop3A_327 = arith.constant 64 : i32
        %parallel_loop3A_328 = vector.broadcast %parallel_loop3A_327 : i32 to vector<16xi32>
        %parallel_loop3A_329 = arith.muli %iota3A, %parallel_loop3A_328 : vector<16xi32>
        %parallel_loop3A_330 = arith.constant 16 : i32
        %parallel_loop3A_331 = arith.muli %parallel_loop3A_228, %parallel_loop3A_330 : i32
        %parallel_loop3A_332 = arith.constant 64 : i32
        %parallel_loop3A_333 = arith.muli %parallel_loop3A_331, %parallel_loop3A_332 : i32
        %parallel_loop3A_334 = vector.broadcast %parallel_loop3A_333 : i32 to vector<16xi32>
        %parallel_loop3A_335 = arith.addi %parallel_loop3A_329, %parallel_loop3A_334 : vector<16xi32>
        %parallel_loop3A_336 = arith.constant 0 : i32
        %parallel_loop3A_337 = arith.constant 64 : i32
        %parallel_loop3A_338 = arith.constant 1 : i32
        scf.for %parallel_loop3A_339 = %parallel_loop3A_336 to %parallel_loop3A_337 step %parallel_loop3A_338  : i32 {
          %parallel_loop3A_340 = arith.constant 16 : i32
          %parallel_loop3A_341 = arith.constant 0 : i32
          %parallel_loop3A_342 = arith.cmpi eq, %parallel_loop3A_340, %parallel_loop3A_341 : i32
          %parallel_loop3A_343 = arith.constant 1 : i32
          %parallel_loop3A_344 = arith.select %parallel_loop3A_342, %parallel_loop3A_343, %parallel_loop3A_340 : i32
          %parallel_loop3A_345 = arith.remsi %parallel_loop3A_339, %parallel_loop3A_344 : i32
          %parallel_loop3A_346 = arith.constant 0 : i32
          %parallel_loop3A_347 = arith.cmpi ne, %parallel_loop3A_345, %parallel_loop3A_346 : i32
          %parallel_loop3A_348 = arith.constant 0 : i32
          %parallel_loop3A_349 = arith.cmpi slt, %parallel_loop3A_345, %parallel_loop3A_348 : i32
          %parallel_loop3A_350 = arith.constant 0 : i32
          %parallel_loop3A_351 = arith.cmpi slt, %parallel_loop3A_344, %parallel_loop3A_350 : i32
          %parallel_loop3A_352 = arith.xori %parallel_loop3A_349, %parallel_loop3A_351 : i1
          %parallel_loop3A_353 = arith.andi %parallel_loop3A_352, %parallel_loop3A_347 : i1
          %parallel_loop3A_354 = arith.addi %parallel_loop3A_345, %parallel_loop3A_344 : i32
          %parallel_loop3A_355 = arith.select %parallel_loop3A_353, %parallel_loop3A_354, %parallel_loop3A_345 : i32
          %parallel_loop3A_356 = vector.broadcast %parallel_loop3A_355 : i32 to vector<16xi32>
          %parallel_loop3A_357 = arith.xori %parallel_loop3A_356, %iota3A : vector<16xi32>
          %parallel_loop3A_358 = arith.constant 16 : i32
          %parallel_loop3A_359 = arith.divsi %parallel_loop3A_339, %parallel_loop3A_358 : i32
          %parallel_loop3A_360 = arith.constant 0 : i32
          %parallel_loop3A_361 = arith.cmpi sgt, %parallel_loop3A_339, %parallel_loop3A_360 : i32
          %parallel_loop3A_362 = arith.extui %parallel_loop3A_361 : i1 to i32
          %parallel_loop3A_363 = arith.constant 0 : i32
          %parallel_loop3A_364 = arith.cmpi slt, %parallel_loop3A_339, %parallel_loop3A_363 : i32
          %parallel_loop3A_365 = arith.extui %parallel_loop3A_364 : i1 to i32
          %parallel_loop3A_366 = arith.subi %parallel_loop3A_362, %parallel_loop3A_365 : i32
          %parallel_loop3A_367 = arith.constant 0 : i32
          %parallel_loop3A_368 = arith.cmpi sgt, %parallel_loop3A_358, %parallel_loop3A_367 : i32
          %parallel_loop3A_369 = arith.extui %parallel_loop3A_368 : i1 to i32
          %parallel_loop3A_370 = arith.constant 0 : i32
          %parallel_loop3A_371 = arith.cmpi slt, %parallel_loop3A_358, %parallel_loop3A_370 : i32
          %parallel_loop3A_372 = arith.extui %parallel_loop3A_371 : i1 to i32
          %parallel_loop3A_373 = arith.subi %parallel_loop3A_369, %parallel_loop3A_372 : i32
          %parallel_loop3A_374 = arith.cmpi ne, %parallel_loop3A_366, %parallel_loop3A_373 : i32
          %parallel_loop3A_375 = arith.remsi %parallel_loop3A_339, %parallel_loop3A_358 : i32
          %parallel_loop3A_376 = arith.constant 0 : i32
          %parallel_loop3A_377 = arith.cmpi ne, %parallel_loop3A_375, %parallel_loop3A_376 : i32
          %parallel_loop3A_378 = arith.andi %parallel_loop3A_374, %parallel_loop3A_377 : i1
          %parallel_loop3A_379 = arith.constant 1 : i32
          %parallel_loop3A_380 = arith.subi %parallel_loop3A_359, %parallel_loop3A_379 : i32
          %parallel_loop3A_381 = arith.select %parallel_loop3A_378, %parallel_loop3A_380, %parallel_loop3A_359 : i32
          %parallel_loop3A_382 = arith.constant 16 : i32
          %parallel_loop3A_383 = arith.muli %parallel_loop3A_381, %parallel_loop3A_382 : i32
          %parallel_loop3A_384 = vector.broadcast %parallel_loop3A_383 : i32 to vector<16xi32>
          %parallel_loop3A_385 = arith.addi %parallel_loop3A_357, %parallel_loop3A_384 : vector<16xi32>
          %parallel_loop3A_386 = arith.addi %parallel_loop3A_335, %parallel_loop3A_385 : vector<16xi32>
          %parallel_loop3A_387 = tpu.vector_load_idx %arg15[%parallel_loop3A_386] : memref<16384xf32, #tpu.memory_space<vmem>>[vector<16xi32>], vector<16xf32>,
          %parallel_loop3A_388 = arith.mulf %parallel_loop3A_387, %parallel_loop3A_284 : vector<16xf32>
          %parallel_loop3A_389 = arith.constant 8 : i32
          %parallel_loop3A_390 = arith.divsi %parallel_loop3A_339, %parallel_loop3A_389 : i32
          %parallel_loop3A_391 = arith.constant 0 : i32
          %parallel_loop3A_392 = arith.cmpi sgt, %parallel_loop3A_339, %parallel_loop3A_391 : i32
          %parallel_loop3A_393 = arith.extui %parallel_loop3A_392 : i1 to i32
          %parallel_loop3A_394 = arith.constant 0 : i32
          %parallel_loop3A_395 = arith.cmpi slt, %parallel_loop3A_339, %parallel_loop3A_394 : i32
          %parallel_loop3A_396 = arith.extui %parallel_loop3A_395 : i1 to i32
          %parallel_loop3A_397 = arith.subi %parallel_loop3A_393, %parallel_loop3A_396 : i32
          %parallel_loop3A_398 = arith.constant 0 : i32
          %parallel_loop3A_399 = arith.cmpi sgt, %parallel_loop3A_389, %parallel_loop3A_398 : i32
          %parallel_loop3A_400 = arith.extui %parallel_loop3A_399 : i1 to i32
          %parallel_loop3A_401 = arith.constant 0 : i32
          %parallel_loop3A_402 = arith.cmpi slt, %parallel_loop3A_389, %parallel_loop3A_401 : i32
          %parallel_loop3A_403 = arith.extui %parallel_loop3A_402 : i1 to i32
          %parallel_loop3A_404 = arith.subi %parallel_loop3A_400, %parallel_loop3A_403 : i32
          %parallel_loop3A_405 = arith.cmpi ne, %parallel_loop3A_397, %parallel_loop3A_404 : i32
          %parallel_loop3A_406 = arith.remsi %parallel_loop3A_339, %parallel_loop3A_389 : i32
          %parallel_loop3A_407 = arith.constant 0 : i32
          %parallel_loop3A_408 = arith.cmpi ne, %parallel_loop3A_406, %parallel_loop3A_407 : i32
          %parallel_loop3A_409 = arith.andi %parallel_loop3A_405, %parallel_loop3A_408 : i1
          %parallel_loop3A_410 = arith.constant 1 : i32
          %parallel_loop3A_411 = arith.subi %parallel_loop3A_390, %parallel_loop3A_410 : i32
          %parallel_loop3A_412 = arith.select %parallel_loop3A_409, %parallel_loop3A_411, %parallel_loop3A_390 : i32
          %parallel_loop3A_413 = arith.constant 8 : i32
          %parallel_loop3A_414 = arith.constant 0 : i32
          %parallel_loop3A_415 = arith.cmpi eq, %parallel_loop3A_413, %parallel_loop3A_414 : i32
          %parallel_loop3A_416 = arith.constant 1 : i32
          %parallel_loop3A_417 = arith.select %parallel_loop3A_415, %parallel_loop3A_416, %parallel_loop3A_413 : i32
          %parallel_loop3A_418 = arith.remsi %parallel_loop3A_339, %parallel_loop3A_417 : i32
          %parallel_loop3A_419 = arith.constant 0 : i32
          %parallel_loop3A_420 = arith.cmpi ne, %parallel_loop3A_418, %parallel_loop3A_419 : i32
          %parallel_loop3A_421 = arith.constant 0 : i32
          %parallel_loop3A_422 = arith.cmpi slt, %parallel_loop3A_418, %parallel_loop3A_421 : i32
          %parallel_loop3A_423 = arith.constant 0 : i32
          %parallel_loop3A_424 = arith.cmpi slt, %parallel_loop3A_417, %parallel_loop3A_423 : i32
          %parallel_loop3A_425 = arith.xori %parallel_loop3A_422, %parallel_loop3A_424 : i1
          %parallel_loop3A_426 = arith.andi %parallel_loop3A_425, %parallel_loop3A_420 : i1
          %parallel_loop3A_427 = arith.addi %parallel_loop3A_418, %parallel_loop3A_417 : i32
          %parallel_loop3A_428 = arith.select %parallel_loop3A_426, %parallel_loop3A_427, %parallel_loop3A_418 : i32
          %parallel_loop3A_429 = arith.index_cast %parallel_loop3A_412 : i32 to index
          %parallel_loop3A_430 = arith.index_cast %parallel_loop3A_308 : i32 to index
          %parallel_loop3A_431 = arith.index_cast %parallel_loop3A_428 : i32 to index
          %parallel_loop3A_432 = arith.index_cast %parallel_loop3A_326 : i32 to index
          %parallel_loop3A_433 = tpu.vector_load %arg13[%parallel_loop3A_429, %parallel_loop3A_430, %parallel_loop3A_431, %parallel_loop3A_432] {strides = array<i32>} : memref<8x2x8x128xf32, #tpu.memory_space<vmem>>, vector<16xf32>,
          tpu.vector_store %arg13[%parallel_loop3A_429, %parallel_loop3A_430, %parallel_loop3A_431, %parallel_loop3A_432], %parallel_loop3A_388 {strides = array<i32>} : memref<8x2x8x128xf32, #tpu.memory_space<vmem>>, vector<16xf32>,
        } {sc.loop_unroll_factor = 8 : i64, sc.parallel_access}
      } {sc.loop_unroll_factor = 1 : i64, sc.parallel_access}
      %mul3A_174 = arith.constant 200 : i32
      %mul3A_175 = arith.muli %add3A, %mul3A_174 : i32
      %mul3A_176 = arith.constant 2 : i32
      %mul3A_177 = arith.muli %add3A_154, %mul3A_176 : i32
      %add3A_178 = arith.addi %mul3A_175, %mul3A_177 : i32
      %dma_start3A_179 = arith.constant 0 : i32
      %dma_start3A_180 = arith.constant 0 : i32
      %dma_start3A_181 = arith.constant 0 : i32
      %dma_start3A_182 = tpu.memref_slice %arg6[%dma_start3A_179, %add3A_178, %dma_start3A_180, %dma_start3A_181] : memref<8x6400x8x128xf32, #tpu.memory_space<hbm>> -> memref<8x2x8x128xf32, #tpu.memory_space<hbm>>
      %dma_start3A_183 = arith.constant 0 : i32
      %dma_start3A_184 = arith.constant 0 : i32
      %dma_start3A_185 = arith.constant 0 : i32
      %dma_start3A_186 = tpu.memref_slice %arg6[%dma_start3A_183, %add3A_178, %dma_start3A_184, %dma_start3A_185] : memref<8x6400x8x128xf32, #tpu.memory_space<hbm>> -> memref<8x2x8x128xf32, #tpu.memory_space<hbm>>
      tpu.enqueue_dma source(%arg13 : memref<8x2x8x128xf32, #tpu.memory_space<vmem>>) target(%dma_start3A_186 : memref<8x2x8x128xf32, #tpu.memory_space<hbm>>) target_semaphore(%arg20 : memref<!tpu.dma_semaphore, #tpu.memory_space<semaphore_mem>>)
      %mul3A_187 = arith.constant 2 : i32
      %mul3A_188 = arith.muli %scan3A_150, %mul3A_187 : i32
      %add3A_189 = arith.constant 1 : i32
      %add3A_190 = arith.addi %mul3A_188, %add3A_189 : i32
      %dma_wait3A_191 = arith.constant 0 : i32
      %dma_wait3A_192 = arith.constant 0 : i32
      %dma_wait3A_193 = tpu.memref_slice %arg2[%dma_wait3A_191, %dma_wait3A_192] : memref<1000000x64xf32, #tpu.memory_space<hbm>> -> memref<256x64xf32, #tpu.memory_space<hbm>>
      %dma_wait3A_194 = arith.constant 0 : i32
      %dma_wait3A_195 = arith.constant 0 : i32
      %dma_wait3A_196 = tpu.memref_slice %arg2[%dma_wait3A_194, %dma_wait3A_195] : memref<1000000x64xf32, #tpu.memory_space<hbm>> -> memref<256x64xf32, #tpu.memory_space<hbm>>
      tpu.wait_dma2 semaphore(%arg19 : memref<!tpu.dma_semaphore, #tpu.memory_space<semaphore_mem>>) src(%dma_wait3A_196 : memref<256x64xf32, #tpu.memory_space<hbm>>) dst(%arg12 : memref<256x64xf32, #tpu.memory_space<vmem>>)
      %add3A_197 = arith.constant 1 : i32
      %add3A_198 = arith.addi %add3A_190, %add3A_197 : i32
      %lt3A_199 = arith.constant 100 : i32
      %lt3A_200 = arith.cmpi slt, %add3A_198, %lt3A_199 : i32
      %convert_element_type3A_201 = arith.extui %lt3A_200 : i1 to i32
      %cond3A_202 = arith.constant 0 : i32
      %cond3A_203 = arith.cmpi ne, %convert_element_type3A_201, %cond3A_202 : i32
      scf.if %cond3A_203 {
        %add3A_228 = arith.constant 1 : i32
        %add3A_229 = arith.addi %add3A_190, %add3A_228 : i32
        %mul3A_230 = arith.constant 2 : i32
        %mul3A_231 = arith.muli %add3A_229, %mul3A_230 : i32
        %add3A_232 = arith.constant 0 : i32
        %add3A_233 = arith.addi %mul3A_231, %add3A_232 : i32
        %dma_start3A_234 = arith.constant 0 : i32
        %dma_start3A_235 = arith.constant 0 : i32
        %dma_start3A_236 = tpu.memref_slice %arg11[%dma_start3A_234, %dma_start3A_235] : memref<256x64xf32, #tpu.memory_space<vmem>> -> memref<128x64xf32, #tpu.memory_space<vmem>>
        %dma_start3A_237 = arith.constant 0 : i32
        %dma_start3A_238 = tpu.memref_slice %arg10[%add3A_233, %dma_start3A_237] : memref<200x128xi32, #tpu.memory_space<vmem>> -> memref<1x128xi32, #tpu.memory_space<vmem>>
        %dma_start3A_239 = tpu.memref_squeeze %dma_start3A_238 : memref<1x128xi32, #tpu.memory_space<vmem>> -> memref<128xi32, #tpu.memory_space<vmem>>
        %dma_start3A_240 = arith.constant 0 : i32
        %dma_start3A_241 = arith.constant 0 : i32
        %dma_start3A_242 = tpu.memref_slice %arg2[%dma_start3A_240, %dma_start3A_241] : memref<1000000x64xf32, #tpu.memory_space<hbm>> -> memref<1000000x64xf32, #tpu.memory_space<hbm>>
        tpu.enqueue_indirect_dma source(%dma_start3A_242 : memref<1000000x64xf32, #tpu.memory_space<hbm>>) target(%dma_start3A_236 : memref<128x64xf32, #tpu.memory_space<vmem>>) offsets(%dma_start3A_239 : memref<128xi32, #tpu.memory_space<vmem>>) semaphore(%arg18 : memref<!tpu.dma_semaphore, #tpu.memory_space<semaphore_mem>>)
        %mul3A_243 = arith.constant 2 : i32
        %mul3A_244 = arith.muli %add3A_229, %mul3A_243 : i32
        %add3A_245 = arith.constant 1 : i32
        %add3A_246 = arith.addi %mul3A_244, %add3A_245 : i32
        %dma_start3A_247 = arith.constant 128 : i32
        %dma_start3A_248 = arith.constant 0 : i32
        %dma_start3A_249 = tpu.memref_slice %arg11[%dma_start3A_247, %dma_start3A_248] : memref<256x64xf32, #tpu.memory_space<vmem>> -> memref<128x64xf32, #tpu.memory_space<vmem>>
        %dma_start3A_250 = arith.constant 0 : i32
        %dma_start3A_251 = tpu.memref_slice %arg10[%add3A_246, %dma_start3A_250] : memref<200x128xi32, #tpu.memory_space<vmem>> -> memref<1x128xi32, #tpu.memory_space<vmem>>
        %dma_start3A_252 = tpu.memref_squeeze %dma_start3A_251 : memref<1x128xi32, #tpu.memory_space<vmem>> -> memref<128xi32, #tpu.memory_space<vmem>>
        %dma_start3A_253 = arith.constant 0 : i32
        %dma_start3A_254 = arith.constant 0 : i32
        %dma_start3A_255 = tpu.memref_slice %arg2[%dma_start3A_253, %dma_start3A_254] : memref<1000000x64xf32, #tpu.memory_space<hbm>> -> memref<1000000x64xf32, #tpu.memory_space<hbm>>
        tpu.enqueue_indirect_dma source(%dma_start3A_255 : memref<1000000x64xf32, #tpu.memory_space<hbm>>) target(%dma_start3A_249 : memref<128x64xf32, #tpu.memory_space<vmem>>) offsets(%dma_start3A_252 : memref<128xi32, #tpu.memory_space<vmem>>) semaphore(%arg18 : memref<!tpu.dma_semaphore, #tpu.memory_space<semaphore_mem>>)
      } else {
      }
      %ge3A_204 = arith.constant 2 : i32
      %ge3A_205 = arith.cmpi sge, %add3A_190, %ge3A_204 : i32
      %convert_element_type3A_206 = arith.extui %ge3A_205 : i1 to i32
      %cond3A_207 = arith.constant 0 : i32
      %cond3A_208 = arith.cmpi ne, %convert_element_type3A_206, %cond3A_207 : i32
      scf.if %cond3A_208 {
        %dma_wait3A_228 = arith.constant 0 : i32
        %dma_wait3A_229 = arith.constant 0 : i32
        %dma_wait3A_230 = arith.constant 0 : i32
        %dma_wait3A_231 = arith.constant 0 : i32
        %dma_wait3A_232 = tpu.memref_slice %arg6[%dma_wait3A_228, %dma_wait3A_229, %dma_wait3A_230, %dma_wait3A_231] : memref<8x6400x8x128xf32, #tpu.memory_space<hbm>> -> memref<8x2x8x128xf32, #tpu.memory_space<hbm>>
        %dma_wait3A_233 = arith.constant 0 : i32
        %dma_wait3A_234 = arith.constant 0 : i32
        %dma_wait3A_235 = arith.constant 0 : i32
        %dma_wait3A_236 = arith.constant 0 : i32
        %dma_wait3A_237 = tpu.memref_slice %arg6[%dma_wait3A_233, %dma_wait3A_234, %dma_wait3A_235, %dma_wait3A_236] : memref<8x6400x8x128xf32, #tpu.memory_space<hbm>> -> memref<8x2x8x128xf32, #tpu.memory_space<hbm>>
        tpu.wait_dma2 semaphore(%arg21 : memref<!tpu.dma_semaphore, #tpu.memory_space<semaphore_mem>>) src(%arg14 : memref<8x2x8x128xf32, #tpu.memory_space<vmem>>) dst(%dma_wait3A_237 : memref<8x2x8x128xf32, #tpu.memory_space<hbm>>)
      } else {
      }
      %parallel_loop3A_209 = arith.constant 0 : i32
      %parallel_loop3A_210 = arith.constant 256 : i32
      %parallel_loop3A_211 = arith.constant 1 : i32
      scf.for %parallel_loop3A_228 = %parallel_loop3A_209 to %parallel_loop3A_210 step %parallel_loop3A_211  : i32 {
        %parallel_loop3A_229 = arith.constant 16 : i32
        %parallel_loop3A_230 = arith.constant 0 : i32
        %parallel_loop3A_231 = arith.cmpi eq, %parallel_loop3A_229, %parallel_loop3A_230 : i32
        %parallel_loop3A_232 = arith.constant 1 : i32
        %parallel_loop3A_233 = arith.select %parallel_loop3A_231, %parallel_loop3A_232, %parallel_loop3A_229 : i32
        %parallel_loop3A_234 = arith.remsi %parallel_loop3A_228, %parallel_loop3A_233 : i32
        %parallel_loop3A_235 = arith.constant 0 : i32
        %parallel_loop3A_236 = arith.cmpi ne, %parallel_loop3A_234, %parallel_loop3A_235 : i32
        %parallel_loop3A_237 = arith.constant 0 : i32
        %parallel_loop3A_238 = arith.cmpi slt, %parallel_loop3A_234, %parallel_loop3A_237 : i32
        %parallel_loop3A_239 = arith.constant 0 : i32
        %parallel_loop3A_240 = arith.cmpi slt, %parallel_loop3A_233, %parallel_loop3A_239 : i32
        %parallel_loop3A_241 = arith.xori %parallel_loop3A_238, %parallel_loop3A_240 : i1
        %parallel_loop3A_242 = arith.andi %parallel_loop3A_241, %parallel_loop3A_236 : i1
        %parallel_loop3A_243 = arith.addi %parallel_loop3A_234, %parallel_loop3A_233 : i32
        %parallel_loop3A_244 = arith.select %parallel_loop3A_242, %parallel_loop3A_243, %parallel_loop3A_234 : i32
        %parallel_loop3A_245 = vector.broadcast %parallel_loop3A_244 : i32 to vector<16xi32>
        %parallel_loop3A_246 = arith.xori %iota3A, %parallel_loop3A_245 : vector<16xi32>
        %parallel_loop3A_247 = arith.index_cast %parallel_loop3A_228 : i32 to index
        %parallel_loop3A_248 = arith.constant 0 : index
        %parallel_loop3A_249 = tpu.vector_load %arg12[%parallel_loop3A_247, %parallel_loop3A_248] {strides = array<i32>} : memref<256x64xf32, #tpu.memory_space<vmem>>, vector<16xf32>,
        %parallel_loop3A_250 = arith.constant 64 : i32
        %parallel_loop3A_251 = arith.muli %parallel_loop3A_228, %parallel_loop3A_250 : i32
        %parallel_loop3A_252 = arith.constant 0 : i32
        %parallel_loop3A_253 = arith.addi %parallel_loop3A_251, %parallel_loop3A_252 : i32
        %parallel_loop3A_254 = vector.broadcast %parallel_loop3A_253 : i32 to vector<16xi32>
        %parallel_loop3A_255 = arith.addi %parallel_loop3A_246, %parallel_loop3A_254 : vector<16xi32>
        tpu.vector_store_idx %arg15[%parallel_loop3A_255], %parallel_loop3A_249 : memref<16384xf32, #tpu.memory_space<vmem>>[vector<16xi32>], vector<16xf32>,
        %parallel_loop3A_256 = arith.index_cast %parallel_loop3A_228 : i32 to index
        %parallel_loop3A_257 = arith.constant 16 : index
        %parallel_loop3A_258 = tpu.vector_load %arg12[%parallel_loop3A_256, %parallel_loop3A_257] {strides = array<i32>} : memref<256x64xf32, #tpu.memory_space<vmem>>, vector<16xf32>,
        %parallel_loop3A_259 = arith.constant 64 : i32
        %parallel_loop3A_260 = arith.muli %parallel_loop3A_228, %parallel_loop3A_259 : i32
        %parallel_loop3A_261 = arith.constant 16 : i32
        %parallel_loop3A_262 = arith.addi %parallel_loop3A_260, %parallel_loop3A_261 : i32
        %parallel_loop3A_263 = vector.broadcast %parallel_loop3A_262 : i32 to vector<16xi32>
        %parallel_loop3A_264 = arith.addi %parallel_loop3A_246, %parallel_loop3A_263 : vector<16xi32>
        tpu.vector_store_idx %arg15[%parallel_loop3A_264], %parallel_loop3A_258 : memref<16384xf32, #tpu.memory_space<vmem>>[vector<16xi32>], vector<16xf32>,
        %parallel_loop3A_265 = arith.index_cast %parallel_loop3A_228 : i32 to index
        %parallel_loop3A_266 = arith.constant 32 : index
        %parallel_loop3A_267 = tpu.vector_load %arg12[%parallel_loop3A_265, %parallel_loop3A_266] {strides = array<i32>} : memref<256x64xf32, #tpu.memory_space<vmem>>, vector<16xf32>,
        %parallel_loop3A_268 = arith.constant 64 : i32
        %parallel_loop3A_269 = arith.muli %parallel_loop3A_228, %parallel_loop3A_268 : i32
        %parallel_loop3A_270 = arith.constant 32 : i32
        %parallel_loop3A_271 = arith.addi %parallel_loop3A_269, %parallel_loop3A_270 : i32
        %parallel_loop3A_272 = vector.broadcast %parallel_loop3A_271 : i32 to vector<16xi32>
        %parallel_loop3A_273 = arith.addi %parallel_loop3A_246, %parallel_loop3A_272 : vector<16xi32>
        tpu.vector_store_idx %arg15[%parallel_loop3A_273], %parallel_loop3A_267 : memref<16384xf32, #tpu.memory_space<vmem>>[vector<16xi32>], vector<16xf32>,
        %parallel_loop3A_274 = arith.index_cast %parallel_loop3A_228 : i32 to index
        %parallel_loop3A_275 = arith.constant 48 : index
        %parallel_loop3A_276 = tpu.vector_load %arg12[%parallel_loop3A_274, %parallel_loop3A_275] {strides = array<i32>} : memref<256x64xf32, #tpu.memory_space<vmem>>, vector<16xf32>,
        %parallel_loop3A_277 = arith.constant 64 : i32
        %parallel_loop3A_278 = arith.muli %parallel_loop3A_228, %parallel_loop3A_277 : i32
        %parallel_loop3A_279 = arith.constant 48 : i32
        %parallel_loop3A_280 = arith.addi %parallel_loop3A_278, %parallel_loop3A_279 : i32
        %parallel_loop3A_281 = vector.broadcast %parallel_loop3A_280 : i32 to vector<16xi32>
        %parallel_loop3A_282 = arith.addi %parallel_loop3A_246, %parallel_loop3A_281 : vector<16xi32>
        tpu.vector_store_idx %arg15[%parallel_loop3A_282], %parallel_loop3A_276 : memref<16384xf32, #tpu.memory_space<vmem>>[vector<16xi32>], vector<16xf32>,
      } {sc.loop_unroll_factor = 4 : i64, sc.parallel_access}
      %parallel_loop3A_212 = arith.constant 0 : i32
      %parallel_loop3A_213 = arith.constant 16 : i32
      %parallel_loop3A_214 = arith.constant 1 : i32
      scf.for %parallel_loop3A_228 = %parallel_loop3A_212 to %parallel_loop3A_213 step %parallel_loop3A_214  : i32 {
        %parallel_loop3A_229 = arith.constant 2 : i32
        %parallel_loop3A_230 = arith.muli %add3A_190, %parallel_loop3A_229 : i32
        %parallel_loop3A_231 = arith.constant 8 : i32
        %parallel_loop3A_232 = arith.divsi %parallel_loop3A_228, %parallel_loop3A_231 : i32
        %parallel_loop3A_233 = arith.constant 0 : i32
        %parallel_loop3A_234 = arith.cmpi sgt, %parallel_loop3A_228, %parallel_loop3A_233 : i32
        %parallel_loop3A_235 = arith.extui %parallel_loop3A_234 : i1 to i32
        %parallel_loop3A_236 = arith.constant 0 : i32
        %parallel_loop3A_237 = arith.cmpi slt, %parallel_loop3A_228, %parallel_loop3A_236 : i32
        %parallel_loop3A_238 = arith.extui %parallel_loop3A_237 : i1 to i32
        %parallel_loop3A_239 = arith.subi %parallel_loop3A_235, %parallel_loop3A_238 : i32
        %parallel_loop3A_240 = arith.constant 0 : i32
        %parallel_loop3A_241 = arith.cmpi sgt, %parallel_loop3A_231, %parallel_loop3A_240 : i32
        %parallel_loop3A_242 = arith.extui %parallel_loop3A_241 : i1 to i32
        %parallel_loop3A_243 = arith.constant 0 : i32
        %parallel_loop3A_244 = arith.cmpi slt, %parallel_loop3A_231, %parallel_loop3A_243 : i32
        %parallel_loop3A_245 = arith.extui %parallel_loop3A_244 : i1 to i32
        %parallel_loop3A_246 = arith.subi %parallel_loop3A_242, %parallel_loop3A_245 : i32
        %parallel_loop3A_247 = arith.cmpi ne, %parallel_loop3A_239, %parallel_loop3A_246 : i32
        %parallel_loop3A_248 = arith.remsi %parallel_loop3A_228, %parallel_loop3A_231 : i32
        %parallel_loop3A_249 = arith.constant 0 : i32
        %parallel_loop3A_250 = arith.cmpi ne, %parallel_loop3A_248, %parallel_loop3A_249 : i32
        %parallel_loop3A_251 = arith.andi %parallel_loop3A_247, %parallel_loop3A_250 : i1
        %parallel_loop3A_252 = arith.constant 1 : i32
        %parallel_loop3A_253 = arith.subi %parallel_loop3A_232, %parallel_loop3A_252 : i32
        %parallel_loop3A_254 = arith.select %parallel_loop3A_251, %parallel_loop3A_253, %parallel_loop3A_232 : i32
        %parallel_loop3A_255 = arith.addi %parallel_loop3A_230, %parallel_loop3A_254 : i32
        %parallel_loop3A_256 = arith.constant 8 : i32
        %parallel_loop3A_257 = arith.constant 0 : i32
        %parallel_loop3A_258 = arith.cmpi eq, %parallel_loop3A_256, %parallel_loop3A_257 : i32
        %parallel_loop3A_259 = arith.constant 1 : i32
        %parallel_loop3A_260 = arith.select %parallel_loop3A_258, %parallel_loop3A_259, %parallel_loop3A_256 : i32
        %parallel_loop3A_261 = arith.remsi %parallel_loop3A_228, %parallel_loop3A_260 : i32
        %parallel_loop3A_262 = arith.constant 0 : i32
        %parallel_loop3A_263 = arith.cmpi ne, %parallel_loop3A_261, %parallel_loop3A_262 : i32
        %parallel_loop3A_264 = arith.constant 0 : i32
        %parallel_loop3A_265 = arith.cmpi slt, %parallel_loop3A_261, %parallel_loop3A_264 : i32
        %parallel_loop3A_266 = arith.constant 0 : i32
        %parallel_loop3A_267 = arith.cmpi slt, %parallel_loop3A_260, %parallel_loop3A_266 : i32
        %parallel_loop3A_268 = arith.xori %parallel_loop3A_265, %parallel_loop3A_267 : i1
        %parallel_loop3A_269 = arith.andi %parallel_loop3A_268, %parallel_loop3A_263 : i1
        %parallel_loop3A_270 = arith.addi %parallel_loop3A_261, %parallel_loop3A_260 : i32
        %parallel_loop3A_271 = arith.select %parallel_loop3A_269, %parallel_loop3A_270, %parallel_loop3A_261 : i32
        %parallel_loop3A_272 = arith.constant 16 : i32
        %parallel_loop3A_273 = arith.muli %parallel_loop3A_271, %parallel_loop3A_272 : i32
        %parallel_loop3A_274 = arith.index_cast %parallel_loop3A_255 : i32 to index
        %parallel_loop3A_275 = arith.index_cast %parallel_loop3A_273 : i32 to index
        %parallel_loop3A_276 = tpu.vector_load %arg10[%parallel_loop3A_274, %parallel_loop3A_275] {strides = array<i32>} : memref<200x128xi32, #tpu.memory_space<vmem>>, vector<16xi32>,
        %parallel_loop3A_277 = arith.constant 0 : i32
        %parallel_loop3A_278 = vector.broadcast %parallel_loop3A_277 : i32 to vector<16xi32>
        %parallel_loop3A_279 = arith.cmpi ne, %parallel_loop3A_276, %parallel_loop3A_278 : vector<16xi32>
        %parallel_loop3A_280 = arith.constant 8.000000e+00 : f32
        %parallel_loop3A_281 = arith.constant 0.000000e+00 : f32
        %parallel_loop3A_282 = vector.broadcast %parallel_loop3A_280 : f32 to vector<16xf32>
        %parallel_loop3A_283 = vector.broadcast %parallel_loop3A_281 : f32 to vector<16xf32>
        %parallel_loop3A_284 = arith.select %parallel_loop3A_279, %parallel_loop3A_282, %parallel_loop3A_283 : vector<16xi1>, vector<16xf32>
        %parallel_loop3A_285 = arith.constant 8 : i32
        %parallel_loop3A_286 = arith.divsi %parallel_loop3A_228, %parallel_loop3A_285 : i32
        %parallel_loop3A_287 = arith.constant 0 : i32
        %parallel_loop3A_288 = arith.cmpi sgt, %parallel_loop3A_228, %parallel_loop3A_287 : i32
        %parallel_loop3A_289 = arith.extui %parallel_loop3A_288 : i1 to i32
        %parallel_loop3A_290 = arith.constant 0 : i32
        %parallel_loop3A_291 = arith.cmpi slt, %parallel_loop3A_228, %parallel_loop3A_290 : i32
        %parallel_loop3A_292 = arith.extui %parallel_loop3A_291 : i1 to i32
        %parallel_loop3A_293 = arith.subi %parallel_loop3A_289, %parallel_loop3A_292 : i32
        %parallel_loop3A_294 = arith.constant 0 : i32
        %parallel_loop3A_295 = arith.cmpi sgt, %parallel_loop3A_285, %parallel_loop3A_294 : i32
        %parallel_loop3A_296 = arith.extui %parallel_loop3A_295 : i1 to i32
        %parallel_loop3A_297 = arith.constant 0 : i32
        %parallel_loop3A_298 = arith.cmpi slt, %parallel_loop3A_285, %parallel_loop3A_297 : i32
        %parallel_loop3A_299 = arith.extui %parallel_loop3A_298 : i1 to i32
        %parallel_loop3A_300 = arith.subi %parallel_loop3A_296, %parallel_loop3A_299 : i32
        %parallel_loop3A_301 = arith.cmpi ne, %parallel_loop3A_293, %parallel_loop3A_300 : i32
        %parallel_loop3A_302 = arith.remsi %parallel_loop3A_228, %parallel_loop3A_285 : i32
        %parallel_loop3A_303 = arith.constant 0 : i32
        %parallel_loop3A_304 = arith.cmpi ne, %parallel_loop3A_302, %parallel_loop3A_303 : i32
        %parallel_loop3A_305 = arith.andi %parallel_loop3A_301, %parallel_loop3A_304 : i1
        %parallel_loop3A_306 = arith.constant 1 : i32
        %parallel_loop3A_307 = arith.subi %parallel_loop3A_286, %parallel_loop3A_306 : i32
        %parallel_loop3A_308 = arith.select %parallel_loop3A_305, %parallel_loop3A_307, %parallel_loop3A_286 : i32
        %parallel_loop3A_309 = arith.constant 8 : i32
        %parallel_loop3A_310 = arith.constant 0 : i32
        %parallel_loop3A_311 = arith.cmpi eq, %parallel_loop3A_309, %parallel_loop3A_310 : i32
        %parallel_loop3A_312 = arith.constant 1 : i32
        %parallel_loop3A_313 = arith.select %parallel_loop3A_311, %parallel_loop3A_312, %parallel_loop3A_309 : i32
        %parallel_loop3A_314 = arith.remsi %parallel_loop3A_228, %parallel_loop3A_313 : i32
        %parallel_loop3A_315 = arith.constant 0 : i32
        %parallel_loop3A_316 = arith.cmpi ne, %parallel_loop3A_314, %parallel_loop3A_315 : i32
        %parallel_loop3A_317 = arith.constant 0 : i32
        %parallel_loop3A_318 = arith.cmpi slt, %parallel_loop3A_314, %parallel_loop3A_317 : i32
        %parallel_loop3A_319 = arith.constant 0 : i32
        %parallel_loop3A_320 = arith.cmpi slt, %parallel_loop3A_313, %parallel_loop3A_319 : i32
        %parallel_loop3A_321 = arith.xori %parallel_loop3A_318, %parallel_loop3A_320 : i1
        %parallel_loop3A_322 = arith.andi %parallel_loop3A_321, %parallel_loop3A_316 : i1
        %parallel_loop3A_323 = arith.addi %parallel_loop3A_314, %parallel_loop3A_313 : i32
        %parallel_loop3A_324 = arith.select %parallel_loop3A_322, %parallel_loop3A_323, %parallel_loop3A_314 : i32
        %parallel_loop3A_325 = arith.constant 16 : i32
        %parallel_loop3A_326 = arith.muli %parallel_loop3A_324, %parallel_loop3A_325 : i32
        %parallel_loop3A_327 = arith.constant 64 : i32
        %parallel_loop3A_328 = vector.broadcast %parallel_loop3A_327 : i32 to vector<16xi32>
        %parallel_loop3A_329 = arith.muli %iota3A, %parallel_loop3A_328 : vector<16xi32>
        %parallel_loop3A_330 = arith.constant 16 : i32
        %parallel_loop3A_331 = arith.muli %parallel_loop3A_228, %parallel_loop3A_330 : i32
        %parallel_loop3A_332 = arith.constant 64 : i32
        %parallel_loop3A_333 = arith.muli %parallel_loop3A_331, %parallel_loop3A_332 : i32
        %parallel_loop3A_334 = vector.broadcast %parallel_loop3A_333 : i32 to vector<16xi32>
        %parallel_loop3A_335 = arith.addi %parallel_loop3A_329, %parallel_loop3A_334 : vector<16xi32>
        %parallel_loop3A_336 = arith.constant 0 : i32
        %parallel_loop3A_337 = arith.constant 64 : i32
        %parallel_loop3A_338 = arith.constant 1 : i32
        scf.for %parallel_loop3A_339 = %parallel_loop3A_336 to %parallel_loop3A_337 step %parallel_loop3A_338  : i32 {
          %parallel_loop3A_340 = arith.constant 16 : i32
          %parallel_loop3A_341 = arith.constant 0 : i32
          %parallel_loop3A_342 = arith.cmpi eq, %parallel_loop3A_340, %parallel_loop3A_341 : i32
          %parallel_loop3A_343 = arith.constant 1 : i32
          %parallel_loop3A_344 = arith.select %parallel_loop3A_342, %parallel_loop3A_343, %parallel_loop3A_340 : i32
          %parallel_loop3A_345 = arith.remsi %parallel_loop3A_339, %parallel_loop3A_344 : i32
          %parallel_loop3A_346 = arith.constant 0 : i32
          %parallel_loop3A_347 = arith.cmpi ne, %parallel_loop3A_345, %parallel_loop3A_346 : i32
          %parallel_loop3A_348 = arith.constant 0 : i32
          %parallel_loop3A_349 = arith.cmpi slt, %parallel_loop3A_345, %parallel_loop3A_348 : i32
          %parallel_loop3A_350 = arith.constant 0 : i32
          %parallel_loop3A_351 = arith.cmpi slt, %parallel_loop3A_344, %parallel_loop3A_350 : i32
          %parallel_loop3A_352 = arith.xori %parallel_loop3A_349, %parallel_loop3A_351 : i1
          %parallel_loop3A_353 = arith.andi %parallel_loop3A_352, %parallel_loop3A_347 : i1
          %parallel_loop3A_354 = arith.addi %parallel_loop3A_345, %parallel_loop3A_344 : i32
          %parallel_loop3A_355 = arith.select %parallel_loop3A_353, %parallel_loop3A_354, %parallel_loop3A_345 : i32
          %parallel_loop3A_356 = vector.broadcast %parallel_loop3A_355 : i32 to vector<16xi32>
          %parallel_loop3A_357 = arith.xori %parallel_loop3A_356, %iota3A : vector<16xi32>
          %parallel_loop3A_358 = arith.constant 16 : i32
          %parallel_loop3A_359 = arith.divsi %parallel_loop3A_339, %parallel_loop3A_358 : i32
          %parallel_loop3A_360 = arith.constant 0 : i32
          %parallel_loop3A_361 = arith.cmpi sgt, %parallel_loop3A_339, %parallel_loop3A_360 : i32
          %parallel_loop3A_362 = arith.extui %parallel_loop3A_361 : i1 to i32
          %parallel_loop3A_363 = arith.constant 0 : i32
          %parallel_loop3A_364 = arith.cmpi slt, %parallel_loop3A_339, %parallel_loop3A_363 : i32
          %parallel_loop3A_365 = arith.extui %parallel_loop3A_364 : i1 to i32
          %parallel_loop3A_366 = arith.subi %parallel_loop3A_362, %parallel_loop3A_365 : i32
          %parallel_loop3A_367 = arith.constant 0 : i32
          %parallel_loop3A_368 = arith.cmpi sgt, %parallel_loop3A_358, %parallel_loop3A_367 : i32
          %parallel_loop3A_369 = arith.extui %parallel_loop3A_368 : i1 to i32
          %parallel_loop3A_370 = arith.constant 0 : i32
          %parallel_loop3A_371 = arith.cmpi slt, %parallel_loop3A_358, %parallel_loop3A_370 : i32
          %parallel_loop3A_372 = arith.extui %parallel_loop3A_371 : i1 to i32
          %parallel_loop3A_373 = arith.subi %parallel_loop3A_369, %parallel_loop3A_372 : i32
          %parallel_loop3A_374 = arith.cmpi ne, %parallel_loop3A_366, %parallel_loop3A_373 : i32
          %parallel_loop3A_375 = arith.remsi %parallel_loop3A_339, %parallel_loop3A_358 : i32
          %parallel_loop3A_376 = arith.constant 0 : i32
          %parallel_loop3A_377 = arith.cmpi ne, %parallel_loop3A_375, %parallel_loop3A_376 : i32
          %parallel_loop3A_378 = arith.andi %parallel_loop3A_374, %parallel_loop3A_377 : i1
          %parallel_loop3A_379 = arith.constant 1 : i32
          %parallel_loop3A_380 = arith.subi %parallel_loop3A_359, %parallel_loop3A_379 : i32
          %parallel_loop3A_381 = arith.select %parallel_loop3A_378, %parallel_loop3A_380, %parallel_loop3A_359 : i32
          %parallel_loop3A_382 = arith.constant 16 : i32
          %parallel_loop3A_383 = arith.muli %parallel_loop3A_381, %parallel_loop3A_382 : i32
          %parallel_loop3A_384 = vector.broadcast %parallel_loop3A_383 : i32 to vector<16xi32>
          %parallel_loop3A_385 = arith.addi %parallel_loop3A_357, %parallel_loop3A_384 : vector<16xi32>
          %parallel_loop3A_386 = arith.addi %parallel_loop3A_335, %parallel_loop3A_385 : vector<16xi32>
          %parallel_loop3A_387 = tpu.vector_load_idx %arg15[%parallel_loop3A_386] : memref<16384xf32, #tpu.memory_space<vmem>>[vector<16xi32>], vector<16xf32>,
          %parallel_loop3A_388 = arith.mulf %parallel_loop3A_387, %parallel_loop3A_284 : vector<16xf32>
          %parallel_loop3A_389 = arith.constant 8 : i32
          %parallel_loop3A_390 = arith.divsi %parallel_loop3A_339, %parallel_loop3A_389 : i32
          %parallel_loop3A_391 = arith.constant 0 : i32
          %parallel_loop3A_392 = arith.cmpi sgt, %parallel_loop3A_339, %parallel_loop3A_391 : i32
          %parallel_loop3A_393 = arith.extui %parallel_loop3A_392 : i1 to i32
          %parallel_loop3A_394 = arith.constant 0 : i32
          %parallel_loop3A_395 = arith.cmpi slt, %parallel_loop3A_339, %parallel_loop3A_394 : i32
          %parallel_loop3A_396 = arith.extui %parallel_loop3A_395 : i1 to i32
          %parallel_loop3A_397 = arith.subi %parallel_loop3A_393, %parallel_loop3A_396 : i32
          %parallel_loop3A_398 = arith.constant 0 : i32
          %parallel_loop3A_399 = arith.cmpi sgt, %parallel_loop3A_389, %parallel_loop3A_398 : i32
          %parallel_loop3A_400 = arith.extui %parallel_loop3A_399 : i1 to i32
          %parallel_loop3A_401 = arith.constant 0 : i32
          %parallel_loop3A_402 = arith.cmpi slt, %parallel_loop3A_389, %parallel_loop3A_401 : i32
          %parallel_loop3A_403 = arith.extui %parallel_loop3A_402 : i1 to i32
          %parallel_loop3A_404 = arith.subi %parallel_loop3A_400, %parallel_loop3A_403 : i32
          %parallel_loop3A_405 = arith.cmpi ne, %parallel_loop3A_397, %parallel_loop3A_404 : i32
          %parallel_loop3A_406 = arith.remsi %parallel_loop3A_339, %parallel_loop3A_389 : i32
          %parallel_loop3A_407 = arith.constant 0 : i32
          %parallel_loop3A_408 = arith.cmpi ne, %parallel_loop3A_406, %parallel_loop3A_407 : i32
          %parallel_loop3A_409 = arith.andi %parallel_loop3A_405, %parallel_loop3A_408 : i1
          %parallel_loop3A_410 = arith.constant 1 : i32
          %parallel_loop3A_411 = arith.subi %parallel_loop3A_390, %parallel_loop3A_410 : i32
          %parallel_loop3A_412 = arith.select %parallel_loop3A_409, %parallel_loop3A_411, %parallel_loop3A_390 : i32
          %parallel_loop3A_413 = arith.constant 8 : i32
          %parallel_loop3A_414 = arith.constant 0 : i32
          %parallel_loop3A_415 = arith.cmpi eq, %parallel_loop3A_413, %parallel_loop3A_414 : i32
          %parallel_loop3A_416 = arith.constant 1 : i32
          %parallel_loop3A_417 = arith.select %parallel_loop3A_415, %parallel_loop3A_416, %parallel_loop3A_413 : i32
          %parallel_loop3A_418 = arith.remsi %parallel_loop3A_339, %parallel_loop3A_417 : i32
          %parallel_loop3A_419 = arith.constant 0 : i32
          %parallel_loop3A_420 = arith.cmpi ne, %parallel_loop3A_418, %parallel_loop3A_419 : i32
          %parallel_loop3A_421 = arith.constant 0 : i32
          %parallel_loop3A_422 = arith.cmpi slt, %parallel_loop3A_418, %parallel_loop3A_421 : i32
          %parallel_loop3A_423 = arith.constant 0 : i32
          %parallel_loop3A_424 = arith.cmpi slt, %parallel_loop3A_417, %parallel_loop3A_423 : i32
          %parallel_loop3A_425 = arith.xori %parallel_loop3A_422, %parallel_loop3A_424 : i1
          %parallel_loop3A_426 = arith.andi %parallel_loop3A_425, %parallel_loop3A_420 : i1
          %parallel_loop3A_427 = arith.addi %parallel_loop3A_418, %parallel_loop3A_417 : i32
          %parallel_loop3A_428 = arith.select %parallel_loop3A_426, %parallel_loop3A_427, %parallel_loop3A_418 : i32
          %parallel_loop3A_429 = arith.index_cast %parallel_loop3A_412 : i32 to index
          %parallel_loop3A_430 = arith.index_cast %parallel_loop3A_308 : i32 to index
          %parallel_loop3A_431 = arith.index_cast %parallel_loop3A_428 : i32 to index
          %parallel_loop3A_432 = arith.index_cast %parallel_loop3A_326 : i32 to index
          %parallel_loop3A_433 = tpu.vector_load %arg14[%parallel_loop3A_429, %parallel_loop3A_430, %parallel_loop3A_431, %parallel_loop3A_432] {strides = array<i32>} : memref<8x2x8x128xf32, #tpu.memory_space<vmem>>, vector<16xf32>,
          tpu.vector_store %arg14[%parallel_loop3A_429, %parallel_loop3A_430, %parallel_loop3A_431, %parallel_loop3A_432], %parallel_loop3A_388 {strides = array<i32>} : memref<8x2x8x128xf32, #tpu.memory_space<vmem>>, vector<16xf32>,
        } {sc.loop_unroll_factor = 8 : i64, sc.parallel_access}
      } {sc.loop_unroll_factor = 1 : i64, sc.parallel_access}
      %mul3A_215 = arith.constant 200 : i32
      %mul3A_216 = arith.muli %add3A, %mul3A_215 : i32
      %mul3A_217 = arith.constant 2 : i32
      %mul3A_218 = arith.muli %add3A_190, %mul3A_217 : i32
      %add3A_219 = arith.addi %mul3A_216, %mul3A_218 : i32
      %dma_start3A_220 = arith.constant 0 : i32
      %dma_start3A_221 = arith.constant 0 : i32
      %dma_start3A_222 = arith.constant 0 : i32
      %dma_start3A_223 = tpu.memref_slice %arg6[%dma_start3A_220, %add3A_219, %dma_start3A_221, %dma_start3A_222] : memref<8x6400x8x128xf32, #tpu.memory_space<hbm>> -> memref<8x2x8x128xf32, #tpu.memory_space<hbm>>
      %dma_start3A_224 = arith.constant 0 : i32
      %dma_start3A_225 = arith.constant 0 : i32
      %dma_start3A_226 = arith.constant 0 : i32
      %dma_start3A_227 = tpu.memref_slice %arg6[%dma_start3A_224, %add3A_219, %dma_start3A_225, %dma_start3A_226] : memref<8x6400x8x128xf32, #tpu.memory_space<hbm>> -> memref<8x2x8x128xf32, #tpu.memory_space<hbm>>
      tpu.enqueue_dma source(%arg14 : memref<8x2x8x128xf32, #tpu.memory_space<vmem>>) target(%dma_start3A_227 : memref<8x2x8x128xf32, #tpu.memory_space<hbm>>) target_semaphore(%arg21 : memref<!tpu.dma_semaphore, #tpu.memory_space<semaphore_mem>>)
    }
    %scan3A_26 = arith.constant 50 : i32
    %dma_wait3A = arith.constant 0 : i32
    %dma_wait3A_27 = arith.constant 0 : i32
    %dma_wait3A_28 = arith.constant 0 : i32
    %dma_wait3A_29 = arith.constant 0 : i32
    %dma_wait3A_30 = tpu.memref_slice %arg6[%dma_wait3A, %dma_wait3A_27, %dma_wait3A_28, %dma_wait3A_29] : memref<8x6400x8x128xf32, #tpu.memory_space<hbm>> -> memref<8x2x8x128xf32, #tpu.memory_space<hbm>>
    %dma_wait3A_31 = arith.constant 0 : i32
    %dma_wait3A_32 = arith.constant 0 : i32
    %dma_wait3A_33 = arith.constant 0 : i32
    %dma_wait3A_34 = arith.constant 0 : i32
    %dma_wait3A_35 = tpu.memref_slice %arg6[%dma_wait3A_31, %dma_wait3A_32, %dma_wait3A_33, %dma_wait3A_34] : memref<8x6400x8x128xf32, #tpu.memory_space<hbm>> -> memref<8x2x8x128xf32, #tpu.memory_space<hbm>>
    tpu.wait_dma2 semaphore(%arg20 : memref<!tpu.dma_semaphore, #tpu.memory_space<semaphore_mem>>) src(%arg13 : memref<8x2x8x128xf32, #tpu.memory_space<vmem>>) dst(%dma_wait3A_35 : memref<8x2x8x128xf32, #tpu.memory_space<hbm>>)
    %dma_wait3A_36 = arith.constant 0 : i32
    %dma_wait3A_37 = arith.constant 0 : i32
    %dma_wait3A_38 = arith.constant 0 : i32
    %dma_wait3A_39 = arith.constant 0 : i32
    %dma_wait3A_40 = tpu.memref_slice %arg6[%dma_wait3A_36, %dma_wait3A_37, %dma_wait3A_38, %dma_wait3A_39] : memref<8x6400x8x128xf32, #tpu.memory_space<hbm>> -> memref<8x2x8x128xf32, #tpu.memory_space<hbm>>
    %dma_wait3A_41 = arith.constant 0 : i32
    %dma_wait3A_42 = arith.constant 0 : i32
    %dma_wait3A_43 = arith.constant 0 : i32
    %dma_wait3A_44 = arith.constant 0 : i32
    %dma_wait3A_45 = tpu.memref_slice %arg6[%dma_wait3A_41, %dma_wait3A_42, %dma_wait3A_43, %dma_wait3A_44] : memref<8x6400x8x128xf32, #tpu.memory_space<hbm>> -> memref<8x2x8x128xf32, #tpu.memory_space<hbm>>
    tpu.wait_dma2 semaphore(%arg21 : memref<!tpu.dma_semaphore, #tpu.memory_space<semaphore_mem>>) src(%arg14 : memref<8x2x8x128xf32, #tpu.memory_space<vmem>>) dst(%dma_wait3A_45 : memref<8x2x8x128xf32, #tpu.memory_space<hbm>>)
    %mul3A_46 = arith.constant 200 : i32
    %mul3A_47 = arith.muli %add3A, %mul3A_46 : i32
    "tpu.region"() ({
      %run_scoped3A = tpu.sem_alloc : memref<!tpu.dma_semaphore, #tpu.memory_space<semaphore_mem>>
      %dma_start3A_150 = arith.constant 0 : i32
      %dma_start3A_151 = tpu.memref_slice %arg4[%mul3A_47, %dma_start3A_150] : memref<6400x128xi32, #tpu.memory_space<hbm>> -> memref<200x128xi32, #tpu.memory_space<hbm>>
      %dma_start3A_152 = arith.constant 0 : i32
      %dma_start3A_153 = tpu.memref_slice %arg4[%mul3A_47, %dma_start3A_152] : memref<6400x128xi32, #tpu.memory_space<hbm>> -> memref<200x128xi32, #tpu.memory_space<hbm>>
      tpu.enqueue_dma source(%dma_start3A_153 : memref<200x128xi32, #tpu.memory_space<hbm>>) target(%arg10 : memref<200x128xi32, #tpu.memory_space<vmem>>) target_semaphore(%run_scoped3A : memref<!tpu.dma_semaphore, #tpu.memory_space<semaphore_mem>>)
      %dma_wait3A_154 = arith.constant 0 : i32
      %dma_wait3A_155 = tpu.memref_slice %arg4[%mul3A_47, %dma_wait3A_154] : memref<6400x128xi32, #tpu.memory_space<hbm>> -> memref<200x128xi32, #tpu.memory_space<hbm>>
      %dma_wait3A_156 = arith.constant 0 : i32
      %dma_wait3A_157 = tpu.memref_slice %arg4[%mul3A_47, %dma_wait3A_156] : memref<6400x128xi32, #tpu.memory_space<hbm>> -> memref<200x128xi32, #tpu.memory_space<hbm>>
      tpu.wait_dma2 semaphore(%run_scoped3A : memref<!tpu.dma_semaphore, #tpu.memory_space<semaphore_mem>>) src(%dma_wait3A_157 : memref<200x128xi32, #tpu.memory_space<hbm>>) dst(%arg10 : memref<200x128xi32, #tpu.memory_space<vmem>>)
      tpu.yield
    }) : () -> ()
    %dma_start3A_48 = arith.constant 0 : i32
    %dma_start3A_49 = arith.constant 0 : i32
    %dma_start3A_50 = arith.constant 0 : i32
    %dma_start3A_51 = tpu.memref_slice %arg11[%dma_start3A_49, %dma_start3A_50] : memref<256x64xf32, #tpu.memory_space<vmem>> -> memref<128x64xf32, #tpu.memory_space<vmem>>
    %dma_start3A_52 = arith.constant 0 : i32
    %dma_start3A_53 = tpu.memref_slice %arg10[%dma_start3A_48, %dma_start3A_52] : memref<200x128xi32, #tpu.memory_space<vmem>> -> memref<1x128xi32, #tpu.memory_space<vmem>>
    %dma_start3A_54 = tpu.memref_squeeze %dma_start3A_53 : memref<1x128xi32, #tpu.memory_space<vmem>> -> memref<128xi32, #tpu.memory_space<vmem>>
    %dma_start3A_55 = arith.constant 0 : i32
    %dma_start3A_56 = arith.constant 0 : i32
    %dma_start3A_57 = tpu.memref_slice %arg2[%dma_start3A_55, %dma_start3A_56] : memref<1000000x64xf32, #tpu.memory_space<hbm>> -> memref<1000000x64xf32, #tpu.memory_space<hbm>>
    tpu.enqueue_indirect_dma source(%dma_start3A_57 : memref<1000000x64xf32, #tpu.memory_space<hbm>>) target(%dma_start3A_51 : memref<128x64xf32, #tpu.memory_space<vmem>>) offsets(%dma_start3A_54 : memref<128xi32, #tpu.memory_space<vmem>>) semaphore(%arg18 : memref<!tpu.dma_semaphore, #tpu.memory_space<semaphore_mem>>)
    %dma_start3A_58 = arith.constant 1 : i32
    %dma_start3A_59 = arith.constant 128 : i32
    %dma_start3A_60 = arith.constant 0 : i32
    %dma_start3A_61 = tpu.memref_slice %arg11[%dma_start3A_59, %dma_start3A_60] : memref<256x64xf32, #tpu.memory_space<vmem>> -> memref<128x64xf32, #tpu.memory_space<vmem>>
    %dma_start3A_62 = arith.constant 0 : i32
    %dma_start3A_63 = tpu.memref_slice %arg10[%dma_start3A_58, %dma_start3A_62] : memref<200x128xi32, #tpu.memory_space<vmem>> -> memref<1x128xi32, #tpu.memory_space<vmem>>
    %dma_start3A_64 = tpu.memref_squeeze %dma_start3A_63 : memref<1x128xi32, #tpu.memory_space<vmem>> -> memref<128xi32, #tpu.memory_space<vmem>>
    %dma_start3A_65 = arith.constant 0 : i32
    %dma_start3A_66 = arith.constant 0 : i32
    %dma_start3A_67 = tpu.memref_slice %arg2[%dma_start3A_65, %dma_start3A_66] : memref<1000000x64xf32, #tpu.memory_space<hbm>> -> memref<1000000x64xf32, #tpu.memory_space<hbm>>
    tpu.enqueue_indirect_dma source(%dma_start3A_67 : memref<1000000x64xf32, #tpu.memory_space<hbm>>) target(%dma_start3A_61 : memref<128x64xf32, #tpu.memory_space<vmem>>) offsets(%dma_start3A_64 : memref<128xi32, #tpu.memory_space<vmem>>) semaphore(%arg18 : memref<!tpu.dma_semaphore, #tpu.memory_space<semaphore_mem>>)
    %scan3A_68 = arith.constant 0 : i32
    %scan3A_69 = arith.constant 0 : i32
    %scan3A_70 = arith.constant 50 : i32
    %scan3A_71 = arith.addi %scan3A_69, %scan3A_70 : i32
    %scan3A_72 = arith.constant 1 : i32
    scf.for %scan3A_150 = %scan3A_69 to %scan3A_71 step %scan3A_72  : i32 {
      %mul3A_151 = arith.constant 2 : i32
      %mul3A_152 = arith.muli %scan3A_150, %mul3A_151 : i32
      %add3A_153 = arith.constant 0 : i32
      %add3A_154 = arith.addi %mul3A_152, %add3A_153 : i32
      %dma_wait3A_155 = arith.constant 0 : i32
      %dma_wait3A_156 = arith.constant 0 : i32
      %dma_wait3A_157 = tpu.memref_slice %arg2[%dma_wait3A_155, %dma_wait3A_156] : memref<1000000x64xf32, #tpu.memory_space<hbm>> -> memref<256x64xf32, #tpu.memory_space<hbm>>
      %dma_wait3A_158 = arith.constant 0 : i32
      %dma_wait3A_159 = arith.constant 0 : i32
      %dma_wait3A_160 = tpu.memref_slice %arg2[%dma_wait3A_158, %dma_wait3A_159] : memref<1000000x64xf32, #tpu.memory_space<hbm>> -> memref<256x64xf32, #tpu.memory_space<hbm>>
      tpu.wait_dma2 semaphore(%arg18 : memref<!tpu.dma_semaphore, #tpu.memory_space<semaphore_mem>>) src(%dma_wait3A_160 : memref<256x64xf32, #tpu.memory_space<hbm>>) dst(%arg11 : memref<256x64xf32, #tpu.memory_space<vmem>>)
      %add3A_161 = arith.constant 1 : i32
      %add3A_162 = arith.addi %add3A_154, %add3A_161 : i32
      %lt3A = arith.constant 100 : i32
      %lt3A_163 = arith.cmpi slt, %add3A_162, %lt3A : i32
      %convert_element_type3A = arith.extui %lt3A_163 : i1 to i32
      %cond3A = arith.constant 0 : i32
      %cond3A_164 = arith.cmpi ne, %convert_element_type3A, %cond3A : i32
      scf.if %cond3A_164 {
        %add3A_242 = arith.constant 1 : i32
        %add3A_243 = arith.addi %add3A_154, %add3A_242 : i32
        %mul3A_244 = arith.constant 2 : i32
        %mul3A_245 = arith.muli %add3A_243, %mul3A_244 : i32
        %add3A_246 = arith.constant 0 : i32
        %add3A_247 = arith.addi %mul3A_245, %add3A_246 : i32
        %dma_start3A_248 = arith.constant 0 : i32
        %dma_start3A_249 = arith.constant 0 : i32
        %dma_start3A_250 = tpu.memref_slice %arg12[%dma_start3A_248, %dma_start3A_249] : memref<256x64xf32, #tpu.memory_space<vmem>> -> memref<128x64xf32, #tpu.memory_space<vmem>>
        %dma_start3A_251 = arith.constant 0 : i32
        %dma_start3A_252 = tpu.memref_slice %arg10[%add3A_247, %dma_start3A_251] : memref<200x128xi32, #tpu.memory_space<vmem>> -> memref<1x128xi32, #tpu.memory_space<vmem>>
        %dma_start3A_253 = tpu.memref_squeeze %dma_start3A_252 : memref<1x128xi32, #tpu.memory_space<vmem>> -> memref<128xi32, #tpu.memory_space<vmem>>
        %dma_start3A_254 = arith.constant 0 : i32
        %dma_start3A_255 = arith.constant 0 : i32
        %dma_start3A_256 = tpu.memref_slice %arg2[%dma_start3A_254, %dma_start3A_255] : memref<1000000x64xf32, #tpu.memory_space<hbm>> -> memref<1000000x64xf32, #tpu.memory_space<hbm>>
        tpu.enqueue_indirect_dma source(%dma_start3A_256 : memref<1000000x64xf32, #tpu.memory_space<hbm>>) target(%dma_start3A_250 : memref<128x64xf32, #tpu.memory_space<vmem>>) offsets(%dma_start3A_253 : memref<128xi32, #tpu.memory_space<vmem>>) semaphore(%arg19 : memref<!tpu.dma_semaphore, #tpu.memory_space<semaphore_mem>>)
        %mul3A_257 = arith.constant 2 : i32
        %mul3A_258 = arith.muli %add3A_243, %mul3A_257 : i32
        %add3A_259 = arith.constant 1 : i32
        %add3A_260 = arith.addi %mul3A_258, %add3A_259 : i32
        %dma_start3A_261 = arith.constant 128 : i32
        %dma_start3A_262 = arith.constant 0 : i32
        %dma_start3A_263 = tpu.memref_slice %arg12[%dma_start3A_261, %dma_start3A_262] : memref<256x64xf32, #tpu.memory_space<vmem>> -> memref<128x64xf32, #tpu.memory_space<vmem>>
        %dma_start3A_264 = arith.constant 0 : i32
        %dma_start3A_265 = tpu.memref_slice %arg10[%add3A_260, %dma_start3A_264] : memref<200x128xi32, #tpu.memory_space<vmem>> -> memref<1x128xi32, #tpu.memory_space<vmem>>
        %dma_start3A_266 = tpu.memref_squeeze %dma_start3A_265 : memref<1x128xi32, #tpu.memory_space<vmem>> -> memref<128xi32, #tpu.memory_space<vmem>>
        %dma_start3A_267 = arith.constant 0 : i32
        %dma_start3A_268 = arith.constant 0 : i32
        %dma_start3A_269 = tpu.memref_slice %arg2[%dma_start3A_267, %dma_start3A_268] : memref<1000000x64xf32, #tpu.memory_space<hbm>> -> memref<1000000x64xf32, #tpu.memory_space<hbm>>
        tpu.enqueue_indirect_dma source(%dma_start3A_269 : memref<1000000x64xf32, #tpu.memory_space<hbm>>) target(%dma_start3A_263 : memref<128x64xf32, #tpu.memory_space<vmem>>) offsets(%dma_start3A_266 : memref<128xi32, #tpu.memory_space<vmem>>) semaphore(%arg19 : memref<!tpu.dma_semaphore, #tpu.memory_space<semaphore_mem>>)
      } else {
      }
      %ge3A = arith.constant 2 : i32
      %ge3A_165 = arith.cmpi sge, %add3A_154, %ge3A : i32
      %convert_element_type3A_166 = arith.extui %ge3A_165 : i1 to i32
      %cond3A_167 = arith.constant 0 : i32
      %cond3A_168 = arith.cmpi ne, %convert_element_type3A_166, %cond3A_167 : i32
      scf.if %cond3A_168 {
        %dma_wait3A_242 = arith.constant 0 : i32
        %dma_wait3A_243 = arith.constant 0 : i32
        %dma_wait3A_244 = arith.constant 0 : i32
        %dma_wait3A_245 = arith.constant 0 : i32
        %dma_wait3A_246 = tpu.memref_slice %arg7[%dma_wait3A_242, %dma_wait3A_243, %dma_wait3A_244, %dma_wait3A_245] : memref<8x6400x8x128xf32, #tpu.memory_space<hbm>> -> memref<8x2x8x128xf32, #tpu.memory_space<hbm>>
        %dma_wait3A_247 = arith.constant 0 : i32
        %dma_wait3A_248 = arith.constant 0 : i32
        %dma_wait3A_249 = arith.constant 0 : i32
        %dma_wait3A_250 = arith.constant 0 : i32
        %dma_wait3A_251 = tpu.memref_slice %arg7[%dma_wait3A_247, %dma_wait3A_248, %dma_wait3A_249, %dma_wait3A_250] : memref<8x6400x8x128xf32, #tpu.memory_space<hbm>> -> memref<8x2x8x128xf32, #tpu.memory_space<hbm>>
        tpu.wait_dma2 semaphore(%arg20 : memref<!tpu.dma_semaphore, #tpu.memory_space<semaphore_mem>>) src(%arg13 : memref<8x2x8x128xf32, #tpu.memory_space<vmem>>) dst(%dma_wait3A_251 : memref<8x2x8x128xf32, #tpu.memory_space<hbm>>)
        %dma_wait3A_252 = arith.constant 0 : i32
        %dma_wait3A_253 = tpu.memref_slice %arg9[%dma_wait3A_252] : memref<819200xf32, #tpu.memory_space<hbm>> -> memref<256xf32, #tpu.memory_space<hbm>>
        %dma_wait3A_254 = arith.constant 0 : i32
        %dma_wait3A_255 = tpu.memref_slice %arg9[%dma_wait3A_254] : memref<819200xf32, #tpu.memory_space<hbm>> -> memref<256xf32, #tpu.memory_space<hbm>>
        tpu.wait_dma2 semaphore(%arg20 : memref<!tpu.dma_semaphore, #tpu.memory_space<semaphore_mem>>) src(%arg16 : memref<256xf32, #tpu.memory_space<vmem>>) dst(%dma_wait3A_255 : memref<256xf32, #tpu.memory_space<hbm>>)
      } else {
      }
      %parallel_loop3A = arith.constant 0 : i32
      %parallel_loop3A_169 = arith.constant 256 : i32
      %parallel_loop3A_170 = arith.constant 1 : i32
      scf.for %parallel_loop3A_242 = %parallel_loop3A to %parallel_loop3A_169 step %parallel_loop3A_170  : i32 {
        %parallel_loop3A_243 = arith.constant 16 : i32
        %parallel_loop3A_244 = arith.constant 0 : i32
        %parallel_loop3A_245 = arith.cmpi eq, %parallel_loop3A_243, %parallel_loop3A_244 : i32
        %parallel_loop3A_246 = arith.constant 1 : i32
        %parallel_loop3A_247 = arith.select %parallel_loop3A_245, %parallel_loop3A_246, %parallel_loop3A_243 : i32
        %parallel_loop3A_248 = arith.remsi %parallel_loop3A_242, %parallel_loop3A_247 : i32
        %parallel_loop3A_249 = arith.constant 0 : i32
        %parallel_loop3A_250 = arith.cmpi ne, %parallel_loop3A_248, %parallel_loop3A_249 : i32
        %parallel_loop3A_251 = arith.constant 0 : i32
        %parallel_loop3A_252 = arith.cmpi slt, %parallel_loop3A_248, %parallel_loop3A_251 : i32
        %parallel_loop3A_253 = arith.constant 0 : i32
        %parallel_loop3A_254 = arith.cmpi slt, %parallel_loop3A_247, %parallel_loop3A_253 : i32
        %parallel_loop3A_255 = arith.xori %parallel_loop3A_252, %parallel_loop3A_254 : i1
        %parallel_loop3A_256 = arith.andi %parallel_loop3A_255, %parallel_loop3A_250 : i1
        %parallel_loop3A_257 = arith.addi %parallel_loop3A_248, %parallel_loop3A_247 : i32
        %parallel_loop3A_258 = arith.select %parallel_loop3A_256, %parallel_loop3A_257, %parallel_loop3A_248 : i32
        %parallel_loop3A_259 = vector.broadcast %parallel_loop3A_258 : i32 to vector<16xi32>
        %parallel_loop3A_260 = arith.xori %iota3A, %parallel_loop3A_259 : vector<16xi32>
        %parallel_loop3A_261 = arith.index_cast %parallel_loop3A_242 : i32 to index
        %parallel_loop3A_262 = arith.constant 0 : index
        %parallel_loop3A_263 = tpu.vector_load %arg11[%parallel_loop3A_261, %parallel_loop3A_262] {strides = array<i32>} : memref<256x64xf32, #tpu.memory_space<vmem>>, vector<16xf32>,
        %parallel_loop3A_264 = arith.constant 64 : i32
        %parallel_loop3A_265 = arith.muli %parallel_loop3A_242, %parallel_loop3A_264 : i32
        %parallel_loop3A_266 = arith.constant 0 : i32
        %parallel_loop3A_267 = arith.addi %parallel_loop3A_265, %parallel_loop3A_266 : i32
        %parallel_loop3A_268 = vector.broadcast %parallel_loop3A_267 : i32 to vector<16xi32>
        %parallel_loop3A_269 = arith.addi %parallel_loop3A_260, %parallel_loop3A_268 : vector<16xi32>
        tpu.vector_store_idx %arg15[%parallel_loop3A_269], %parallel_loop3A_263 : memref<16384xf32, #tpu.memory_space<vmem>>[vector<16xi32>], vector<16xf32>,
        %parallel_loop3A_270 = arith.index_cast %parallel_loop3A_242 : i32 to index
        %parallel_loop3A_271 = arith.constant 16 : index
        %parallel_loop3A_272 = tpu.vector_load %arg11[%parallel_loop3A_270, %parallel_loop3A_271] {strides = array<i32>} : memref<256x64xf32, #tpu.memory_space<vmem>>, vector<16xf32>,
        %parallel_loop3A_273 = arith.constant 64 : i32
        %parallel_loop3A_274 = arith.muli %parallel_loop3A_242, %parallel_loop3A_273 : i32
        %parallel_loop3A_275 = arith.constant 16 : i32
        %parallel_loop3A_276 = arith.addi %parallel_loop3A_274, %parallel_loop3A_275 : i32
        %parallel_loop3A_277 = vector.broadcast %parallel_loop3A_276 : i32 to vector<16xi32>
        %parallel_loop3A_278 = arith.addi %parallel_loop3A_260, %parallel_loop3A_277 : vector<16xi32>
        tpu.vector_store_idx %arg15[%parallel_loop3A_278], %parallel_loop3A_272 : memref<16384xf32, #tpu.memory_space<vmem>>[vector<16xi32>], vector<16xf32>,
        %parallel_loop3A_279 = arith.index_cast %parallel_loop3A_242 : i32 to index
        %parallel_loop3A_280 = arith.constant 32 : index
        %parallel_loop3A_281 = tpu.vector_load %arg11[%parallel_loop3A_279, %parallel_loop3A_280] {strides = array<i32>} : memref<256x64xf32, #tpu.memory_space<vmem>>, vector<16xf32>,
        %parallel_loop3A_282 = arith.constant 64 : i32
        %parallel_loop3A_283 = arith.muli %parallel_loop3A_242, %parallel_loop3A_282 : i32
        %parallel_loop3A_284 = arith.constant 32 : i32
        %parallel_loop3A_285 = arith.addi %parallel_loop3A_283, %parallel_loop3A_284 : i32
        %parallel_loop3A_286 = vector.broadcast %parallel_loop3A_285 : i32 to vector<16xi32>
        %parallel_loop3A_287 = arith.addi %parallel_loop3A_260, %parallel_loop3A_286 : vector<16xi32>
        tpu.vector_store_idx %arg15[%parallel_loop3A_287], %parallel_loop3A_281 : memref<16384xf32, #tpu.memory_space<vmem>>[vector<16xi32>], vector<16xf32>,
        %parallel_loop3A_288 = arith.index_cast %parallel_loop3A_242 : i32 to index
        %parallel_loop3A_289 = arith.constant 48 : index
        %parallel_loop3A_290 = tpu.vector_load %arg11[%parallel_loop3A_288, %parallel_loop3A_289] {strides = array<i32>} : memref<256x64xf32, #tpu.memory_space<vmem>>, vector<16xf32>,
        %parallel_loop3A_291 = arith.constant 64 : i32
        %parallel_loop3A_292 = arith.muli %parallel_loop3A_242, %parallel_loop3A_291 : i32
        %parallel_loop3A_293 = arith.constant 48 : i32
        %parallel_loop3A_294 = arith.addi %parallel_loop3A_292, %parallel_loop3A_293 : i32
        %parallel_loop3A_295 = vector.broadcast %parallel_loop3A_294 : i32 to vector<16xi32>
        %parallel_loop3A_296 = arith.addi %parallel_loop3A_260, %parallel_loop3A_295 : vector<16xi32>
        tpu.vector_store_idx %arg15[%parallel_loop3A_296], %parallel_loop3A_290 : memref<16384xf32, #tpu.memory_space<vmem>>[vector<16xi32>], vector<16xf32>,
      } {sc.loop_unroll_factor = 4 : i64, sc.parallel_access}
      %parallel_loop3A_171 = arith.constant 0 : i32
      %parallel_loop3A_172 = arith.constant 16 : i32
      %parallel_loop3A_173 = arith.constant 1 : i32
      scf.for %parallel_loop3A_242 = %parallel_loop3A_171 to %parallel_loop3A_172 step %parallel_loop3A_173  : i32 {
        %parallel_loop3A_243 = arith.constant 2 : i32
        %parallel_loop3A_244 = arith.muli %add3A_154, %parallel_loop3A_243 : i32
        %parallel_loop3A_245 = arith.constant 8 : i32
        %parallel_loop3A_246 = arith.divsi %parallel_loop3A_242, %parallel_loop3A_245 : i32
        %parallel_loop3A_247 = arith.constant 0 : i32
        %parallel_loop3A_248 = arith.cmpi sgt, %parallel_loop3A_242, %parallel_loop3A_247 : i32
        %parallel_loop3A_249 = arith.extui %parallel_loop3A_248 : i1 to i32
        %parallel_loop3A_250 = arith.constant 0 : i32
        %parallel_loop3A_251 = arith.cmpi slt, %parallel_loop3A_242, %parallel_loop3A_250 : i32
        %parallel_loop3A_252 = arith.extui %parallel_loop3A_251 : i1 to i32
        %parallel_loop3A_253 = arith.subi %parallel_loop3A_249, %parallel_loop3A_252 : i32
        %parallel_loop3A_254 = arith.constant 0 : i32
        %parallel_loop3A_255 = arith.cmpi sgt, %parallel_loop3A_245, %parallel_loop3A_254 : i32
        %parallel_loop3A_256 = arith.extui %parallel_loop3A_255 : i1 to i32
        %parallel_loop3A_257 = arith.constant 0 : i32
        %parallel_loop3A_258 = arith.cmpi slt, %parallel_loop3A_245, %parallel_loop3A_257 : i32
        %parallel_loop3A_259 = arith.extui %parallel_loop3A_258 : i1 to i32
        %parallel_loop3A_260 = arith.subi %parallel_loop3A_256, %parallel_loop3A_259 : i32
        %parallel_loop3A_261 = arith.cmpi ne, %parallel_loop3A_253, %parallel_loop3A_260 : i32
        %parallel_loop3A_262 = arith.remsi %parallel_loop3A_242, %parallel_loop3A_245 : i32
        %parallel_loop3A_263 = arith.constant 0 : i32
        %parallel_loop3A_264 = arith.cmpi ne, %parallel_loop3A_262, %parallel_loop3A_263 : i32
        %parallel_loop3A_265 = arith.andi %parallel_loop3A_261, %parallel_loop3A_264 : i1
        %parallel_loop3A_266 = arith.constant 1 : i32
        %parallel_loop3A_267 = arith.subi %parallel_loop3A_246, %parallel_loop3A_266 : i32
        %parallel_loop3A_268 = arith.select %parallel_loop3A_265, %parallel_loop3A_267, %parallel_loop3A_246 : i32
        %parallel_loop3A_269 = arith.addi %parallel_loop3A_244, %parallel_loop3A_268 : i32
        %parallel_loop3A_270 = arith.constant 8 : i32
        %parallel_loop3A_271 = arith.constant 0 : i32
        %parallel_loop3A_272 = arith.cmpi eq, %parallel_loop3A_270, %parallel_loop3A_271 : i32
        %parallel_loop3A_273 = arith.constant 1 : i32
        %parallel_loop3A_274 = arith.select %parallel_loop3A_272, %parallel_loop3A_273, %parallel_loop3A_270 : i32
        %parallel_loop3A_275 = arith.remsi %parallel_loop3A_242, %parallel_loop3A_274 : i32
        %parallel_loop3A_276 = arith.constant 0 : i32
        %parallel_loop3A_277 = arith.cmpi ne, %parallel_loop3A_275, %parallel_loop3A_276 : i32
        %parallel_loop3A_278 = arith.constant 0 : i32
        %parallel_loop3A_279 = arith.cmpi slt, %parallel_loop3A_275, %parallel_loop3A_278 : i32
        %parallel_loop3A_280 = arith.constant 0 : i32
        %parallel_loop3A_281 = arith.cmpi slt, %parallel_loop3A_274, %parallel_loop3A_280 : i32
        %parallel_loop3A_282 = arith.xori %parallel_loop3A_279, %parallel_loop3A_281 : i1
        %parallel_loop3A_283 = arith.andi %parallel_loop3A_282, %parallel_loop3A_277 : i1
        %parallel_loop3A_284 = arith.addi %parallel_loop3A_275, %parallel_loop3A_274 : i32
        %parallel_loop3A_285 = arith.select %parallel_loop3A_283, %parallel_loop3A_284, %parallel_loop3A_275 : i32
        %parallel_loop3A_286 = arith.constant 16 : i32
        %parallel_loop3A_287 = arith.muli %parallel_loop3A_285, %parallel_loop3A_286 : i32
        %parallel_loop3A_288 = arith.index_cast %parallel_loop3A_269 : i32 to index
        %parallel_loop3A_289 = arith.index_cast %parallel_loop3A_287 : i32 to index
        %parallel_loop3A_290 = tpu.vector_load %arg10[%parallel_loop3A_288, %parallel_loop3A_289] {strides = array<i32>} : memref<200x128xi32, #tpu.memory_space<vmem>>, vector<16xi32>,
        %parallel_loop3A_291 = arith.constant 0 : i32
        %parallel_loop3A_292 = vector.broadcast %parallel_loop3A_291 : i32 to vector<16xi32>
        %parallel_loop3A_293 = arith.cmpi ne, %parallel_loop3A_290, %parallel_loop3A_292 : vector<16xi32>
        %parallel_loop3A_294 = arith.constant 1.000000e+00 : f32
        %parallel_loop3A_295 = arith.constant 0.000000e+00 : f32
        %parallel_loop3A_296 = vector.broadcast %parallel_loop3A_294 : f32 to vector<16xf32>
        %parallel_loop3A_297 = vector.broadcast %parallel_loop3A_295 : f32 to vector<16xf32>
        %parallel_loop3A_298 = arith.select %parallel_loop3A_293, %parallel_loop3A_296, %parallel_loop3A_297 : vector<16xi1>, vector<16xf32>
        %parallel_loop3A_299 = arith.constant 0 : i32
        %parallel_loop3A_300 = vector.broadcast %parallel_loop3A_299 : i32 to vector<16xi32>
        %parallel_loop3A_301 = arith.cmpi ne, %parallel_loop3A_290, %parallel_loop3A_300 : vector<16xi32>
        %parallel_loop3A_302 = arith.constant 1.000000e+00 : f32
        %parallel_loop3A_303 = arith.constant 0.000000e+00 : f32
        %parallel_loop3A_304 = vector.broadcast %parallel_loop3A_302 : f32 to vector<16xf32>
        %parallel_loop3A_305 = vector.broadcast %parallel_loop3A_303 : f32 to vector<16xf32>
        %parallel_loop3A_306 = arith.select %parallel_loop3A_301, %parallel_loop3A_304, %parallel_loop3A_305 : vector<16xi1>, vector<16xf32>
        %parallel_loop3A_307 = arith.constant 16 : i32
        %parallel_loop3A_308 = arith.muli %parallel_loop3A_242, %parallel_loop3A_307 : i32
        %parallel_loop3A_309 = arith.index_cast %parallel_loop3A_308 : i32 to index
        %parallel_loop3A_310 = tpu.vector_load %arg16[%parallel_loop3A_309] {strides = array<i32>} : memref<256xf32, #tpu.memory_space<vmem>>, vector<16xf32>,
        tpu.vector_store %arg16[%parallel_loop3A_309], %parallel_loop3A_306 {strides = array<i32>} : memref<256xf32, #tpu.memory_space<vmem>>, vector<16xf32>,
        %parallel_loop3A_311 = arith.constant 8 : i32
        %parallel_loop3A_312 = arith.divsi %parallel_loop3A_242, %parallel_loop3A_311 : i32
        %parallel_loop3A_313 = arith.constant 0 : i32
        %parallel_loop3A_314 = arith.cmpi sgt, %parallel_loop3A_242, %parallel_loop3A_313 : i32
        %parallel_loop3A_315 = arith.extui %parallel_loop3A_314 : i1 to i32
        %parallel_loop3A_316 = arith.constant 0 : i32
        %parallel_loop3A_317 = arith.cmpi slt, %parallel_loop3A_242, %parallel_loop3A_316 : i32
        %parallel_loop3A_318 = arith.extui %parallel_loop3A_317 : i1 to i32
        %parallel_loop3A_319 = arith.subi %parallel_loop3A_315, %parallel_loop3A_318 : i32
        %parallel_loop3A_320 = arith.constant 0 : i32
        %parallel_loop3A_321 = arith.cmpi sgt, %parallel_loop3A_311, %parallel_loop3A_320 : i32
        %parallel_loop3A_322 = arith.extui %parallel_loop3A_321 : i1 to i32
        %parallel_loop3A_323 = arith.constant 0 : i32
        %parallel_loop3A_324 = arith.cmpi slt, %parallel_loop3A_311, %parallel_loop3A_323 : i32
        %parallel_loop3A_325 = arith.extui %parallel_loop3A_324 : i1 to i32
        %parallel_loop3A_326 = arith.subi %parallel_loop3A_322, %parallel_loop3A_325 : i32
        %parallel_loop3A_327 = arith.cmpi ne, %parallel_loop3A_319, %parallel_loop3A_326 : i32
        %parallel_loop3A_328 = arith.remsi %parallel_loop3A_242, %parallel_loop3A_311 : i32
        %parallel_loop3A_329 = arith.constant 0 : i32
        %parallel_loop3A_330 = arith.cmpi ne, %parallel_loop3A_328, %parallel_loop3A_329 : i32
        %parallel_loop3A_331 = arith.andi %parallel_loop3A_327, %parallel_loop3A_330 : i1
        %parallel_loop3A_332 = arith.constant 1 : i32
        %parallel_loop3A_333 = arith.subi %parallel_loop3A_312, %parallel_loop3A_332 : i32
        %parallel_loop3A_334 = arith.select %parallel_loop3A_331, %parallel_loop3A_333, %parallel_loop3A_312 : i32
        %parallel_loop3A_335 = arith.constant 8 : i32
        %parallel_loop3A_336 = arith.constant 0 : i32
        %parallel_loop3A_337 = arith.cmpi eq, %parallel_loop3A_335, %parallel_loop3A_336 : i32
        %parallel_loop3A_338 = arith.constant 1 : i32
        %parallel_loop3A_339 = arith.select %parallel_loop3A_337, %parallel_loop3A_338, %parallel_loop3A_335 : i32
        %parallel_loop3A_340 = arith.remsi %parallel_loop3A_242, %parallel_loop3A_339 : i32
        %parallel_loop3A_341 = arith.constant 0 : i32
        %parallel_loop3A_342 = arith.cmpi ne, %parallel_loop3A_340, %parallel_loop3A_341 : i32
        %parallel_loop3A_343 = arith.constant 0 : i32
        %parallel_loop3A_344 = arith.cmpi slt, %parallel_loop3A_340, %parallel_loop3A_343 : i32
        %parallel_loop3A_345 = arith.constant 0 : i32
        %parallel_loop3A_346 = arith.cmpi slt, %parallel_loop3A_339, %parallel_loop3A_345 : i32
        %parallel_loop3A_347 = arith.xori %parallel_loop3A_344, %parallel_loop3A_346 : i1
        %parallel_loop3A_348 = arith.andi %parallel_loop3A_347, %parallel_loop3A_342 : i1
        %parallel_loop3A_349 = arith.addi %parallel_loop3A_340, %parallel_loop3A_339 : i32
        %parallel_loop3A_350 = arith.select %parallel_loop3A_348, %parallel_loop3A_349, %parallel_loop3A_340 : i32
        %parallel_loop3A_351 = arith.constant 16 : i32
        %parallel_loop3A_352 = arith.muli %parallel_loop3A_350, %parallel_loop3A_351 : i32
        %parallel_loop3A_353 = arith.constant 64 : i32
        %parallel_loop3A_354 = vector.broadcast %parallel_loop3A_353 : i32 to vector<16xi32>
        %parallel_loop3A_355 = arith.muli %iota3A, %parallel_loop3A_354 : vector<16xi32>
        %parallel_loop3A_356 = arith.constant 16 : i32
        %parallel_loop3A_357 = arith.muli %parallel_loop3A_242, %parallel_loop3A_356 : i32
        %parallel_loop3A_358 = arith.constant 64 : i32
        %parallel_loop3A_359 = arith.muli %parallel_loop3A_357, %parallel_loop3A_358 : i32
        %parallel_loop3A_360 = vector.broadcast %parallel_loop3A_359 : i32 to vector<16xi32>
        %parallel_loop3A_361 = arith.addi %parallel_loop3A_355, %parallel_loop3A_360 : vector<16xi32>
        %parallel_loop3A_362 = arith.constant 0 : i32
        %parallel_loop3A_363 = arith.constant 64 : i32
        %parallel_loop3A_364 = arith.constant 1 : i32
        scf.for %parallel_loop3A_365 = %parallel_loop3A_362 to %parallel_loop3A_363 step %parallel_loop3A_364  : i32 {
          %parallel_loop3A_366 = arith.constant 16 : i32
          %parallel_loop3A_367 = arith.constant 0 : i32
          %parallel_loop3A_368 = arith.cmpi eq, %parallel_loop3A_366, %parallel_loop3A_367 : i32
          %parallel_loop3A_369 = arith.constant 1 : i32
          %parallel_loop3A_370 = arith.select %parallel_loop3A_368, %parallel_loop3A_369, %parallel_loop3A_366 : i32
          %parallel_loop3A_371 = arith.remsi %parallel_loop3A_365, %parallel_loop3A_370 : i32
          %parallel_loop3A_372 = arith.constant 0 : i32
          %parallel_loop3A_373 = arith.cmpi ne, %parallel_loop3A_371, %parallel_loop3A_372 : i32
          %parallel_loop3A_374 = arith.constant 0 : i32
          %parallel_loop3A_375 = arith.cmpi slt, %parallel_loop3A_371, %parallel_loop3A_374 : i32
          %parallel_loop3A_376 = arith.constant 0 : i32
          %parallel_loop3A_377 = arith.cmpi slt, %parallel_loop3A_370, %parallel_loop3A_376 : i32
          %parallel_loop3A_378 = arith.xori %parallel_loop3A_375, %parallel_loop3A_377 : i1
          %parallel_loop3A_379 = arith.andi %parallel_loop3A_378, %parallel_loop3A_373 : i1
          %parallel_loop3A_380 = arith.addi %parallel_loop3A_371, %parallel_loop3A_370 : i32
          %parallel_loop3A_381 = arith.select %parallel_loop3A_379, %parallel_loop3A_380, %parallel_loop3A_371 : i32
          %parallel_loop3A_382 = vector.broadcast %parallel_loop3A_381 : i32 to vector<16xi32>
          %parallel_loop3A_383 = arith.xori %parallel_loop3A_382, %iota3A : vector<16xi32>
          %parallel_loop3A_384 = arith.constant 16 : i32
          %parallel_loop3A_385 = arith.divsi %parallel_loop3A_365, %parallel_loop3A_384 : i32
          %parallel_loop3A_386 = arith.constant 0 : i32
          %parallel_loop3A_387 = arith.cmpi sgt, %parallel_loop3A_365, %parallel_loop3A_386 : i32
          %parallel_loop3A_388 = arith.extui %parallel_loop3A_387 : i1 to i32
          %parallel_loop3A_389 = arith.constant 0 : i32
          %parallel_loop3A_390 = arith.cmpi slt, %parallel_loop3A_365, %parallel_loop3A_389 : i32
          %parallel_loop3A_391 = arith.extui %parallel_loop3A_390 : i1 to i32
          %parallel_loop3A_392 = arith.subi %parallel_loop3A_388, %parallel_loop3A_391 : i32
          %parallel_loop3A_393 = arith.constant 0 : i32
          %parallel_loop3A_394 = arith.cmpi sgt, %parallel_loop3A_384, %parallel_loop3A_393 : i32
          %parallel_loop3A_395 = arith.extui %parallel_loop3A_394 : i1 to i32
          %parallel_loop3A_396 = arith.constant 0 : i32
          %parallel_loop3A_397 = arith.cmpi slt, %parallel_loop3A_384, %parallel_loop3A_396 : i32
          %parallel_loop3A_398 = arith.extui %parallel_loop3A_397 : i1 to i32
          %parallel_loop3A_399 = arith.subi %parallel_loop3A_395, %parallel_loop3A_398 : i32
          %parallel_loop3A_400 = arith.cmpi ne, %parallel_loop3A_392, %parallel_loop3A_399 : i32
          %parallel_loop3A_401 = arith.remsi %parallel_loop3A_365, %parallel_loop3A_384 : i32
          %parallel_loop3A_402 = arith.constant 0 : i32
          %parallel_loop3A_403 = arith.cmpi ne, %parallel_loop3A_401, %parallel_loop3A_402 : i32
          %parallel_loop3A_404 = arith.andi %parallel_loop3A_400, %parallel_loop3A_403 : i1
          %parallel_loop3A_405 = arith.constant 1 : i32
          %parallel_loop3A_406 = arith.subi %parallel_loop3A_385, %parallel_loop3A_405 : i32
          %parallel_loop3A_407 = arith.select %parallel_loop3A_404, %parallel_loop3A_406, %parallel_loop3A_385 : i32
          %parallel_loop3A_408 = arith.constant 16 : i32
          %parallel_loop3A_409 = arith.muli %parallel_loop3A_407, %parallel_loop3A_408 : i32
          %parallel_loop3A_410 = vector.broadcast %parallel_loop3A_409 : i32 to vector<16xi32>
          %parallel_loop3A_411 = arith.addi %parallel_loop3A_383, %parallel_loop3A_410 : vector<16xi32>
          %parallel_loop3A_412 = arith.addi %parallel_loop3A_361, %parallel_loop3A_411 : vector<16xi32>
          %parallel_loop3A_413 = tpu.vector_load_idx %arg15[%parallel_loop3A_412] : memref<16384xf32, #tpu.memory_space<vmem>>[vector<16xi32>], vector<16xf32>,
          %parallel_loop3A_414 = arith.mulf %parallel_loop3A_413, %parallel_loop3A_298 : vector<16xf32>
          %parallel_loop3A_415 = arith.constant 8 : i32
          %parallel_loop3A_416 = arith.divsi %parallel_loop3A_365, %parallel_loop3A_415 : i32
          %parallel_loop3A_417 = arith.constant 0 : i32
          %parallel_loop3A_418 = arith.cmpi sgt, %parallel_loop3A_365, %parallel_loop3A_417 : i32
          %parallel_loop3A_419 = arith.extui %parallel_loop3A_418 : i1 to i32
          %parallel_loop3A_420 = arith.constant 0 : i32
          %parallel_loop3A_421 = arith.cmpi slt, %parallel_loop3A_365, %parallel_loop3A_420 : i32
          %parallel_loop3A_422 = arith.extui %parallel_loop3A_421 : i1 to i32
          %parallel_loop3A_423 = arith.subi %parallel_loop3A_419, %parallel_loop3A_422 : i32
          %parallel_loop3A_424 = arith.constant 0 : i32
          %parallel_loop3A_425 = arith.cmpi sgt, %parallel_loop3A_415, %parallel_loop3A_424 : i32
          %parallel_loop3A_426 = arith.extui %parallel_loop3A_425 : i1 to i32
          %parallel_loop3A_427 = arith.constant 0 : i32
          %parallel_loop3A_428 = arith.cmpi slt, %parallel_loop3A_415, %parallel_loop3A_427 : i32
          %parallel_loop3A_429 = arith.extui %parallel_loop3A_428 : i1 to i32
          %parallel_loop3A_430 = arith.subi %parallel_loop3A_426, %parallel_loop3A_429 : i32
          %parallel_loop3A_431 = arith.cmpi ne, %parallel_loop3A_423, %parallel_loop3A_430 : i32
          %parallel_loop3A_432 = arith.remsi %parallel_loop3A_365, %parallel_loop3A_415 : i32
          %parallel_loop3A_433 = arith.constant 0 : i32
          %parallel_loop3A_434 = arith.cmpi ne, %parallel_loop3A_432, %parallel_loop3A_433 : i32
          %parallel_loop3A_435 = arith.andi %parallel_loop3A_431, %parallel_loop3A_434 : i1
          %parallel_loop3A_436 = arith.constant 1 : i32
          %parallel_loop3A_437 = arith.subi %parallel_loop3A_416, %parallel_loop3A_436 : i32
          %parallel_loop3A_438 = arith.select %parallel_loop3A_435, %parallel_loop3A_437, %parallel_loop3A_416 : i32
          %parallel_loop3A_439 = arith.constant 8 : i32
          %parallel_loop3A_440 = arith.constant 0 : i32
          %parallel_loop3A_441 = arith.cmpi eq, %parallel_loop3A_439, %parallel_loop3A_440 : i32
          %parallel_loop3A_442 = arith.constant 1 : i32
          %parallel_loop3A_443 = arith.select %parallel_loop3A_441, %parallel_loop3A_442, %parallel_loop3A_439 : i32
          %parallel_loop3A_444 = arith.remsi %parallel_loop3A_365, %parallel_loop3A_443 : i32
          %parallel_loop3A_445 = arith.constant 0 : i32
          %parallel_loop3A_446 = arith.cmpi ne, %parallel_loop3A_444, %parallel_loop3A_445 : i32
          %parallel_loop3A_447 = arith.constant 0 : i32
          %parallel_loop3A_448 = arith.cmpi slt, %parallel_loop3A_444, %parallel_loop3A_447 : i32
          %parallel_loop3A_449 = arith.constant 0 : i32
          %parallel_loop3A_450 = arith.cmpi slt, %parallel_loop3A_443, %parallel_loop3A_449 : i32
          %parallel_loop3A_451 = arith.xori %parallel_loop3A_448, %parallel_loop3A_450 : i1
          %parallel_loop3A_452 = arith.andi %parallel_loop3A_451, %parallel_loop3A_446 : i1
          %parallel_loop3A_453 = arith.addi %parallel_loop3A_444, %parallel_loop3A_443 : i32
          %parallel_loop3A_454 = arith.select %parallel_loop3A_452, %parallel_loop3A_453, %parallel_loop3A_444 : i32
          %parallel_loop3A_455 = arith.index_cast %parallel_loop3A_438 : i32 to index
          %parallel_loop3A_456 = arith.index_cast %parallel_loop3A_334 : i32 to index
          %parallel_loop3A_457 = arith.index_cast %parallel_loop3A_454 : i32 to index
          %parallel_loop3A_458 = arith.index_cast %parallel_loop3A_352 : i32 to index
          %parallel_loop3A_459 = tpu.vector_load %arg13[%parallel_loop3A_455, %parallel_loop3A_456, %parallel_loop3A_457, %parallel_loop3A_458] {strides = array<i32>} : memref<8x2x8x128xf32, #tpu.memory_space<vmem>>, vector<16xf32>,
          tpu.vector_store %arg13[%parallel_loop3A_455, %parallel_loop3A_456, %parallel_loop3A_457, %parallel_loop3A_458], %parallel_loop3A_414 {strides = array<i32>} : memref<8x2x8x128xf32, #tpu.memory_space<vmem>>, vector<16xf32>,
        } {sc.loop_unroll_factor = 8 : i64, sc.parallel_access}
      } {sc.loop_unroll_factor = 1 : i64, sc.parallel_access}
      %mul3A_174 = arith.constant 200 : i32
      %mul3A_175 = arith.muli %add3A, %mul3A_174 : i32
      %mul3A_176 = arith.constant 2 : i32
      %mul3A_177 = arith.muli %add3A_154, %mul3A_176 : i32
      %add3A_178 = arith.addi %mul3A_175, %mul3A_177 : i32
      %dma_start3A_179 = arith.constant 0 : i32
      %dma_start3A_180 = arith.constant 0 : i32
      %dma_start3A_181 = arith.constant 0 : i32
      %dma_start3A_182 = tpu.memref_slice %arg7[%dma_start3A_179, %add3A_178, %dma_start3A_180, %dma_start3A_181] : memref<8x6400x8x128xf32, #tpu.memory_space<hbm>> -> memref<8x2x8x128xf32, #tpu.memory_space<hbm>>
      %dma_start3A_183 = arith.constant 0 : i32
      %dma_start3A_184 = arith.constant 0 : i32
      %dma_start3A_185 = arith.constant 0 : i32
      %dma_start3A_186 = tpu.memref_slice %arg7[%dma_start3A_183, %add3A_178, %dma_start3A_184, %dma_start3A_185] : memref<8x6400x8x128xf32, #tpu.memory_space<hbm>> -> memref<8x2x8x128xf32, #tpu.memory_space<hbm>>
      tpu.enqueue_dma source(%arg13 : memref<8x2x8x128xf32, #tpu.memory_space<vmem>>) target(%dma_start3A_186 : memref<8x2x8x128xf32, #tpu.memory_space<hbm>>) target_semaphore(%arg20 : memref<!tpu.dma_semaphore, #tpu.memory_space<semaphore_mem>>)
      %mul3A_187 = arith.constant 25600 : i32
      %mul3A_188 = arith.muli %add3A, %mul3A_187 : i32
      %mul3A_189 = arith.constant 256 : i32
      %mul3A_190 = arith.muli %add3A_154, %mul3A_189 : i32
      %add3A_191 = arith.addi %mul3A_188, %mul3A_190 : i32
      %dma_start3A_192 = tpu.memref_slice %arg9[%add3A_191] : memref<819200xf32, #tpu.memory_space<hbm>> -> memref<256xf32, #tpu.memory_space<hbm>>
      %dma_start3A_193 = tpu.memref_slice %arg9[%add3A_191] : memref<819200xf32, #tpu.memory_space<hbm>> -> memref<256xf32, #tpu.memory_space<hbm>>
      tpu.enqueue_dma source(%arg16 : memref<256xf32, #tpu.memory_space<vmem>>) target(%dma_start3A_193 : memref<256xf32, #tpu.memory_space<hbm>>) target_semaphore(%arg20 : memref<!tpu.dma_semaphore, #tpu.memory_space<semaphore_mem>>)
      %mul3A_194 = arith.constant 2 : i32
      %mul3A_195 = arith.muli %scan3A_150, %mul3A_194 : i32
      %add3A_196 = arith.constant 1 : i32
      %add3A_197 = arith.addi %mul3A_195, %add3A_196 : i32
      %dma_wait3A_198 = arith.constant 0 : i32
      %dma_wait3A_199 = arith.constant 0 : i32
      %dma_wait3A_200 = tpu.memref_slice %arg2[%dma_wait3A_198, %dma_wait3A_199] : memref<1000000x64xf32, #tpu.memory_space<hbm>> -> memref<256x64xf32, #tpu.memory_space<hbm>>
      %dma_wait3A_201 = arith.constant 0 : i32
      %dma_wait3A_202 = arith.constant 0 : i32
      %dma_wait3A_203 = tpu.memref_slice %arg2[%dma_wait3A_201, %dma_wait3A_202] : memref<1000000x64xf32, #tpu.memory_space<hbm>> -> memref<256x64xf32, #tpu.memory_space<hbm>>
      tpu.wait_dma2 semaphore(%arg19 : memref<!tpu.dma_semaphore, #tpu.memory_space<semaphore_mem>>) src(%dma_wait3A_203 : memref<256x64xf32, #tpu.memory_space<hbm>>) dst(%arg12 : memref<256x64xf32, #tpu.memory_space<vmem>>)
      %add3A_204 = arith.constant 1 : i32
      %add3A_205 = arith.addi %add3A_197, %add3A_204 : i32
      %lt3A_206 = arith.constant 100 : i32
      %lt3A_207 = arith.cmpi slt, %add3A_205, %lt3A_206 : i32
      %convert_element_type3A_208 = arith.extui %lt3A_207 : i1 to i32
      %cond3A_209 = arith.constant 0 : i32
      %cond3A_210 = arith.cmpi ne, %convert_element_type3A_208, %cond3A_209 : i32
      scf.if %cond3A_210 {
        %add3A_242 = arith.constant 1 : i32
        %add3A_243 = arith.addi %add3A_197, %add3A_242 : i32
        %mul3A_244 = arith.constant 2 : i32
        %mul3A_245 = arith.muli %add3A_243, %mul3A_244 : i32
        %add3A_246 = arith.constant 0 : i32
        %add3A_247 = arith.addi %mul3A_245, %add3A_246 : i32
        %dma_start3A_248 = arith.constant 0 : i32
        %dma_start3A_249 = arith.constant 0 : i32
        %dma_start3A_250 = tpu.memref_slice %arg11[%dma_start3A_248, %dma_start3A_249] : memref<256x64xf32, #tpu.memory_space<vmem>> -> memref<128x64xf32, #tpu.memory_space<vmem>>
        %dma_start3A_251 = arith.constant 0 : i32
        %dma_start3A_252 = tpu.memref_slice %arg10[%add3A_247, %dma_start3A_251] : memref<200x128xi32, #tpu.memory_space<vmem>> -> memref<1x128xi32, #tpu.memory_space<vmem>>
        %dma_start3A_253 = tpu.memref_squeeze %dma_start3A_252 : memref<1x128xi32, #tpu.memory_space<vmem>> -> memref<128xi32, #tpu.memory_space<vmem>>
        %dma_start3A_254 = arith.constant 0 : i32
        %dma_start3A_255 = arith.constant 0 : i32
        %dma_start3A_256 = tpu.memref_slice %arg2[%dma_start3A_254, %dma_start3A_255] : memref<1000000x64xf32, #tpu.memory_space<hbm>> -> memref<1000000x64xf32, #tpu.memory_space<hbm>>
        tpu.enqueue_indirect_dma source(%dma_start3A_256 : memref<1000000x64xf32, #tpu.memory_space<hbm>>) target(%dma_start3A_250 : memref<128x64xf32, #tpu.memory_space<vmem>>) offsets(%dma_start3A_253 : memref<128xi32, #tpu.memory_space<vmem>>) semaphore(%arg18 : memref<!tpu.dma_semaphore, #tpu.memory_space<semaphore_mem>>)
        %mul3A_257 = arith.constant 2 : i32
        %mul3A_258 = arith.muli %add3A_243, %mul3A_257 : i32
        %add3A_259 = arith.constant 1 : i32
        %add3A_260 = arith.addi %mul3A_258, %add3A_259 : i32
        %dma_start3A_261 = arith.constant 128 : i32
        %dma_start3A_262 = arith.constant 0 : i32
        %dma_start3A_263 = tpu.memref_slice %arg11[%dma_start3A_261, %dma_start3A_262] : memref<256x64xf32, #tpu.memory_space<vmem>> -> memref<128x64xf32, #tpu.memory_space<vmem>>
        %dma_start3A_264 = arith.constant 0 : i32
        %dma_start3A_265 = tpu.memref_slice %arg10[%add3A_260, %dma_start3A_264] : memref<200x128xi32, #tpu.memory_space<vmem>> -> memref<1x128xi32, #tpu.memory_space<vmem>>
        %dma_start3A_266 = tpu.memref_squeeze %dma_start3A_265 : memref<1x128xi32, #tpu.memory_space<vmem>> -> memref<128xi32, #tpu.memory_space<vmem>>
        %dma_start3A_267 = arith.constant 0 : i32
        %dma_start3A_268 = arith.constant 0 : i32
        %dma_start3A_269 = tpu.memref_slice %arg2[%dma_start3A_267, %dma_start3A_268] : memref<1000000x64xf32, #tpu.memory_space<hbm>> -> memref<1000000x64xf32, #tpu.memory_space<hbm>>
        tpu.enqueue_indirect_dma source(%dma_start3A_269 : memref<1000000x64xf32, #tpu.memory_space<hbm>>) target(%dma_start3A_263 : memref<128x64xf32, #tpu.memory_space<vmem>>) offsets(%dma_start3A_266 : memref<128xi32, #tpu.memory_space<vmem>>) semaphore(%arg18 : memref<!tpu.dma_semaphore, #tpu.memory_space<semaphore_mem>>)
      } else {
      }
      %ge3A_211 = arith.constant 2 : i32
      %ge3A_212 = arith.cmpi sge, %add3A_197, %ge3A_211 : i32
      %convert_element_type3A_213 = arith.extui %ge3A_212 : i1 to i32
      %cond3A_214 = arith.constant 0 : i32
      %cond3A_215 = arith.cmpi ne, %convert_element_type3A_213, %cond3A_214 : i32
      scf.if %cond3A_215 {
        %dma_wait3A_242 = arith.constant 0 : i32
        %dma_wait3A_243 = arith.constant 0 : i32
        %dma_wait3A_244 = arith.constant 0 : i32
        %dma_wait3A_245 = arith.constant 0 : i32
        %dma_wait3A_246 = tpu.memref_slice %arg7[%dma_wait3A_242, %dma_wait3A_243, %dma_wait3A_244, %dma_wait3A_245] : memref<8x6400x8x128xf32, #tpu.memory_space<hbm>> -> memref<8x2x8x128xf32, #tpu.memory_space<hbm>>
        %dma_wait3A_247 = arith.constant 0 : i32
        %dma_wait3A_248 = arith.constant 0 : i32
        %dma_wait3A_249 = arith.constant 0 : i32
        %dma_wait3A_250 = arith.constant 0 : i32
        %dma_wait3A_251 = tpu.memref_slice %arg7[%dma_wait3A_247, %dma_wait3A_248, %dma_wait3A_249, %dma_wait3A_250] : memref<8x6400x8x128xf32, #tpu.memory_space<hbm>> -> memref<8x2x8x128xf32, #tpu.memory_space<hbm>>
        tpu.wait_dma2 semaphore(%arg21 : memref<!tpu.dma_semaphore, #tpu.memory_space<semaphore_mem>>) src(%arg14 : memref<8x2x8x128xf32, #tpu.memory_space<vmem>>) dst(%dma_wait3A_251 : memref<8x2x8x128xf32, #tpu.memory_space<hbm>>)
        %dma_wait3A_252 = arith.constant 0 : i32
        %dma_wait3A_253 = tpu.memref_slice %arg9[%dma_wait3A_252] : memref<819200xf32, #tpu.memory_space<hbm>> -> memref<256xf32, #tpu.memory_space<hbm>>
        %dma_wait3A_254 = arith.constant 0 : i32
        %dma_wait3A_255 = tpu.memref_slice %arg9[%dma_wait3A_254] : memref<819200xf32, #tpu.memory_space<hbm>> -> memref<256xf32, #tpu.memory_space<hbm>>
        tpu.wait_dma2 semaphore(%arg21 : memref<!tpu.dma_semaphore, #tpu.memory_space<semaphore_mem>>) src(%arg17 : memref<256xf32, #tpu.memory_space<vmem>>) dst(%dma_wait3A_255 : memref<256xf32, #tpu.memory_space<hbm>>)
      } else {
      }
      %parallel_loop3A_216 = arith.constant 0 : i32
      %parallel_loop3A_217 = arith.constant 256 : i32
      %parallel_loop3A_218 = arith.constant 1 : i32
      scf.for %parallel_loop3A_242 = %parallel_loop3A_216 to %parallel_loop3A_217 step %parallel_loop3A_218  : i32 {
        %parallel_loop3A_243 = arith.constant 16 : i32
        %parallel_loop3A_244 = arith.constant 0 : i32
        %parallel_loop3A_245 = arith.cmpi eq, %parallel_loop3A_243, %parallel_loop3A_244 : i32
        %parallel_loop3A_246 = arith.constant 1 : i32
        %parallel_loop3A_247 = arith.select %parallel_loop3A_245, %parallel_loop3A_246, %parallel_loop3A_243 : i32
        %parallel_loop3A_248 = arith.remsi %parallel_loop3A_242, %parallel_loop3A_247 : i32
        %parallel_loop3A_249 = arith.constant 0 : i32
        %parallel_loop3A_250 = arith.cmpi ne, %parallel_loop3A_248, %parallel_loop3A_249 : i32
        %parallel_loop3A_251 = arith.constant 0 : i32
        %parallel_loop3A_252 = arith.cmpi slt, %parallel_loop3A_248, %parallel_loop3A_251 : i32
        %parallel_loop3A_253 = arith.constant 0 : i32
        %parallel_loop3A_254 = arith.cmpi slt, %parallel_loop3A_247, %parallel_loop3A_253 : i32
        %parallel_loop3A_255 = arith.xori %parallel_loop3A_252, %parallel_loop3A_254 : i1
        %parallel_loop3A_256 = arith.andi %parallel_loop3A_255, %parallel_loop3A_250 : i1
        %parallel_loop3A_257 = arith.addi %parallel_loop3A_248, %parallel_loop3A_247 : i32
        %parallel_loop3A_258 = arith.select %parallel_loop3A_256, %parallel_loop3A_257, %parallel_loop3A_248 : i32
        %parallel_loop3A_259 = vector.broadcast %parallel_loop3A_258 : i32 to vector<16xi32>
        %parallel_loop3A_260 = arith.xori %iota3A, %parallel_loop3A_259 : vector<16xi32>
        %parallel_loop3A_261 = arith.index_cast %parallel_loop3A_242 : i32 to index
        %parallel_loop3A_262 = arith.constant 0 : index
        %parallel_loop3A_263 = tpu.vector_load %arg12[%parallel_loop3A_261, %parallel_loop3A_262] {strides = array<i32>} : memref<256x64xf32, #tpu.memory_space<vmem>>, vector<16xf32>,
        %parallel_loop3A_264 = arith.constant 64 : i32
        %parallel_loop3A_265 = arith.muli %parallel_loop3A_242, %parallel_loop3A_264 : i32
        %parallel_loop3A_266 = arith.constant 0 : i32
        %parallel_loop3A_267 = arith.addi %parallel_loop3A_265, %parallel_loop3A_266 : i32
        %parallel_loop3A_268 = vector.broadcast %parallel_loop3A_267 : i32 to vector<16xi32>
        %parallel_loop3A_269 = arith.addi %parallel_loop3A_260, %parallel_loop3A_268 : vector<16xi32>
        tpu.vector_store_idx %arg15[%parallel_loop3A_269], %parallel_loop3A_263 : memref<16384xf32, #tpu.memory_space<vmem>>[vector<16xi32>], vector<16xf32>,
        %parallel_loop3A_270 = arith.index_cast %parallel_loop3A_242 : i32 to index
        %parallel_loop3A_271 = arith.constant 16 : index
        %parallel_loop3A_272 = tpu.vector_load %arg12[%parallel_loop3A_270, %parallel_loop3A_271] {strides = array<i32>} : memref<256x64xf32, #tpu.memory_space<vmem>>, vector<16xf32>,
        %parallel_loop3A_273 = arith.constant 64 : i32
        %parallel_loop3A_274 = arith.muli %parallel_loop3A_242, %parallel_loop3A_273 : i32
        %parallel_loop3A_275 = arith.constant 16 : i32
        %parallel_loop3A_276 = arith.addi %parallel_loop3A_274, %parallel_loop3A_275 : i32
        %parallel_loop3A_277 = vector.broadcast %parallel_loop3A_276 : i32 to vector<16xi32>
        %parallel_loop3A_278 = arith.addi %parallel_loop3A_260, %parallel_loop3A_277 : vector<16xi32>
        tpu.vector_store_idx %arg15[%parallel_loop3A_278], %parallel_loop3A_272 : memref<16384xf32, #tpu.memory_space<vmem>>[vector<16xi32>], vector<16xf32>,
        %parallel_loop3A_279 = arith.index_cast %parallel_loop3A_242 : i32 to index
        %parallel_loop3A_280 = arith.constant 32 : index
        %parallel_loop3A_281 = tpu.vector_load %arg12[%parallel_loop3A_279, %parallel_loop3A_280] {strides = array<i32>} : memref<256x64xf32, #tpu.memory_space<vmem>>, vector<16xf32>,
        %parallel_loop3A_282 = arith.constant 64 : i32
        %parallel_loop3A_283 = arith.muli %parallel_loop3A_242, %parallel_loop3A_282 : i32
        %parallel_loop3A_284 = arith.constant 32 : i32
        %parallel_loop3A_285 = arith.addi %parallel_loop3A_283, %parallel_loop3A_284 : i32
        %parallel_loop3A_286 = vector.broadcast %parallel_loop3A_285 : i32 to vector<16xi32>
        %parallel_loop3A_287 = arith.addi %parallel_loop3A_260, %parallel_loop3A_286 : vector<16xi32>
        tpu.vector_store_idx %arg15[%parallel_loop3A_287], %parallel_loop3A_281 : memref<16384xf32, #tpu.memory_space<vmem>>[vector<16xi32>], vector<16xf32>,
        %parallel_loop3A_288 = arith.index_cast %parallel_loop3A_242 : i32 to index
        %parallel_loop3A_289 = arith.constant 48 : index
        %parallel_loop3A_290 = tpu.vector_load %arg12[%parallel_loop3A_288, %parallel_loop3A_289] {strides = array<i32>} : memref<256x64xf32, #tpu.memory_space<vmem>>, vector<16xf32>,
        %parallel_loop3A_291 = arith.constant 64 : i32
        %parallel_loop3A_292 = arith.muli %parallel_loop3A_242, %parallel_loop3A_291 : i32
        %parallel_loop3A_293 = arith.constant 48 : i32
        %parallel_loop3A_294 = arith.addi %parallel_loop3A_292, %parallel_loop3A_293 : i32
        %parallel_loop3A_295 = vector.broadcast %parallel_loop3A_294 : i32 to vector<16xi32>
        %parallel_loop3A_296 = arith.addi %parallel_loop3A_260, %parallel_loop3A_295 : vector<16xi32>
        tpu.vector_store_idx %arg15[%parallel_loop3A_296], %parallel_loop3A_290 : memref<16384xf32, #tpu.memory_space<vmem>>[vector<16xi32>], vector<16xf32>,
      } {sc.loop_unroll_factor = 4 : i64, sc.parallel_access}
      %parallel_loop3A_219 = arith.constant 0 : i32
      %parallel_loop3A_220 = arith.constant 16 : i32
      %parallel_loop3A_221 = arith.constant 1 : i32
      scf.for %parallel_loop3A_242 = %parallel_loop3A_219 to %parallel_loop3A_220 step %parallel_loop3A_221  : i32 {
        %parallel_loop3A_243 = arith.constant 2 : i32
        %parallel_loop3A_244 = arith.muli %add3A_197, %parallel_loop3A_243 : i32
        %parallel_loop3A_245 = arith.constant 8 : i32
        %parallel_loop3A_246 = arith.divsi %parallel_loop3A_242, %parallel_loop3A_245 : i32
        %parallel_loop3A_247 = arith.constant 0 : i32
        %parallel_loop3A_248 = arith.cmpi sgt, %parallel_loop3A_242, %parallel_loop3A_247 : i32
        %parallel_loop3A_249 = arith.extui %parallel_loop3A_248 : i1 to i32
        %parallel_loop3A_250 = arith.constant 0 : i32
        %parallel_loop3A_251 = arith.cmpi slt, %parallel_loop3A_242, %parallel_loop3A_250 : i32
        %parallel_loop3A_252 = arith.extui %parallel_loop3A_251 : i1 to i32
        %parallel_loop3A_253 = arith.subi %parallel_loop3A_249, %parallel_loop3A_252 : i32
        %parallel_loop3A_254 = arith.constant 0 : i32
        %parallel_loop3A_255 = arith.cmpi sgt, %parallel_loop3A_245, %parallel_loop3A_254 : i32
        %parallel_loop3A_256 = arith.extui %parallel_loop3A_255 : i1 to i32
        %parallel_loop3A_257 = arith.constant 0 : i32
        %parallel_loop3A_258 = arith.cmpi slt, %parallel_loop3A_245, %parallel_loop3A_257 : i32
        %parallel_loop3A_259 = arith.extui %parallel_loop3A_258 : i1 to i32
        %parallel_loop3A_260 = arith.subi %parallel_loop3A_256, %parallel_loop3A_259 : i32
        %parallel_loop3A_261 = arith.cmpi ne, %parallel_loop3A_253, %parallel_loop3A_260 : i32
        %parallel_loop3A_262 = arith.remsi %parallel_loop3A_242, %parallel_loop3A_245 : i32
        %parallel_loop3A_263 = arith.constant 0 : i32
        %parallel_loop3A_264 = arith.cmpi ne, %parallel_loop3A_262, %parallel_loop3A_263 : i32
        %parallel_loop3A_265 = arith.andi %parallel_loop3A_261, %parallel_loop3A_264 : i1
        %parallel_loop3A_266 = arith.constant 1 : i32
        %parallel_loop3A_267 = arith.subi %parallel_loop3A_246, %parallel_loop3A_266 : i32
        %parallel_loop3A_268 = arith.select %parallel_loop3A_265, %parallel_loop3A_267, %parallel_loop3A_246 : i32
        %parallel_loop3A_269 = arith.addi %parallel_loop3A_244, %parallel_loop3A_268 : i32
        %parallel_loop3A_270 = arith.constant 8 : i32
        %parallel_loop3A_271 = arith.constant 0 : i32
        %parallel_loop3A_272 = arith.cmpi eq, %parallel_loop3A_270, %parallel_loop3A_271 : i32
        %parallel_loop3A_273 = arith.constant 1 : i32
        %parallel_loop3A_274 = arith.select %parallel_loop3A_272, %parallel_loop3A_273, %parallel_loop3A_270 : i32
        %parallel_loop3A_275 = arith.remsi %parallel_loop3A_242, %parallel_loop3A_274 : i32
        %parallel_loop3A_276 = arith.constant 0 : i32
        %parallel_loop3A_277 = arith.cmpi ne, %parallel_loop3A_275, %parallel_loop3A_276 : i32
        %parallel_loop3A_278 = arith.constant 0 : i32
        %parallel_loop3A_279 = arith.cmpi slt, %parallel_loop3A_275, %parallel_loop3A_278 : i32
        %parallel_loop3A_280 = arith.constant 0 : i32
        %parallel_loop3A_281 = arith.cmpi slt, %parallel_loop3A_274, %parallel_loop3A_280 : i32
        %parallel_loop3A_282 = arith.xori %parallel_loop3A_279, %parallel_loop3A_281 : i1
        %parallel_loop3A_283 = arith.andi %parallel_loop3A_282, %parallel_loop3A_277 : i1
        %parallel_loop3A_284 = arith.addi %parallel_loop3A_275, %parallel_loop3A_274 : i32
        %parallel_loop3A_285 = arith.select %parallel_loop3A_283, %parallel_loop3A_284, %parallel_loop3A_275 : i32
        %parallel_loop3A_286 = arith.constant 16 : i32
        %parallel_loop3A_287 = arith.muli %parallel_loop3A_285, %parallel_loop3A_286 : i32
        %parallel_loop3A_288 = arith.index_cast %parallel_loop3A_269 : i32 to index
        %parallel_loop3A_289 = arith.index_cast %parallel_loop3A_287 : i32 to index
        %parallel_loop3A_290 = tpu.vector_load %arg10[%parallel_loop3A_288, %parallel_loop3A_289] {strides = array<i32>} : memref<200x128xi32, #tpu.memory_space<vmem>>, vector<16xi32>,
        %parallel_loop3A_291 = arith.constant 0 : i32
        %parallel_loop3A_292 = vector.broadcast %parallel_loop3A_291 : i32 to vector<16xi32>
        %parallel_loop3A_293 = arith.cmpi ne, %parallel_loop3A_290, %parallel_loop3A_292 : vector<16xi32>
        %parallel_loop3A_294 = arith.constant 1.000000e+00 : f32
        %parallel_loop3A_295 = arith.constant 0.000000e+00 : f32
        %parallel_loop3A_296 = vector.broadcast %parallel_loop3A_294 : f32 to vector<16xf32>
        %parallel_loop3A_297 = vector.broadcast %parallel_loop3A_295 : f32 to vector<16xf32>
        %parallel_loop3A_298 = arith.select %parallel_loop3A_293, %parallel_loop3A_296, %parallel_loop3A_297 : vector<16xi1>, vector<16xf32>
        %parallel_loop3A_299 = arith.constant 0 : i32
        %parallel_loop3A_300 = vector.broadcast %parallel_loop3A_299 : i32 to vector<16xi32>
        %parallel_loop3A_301 = arith.cmpi ne, %parallel_loop3A_290, %parallel_loop3A_300 : vector<16xi32>
        %parallel_loop3A_302 = arith.constant 1.000000e+00 : f32
        %parallel_loop3A_303 = arith.constant 0.000000e+00 : f32
        %parallel_loop3A_304 = vector.broadcast %parallel_loop3A_302 : f32 to vector<16xf32>
        %parallel_loop3A_305 = vector.broadcast %parallel_loop3A_303 : f32 to vector<16xf32>
        %parallel_loop3A_306 = arith.select %parallel_loop3A_301, %parallel_loop3A_304, %parallel_loop3A_305 : vector<16xi1>, vector<16xf32>
        %parallel_loop3A_307 = arith.constant 16 : i32
        %parallel_loop3A_308 = arith.muli %parallel_loop3A_242, %parallel_loop3A_307 : i32
        %parallel_loop3A_309 = arith.index_cast %parallel_loop3A_308 : i32 to index
        %parallel_loop3A_310 = tpu.vector_load %arg17[%parallel_loop3A_309] {strides = array<i32>} : memref<256xf32, #tpu.memory_space<vmem>>, vector<16xf32>,
        tpu.vector_store %arg17[%parallel_loop3A_309], %parallel_loop3A_306 {strides = array<i32>} : memref<256xf32, #tpu.memory_space<vmem>>, vector<16xf32>,
        %parallel_loop3A_311 = arith.constant 8 : i32
        %parallel_loop3A_312 = arith.divsi %parallel_loop3A_242, %parallel_loop3A_311 : i32
        %parallel_loop3A_313 = arith.constant 0 : i32
        %parallel_loop3A_314 = arith.cmpi sgt, %parallel_loop3A_242, %parallel_loop3A_313 : i32
        %parallel_loop3A_315 = arith.extui %parallel_loop3A_314 : i1 to i32
        %parallel_loop3A_316 = arith.constant 0 : i32
        %parallel_loop3A_317 = arith.cmpi slt, %parallel_loop3A_242, %parallel_loop3A_316 : i32
        %parallel_loop3A_318 = arith.extui %parallel_loop3A_317 : i1 to i32
        %parallel_loop3A_319 = arith.subi %parallel_loop3A_315, %parallel_loop3A_318 : i32
        %parallel_loop3A_320 = arith.constant 0 : i32
        %parallel_loop3A_321 = arith.cmpi sgt, %parallel_loop3A_311, %parallel_loop3A_320 : i32
        %parallel_loop3A_322 = arith.extui %parallel_loop3A_321 : i1 to i32
        %parallel_loop3A_323 = arith.constant 0 : i32
        %parallel_loop3A_324 = arith.cmpi slt, %parallel_loop3A_311, %parallel_loop3A_323 : i32
        %parallel_loop3A_325 = arith.extui %parallel_loop3A_324 : i1 to i32
        %parallel_loop3A_326 = arith.subi %parallel_loop3A_322, %parallel_loop3A_325 : i32
        %parallel_loop3A_327 = arith.cmpi ne, %parallel_loop3A_319, %parallel_loop3A_326 : i32
        %parallel_loop3A_328 = arith.remsi %parallel_loop3A_242, %parallel_loop3A_311 : i32
        %parallel_loop3A_329 = arith.constant 0 : i32
        %parallel_loop3A_330 = arith.cmpi ne, %parallel_loop3A_328, %parallel_loop3A_329 : i32
        %parallel_loop3A_331 = arith.andi %parallel_loop3A_327, %parallel_loop3A_330 : i1
        %parallel_loop3A_332 = arith.constant 1 : i32
        %parallel_loop3A_333 = arith.subi %parallel_loop3A_312, %parallel_loop3A_332 : i32
        %parallel_loop3A_334 = arith.select %parallel_loop3A_331, %parallel_loop3A_333, %parallel_loop3A_312 : i32
        %parallel_loop3A_335 = arith.constant 8 : i32
        %parallel_loop3A_336 = arith.constant 0 : i32
        %parallel_loop3A_337 = arith.cmpi eq, %parallel_loop3A_335, %parallel_loop3A_336 : i32
        %parallel_loop3A_338 = arith.constant 1 : i32
        %parallel_loop3A_339 = arith.select %parallel_loop3A_337, %parallel_loop3A_338, %parallel_loop3A_335 : i32
        %parallel_loop3A_340 = arith.remsi %parallel_loop3A_242, %parallel_loop3A_339 : i32
        %parallel_loop3A_341 = arith.constant 0 : i32
        %parallel_loop3A_342 = arith.cmpi ne, %parallel_loop3A_340, %parallel_loop3A_341 : i32
        %parallel_loop3A_343 = arith.constant 0 : i32
        %parallel_loop3A_344 = arith.cmpi slt, %parallel_loop3A_340, %parallel_loop3A_343 : i32
        %parallel_loop3A_345 = arith.constant 0 : i32
        %parallel_loop3A_346 = arith.cmpi slt, %parallel_loop3A_339, %parallel_loop3A_345 : i32
        %parallel_loop3A_347 = arith.xori %parallel_loop3A_344, %parallel_loop3A_346 : i1
        %parallel_loop3A_348 = arith.andi %parallel_loop3A_347, %parallel_loop3A_342 : i1
        %parallel_loop3A_349 = arith.addi %parallel_loop3A_340, %parallel_loop3A_339 : i32
        %parallel_loop3A_350 = arith.select %parallel_loop3A_348, %parallel_loop3A_349, %parallel_loop3A_340 : i32
        %parallel_loop3A_351 = arith.constant 16 : i32
        %parallel_loop3A_352 = arith.muli %parallel_loop3A_350, %parallel_loop3A_351 : i32
        %parallel_loop3A_353 = arith.constant 64 : i32
        %parallel_loop3A_354 = vector.broadcast %parallel_loop3A_353 : i32 to vector<16xi32>
        %parallel_loop3A_355 = arith.muli %iota3A, %parallel_loop3A_354 : vector<16xi32>
        %parallel_loop3A_356 = arith.constant 16 : i32
        %parallel_loop3A_357 = arith.muli %parallel_loop3A_242, %parallel_loop3A_356 : i32
        %parallel_loop3A_358 = arith.constant 64 : i32
        %parallel_loop3A_359 = arith.muli %parallel_loop3A_357, %parallel_loop3A_358 : i32
        %parallel_loop3A_360 = vector.broadcast %parallel_loop3A_359 : i32 to vector<16xi32>
        %parallel_loop3A_361 = arith.addi %parallel_loop3A_355, %parallel_loop3A_360 : vector<16xi32>
        %parallel_loop3A_362 = arith.constant 0 : i32
        %parallel_loop3A_363 = arith.constant 64 : i32
        %parallel_loop3A_364 = arith.constant 1 : i32
        scf.for %parallel_loop3A_365 = %parallel_loop3A_362 to %parallel_loop3A_363 step %parallel_loop3A_364  : i32 {
          %parallel_loop3A_366 = arith.constant 16 : i32
          %parallel_loop3A_367 = arith.constant 0 : i32
          %parallel_loop3A_368 = arith.cmpi eq, %parallel_loop3A_366, %parallel_loop3A_367 : i32
          %parallel_loop3A_369 = arith.constant 1 : i32
          %parallel_loop3A_370 = arith.select %parallel_loop3A_368, %parallel_loop3A_369, %parallel_loop3A_366 : i32
          %parallel_loop3A_371 = arith.remsi %parallel_loop3A_365, %parallel_loop3A_370 : i32
          %parallel_loop3A_372 = arith.constant 0 : i32
          %parallel_loop3A_373 = arith.cmpi ne, %parallel_loop3A_371, %parallel_loop3A_372 : i32
          %parallel_loop3A_374 = arith.constant 0 : i32
          %parallel_loop3A_375 = arith.cmpi slt, %parallel_loop3A_371, %parallel_loop3A_374 : i32
          %parallel_loop3A_376 = arith.constant 0 : i32
          %parallel_loop3A_377 = arith.cmpi slt, %parallel_loop3A_370, %parallel_loop3A_376 : i32
          %parallel_loop3A_378 = arith.xori %parallel_loop3A_375, %parallel_loop3A_377 : i1
          %parallel_loop3A_379 = arith.andi %parallel_loop3A_378, %parallel_loop3A_373 : i1
          %parallel_loop3A_380 = arith.addi %parallel_loop3A_371, %parallel_loop3A_370 : i32
          %parallel_loop3A_381 = arith.select %parallel_loop3A_379, %parallel_loop3A_380, %parallel_loop3A_371 : i32
          %parallel_loop3A_382 = vector.broadcast %parallel_loop3A_381 : i32 to vector<16xi32>
          %parallel_loop3A_383 = arith.xori %parallel_loop3A_382, %iota3A : vector<16xi32>
          %parallel_loop3A_384 = arith.constant 16 : i32
          %parallel_loop3A_385 = arith.divsi %parallel_loop3A_365, %parallel_loop3A_384 : i32
          %parallel_loop3A_386 = arith.constant 0 : i32
          %parallel_loop3A_387 = arith.cmpi sgt, %parallel_loop3A_365, %parallel_loop3A_386 : i32
          %parallel_loop3A_388 = arith.extui %parallel_loop3A_387 : i1 to i32
          %parallel_loop3A_389 = arith.constant 0 : i32
          %parallel_loop3A_390 = arith.cmpi slt, %parallel_loop3A_365, %parallel_loop3A_389 : i32
          %parallel_loop3A_391 = arith.extui %parallel_loop3A_390 : i1 to i32
          %parallel_loop3A_392 = arith.subi %parallel_loop3A_388, %parallel_loop3A_391 : i32
          %parallel_loop3A_393 = arith.constant 0 : i32
          %parallel_loop3A_394 = arith.cmpi sgt, %parallel_loop3A_384, %parallel_loop3A_393 : i32
          %parallel_loop3A_395 = arith.extui %parallel_loop3A_394 : i1 to i32
          %parallel_loop3A_396 = arith.constant 0 : i32
          %parallel_loop3A_397 = arith.cmpi slt, %parallel_loop3A_384, %parallel_loop3A_396 : i32
          %parallel_loop3A_398 = arith.extui %parallel_loop3A_397 : i1 to i32
          %parallel_loop3A_399 = arith.subi %parallel_loop3A_395, %parallel_loop3A_398 : i32
          %parallel_loop3A_400 = arith.cmpi ne, %parallel_loop3A_392, %parallel_loop3A_399 : i32
          %parallel_loop3A_401 = arith.remsi %parallel_loop3A_365, %parallel_loop3A_384 : i32
          %parallel_loop3A_402 = arith.constant 0 : i32
          %parallel_loop3A_403 = arith.cmpi ne, %parallel_loop3A_401, %parallel_loop3A_402 : i32
          %parallel_loop3A_404 = arith.andi %parallel_loop3A_400, %parallel_loop3A_403 : i1
          %parallel_loop3A_405 = arith.constant 1 : i32
          %parallel_loop3A_406 = arith.subi %parallel_loop3A_385, %parallel_loop3A_405 : i32
          %parallel_loop3A_407 = arith.select %parallel_loop3A_404, %parallel_loop3A_406, %parallel_loop3A_385 : i32
          %parallel_loop3A_408 = arith.constant 16 : i32
          %parallel_loop3A_409 = arith.muli %parallel_loop3A_407, %parallel_loop3A_408 : i32
          %parallel_loop3A_410 = vector.broadcast %parallel_loop3A_409 : i32 to vector<16xi32>
          %parallel_loop3A_411 = arith.addi %parallel_loop3A_383, %parallel_loop3A_410 : vector<16xi32>
          %parallel_loop3A_412 = arith.addi %parallel_loop3A_361, %parallel_loop3A_411 : vector<16xi32>
          %parallel_loop3A_413 = tpu.vector_load_idx %arg15[%parallel_loop3A_412] : memref<16384xf32, #tpu.memory_space<vmem>>[vector<16xi32>], vector<16xf32>,
          %parallel_loop3A_414 = arith.mulf %parallel_loop3A_413, %parallel_loop3A_298 : vector<16xf32>
          %parallel_loop3A_415 = arith.constant 8 : i32
          %parallel_loop3A_416 = arith.divsi %parallel_loop3A_365, %parallel_loop3A_415 : i32
          %parallel_loop3A_417 = arith.constant 0 : i32
          %parallel_loop3A_418 = arith.cmpi sgt, %parallel_loop3A_365, %parallel_loop3A_417 : i32
          %parallel_loop3A_419 = arith.extui %parallel_loop3A_418 : i1 to i32
          %parallel_loop3A_420 = arith.constant 0 : i32
          %parallel_loop3A_421 = arith.cmpi slt, %parallel_loop3A_365, %parallel_loop3A_420 : i32
          %parallel_loop3A_422 = arith.extui %parallel_loop3A_421 : i1 to i32
          %parallel_loop3A_423 = arith.subi %parallel_loop3A_419, %parallel_loop3A_422 : i32
          %parallel_loop3A_424 = arith.constant 0 : i32
          %parallel_loop3A_425 = arith.cmpi sgt, %parallel_loop3A_415, %parallel_loop3A_424 : i32
          %parallel_loop3A_426 = arith.extui %parallel_loop3A_425 : i1 to i32
          %parallel_loop3A_427 = arith.constant 0 : i32
          %parallel_loop3A_428 = arith.cmpi slt, %parallel_loop3A_415, %parallel_loop3A_427 : i32
          %parallel_loop3A_429 = arith.extui %parallel_loop3A_428 : i1 to i32
          %parallel_loop3A_430 = arith.subi %parallel_loop3A_426, %parallel_loop3A_429 : i32
          %parallel_loop3A_431 = arith.cmpi ne, %parallel_loop3A_423, %parallel_loop3A_430 : i32
          %parallel_loop3A_432 = arith.remsi %parallel_loop3A_365, %parallel_loop3A_415 : i32
          %parallel_loop3A_433 = arith.constant 0 : i32
          %parallel_loop3A_434 = arith.cmpi ne, %parallel_loop3A_432, %parallel_loop3A_433 : i32
          %parallel_loop3A_435 = arith.andi %parallel_loop3A_431, %parallel_loop3A_434 : i1
          %parallel_loop3A_436 = arith.constant 1 : i32
          %parallel_loop3A_437 = arith.subi %parallel_loop3A_416, %parallel_loop3A_436 : i32
          %parallel_loop3A_438 = arith.select %parallel_loop3A_435, %parallel_loop3A_437, %parallel_loop3A_416 : i32
          %parallel_loop3A_439 = arith.constant 8 : i32
          %parallel_loop3A_440 = arith.constant 0 : i32
          %parallel_loop3A_441 = arith.cmpi eq, %parallel_loop3A_439, %parallel_loop3A_440 : i32
          %parallel_loop3A_442 = arith.constant 1 : i32
          %parallel_loop3A_443 = arith.select %parallel_loop3A_441, %parallel_loop3A_442, %parallel_loop3A_439 : i32
          %parallel_loop3A_444 = arith.remsi %parallel_loop3A_365, %parallel_loop3A_443 : i32
          %parallel_loop3A_445 = arith.constant 0 : i32
          %parallel_loop3A_446 = arith.cmpi ne, %parallel_loop3A_444, %parallel_loop3A_445 : i32
          %parallel_loop3A_447 = arith.constant 0 : i32
          %parallel_loop3A_448 = arith.cmpi slt, %parallel_loop3A_444, %parallel_loop3A_447 : i32
          %parallel_loop3A_449 = arith.constant 0 : i32
          %parallel_loop3A_450 = arith.cmpi slt, %parallel_loop3A_443, %parallel_loop3A_449 : i32
          %parallel_loop3A_451 = arith.xori %parallel_loop3A_448, %parallel_loop3A_450 : i1
          %parallel_loop3A_452 = arith.andi %parallel_loop3A_451, %parallel_loop3A_446 : i1
          %parallel_loop3A_453 = arith.addi %parallel_loop3A_444, %parallel_loop3A_443 : i32
          %parallel_loop3A_454 = arith.select %parallel_loop3A_452, %parallel_loop3A_453, %parallel_loop3A_444 : i32
          %parallel_loop3A_455 = arith.index_cast %parallel_loop3A_438 : i32 to index
          %parallel_loop3A_456 = arith.index_cast %parallel_loop3A_334 : i32 to index
          %parallel_loop3A_457 = arith.index_cast %parallel_loop3A_454 : i32 to index
          %parallel_loop3A_458 = arith.index_cast %parallel_loop3A_352 : i32 to index
          %parallel_loop3A_459 = tpu.vector_load %arg14[%parallel_loop3A_455, %parallel_loop3A_456, %parallel_loop3A_457, %parallel_loop3A_458] {strides = array<i32>} : memref<8x2x8x128xf32, #tpu.memory_space<vmem>>, vector<16xf32>,
          tpu.vector_store %arg14[%parallel_loop3A_455, %parallel_loop3A_456, %parallel_loop3A_457, %parallel_loop3A_458], %parallel_loop3A_414 {strides = array<i32>} : memref<8x2x8x128xf32, #tpu.memory_space<vmem>>, vector<16xf32>,
        } {sc.loop_unroll_factor = 8 : i64, sc.parallel_access}
      } {sc.loop_unroll_factor = 1 : i64, sc.parallel_access}
      %mul3A_222 = arith.constant 200 : i32
      %mul3A_223 = arith.muli %add3A, %mul3A_222 : i32
      %mul3A_224 = arith.constant 2 : i32
      %mul3A_225 = arith.muli %add3A_197, %mul3A_224 : i32
      %add3A_226 = arith.addi %mul3A_223, %mul3A_225 : i32
      %dma_start3A_227 = arith.constant 0 : i32
      %dma_start3A_228 = arith.constant 0 : i32
      %dma_start3A_229 = arith.constant 0 : i32
      %dma_start3A_230 = tpu.memref_slice %arg7[%dma_start3A_227, %add3A_226, %dma_start3A_228, %dma_start3A_229] : memref<8x6400x8x128xf32, #tpu.memory_space<hbm>> -> memref<8x2x8x128xf32, #tpu.memory_space<hbm>>
      %dma_start3A_231 = arith.constant 0 : i32
      %dma_start3A_232 = arith.constant 0 : i32
      %dma_start3A_233 = arith.constant 0 : i32
      %dma_start3A_234 = tpu.memref_slice %arg7[%dma_start3A_231, %add3A_226, %dma_start3A_232, %dma_start3A_233] : memref<8x6400x8x128xf32, #tpu.memory_space<hbm>> -> memref<8x2x8x128xf32, #tpu.memory_space<hbm>>
      tpu.enqueue_dma source(%arg14 : memref<8x2x8x128xf32, #tpu.memory_space<vmem>>) target(%dma_start3A_234 : memref<8x2x8x128xf32, #tpu.memory_space<hbm>>) target_semaphore(%arg21 : memref<!tpu.dma_semaphore, #tpu.memory_space<semaphore_mem>>)
      %mul3A_235 = arith.constant 25600 : i32
      %mul3A_236 = arith.muli %add3A, %mul3A_235 : i32
      %mul3A_237 = arith.constant 256 : i32
      %mul3A_238 = arith.muli %add3A_197, %mul3A_237 : i32
      %add3A_239 = arith.addi %mul3A_236, %mul3A_238 : i32
      %dma_start3A_240 = tpu.memref_slice %arg9[%add3A_239] : memref<819200xf32, #tpu.memory_space<hbm>> -> memref<256xf32, #tpu.memory_space<hbm>>
      %dma_start3A_241 = tpu.memref_slice %arg9[%add3A_239] : memref<819200xf32, #tpu.memory_space<hbm>> -> memref<256xf32, #tpu.memory_space<hbm>>
      tpu.enqueue_dma source(%arg17 : memref<256xf32, #tpu.memory_space<vmem>>) target(%dma_start3A_241 : memref<256xf32, #tpu.memory_space<hbm>>) target_semaphore(%arg21 : memref<!tpu.dma_semaphore, #tpu.memory_space<semaphore_mem>>)
    }
    %scan3A_73 = arith.constant 50 : i32
    %dma_wait3A_74 = arith.constant 0 : i32
    %dma_wait3A_75 = arith.constant 0 : i32
    %dma_wait3A_76 = arith.constant 0 : i32
    %dma_wait3A_77 = arith.constant 0 : i32
    %dma_wait3A_78 = tpu.memref_slice %arg7[%dma_wait3A_74, %dma_wait3A_75, %dma_wait3A_76, %dma_wait3A_77] : memref<8x6400x8x128xf32, #tpu.memory_space<hbm>> -> memref<8x2x8x128xf32, #tpu.memory_space<hbm>>
    %dma_wait3A_79 = arith.constant 0 : i32
    %dma_wait3A_80 = arith.constant 0 : i32
    %dma_wait3A_81 = arith.constant 0 : i32
    %dma_wait3A_82 = arith.constant 0 : i32
    %dma_wait3A_83 = tpu.memref_slice %arg7[%dma_wait3A_79, %dma_wait3A_80, %dma_wait3A_81, %dma_wait3A_82] : memref<8x6400x8x128xf32, #tpu.memory_space<hbm>> -> memref<8x2x8x128xf32, #tpu.memory_space<hbm>>
    tpu.wait_dma2 semaphore(%arg20 : memref<!tpu.dma_semaphore, #tpu.memory_space<semaphore_mem>>) src(%arg13 : memref<8x2x8x128xf32, #tpu.memory_space<vmem>>) dst(%dma_wait3A_83 : memref<8x2x8x128xf32, #tpu.memory_space<hbm>>)
    %dma_wait3A_84 = arith.constant 0 : i32
    %dma_wait3A_85 = tpu.memref_slice %arg9[%dma_wait3A_84] : memref<819200xf32, #tpu.memory_space<hbm>> -> memref<256xf32, #tpu.memory_space<hbm>>
    %dma_wait3A_86 = arith.constant 0 : i32
    %dma_wait3A_87 = tpu.memref_slice %arg9[%dma_wait3A_86] : memref<819200xf32, #tpu.memory_space<hbm>> -> memref<256xf32, #tpu.memory_space<hbm>>
    tpu.wait_dma2 semaphore(%arg20 : memref<!tpu.dma_semaphore, #tpu.memory_space<semaphore_mem>>) src(%arg16 : memref<256xf32, #tpu.memory_space<vmem>>) dst(%dma_wait3A_87 : memref<256xf32, #tpu.memory_space<hbm>>)
    %dma_wait3A_88 = arith.constant 0 : i32
    %dma_wait3A_89 = arith.constant 0 : i32
    %dma_wait3A_90 = arith.constant 0 : i32
    %dma_wait3A_91 = arith.constant 0 : i32
    %dma_wait3A_92 = tpu.memref_slice %arg7[%dma_wait3A_88, %dma_wait3A_89, %dma_wait3A_90, %dma_wait3A_91] : memref<8x6400x8x128xf32, #tpu.memory_space<hbm>> -> memref<8x2x8x128xf32, #tpu.memory_space<hbm>>
    %dma_wait3A_93 = arith.constant 0 : i32
    %dma_wait3A_94 = arith.constant 0 : i32
    %dma_wait3A_95 = arith.constant 0 : i32
    %dma_wait3A_96 = arith.constant 0 : i32
    %dma_wait3A_97 = tpu.memref_slice %arg7[%dma_wait3A_93, %dma_wait3A_94, %dma_wait3A_95, %dma_wait3A_96] : memref<8x6400x8x128xf32, #tpu.memory_space<hbm>> -> memref<8x2x8x128xf32, #tpu.memory_space<hbm>>
    tpu.wait_dma2 semaphore(%arg21 : memref<!tpu.dma_semaphore, #tpu.memory_space<semaphore_mem>>) src(%arg14 : memref<8x2x8x128xf32, #tpu.memory_space<vmem>>) dst(%dma_wait3A_97 : memref<8x2x8x128xf32, #tpu.memory_space<hbm>>)
    %dma_wait3A_98 = arith.constant 0 : i32
    %dma_wait3A_99 = tpu.memref_slice %arg9[%dma_wait3A_98] : memref<819200xf32, #tpu.memory_space<hbm>> -> memref<256xf32, #tpu.memory_space<hbm>>
    %dma_wait3A_100 = arith.constant 0 : i32
    %dma_wait3A_101 = tpu.memref_slice %arg9[%dma_wait3A_100] : memref<819200xf32, #tpu.memory_space<hbm>> -> memref<256xf32, #tpu.memory_space<hbm>>
    tpu.wait_dma2 semaphore(%arg21 : memref<!tpu.dma_semaphore, #tpu.memory_space<semaphore_mem>>) src(%arg17 : memref<256xf32, #tpu.memory_space<vmem>>) dst(%dma_wait3A_101 : memref<256xf32, #tpu.memory_space<hbm>>)
    %mul3A_102 = arith.constant 200 : i32
    %mul3A_103 = arith.muli %add3A, %mul3A_102 : i32
    "tpu.region"() ({
      %run_scoped3A = tpu.sem_alloc : memref<!tpu.dma_semaphore, #tpu.memory_space<semaphore_mem>>
      %dma_start3A_150 = arith.constant 0 : i32
      %dma_start3A_151 = tpu.memref_slice %arg5[%mul3A_103, %dma_start3A_150] : memref<6400x128xi32, #tpu.memory_space<hbm>> -> memref<200x128xi32, #tpu.memory_space<hbm>>
      %dma_start3A_152 = arith.constant 0 : i32
      %dma_start3A_153 = tpu.memref_slice %arg5[%mul3A_103, %dma_start3A_152] : memref<6400x128xi32, #tpu.memory_space<hbm>> -> memref<200x128xi32, #tpu.memory_space<hbm>>
      tpu.enqueue_dma source(%dma_start3A_153 : memref<200x128xi32, #tpu.memory_space<hbm>>) target(%arg10 : memref<200x128xi32, #tpu.memory_space<vmem>>) target_semaphore(%run_scoped3A : memref<!tpu.dma_semaphore, #tpu.memory_space<semaphore_mem>>)
      %dma_wait3A_154 = arith.constant 0 : i32
      %dma_wait3A_155 = tpu.memref_slice %arg5[%mul3A_103, %dma_wait3A_154] : memref<6400x128xi32, #tpu.memory_space<hbm>> -> memref<200x128xi32, #tpu.memory_space<hbm>>
      %dma_wait3A_156 = arith.constant 0 : i32
      %dma_wait3A_157 = tpu.memref_slice %arg5[%mul3A_103, %dma_wait3A_156] : memref<6400x128xi32, #tpu.memory_space<hbm>> -> memref<200x128xi32, #tpu.memory_space<hbm>>
      tpu.wait_dma2 semaphore(%run_scoped3A : memref<!tpu.dma_semaphore, #tpu.memory_space<semaphore_mem>>) src(%dma_wait3A_157 : memref<200x128xi32, #tpu.memory_space<hbm>>) dst(%arg10 : memref<200x128xi32, #tpu.memory_space<vmem>>)
      tpu.yield
    }) : () -> ()
    %dma_start3A_104 = arith.constant 0 : i32
    %dma_start3A_105 = arith.constant 0 : i32
    %dma_start3A_106 = arith.constant 0 : i32
    %dma_start3A_107 = tpu.memref_slice %arg11[%dma_start3A_105, %dma_start3A_106] : memref<256x64xf32, #tpu.memory_space<vmem>> -> memref<128x64xf32, #tpu.memory_space<vmem>>
    %dma_start3A_108 = arith.constant 0 : i32
    %dma_start3A_109 = tpu.memref_slice %arg10[%dma_start3A_104, %dma_start3A_108] : memref<200x128xi32, #tpu.memory_space<vmem>> -> memref<1x128xi32, #tpu.memory_space<vmem>>
    %dma_start3A_110 = tpu.memref_squeeze %dma_start3A_109 : memref<1x128xi32, #tpu.memory_space<vmem>> -> memref<128xi32, #tpu.memory_space<vmem>>
    %dma_start3A_111 = arith.constant 0 : i32
    %dma_start3A_112 = arith.constant 0 : i32
    %dma_start3A_113 = tpu.memref_slice %arg2[%dma_start3A_111, %dma_start3A_112] : memref<1000000x64xf32, #tpu.memory_space<hbm>> -> memref<1000000x64xf32, #tpu.memory_space<hbm>>
    tpu.enqueue_indirect_dma source(%dma_start3A_113 : memref<1000000x64xf32, #tpu.memory_space<hbm>>) target(%dma_start3A_107 : memref<128x64xf32, #tpu.memory_space<vmem>>) offsets(%dma_start3A_110 : memref<128xi32, #tpu.memory_space<vmem>>) semaphore(%arg18 : memref<!tpu.dma_semaphore, #tpu.memory_space<semaphore_mem>>)
    %dma_start3A_114 = arith.constant 1 : i32
    %dma_start3A_115 = arith.constant 128 : i32
    %dma_start3A_116 = arith.constant 0 : i32
    %dma_start3A_117 = tpu.memref_slice %arg11[%dma_start3A_115, %dma_start3A_116] : memref<256x64xf32, #tpu.memory_space<vmem>> -> memref<128x64xf32, #tpu.memory_space<vmem>>
    %dma_start3A_118 = arith.constant 0 : i32
    %dma_start3A_119 = tpu.memref_slice %arg10[%dma_start3A_114, %dma_start3A_118] : memref<200x128xi32, #tpu.memory_space<vmem>> -> memref<1x128xi32, #tpu.memory_space<vmem>>
    %dma_start3A_120 = tpu.memref_squeeze %dma_start3A_119 : memref<1x128xi32, #tpu.memory_space<vmem>> -> memref<128xi32, #tpu.memory_space<vmem>>
    %dma_start3A_121 = arith.constant 0 : i32
    %dma_start3A_122 = arith.constant 0 : i32
    %dma_start3A_123 = tpu.memref_slice %arg2[%dma_start3A_121, %dma_start3A_122] : memref<1000000x64xf32, #tpu.memory_space<hbm>> -> memref<1000000x64xf32, #tpu.memory_space<hbm>>
    tpu.enqueue_indirect_dma source(%dma_start3A_123 : memref<1000000x64xf32, #tpu.memory_space<hbm>>) target(%dma_start3A_117 : memref<128x64xf32, #tpu.memory_space<vmem>>) offsets(%dma_start3A_120 : memref<128xi32, #tpu.memory_space<vmem>>) semaphore(%arg18 : memref<!tpu.dma_semaphore, #tpu.memory_space<semaphore_mem>>)
    %scan3A_124 = arith.constant 0 : i32
    %scan3A_125 = arith.constant 0 : i32
    %scan3A_126 = arith.constant 50 : i32
    %scan3A_127 = arith.addi %scan3A_125, %scan3A_126 : i32
    %scan3A_128 = arith.constant 1 : i32
    scf.for %scan3A_150 = %scan3A_125 to %scan3A_127 step %scan3A_128  : i32 {
      %mul3A_151 = arith.constant 2 : i32
      %mul3A_152 = arith.muli %scan3A_150, %mul3A_151 : i32
      %add3A_153 = arith.constant 0 : i32
      %add3A_154 = arith.addi %mul3A_152, %add3A_153 : i32
      %dma_wait3A_155 = arith.constant 0 : i32
      %dma_wait3A_156 = arith.constant 0 : i32
      %dma_wait3A_157 = tpu.memref_slice %arg2[%dma_wait3A_155, %dma_wait3A_156] : memref<1000000x64xf32, #tpu.memory_space<hbm>> -> memref<256x64xf32, #tpu.memory_space<hbm>>
      %dma_wait3A_158 = arith.constant 0 : i32
      %dma_wait3A_159 = arith.constant 0 : i32
      %dma_wait3A_160 = tpu.memref_slice %arg2[%dma_wait3A_158, %dma_wait3A_159] : memref<1000000x64xf32, #tpu.memory_space<hbm>> -> memref<256x64xf32, #tpu.memory_space<hbm>>
      tpu.wait_dma2 semaphore(%arg18 : memref<!tpu.dma_semaphore, #tpu.memory_space<semaphore_mem>>) src(%dma_wait3A_160 : memref<256x64xf32, #tpu.memory_space<hbm>>) dst(%arg11 : memref<256x64xf32, #tpu.memory_space<vmem>>)
      %add3A_161 = arith.constant 1 : i32
      %add3A_162 = arith.addi %add3A_154, %add3A_161 : i32
      %lt3A = arith.constant 100 : i32
      %lt3A_163 = arith.cmpi slt, %add3A_162, %lt3A : i32
      %convert_element_type3A = arith.extui %lt3A_163 : i1 to i32
      %cond3A = arith.constant 0 : i32
      %cond3A_164 = arith.cmpi ne, %convert_element_type3A, %cond3A : i32
      scf.if %cond3A_164 {
        %add3A_228 = arith.constant 1 : i32
        %add3A_229 = arith.addi %add3A_154, %add3A_228 : i32
        %mul3A_230 = arith.constant 2 : i32
        %mul3A_231 = arith.muli %add3A_229, %mul3A_230 : i32
        %add3A_232 = arith.constant 0 : i32
        %add3A_233 = arith.addi %mul3A_231, %add3A_232 : i32
        %dma_start3A_234 = arith.constant 0 : i32
        %dma_start3A_235 = arith.constant 0 : i32
        %dma_start3A_236 = tpu.memref_slice %arg12[%dma_start3A_234, %dma_start3A_235] : memref<256x64xf32, #tpu.memory_space<vmem>> -> memref<128x64xf32, #tpu.memory_space<vmem>>
        %dma_start3A_237 = arith.constant 0 : i32
        %dma_start3A_238 = tpu.memref_slice %arg10[%add3A_233, %dma_start3A_237] : memref<200x128xi32, #tpu.memory_space<vmem>> -> memref<1x128xi32, #tpu.memory_space<vmem>>
        %dma_start3A_239 = tpu.memref_squeeze %dma_start3A_238 : memref<1x128xi32, #tpu.memory_space<vmem>> -> memref<128xi32, #tpu.memory_space<vmem>>
        %dma_start3A_240 = arith.constant 0 : i32
        %dma_start3A_241 = arith.constant 0 : i32
        %dma_start3A_242 = tpu.memref_slice %arg2[%dma_start3A_240, %dma_start3A_241] : memref<1000000x64xf32, #tpu.memory_space<hbm>> -> memref<1000000x64xf32, #tpu.memory_space<hbm>>
        tpu.enqueue_indirect_dma source(%dma_start3A_242 : memref<1000000x64xf32, #tpu.memory_space<hbm>>) target(%dma_start3A_236 : memref<128x64xf32, #tpu.memory_space<vmem>>) offsets(%dma_start3A_239 : memref<128xi32, #tpu.memory_space<vmem>>) semaphore(%arg19 : memref<!tpu.dma_semaphore, #tpu.memory_space<semaphore_mem>>)
        %mul3A_243 = arith.constant 2 : i32
        %mul3A_244 = arith.muli %add3A_229, %mul3A_243 : i32
        %add3A_245 = arith.constant 1 : i32
        %add3A_246 = arith.addi %mul3A_244, %add3A_245 : i32
        %dma_start3A_247 = arith.constant 128 : i32
        %dma_start3A_248 = arith.constant 0 : i32
        %dma_start3A_249 = tpu.memref_slice %arg12[%dma_start3A_247, %dma_start3A_248] : memref<256x64xf32, #tpu.memory_space<vmem>> -> memref<128x64xf32, #tpu.memory_space<vmem>>
        %dma_start3A_250 = arith.constant 0 : i32
        %dma_start3A_251 = tpu.memref_slice %arg10[%add3A_246, %dma_start3A_250] : memref<200x128xi32, #tpu.memory_space<vmem>> -> memref<1x128xi32, #tpu.memory_space<vmem>>
        %dma_start3A_252 = tpu.memref_squeeze %dma_start3A_251 : memref<1x128xi32, #tpu.memory_space<vmem>> -> memref<128xi32, #tpu.memory_space<vmem>>
        %dma_start3A_253 = arith.constant 0 : i32
        %dma_start3A_254 = arith.constant 0 : i32
        %dma_start3A_255 = tpu.memref_slice %arg2[%dma_start3A_253, %dma_start3A_254] : memref<1000000x64xf32, #tpu.memory_space<hbm>> -> memref<1000000x64xf32, #tpu.memory_space<hbm>>
        tpu.enqueue_indirect_dma source(%dma_start3A_255 : memref<1000000x64xf32, #tpu.memory_space<hbm>>) target(%dma_start3A_249 : memref<128x64xf32, #tpu.memory_space<vmem>>) offsets(%dma_start3A_252 : memref<128xi32, #tpu.memory_space<vmem>>) semaphore(%arg19 : memref<!tpu.dma_semaphore, #tpu.memory_space<semaphore_mem>>)
      } else {
      }
      %ge3A = arith.constant 2 : i32
      %ge3A_165 = arith.cmpi sge, %add3A_154, %ge3A : i32
      %convert_element_type3A_166 = arith.extui %ge3A_165 : i1 to i32
      %cond3A_167 = arith.constant 0 : i32
      %cond3A_168 = arith.cmpi ne, %convert_element_type3A_166, %cond3A_167 : i32
      scf.if %cond3A_168 {
        %dma_wait3A_228 = arith.constant 0 : i32
        %dma_wait3A_229 = arith.constant 0 : i32
        %dma_wait3A_230 = arith.constant 0 : i32
        %dma_wait3A_231 = arith.constant 0 : i32
        %dma_wait3A_232 = tpu.memref_slice %arg8[%dma_wait3A_228, %dma_wait3A_229, %dma_wait3A_230, %dma_wait3A_231] : memref<8x6400x8x128xf32, #tpu.memory_space<hbm>> -> memref<8x2x8x128xf32, #tpu.memory_space<hbm>>
        %dma_wait3A_233 = arith.constant 0 : i32
        %dma_wait3A_234 = arith.constant 0 : i32
        %dma_wait3A_235 = arith.constant 0 : i32
        %dma_wait3A_236 = arith.constant 0 : i32
        %dma_wait3A_237 = tpu.memref_slice %arg8[%dma_wait3A_233, %dma_wait3A_234, %dma_wait3A_235, %dma_wait3A_236] : memref<8x6400x8x128xf32, #tpu.memory_space<hbm>> -> memref<8x2x8x128xf32, #tpu.memory_space<hbm>>
        tpu.wait_dma2 semaphore(%arg20 : memref<!tpu.dma_semaphore, #tpu.memory_space<semaphore_mem>>) src(%arg13 : memref<8x2x8x128xf32, #tpu.memory_space<vmem>>) dst(%dma_wait3A_237 : memref<8x2x8x128xf32, #tpu.memory_space<hbm>>)
      } else {
      }
      %parallel_loop3A = arith.constant 0 : i32
      %parallel_loop3A_169 = arith.constant 256 : i32
      %parallel_loop3A_170 = arith.constant 1 : i32
      scf.for %parallel_loop3A_228 = %parallel_loop3A to %parallel_loop3A_169 step %parallel_loop3A_170  : i32 {
        %parallel_loop3A_229 = arith.constant 16 : i32
        %parallel_loop3A_230 = arith.constant 0 : i32
        %parallel_loop3A_231 = arith.cmpi eq, %parallel_loop3A_229, %parallel_loop3A_230 : i32
        %parallel_loop3A_232 = arith.constant 1 : i32
        %parallel_loop3A_233 = arith.select %parallel_loop3A_231, %parallel_loop3A_232, %parallel_loop3A_229 : i32
        %parallel_loop3A_234 = arith.remsi %parallel_loop3A_228, %parallel_loop3A_233 : i32
        %parallel_loop3A_235 = arith.constant 0 : i32
        %parallel_loop3A_236 = arith.cmpi ne, %parallel_loop3A_234, %parallel_loop3A_235 : i32
        %parallel_loop3A_237 = arith.constant 0 : i32
        %parallel_loop3A_238 = arith.cmpi slt, %parallel_loop3A_234, %parallel_loop3A_237 : i32
        %parallel_loop3A_239 = arith.constant 0 : i32
        %parallel_loop3A_240 = arith.cmpi slt, %parallel_loop3A_233, %parallel_loop3A_239 : i32
        %parallel_loop3A_241 = arith.xori %parallel_loop3A_238, %parallel_loop3A_240 : i1
        %parallel_loop3A_242 = arith.andi %parallel_loop3A_241, %parallel_loop3A_236 : i1
        %parallel_loop3A_243 = arith.addi %parallel_loop3A_234, %parallel_loop3A_233 : i32
        %parallel_loop3A_244 = arith.select %parallel_loop3A_242, %parallel_loop3A_243, %parallel_loop3A_234 : i32
        %parallel_loop3A_245 = vector.broadcast %parallel_loop3A_244 : i32 to vector<16xi32>
        %parallel_loop3A_246 = arith.xori %iota3A, %parallel_loop3A_245 : vector<16xi32>
        %parallel_loop3A_247 = arith.index_cast %parallel_loop3A_228 : i32 to index
        %parallel_loop3A_248 = arith.constant 0 : index
        %parallel_loop3A_249 = tpu.vector_load %arg11[%parallel_loop3A_247, %parallel_loop3A_248] {strides = array<i32>} : memref<256x64xf32, #tpu.memory_space<vmem>>, vector<16xf32>,
        %parallel_loop3A_250 = arith.constant 64 : i32
        %parallel_loop3A_251 = arith.muli %parallel_loop3A_228, %parallel_loop3A_250 : i32
        %parallel_loop3A_252 = arith.constant 0 : i32
        %parallel_loop3A_253 = arith.addi %parallel_loop3A_251, %parallel_loop3A_252 : i32
        %parallel_loop3A_254 = vector.broadcast %parallel_loop3A_253 : i32 to vector<16xi32>
        %parallel_loop3A_255 = arith.addi %parallel_loop3A_246, %parallel_loop3A_254 : vector<16xi32>
        tpu.vector_store_idx %arg15[%parallel_loop3A_255], %parallel_loop3A_249 : memref<16384xf32, #tpu.memory_space<vmem>>[vector<16xi32>], vector<16xf32>,
        %parallel_loop3A_256 = arith.index_cast %parallel_loop3A_228 : i32 to index
        %parallel_loop3A_257 = arith.constant 16 : index
        %parallel_loop3A_258 = tpu.vector_load %arg11[%parallel_loop3A_256, %parallel_loop3A_257] {strides = array<i32>} : memref<256x64xf32, #tpu.memory_space<vmem>>, vector<16xf32>,
        %parallel_loop3A_259 = arith.constant 64 : i32
        %parallel_loop3A_260 = arith.muli %parallel_loop3A_228, %parallel_loop3A_259 : i32
        %parallel_loop3A_261 = arith.constant 16 : i32
        %parallel_loop3A_262 = arith.addi %parallel_loop3A_260, %parallel_loop3A_261 : i32
        %parallel_loop3A_263 = vector.broadcast %parallel_loop3A_262 : i32 to vector<16xi32>
        %parallel_loop3A_264 = arith.addi %parallel_loop3A_246, %parallel_loop3A_263 : vector<16xi32>
        tpu.vector_store_idx %arg15[%parallel_loop3A_264], %parallel_loop3A_258 : memref<16384xf32, #tpu.memory_space<vmem>>[vector<16xi32>], vector<16xf32>,
        %parallel_loop3A_265 = arith.index_cast %parallel_loop3A_228 : i32 to index
        %parallel_loop3A_266 = arith.constant 32 : index
        %parallel_loop3A_267 = tpu.vector_load %arg11[%parallel_loop3A_265, %parallel_loop3A_266] {strides = array<i32>} : memref<256x64xf32, #tpu.memory_space<vmem>>, vector<16xf32>,
        %parallel_loop3A_268 = arith.constant 64 : i32
        %parallel_loop3A_269 = arith.muli %parallel_loop3A_228, %parallel_loop3A_268 : i32
        %parallel_loop3A_270 = arith.constant 32 : i32
        %parallel_loop3A_271 = arith.addi %parallel_loop3A_269, %parallel_loop3A_270 : i32
        %parallel_loop3A_272 = vector.broadcast %parallel_loop3A_271 : i32 to vector<16xi32>
        %parallel_loop3A_273 = arith.addi %parallel_loop3A_246, %parallel_loop3A_272 : vector<16xi32>
        tpu.vector_store_idx %arg15[%parallel_loop3A_273], %parallel_loop3A_267 : memref<16384xf32, #tpu.memory_space<vmem>>[vector<16xi32>], vector<16xf32>,
        %parallel_loop3A_274 = arith.index_cast %parallel_loop3A_228 : i32 to index
        %parallel_loop3A_275 = arith.constant 48 : index
        %parallel_loop3A_276 = tpu.vector_load %arg11[%parallel_loop3A_274, %parallel_loop3A_275] {strides = array<i32>} : memref<256x64xf32, #tpu.memory_space<vmem>>, vector<16xf32>,
        %parallel_loop3A_277 = arith.constant 64 : i32
        %parallel_loop3A_278 = arith.muli %parallel_loop3A_228, %parallel_loop3A_277 : i32
        %parallel_loop3A_279 = arith.constant 48 : i32
        %parallel_loop3A_280 = arith.addi %parallel_loop3A_278, %parallel_loop3A_279 : i32
        %parallel_loop3A_281 = vector.broadcast %parallel_loop3A_280 : i32 to vector<16xi32>
        %parallel_loop3A_282 = arith.addi %parallel_loop3A_246, %parallel_loop3A_281 : vector<16xi32>
        tpu.vector_store_idx %arg15[%parallel_loop3A_282], %parallel_loop3A_276 : memref<16384xf32, #tpu.memory_space<vmem>>[vector<16xi32>], vector<16xf32>,
      } {sc.loop_unroll_factor = 4 : i64, sc.parallel_access}
      %parallel_loop3A_171 = arith.constant 0 : i32
      %parallel_loop3A_172 = arith.constant 16 : i32
      %parallel_loop3A_173 = arith.constant 1 : i32
      scf.for %parallel_loop3A_228 = %parallel_loop3A_171 to %parallel_loop3A_172 step %parallel_loop3A_173  : i32 {
        %parallel_loop3A_229 = arith.constant 2 : i32
        %parallel_loop3A_230 = arith.muli %add3A_154, %parallel_loop3A_229 : i32
        %parallel_loop3A_231 = arith.constant 8 : i32
        %parallel_loop3A_232 = arith.divsi %parallel_loop3A_228, %parallel_loop3A_231 : i32
        %parallel_loop3A_233 = arith.constant 0 : i32
        %parallel_loop3A_234 = arith.cmpi sgt, %parallel_loop3A_228, %parallel_loop3A_233 : i32
        %parallel_loop3A_235 = arith.extui %parallel_loop3A_234 : i1 to i32
        %parallel_loop3A_236 = arith.constant 0 : i32
        %parallel_loop3A_237 = arith.cmpi slt, %parallel_loop3A_228, %parallel_loop3A_236 : i32
        %parallel_loop3A_238 = arith.extui %parallel_loop3A_237 : i1 to i32
        %parallel_loop3A_239 = arith.subi %parallel_loop3A_235, %parallel_loop3A_238 : i32
        %parallel_loop3A_240 = arith.constant 0 : i32
        %parallel_loop3A_241 = arith.cmpi sgt, %parallel_loop3A_231, %parallel_loop3A_240 : i32
        %parallel_loop3A_242 = arith.extui %parallel_loop3A_241 : i1 to i32
        %parallel_loop3A_243 = arith.constant 0 : i32
        %parallel_loop3A_244 = arith.cmpi slt, %parallel_loop3A_231, %parallel_loop3A_243 : i32
        %parallel_loop3A_245 = arith.extui %parallel_loop3A_244 : i1 to i32
        %parallel_loop3A_246 = arith.subi %parallel_loop3A_242, %parallel_loop3A_245 : i32
        %parallel_loop3A_247 = arith.cmpi ne, %parallel_loop3A_239, %parallel_loop3A_246 : i32
        %parallel_loop3A_248 = arith.remsi %parallel_loop3A_228, %parallel_loop3A_231 : i32
        %parallel_loop3A_249 = arith.constant 0 : i32
        %parallel_loop3A_250 = arith.cmpi ne, %parallel_loop3A_248, %parallel_loop3A_249 : i32
        %parallel_loop3A_251 = arith.andi %parallel_loop3A_247, %parallel_loop3A_250 : i1
        %parallel_loop3A_252 = arith.constant 1 : i32
        %parallel_loop3A_253 = arith.subi %parallel_loop3A_232, %parallel_loop3A_252 : i32
        %parallel_loop3A_254 = arith.select %parallel_loop3A_251, %parallel_loop3A_253, %parallel_loop3A_232 : i32
        %parallel_loop3A_255 = arith.addi %parallel_loop3A_230, %parallel_loop3A_254 : i32
        %parallel_loop3A_256 = arith.constant 8 : i32
        %parallel_loop3A_257 = arith.constant 0 : i32
        %parallel_loop3A_258 = arith.cmpi eq, %parallel_loop3A_256, %parallel_loop3A_257 : i32
        %parallel_loop3A_259 = arith.constant 1 : i32
        %parallel_loop3A_260 = arith.select %parallel_loop3A_258, %parallel_loop3A_259, %parallel_loop3A_256 : i32
        %parallel_loop3A_261 = arith.remsi %parallel_loop3A_228, %parallel_loop3A_260 : i32
        %parallel_loop3A_262 = arith.constant 0 : i32
        %parallel_loop3A_263 = arith.cmpi ne, %parallel_loop3A_261, %parallel_loop3A_262 : i32
        %parallel_loop3A_264 = arith.constant 0 : i32
        %parallel_loop3A_265 = arith.cmpi slt, %parallel_loop3A_261, %parallel_loop3A_264 : i32
        %parallel_loop3A_266 = arith.constant 0 : i32
        %parallel_loop3A_267 = arith.cmpi slt, %parallel_loop3A_260, %parallel_loop3A_266 : i32
        %parallel_loop3A_268 = arith.xori %parallel_loop3A_265, %parallel_loop3A_267 : i1
        %parallel_loop3A_269 = arith.andi %parallel_loop3A_268, %parallel_loop3A_263 : i1
        %parallel_loop3A_270 = arith.addi %parallel_loop3A_261, %parallel_loop3A_260 : i32
        %parallel_loop3A_271 = arith.select %parallel_loop3A_269, %parallel_loop3A_270, %parallel_loop3A_261 : i32
        %parallel_loop3A_272 = arith.constant 16 : i32
        %parallel_loop3A_273 = arith.muli %parallel_loop3A_271, %parallel_loop3A_272 : i32
        %parallel_loop3A_274 = arith.index_cast %parallel_loop3A_255 : i32 to index
        %parallel_loop3A_275 = arith.index_cast %parallel_loop3A_273 : i32 to index
        %parallel_loop3A_276 = tpu.vector_load %arg10[%parallel_loop3A_274, %parallel_loop3A_275] {strides = array<i32>} : memref<200x128xi32, #tpu.memory_space<vmem>>, vector<16xi32>,
        %parallel_loop3A_277 = arith.constant 0 : i32
        %parallel_loop3A_278 = vector.broadcast %parallel_loop3A_277 : i32 to vector<16xi32>
        %parallel_loop3A_279 = arith.cmpi ne, %parallel_loop3A_276, %parallel_loop3A_278 : vector<16xi32>
        %parallel_loop3A_280 = arith.constant 1.000000e+00 : f32
        %parallel_loop3A_281 = arith.constant 0.000000e+00 : f32
        %parallel_loop3A_282 = vector.broadcast %parallel_loop3A_280 : f32 to vector<16xf32>
        %parallel_loop3A_283 = vector.broadcast %parallel_loop3A_281 : f32 to vector<16xf32>
        %parallel_loop3A_284 = arith.select %parallel_loop3A_279, %parallel_loop3A_282, %parallel_loop3A_283 : vector<16xi1>, vector<16xf32>
        %parallel_loop3A_285 = arith.constant 8 : i32
        %parallel_loop3A_286 = arith.divsi %parallel_loop3A_228, %parallel_loop3A_285 : i32
        %parallel_loop3A_287 = arith.constant 0 : i32
        %parallel_loop3A_288 = arith.cmpi sgt, %parallel_loop3A_228, %parallel_loop3A_287 : i32
        %parallel_loop3A_289 = arith.extui %parallel_loop3A_288 : i1 to i32
        %parallel_loop3A_290 = arith.constant 0 : i32
        %parallel_loop3A_291 = arith.cmpi slt, %parallel_loop3A_228, %parallel_loop3A_290 : i32
        %parallel_loop3A_292 = arith.extui %parallel_loop3A_291 : i1 to i32
        %parallel_loop3A_293 = arith.subi %parallel_loop3A_289, %parallel_loop3A_292 : i32
        %parallel_loop3A_294 = arith.constant 0 : i32
        %parallel_loop3A_295 = arith.cmpi sgt, %parallel_loop3A_285, %parallel_loop3A_294 : i32
        %parallel_loop3A_296 = arith.extui %parallel_loop3A_295 : i1 to i32
        %parallel_loop3A_297 = arith.constant 0 : i32
        %parallel_loop3A_298 = arith.cmpi slt, %parallel_loop3A_285, %parallel_loop3A_297 : i32
        %parallel_loop3A_299 = arith.extui %parallel_loop3A_298 : i1 to i32
        %parallel_loop3A_300 = arith.subi %parallel_loop3A_296, %parallel_loop3A_299 : i32
        %parallel_loop3A_301 = arith.cmpi ne, %parallel_loop3A_293, %parallel_loop3A_300 : i32
        %parallel_loop3A_302 = arith.remsi %parallel_loop3A_228, %parallel_loop3A_285 : i32
        %parallel_loop3A_303 = arith.constant 0 : i32
        %parallel_loop3A_304 = arith.cmpi ne, %parallel_loop3A_302, %parallel_loop3A_303 : i32
        %parallel_loop3A_305 = arith.andi %parallel_loop3A_301, %parallel_loop3A_304 : i1
        %parallel_loop3A_306 = arith.constant 1 : i32
        %parallel_loop3A_307 = arith.subi %parallel_loop3A_286, %parallel_loop3A_306 : i32
        %parallel_loop3A_308 = arith.select %parallel_loop3A_305, %parallel_loop3A_307, %parallel_loop3A_286 : i32
        %parallel_loop3A_309 = arith.constant 8 : i32
        %parallel_loop3A_310 = arith.constant 0 : i32
        %parallel_loop3A_311 = arith.cmpi eq, %parallel_loop3A_309, %parallel_loop3A_310 : i32
        %parallel_loop3A_312 = arith.constant 1 : i32
        %parallel_loop3A_313 = arith.select %parallel_loop3A_311, %parallel_loop3A_312, %parallel_loop3A_309 : i32
        %parallel_loop3A_314 = arith.remsi %parallel_loop3A_228, %parallel_loop3A_313 : i32
        %parallel_loop3A_315 = arith.constant 0 : i32
        %parallel_loop3A_316 = arith.cmpi ne, %parallel_loop3A_314, %parallel_loop3A_315 : i32
        %parallel_loop3A_317 = arith.constant 0 : i32
        %parallel_loop3A_318 = arith.cmpi slt, %parallel_loop3A_314, %parallel_loop3A_317 : i32
        %parallel_loop3A_319 = arith.constant 0 : i32
        %parallel_loop3A_320 = arith.cmpi slt, %parallel_loop3A_313, %parallel_loop3A_319 : i32
        %parallel_loop3A_321 = arith.xori %parallel_loop3A_318, %parallel_loop3A_320 : i1
        %parallel_loop3A_322 = arith.andi %parallel_loop3A_321, %parallel_loop3A_316 : i1
        %parallel_loop3A_323 = arith.addi %parallel_loop3A_314, %parallel_loop3A_313 : i32
        %parallel_loop3A_324 = arith.select %parallel_loop3A_322, %parallel_loop3A_323, %parallel_loop3A_314 : i32
        %parallel_loop3A_325 = arith.constant 16 : i32
        %parallel_loop3A_326 = arith.muli %parallel_loop3A_324, %parallel_loop3A_325 : i32
        %parallel_loop3A_327 = arith.constant 64 : i32
        %parallel_loop3A_328 = vector.broadcast %parallel_loop3A_327 : i32 to vector<16xi32>
        %parallel_loop3A_329 = arith.muli %iota3A, %parallel_loop3A_328 : vector<16xi32>
        %parallel_loop3A_330 = arith.constant 16 : i32
        %parallel_loop3A_331 = arith.muli %parallel_loop3A_228, %parallel_loop3A_330 : i32
        %parallel_loop3A_332 = arith.constant 64 : i32
        %parallel_loop3A_333 = arith.muli %parallel_loop3A_331, %parallel_loop3A_332 : i32
        %parallel_loop3A_334 = vector.broadcast %parallel_loop3A_333 : i32 to vector<16xi32>
        %parallel_loop3A_335 = arith.addi %parallel_loop3A_329, %parallel_loop3A_334 : vector<16xi32>
        %parallel_loop3A_336 = arith.constant 0 : i32
        %parallel_loop3A_337 = arith.constant 64 : i32
        %parallel_loop3A_338 = arith.constant 1 : i32
        scf.for %parallel_loop3A_339 = %parallel_loop3A_336 to %parallel_loop3A_337 step %parallel_loop3A_338  : i32 {
          %parallel_loop3A_340 = arith.constant 16 : i32
          %parallel_loop3A_341 = arith.constant 0 : i32
          %parallel_loop3A_342 = arith.cmpi eq, %parallel_loop3A_340, %parallel_loop3A_341 : i32
          %parallel_loop3A_343 = arith.constant 1 : i32
          %parallel_loop3A_344 = arith.select %parallel_loop3A_342, %parallel_loop3A_343, %parallel_loop3A_340 : i32
          %parallel_loop3A_345 = arith.remsi %parallel_loop3A_339, %parallel_loop3A_344 : i32
          %parallel_loop3A_346 = arith.constant 0 : i32
          %parallel_loop3A_347 = arith.cmpi ne, %parallel_loop3A_345, %parallel_loop3A_346 : i32
          %parallel_loop3A_348 = arith.constant 0 : i32
          %parallel_loop3A_349 = arith.cmpi slt, %parallel_loop3A_345, %parallel_loop3A_348 : i32
          %parallel_loop3A_350 = arith.constant 0 : i32
          %parallel_loop3A_351 = arith.cmpi slt, %parallel_loop3A_344, %parallel_loop3A_350 : i32
          %parallel_loop3A_352 = arith.xori %parallel_loop3A_349, %parallel_loop3A_351 : i1
          %parallel_loop3A_353 = arith.andi %parallel_loop3A_352, %parallel_loop3A_347 : i1
          %parallel_loop3A_354 = arith.addi %parallel_loop3A_345, %parallel_loop3A_344 : i32
          %parallel_loop3A_355 = arith.select %parallel_loop3A_353, %parallel_loop3A_354, %parallel_loop3A_345 : i32
          %parallel_loop3A_356 = vector.broadcast %parallel_loop3A_355 : i32 to vector<16xi32>
          %parallel_loop3A_357 = arith.xori %parallel_loop3A_356, %iota3A : vector<16xi32>
          %parallel_loop3A_358 = arith.constant 16 : i32
          %parallel_loop3A_359 = arith.divsi %parallel_loop3A_339, %parallel_loop3A_358 : i32
          %parallel_loop3A_360 = arith.constant 0 : i32
          %parallel_loop3A_361 = arith.cmpi sgt, %parallel_loop3A_339, %parallel_loop3A_360 : i32
          %parallel_loop3A_362 = arith.extui %parallel_loop3A_361 : i1 to i32
          %parallel_loop3A_363 = arith.constant 0 : i32
          %parallel_loop3A_364 = arith.cmpi slt, %parallel_loop3A_339, %parallel_loop3A_363 : i32
          %parallel_loop3A_365 = arith.extui %parallel_loop3A_364 : i1 to i32
          %parallel_loop3A_366 = arith.subi %parallel_loop3A_362, %parallel_loop3A_365 : i32
          %parallel_loop3A_367 = arith.constant 0 : i32
          %parallel_loop3A_368 = arith.cmpi sgt, %parallel_loop3A_358, %parallel_loop3A_367 : i32
          %parallel_loop3A_369 = arith.extui %parallel_loop3A_368 : i1 to i32
          %parallel_loop3A_370 = arith.constant 0 : i32
          %parallel_loop3A_371 = arith.cmpi slt, %parallel_loop3A_358, %parallel_loop3A_370 : i32
          %parallel_loop3A_372 = arith.extui %parallel_loop3A_371 : i1 to i32
          %parallel_loop3A_373 = arith.subi %parallel_loop3A_369, %parallel_loop3A_372 : i32
          %parallel_loop3A_374 = arith.cmpi ne, %parallel_loop3A_366, %parallel_loop3A_373 : i32
          %parallel_loop3A_375 = arith.remsi %parallel_loop3A_339, %parallel_loop3A_358 : i32
          %parallel_loop3A_376 = arith.constant 0 : i32
          %parallel_loop3A_377 = arith.cmpi ne, %parallel_loop3A_375, %parallel_loop3A_376 : i32
          %parallel_loop3A_378 = arith.andi %parallel_loop3A_374, %parallel_loop3A_377 : i1
          %parallel_loop3A_379 = arith.constant 1 : i32
          %parallel_loop3A_380 = arith.subi %parallel_loop3A_359, %parallel_loop3A_379 : i32
          %parallel_loop3A_381 = arith.select %parallel_loop3A_378, %parallel_loop3A_380, %parallel_loop3A_359 : i32
          %parallel_loop3A_382 = arith.constant 16 : i32
          %parallel_loop3A_383 = arith.muli %parallel_loop3A_381, %parallel_loop3A_382 : i32
          %parallel_loop3A_384 = vector.broadcast %parallel_loop3A_383 : i32 to vector<16xi32>
          %parallel_loop3A_385 = arith.addi %parallel_loop3A_357, %parallel_loop3A_384 : vector<16xi32>
          %parallel_loop3A_386 = arith.addi %parallel_loop3A_335, %parallel_loop3A_385 : vector<16xi32>
          %parallel_loop3A_387 = tpu.vector_load_idx %arg15[%parallel_loop3A_386] : memref<16384xf32, #tpu.memory_space<vmem>>[vector<16xi32>], vector<16xf32>,
          %parallel_loop3A_388 = arith.mulf %parallel_loop3A_387, %parallel_loop3A_284 : vector<16xf32>
          %parallel_loop3A_389 = arith.constant 8 : i32
          %parallel_loop3A_390 = arith.divsi %parallel_loop3A_339, %parallel_loop3A_389 : i32
          %parallel_loop3A_391 = arith.constant 0 : i32
          %parallel_loop3A_392 = arith.cmpi sgt, %parallel_loop3A_339, %parallel_loop3A_391 : i32
          %parallel_loop3A_393 = arith.extui %parallel_loop3A_392 : i1 to i32
          %parallel_loop3A_394 = arith.constant 0 : i32
          %parallel_loop3A_395 = arith.cmpi slt, %parallel_loop3A_339, %parallel_loop3A_394 : i32
          %parallel_loop3A_396 = arith.extui %parallel_loop3A_395 : i1 to i32
          %parallel_loop3A_397 = arith.subi %parallel_loop3A_393, %parallel_loop3A_396 : i32
          %parallel_loop3A_398 = arith.constant 0 : i32
          %parallel_loop3A_399 = arith.cmpi sgt, %parallel_loop3A_389, %parallel_loop3A_398 : i32
          %parallel_loop3A_400 = arith.extui %parallel_loop3A_399 : i1 to i32
          %parallel_loop3A_401 = arith.constant 0 : i32
          %parallel_loop3A_402 = arith.cmpi slt, %parallel_loop3A_389, %parallel_loop3A_401 : i32
          %parallel_loop3A_403 = arith.extui %parallel_loop3A_402 : i1 to i32
          %parallel_loop3A_404 = arith.subi %parallel_loop3A_400, %parallel_loop3A_403 : i32
          %parallel_loop3A_405 = arith.cmpi ne, %parallel_loop3A_397, %parallel_loop3A_404 : i32
          %parallel_loop3A_406 = arith.remsi %parallel_loop3A_339, %parallel_loop3A_389 : i32
          %parallel_loop3A_407 = arith.constant 0 : i32
          %parallel_loop3A_408 = arith.cmpi ne, %parallel_loop3A_406, %parallel_loop3A_407 : i32
          %parallel_loop3A_409 = arith.andi %parallel_loop3A_405, %parallel_loop3A_408 : i1
          %parallel_loop3A_410 = arith.constant 1 : i32
          %parallel_loop3A_411 = arith.subi %parallel_loop3A_390, %parallel_loop3A_410 : i32
          %parallel_loop3A_412 = arith.select %parallel_loop3A_409, %parallel_loop3A_411, %parallel_loop3A_390 : i32
          %parallel_loop3A_413 = arith.constant 8 : i32
          %parallel_loop3A_414 = arith.constant 0 : i32
          %parallel_loop3A_415 = arith.cmpi eq, %parallel_loop3A_413, %parallel_loop3A_414 : i32
          %parallel_loop3A_416 = arith.constant 1 : i32
          %parallel_loop3A_417 = arith.select %parallel_loop3A_415, %parallel_loop3A_416, %parallel_loop3A_413 : i32
          %parallel_loop3A_418 = arith.remsi %parallel_loop3A_339, %parallel_loop3A_417 : i32
          %parallel_loop3A_419 = arith.constant 0 : i32
          %parallel_loop3A_420 = arith.cmpi ne, %parallel_loop3A_418, %parallel_loop3A_419 : i32
          %parallel_loop3A_421 = arith.constant 0 : i32
          %parallel_loop3A_422 = arith.cmpi slt, %parallel_loop3A_418, %parallel_loop3A_421 : i32
          %parallel_loop3A_423 = arith.constant 0 : i32
          %parallel_loop3A_424 = arith.cmpi slt, %parallel_loop3A_417, %parallel_loop3A_423 : i32
          %parallel_loop3A_425 = arith.xori %parallel_loop3A_422, %parallel_loop3A_424 : i1
          %parallel_loop3A_426 = arith.andi %parallel_loop3A_425, %parallel_loop3A_420 : i1
          %parallel_loop3A_427 = arith.addi %parallel_loop3A_418, %parallel_loop3A_417 : i32
          %parallel_loop3A_428 = arith.select %parallel_loop3A_426, %parallel_loop3A_427, %parallel_loop3A_418 : i32
          %parallel_loop3A_429 = arith.index_cast %parallel_loop3A_412 : i32 to index
          %parallel_loop3A_430 = arith.index_cast %parallel_loop3A_308 : i32 to index
          %parallel_loop3A_431 = arith.index_cast %parallel_loop3A_428 : i32 to index
          %parallel_loop3A_432 = arith.index_cast %parallel_loop3A_326 : i32 to index
          %parallel_loop3A_433 = tpu.vector_load %arg13[%parallel_loop3A_429, %parallel_loop3A_430, %parallel_loop3A_431, %parallel_loop3A_432] {strides = array<i32>} : memref<8x2x8x128xf32, #tpu.memory_space<vmem>>, vector<16xf32>,
          tpu.vector_store %arg13[%parallel_loop3A_429, %parallel_loop3A_430, %parallel_loop3A_431, %parallel_loop3A_432], %parallel_loop3A_388 {strides = array<i32>} : memref<8x2x8x128xf32, #tpu.memory_space<vmem>>, vector<16xf32>,
        } {sc.loop_unroll_factor = 8 : i64, sc.parallel_access}
      } {sc.loop_unroll_factor = 1 : i64, sc.parallel_access}
      %mul3A_174 = arith.constant 200 : i32
      %mul3A_175 = arith.muli %add3A, %mul3A_174 : i32
      %mul3A_176 = arith.constant 2 : i32
      %mul3A_177 = arith.muli %add3A_154, %mul3A_176 : i32
      %add3A_178 = arith.addi %mul3A_175, %mul3A_177 : i32
      %dma_start3A_179 = arith.constant 0 : i32
      %dma_start3A_180 = arith.constant 0 : i32
      %dma_start3A_181 = arith.constant 0 : i32
      %dma_start3A_182 = tpu.memref_slice %arg8[%dma_start3A_179, %add3A_178, %dma_start3A_180, %dma_start3A_181] : memref<8x6400x8x128xf32, #tpu.memory_space<hbm>> -> memref<8x2x8x128xf32, #tpu.memory_space<hbm>>
      %dma_start3A_183 = arith.constant 0 : i32
      %dma_start3A_184 = arith.constant 0 : i32
      %dma_start3A_185 = arith.constant 0 : i32
      %dma_start3A_186 = tpu.memref_slice %arg8[%dma_start3A_183, %add3A_178, %dma_start3A_184, %dma_start3A_185] : memref<8x6400x8x128xf32, #tpu.memory_space<hbm>> -> memref<8x2x8x128xf32, #tpu.memory_space<hbm>>
      tpu.enqueue_dma source(%arg13 : memref<8x2x8x128xf32, #tpu.memory_space<vmem>>) target(%dma_start3A_186 : memref<8x2x8x128xf32, #tpu.memory_space<hbm>>) target_semaphore(%arg20 : memref<!tpu.dma_semaphore, #tpu.memory_space<semaphore_mem>>)
      %mul3A_187 = arith.constant 2 : i32
      %mul3A_188 = arith.muli %scan3A_150, %mul3A_187 : i32
      %add3A_189 = arith.constant 1 : i32
      %add3A_190 = arith.addi %mul3A_188, %add3A_189 : i32
      %dma_wait3A_191 = arith.constant 0 : i32
      %dma_wait3A_192 = arith.constant 0 : i32
      %dma_wait3A_193 = tpu.memref_slice %arg2[%dma_wait3A_191, %dma_wait3A_192] : memref<1000000x64xf32, #tpu.memory_space<hbm>> -> memref<256x64xf32, #tpu.memory_space<hbm>>
      %dma_wait3A_194 = arith.constant 0 : i32
      %dma_wait3A_195 = arith.constant 0 : i32
      %dma_wait3A_196 = tpu.memref_slice %arg2[%dma_wait3A_194, %dma_wait3A_195] : memref<1000000x64xf32, #tpu.memory_space<hbm>> -> memref<256x64xf32, #tpu.memory_space<hbm>>
      tpu.wait_dma2 semaphore(%arg19 : memref<!tpu.dma_semaphore, #tpu.memory_space<semaphore_mem>>) src(%dma_wait3A_196 : memref<256x64xf32, #tpu.memory_space<hbm>>) dst(%arg12 : memref<256x64xf32, #tpu.memory_space<vmem>>)
      %add3A_197 = arith.constant 1 : i32
      %add3A_198 = arith.addi %add3A_190, %add3A_197 : i32
      %lt3A_199 = arith.constant 100 : i32
      %lt3A_200 = arith.cmpi slt, %add3A_198, %lt3A_199 : i32
      %convert_element_type3A_201 = arith.extui %lt3A_200 : i1 to i32
      %cond3A_202 = arith.constant 0 : i32
      %cond3A_203 = arith.cmpi ne, %convert_element_type3A_201, %cond3A_202 : i32
      scf.if %cond3A_203 {
        %add3A_228 = arith.constant 1 : i32
        %add3A_229 = arith.addi %add3A_190, %add3A_228 : i32
        %mul3A_230 = arith.constant 2 : i32
        %mul3A_231 = arith.muli %add3A_229, %mul3A_230 : i32
        %add3A_232 = arith.constant 0 : i32
        %add3A_233 = arith.addi %mul3A_231, %add3A_232 : i32
        %dma_start3A_234 = arith.constant 0 : i32
        %dma_start3A_235 = arith.constant 0 : i32
        %dma_start3A_236 = tpu.memref_slice %arg11[%dma_start3A_234, %dma_start3A_235] : memref<256x64xf32, #tpu.memory_space<vmem>> -> memref<128x64xf32, #tpu.memory_space<vmem>>
        %dma_start3A_237 = arith.constant 0 : i32
        %dma_start3A_238 = tpu.memref_slice %arg10[%add3A_233, %dma_start3A_237] : memref<200x128xi32, #tpu.memory_space<vmem>> -> memref<1x128xi32, #tpu.memory_space<vmem>>
        %dma_start3A_239 = tpu.memref_squeeze %dma_start3A_238 : memref<1x128xi32, #tpu.memory_space<vmem>> -> memref<128xi32, #tpu.memory_space<vmem>>
        %dma_start3A_240 = arith.constant 0 : i32
        %dma_start3A_241 = arith.constant 0 : i32
        %dma_start3A_242 = tpu.memref_slice %arg2[%dma_start3A_240, %dma_start3A_241] : memref<1000000x64xf32, #tpu.memory_space<hbm>> -> memref<1000000x64xf32, #tpu.memory_space<hbm>>
        tpu.enqueue_indirect_dma source(%dma_start3A_242 : memref<1000000x64xf32, #tpu.memory_space<hbm>>) target(%dma_start3A_236 : memref<128x64xf32, #tpu.memory_space<vmem>>) offsets(%dma_start3A_239 : memref<128xi32, #tpu.memory_space<vmem>>) semaphore(%arg18 : memref<!tpu.dma_semaphore, #tpu.memory_space<semaphore_mem>>)
        %mul3A_243 = arith.constant 2 : i32
        %mul3A_244 = arith.muli %add3A_229, %mul3A_243 : i32
        %add3A_245 = arith.constant 1 : i32
        %add3A_246 = arith.addi %mul3A_244, %add3A_245 : i32
        %dma_start3A_247 = arith.constant 128 : i32
        %dma_start3A_248 = arith.constant 0 : i32
        %dma_start3A_249 = tpu.memref_slice %arg11[%dma_start3A_247, %dma_start3A_248] : memref<256x64xf32, #tpu.memory_space<vmem>> -> memref<128x64xf32, #tpu.memory_space<vmem>>
        %dma_start3A_250 = arith.constant 0 : i32
        %dma_start3A_251 = tpu.memref_slice %arg10[%add3A_246, %dma_start3A_250] : memref<200x128xi32, #tpu.memory_space<vmem>> -> memref<1x128xi32, #tpu.memory_space<vmem>>
        %dma_start3A_252 = tpu.memref_squeeze %dma_start3A_251 : memref<1x128xi32, #tpu.memory_space<vmem>> -> memref<128xi32, #tpu.memory_space<vmem>>
        %dma_start3A_253 = arith.constant 0 : i32
        %dma_start3A_254 = arith.constant 0 : i32
        %dma_start3A_255 = tpu.memref_slice %arg2[%dma_start3A_253, %dma_start3A_254] : memref<1000000x64xf32, #tpu.memory_space<hbm>> -> memref<1000000x64xf32, #tpu.memory_space<hbm>>
        tpu.enqueue_indirect_dma source(%dma_start3A_255 : memref<1000000x64xf32, #tpu.memory_space<hbm>>) target(%dma_start3A_249 : memref<128x64xf32, #tpu.memory_space<vmem>>) offsets(%dma_start3A_252 : memref<128xi32, #tpu.memory_space<vmem>>) semaphore(%arg18 : memref<!tpu.dma_semaphore, #tpu.memory_space<semaphore_mem>>)
      } else {
      }
      %ge3A_204 = arith.constant 2 : i32
      %ge3A_205 = arith.cmpi sge, %add3A_190, %ge3A_204 : i32
      %convert_element_type3A_206 = arith.extui %ge3A_205 : i1 to i32
      %cond3A_207 = arith.constant 0 : i32
      %cond3A_208 = arith.cmpi ne, %convert_element_type3A_206, %cond3A_207 : i32
      scf.if %cond3A_208 {
        %dma_wait3A_228 = arith.constant 0 : i32
        %dma_wait3A_229 = arith.constant 0 : i32
        %dma_wait3A_230 = arith.constant 0 : i32
        %dma_wait3A_231 = arith.constant 0 : i32
        %dma_wait3A_232 = tpu.memref_slice %arg8[%dma_wait3A_228, %dma_wait3A_229, %dma_wait3A_230, %dma_wait3A_231] : memref<8x6400x8x128xf32, #tpu.memory_space<hbm>> -> memref<8x2x8x128xf32, #tpu.memory_space<hbm>>
        %dma_wait3A_233 = arith.constant 0 : i32
        %dma_wait3A_234 = arith.constant 0 : i32
        %dma_wait3A_235 = arith.constant 0 : i32
        %dma_wait3A_236 = arith.constant 0 : i32
        %dma_wait3A_237 = tpu.memref_slice %arg8[%dma_wait3A_233, %dma_wait3A_234, %dma_wait3A_235, %dma_wait3A_236] : memref<8x6400x8x128xf32, #tpu.memory_space<hbm>> -> memref<8x2x8x128xf32, #tpu.memory_space<hbm>>
        tpu.wait_dma2 semaphore(%arg21 : memref<!tpu.dma_semaphore, #tpu.memory_space<semaphore_mem>>) src(%arg14 : memref<8x2x8x128xf32, #tpu.memory_space<vmem>>) dst(%dma_wait3A_237 : memref<8x2x8x128xf32, #tpu.memory_space<hbm>>)
      } else {
      }
      %parallel_loop3A_209 = arith.constant 0 : i32
      %parallel_loop3A_210 = arith.constant 256 : i32
      %parallel_loop3A_211 = arith.constant 1 : i32
      scf.for %parallel_loop3A_228 = %parallel_loop3A_209 to %parallel_loop3A_210 step %parallel_loop3A_211  : i32 {
        %parallel_loop3A_229 = arith.constant 16 : i32
        %parallel_loop3A_230 = arith.constant 0 : i32
        %parallel_loop3A_231 = arith.cmpi eq, %parallel_loop3A_229, %parallel_loop3A_230 : i32
        %parallel_loop3A_232 = arith.constant 1 : i32
        %parallel_loop3A_233 = arith.select %parallel_loop3A_231, %parallel_loop3A_232, %parallel_loop3A_229 : i32
        %parallel_loop3A_234 = arith.remsi %parallel_loop3A_228, %parallel_loop3A_233 : i32
        %parallel_loop3A_235 = arith.constant 0 : i32
        %parallel_loop3A_236 = arith.cmpi ne, %parallel_loop3A_234, %parallel_loop3A_235 : i32
        %parallel_loop3A_237 = arith.constant 0 : i32
        %parallel_loop3A_238 = arith.cmpi slt, %parallel_loop3A_234, %parallel_loop3A_237 : i32
        %parallel_loop3A_239 = arith.constant 0 : i32
        %parallel_loop3A_240 = arith.cmpi slt, %parallel_loop3A_233, %parallel_loop3A_239 : i32
        %parallel_loop3A_241 = arith.xori %parallel_loop3A_238, %parallel_loop3A_240 : i1
        %parallel_loop3A_242 = arith.andi %parallel_loop3A_241, %parallel_loop3A_236 : i1
        %parallel_loop3A_243 = arith.addi %parallel_loop3A_234, %parallel_loop3A_233 : i32
        %parallel_loop3A_244 = arith.select %parallel_loop3A_242, %parallel_loop3A_243, %parallel_loop3A_234 : i32
        %parallel_loop3A_245 = vector.broadcast %parallel_loop3A_244 : i32 to vector<16xi32>
        %parallel_loop3A_246 = arith.xori %iota3A, %parallel_loop3A_245 : vector<16xi32>
        %parallel_loop3A_247 = arith.index_cast %parallel_loop3A_228 : i32 to index
        %parallel_loop3A_248 = arith.constant 0 : index
        %parallel_loop3A_249 = tpu.vector_load %arg12[%parallel_loop3A_247, %parallel_loop3A_248] {strides = array<i32>} : memref<256x64xf32, #tpu.memory_space<vmem>>, vector<16xf32>,
        %parallel_loop3A_250 = arith.constant 64 : i32
        %parallel_loop3A_251 = arith.muli %parallel_loop3A_228, %parallel_loop3A_250 : i32
        %parallel_loop3A_252 = arith.constant 0 : i32
        %parallel_loop3A_253 = arith.addi %parallel_loop3A_251, %parallel_loop3A_252 : i32
        %parallel_loop3A_254 = vector.broadcast %parallel_loop3A_253 : i32 to vector<16xi32>
        %parallel_loop3A_255 = arith.addi %parallel_loop3A_246, %parallel_loop3A_254 : vector<16xi32>
        tpu.vector_store_idx %arg15[%parallel_loop3A_255], %parallel_loop3A_249 : memref<16384xf32, #tpu.memory_space<vmem>>[vector<16xi32>], vector<16xf32>,
        %parallel_loop3A_256 = arith.index_cast %parallel_loop3A_228 : i32 to index
        %parallel_loop3A_257 = arith.constant 16 : index
        %parallel_loop3A_258 = tpu.vector_load %arg12[%parallel_loop3A_256, %parallel_loop3A_257] {strides = array<i32>} : memref<256x64xf32, #tpu.memory_space<vmem>>, vector<16xf32>,
        %parallel_loop3A_259 = arith.constant 64 : i32
        %parallel_loop3A_260 = arith.muli %parallel_loop3A_228, %parallel_loop3A_259 : i32
        %parallel_loop3A_261 = arith.constant 16 : i32
        %parallel_loop3A_262 = arith.addi %parallel_loop3A_260, %parallel_loop3A_261 : i32
        %parallel_loop3A_263 = vector.broadcast %parallel_loop3A_262 : i32 to vector<16xi32>
        %parallel_loop3A_264 = arith.addi %parallel_loop3A_246, %parallel_loop3A_263 : vector<16xi32>
        tpu.vector_store_idx %arg15[%parallel_loop3A_264], %parallel_loop3A_258 : memref<16384xf32, #tpu.memory_space<vmem>>[vector<16xi32>], vector<16xf32>,
        %parallel_loop3A_265 = arith.index_cast %parallel_loop3A_228 : i32 to index
        %parallel_loop3A_266 = arith.constant 32 : index
        %parallel_loop3A_267 = tpu.vector_load %arg12[%parallel_loop3A_265, %parallel_loop3A_266] {strides = array<i32>} : memref<256x64xf32, #tpu.memory_space<vmem>>, vector<16xf32>,
        %parallel_loop3A_268 = arith.constant 64 : i32
        %parallel_loop3A_269 = arith.muli %parallel_loop3A_228, %parallel_loop3A_268 : i32
        %parallel_loop3A_270 = arith.constant 32 : i32
        %parallel_loop3A_271 = arith.addi %parallel_loop3A_269, %parallel_loop3A_270 : i32
        %parallel_loop3A_272 = vector.broadcast %parallel_loop3A_271 : i32 to vector<16xi32>
        %parallel_loop3A_273 = arith.addi %parallel_loop3A_246, %parallel_loop3A_272 : vector<16xi32>
        tpu.vector_store_idx %arg15[%parallel_loop3A_273], %parallel_loop3A_267 : memref<16384xf32, #tpu.memory_space<vmem>>[vector<16xi32>], vector<16xf32>,
        %parallel_loop3A_274 = arith.index_cast %parallel_loop3A_228 : i32 to index
        %parallel_loop3A_275 = arith.constant 48 : index
        %parallel_loop3A_276 = tpu.vector_load %arg12[%parallel_loop3A_274, %parallel_loop3A_275] {strides = array<i32>} : memref<256x64xf32, #tpu.memory_space<vmem>>, vector<16xf32>,
        %parallel_loop3A_277 = arith.constant 64 : i32
        %parallel_loop3A_278 = arith.muli %parallel_loop3A_228, %parallel_loop3A_277 : i32
        %parallel_loop3A_279 = arith.constant 48 : i32
        %parallel_loop3A_280 = arith.addi %parallel_loop3A_278, %parallel_loop3A_279 : i32
        %parallel_loop3A_281 = vector.broadcast %parallel_loop3A_280 : i32 to vector<16xi32>
        %parallel_loop3A_282 = arith.addi %parallel_loop3A_246, %parallel_loop3A_281 : vector<16xi32>
        tpu.vector_store_idx %arg15[%parallel_loop3A_282], %parallel_loop3A_276 : memref<16384xf32, #tpu.memory_space<vmem>>[vector<16xi32>], vector<16xf32>,
      } {sc.loop_unroll_factor = 4 : i64, sc.parallel_access}
      %parallel_loop3A_212 = arith.constant 0 : i32
      %parallel_loop3A_213 = arith.constant 16 : i32
      %parallel_loop3A_214 = arith.constant 1 : i32
      scf.for %parallel_loop3A_228 = %parallel_loop3A_212 to %parallel_loop3A_213 step %parallel_loop3A_214  : i32 {
        %parallel_loop3A_229 = arith.constant 2 : i32
        %parallel_loop3A_230 = arith.muli %add3A_190, %parallel_loop3A_229 : i32
        %parallel_loop3A_231 = arith.constant 8 : i32
        %parallel_loop3A_232 = arith.divsi %parallel_loop3A_228, %parallel_loop3A_231 : i32
        %parallel_loop3A_233 = arith.constant 0 : i32
        %parallel_loop3A_234 = arith.cmpi sgt, %parallel_loop3A_228, %parallel_loop3A_233 : i32
        %parallel_loop3A_235 = arith.extui %parallel_loop3A_234 : i1 to i32
        %parallel_loop3A_236 = arith.constant 0 : i32
        %parallel_loop3A_237 = arith.cmpi slt, %parallel_loop3A_228, %parallel_loop3A_236 : i32
        %parallel_loop3A_238 = arith.extui %parallel_loop3A_237 : i1 to i32
        %parallel_loop3A_239 = arith.subi %parallel_loop3A_235, %parallel_loop3A_238 : i32
        %parallel_loop3A_240 = arith.constant 0 : i32
        %parallel_loop3A_241 = arith.cmpi sgt, %parallel_loop3A_231, %parallel_loop3A_240 : i32
        %parallel_loop3A_242 = arith.extui %parallel_loop3A_241 : i1 to i32
        %parallel_loop3A_243 = arith.constant 0 : i32
        %parallel_loop3A_244 = arith.cmpi slt, %parallel_loop3A_231, %parallel_loop3A_243 : i32
        %parallel_loop3A_245 = arith.extui %parallel_loop3A_244 : i1 to i32
        %parallel_loop3A_246 = arith.subi %parallel_loop3A_242, %parallel_loop3A_245 : i32
        %parallel_loop3A_247 = arith.cmpi ne, %parallel_loop3A_239, %parallel_loop3A_246 : i32
        %parallel_loop3A_248 = arith.remsi %parallel_loop3A_228, %parallel_loop3A_231 : i32
        %parallel_loop3A_249 = arith.constant 0 : i32
        %parallel_loop3A_250 = arith.cmpi ne, %parallel_loop3A_248, %parallel_loop3A_249 : i32
        %parallel_loop3A_251 = arith.andi %parallel_loop3A_247, %parallel_loop3A_250 : i1
        %parallel_loop3A_252 = arith.constant 1 : i32
        %parallel_loop3A_253 = arith.subi %parallel_loop3A_232, %parallel_loop3A_252 : i32
        %parallel_loop3A_254 = arith.select %parallel_loop3A_251, %parallel_loop3A_253, %parallel_loop3A_232 : i32
        %parallel_loop3A_255 = arith.addi %parallel_loop3A_230, %parallel_loop3A_254 : i32
        %parallel_loop3A_256 = arith.constant 8 : i32
        %parallel_loop3A_257 = arith.constant 0 : i32
        %parallel_loop3A_258 = arith.cmpi eq, %parallel_loop3A_256, %parallel_loop3A_257 : i32
        %parallel_loop3A_259 = arith.constant 1 : i32
        %parallel_loop3A_260 = arith.select %parallel_loop3A_258, %parallel_loop3A_259, %parallel_loop3A_256 : i32
        %parallel_loop3A_261 = arith.remsi %parallel_loop3A_228, %parallel_loop3A_260 : i32
        %parallel_loop3A_262 = arith.constant 0 : i32
        %parallel_loop3A_263 = arith.cmpi ne, %parallel_loop3A_261, %parallel_loop3A_262 : i32
        %parallel_loop3A_264 = arith.constant 0 : i32
        %parallel_loop3A_265 = arith.cmpi slt, %parallel_loop3A_261, %parallel_loop3A_264 : i32
        %parallel_loop3A_266 = arith.constant 0 : i32
        %parallel_loop3A_267 = arith.cmpi slt, %parallel_loop3A_260, %parallel_loop3A_266 : i32
        %parallel_loop3A_268 = arith.xori %parallel_loop3A_265, %parallel_loop3A_267 : i1
        %parallel_loop3A_269 = arith.andi %parallel_loop3A_268, %parallel_loop3A_263 : i1
        %parallel_loop3A_270 = arith.addi %parallel_loop3A_261, %parallel_loop3A_260 : i32
        %parallel_loop3A_271 = arith.select %parallel_loop3A_269, %parallel_loop3A_270, %parallel_loop3A_261 : i32
        %parallel_loop3A_272 = arith.constant 16 : i32
        %parallel_loop3A_273 = arith.muli %parallel_loop3A_271, %parallel_loop3A_272 : i32
        %parallel_loop3A_274 = arith.index_cast %parallel_loop3A_255 : i32 to index
        %parallel_loop3A_275 = arith.index_cast %parallel_loop3A_273 : i32 to index
        %parallel_loop3A_276 = tpu.vector_load %arg10[%parallel_loop3A_274, %parallel_loop3A_275] {strides = array<i32>} : memref<200x128xi32, #tpu.memory_space<vmem>>, vector<16xi32>,
        %parallel_loop3A_277 = arith.constant 0 : i32
        %parallel_loop3A_278 = vector.broadcast %parallel_loop3A_277 : i32 to vector<16xi32>
        %parallel_loop3A_279 = arith.cmpi ne, %parallel_loop3A_276, %parallel_loop3A_278 : vector<16xi32>
        %parallel_loop3A_280 = arith.constant 1.000000e+00 : f32
        %parallel_loop3A_281 = arith.constant 0.000000e+00 : f32
        %parallel_loop3A_282 = vector.broadcast %parallel_loop3A_280 : f32 to vector<16xf32>
        %parallel_loop3A_283 = vector.broadcast %parallel_loop3A_281 : f32 to vector<16xf32>
        %parallel_loop3A_284 = arith.select %parallel_loop3A_279, %parallel_loop3A_282, %parallel_loop3A_283 : vector<16xi1>, vector<16xf32>
        %parallel_loop3A_285 = arith.constant 8 : i32
        %parallel_loop3A_286 = arith.divsi %parallel_loop3A_228, %parallel_loop3A_285 : i32
        %parallel_loop3A_287 = arith.constant 0 : i32
        %parallel_loop3A_288 = arith.cmpi sgt, %parallel_loop3A_228, %parallel_loop3A_287 : i32
        %parallel_loop3A_289 = arith.extui %parallel_loop3A_288 : i1 to i32
        %parallel_loop3A_290 = arith.constant 0 : i32
        %parallel_loop3A_291 = arith.cmpi slt, %parallel_loop3A_228, %parallel_loop3A_290 : i32
        %parallel_loop3A_292 = arith.extui %parallel_loop3A_291 : i1 to i32
        %parallel_loop3A_293 = arith.subi %parallel_loop3A_289, %parallel_loop3A_292 : i32
        %parallel_loop3A_294 = arith.constant 0 : i32
        %parallel_loop3A_295 = arith.cmpi sgt, %parallel_loop3A_285, %parallel_loop3A_294 : i32
        %parallel_loop3A_296 = arith.extui %parallel_loop3A_295 : i1 to i32
        %parallel_loop3A_297 = arith.constant 0 : i32
        %parallel_loop3A_298 = arith.cmpi slt, %parallel_loop3A_285, %parallel_loop3A_297 : i32
        %parallel_loop3A_299 = arith.extui %parallel_loop3A_298 : i1 to i32
        %parallel_loop3A_300 = arith.subi %parallel_loop3A_296, %parallel_loop3A_299 : i32
        %parallel_loop3A_301 = arith.cmpi ne, %parallel_loop3A_293, %parallel_loop3A_300 : i32
        %parallel_loop3A_302 = arith.remsi %parallel_loop3A_228, %parallel_loop3A_285 : i32
        %parallel_loop3A_303 = arith.constant 0 : i32
        %parallel_loop3A_304 = arith.cmpi ne, %parallel_loop3A_302, %parallel_loop3A_303 : i32
        %parallel_loop3A_305 = arith.andi %parallel_loop3A_301, %parallel_loop3A_304 : i1
        %parallel_loop3A_306 = arith.constant 1 : i32
        %parallel_loop3A_307 = arith.subi %parallel_loop3A_286, %parallel_loop3A_306 : i32
        %parallel_loop3A_308 = arith.select %parallel_loop3A_305, %parallel_loop3A_307, %parallel_loop3A_286 : i32
        %parallel_loop3A_309 = arith.constant 8 : i32
        %parallel_loop3A_310 = arith.constant 0 : i32
        %parallel_loop3A_311 = arith.cmpi eq, %parallel_loop3A_309, %parallel_loop3A_310 : i32
        %parallel_loop3A_312 = arith.constant 1 : i32
        %parallel_loop3A_313 = arith.select %parallel_loop3A_311, %parallel_loop3A_312, %parallel_loop3A_309 : i32
        %parallel_loop3A_314 = arith.remsi %parallel_loop3A_228, %parallel_loop3A_313 : i32
        %parallel_loop3A_315 = arith.constant 0 : i32
        %parallel_loop3A_316 = arith.cmpi ne, %parallel_loop3A_314, %parallel_loop3A_315 : i32
        %parallel_loop3A_317 = arith.constant 0 : i32
        %parallel_loop3A_318 = arith.cmpi slt, %parallel_loop3A_314, %parallel_loop3A_317 : i32
        %parallel_loop3A_319 = arith.constant 0 : i32
        %parallel_loop3A_320 = arith.cmpi slt, %parallel_loop3A_313, %parallel_loop3A_319 : i32
        %parallel_loop3A_321 = arith.xori %parallel_loop3A_318, %parallel_loop3A_320 : i1
        %parallel_loop3A_322 = arith.andi %parallel_loop3A_321, %parallel_loop3A_316 : i1
        %parallel_loop3A_323 = arith.addi %parallel_loop3A_314, %parallel_loop3A_313 : i32
        %parallel_loop3A_324 = arith.select %parallel_loop3A_322, %parallel_loop3A_323, %parallel_loop3A_314 : i32
        %parallel_loop3A_325 = arith.constant 16 : i32
        %parallel_loop3A_326 = arith.muli %parallel_loop3A_324, %parallel_loop3A_325 : i32
        %parallel_loop3A_327 = arith.constant 64 : i32
        %parallel_loop3A_328 = vector.broadcast %parallel_loop3A_327 : i32 to vector<16xi32>
        %parallel_loop3A_329 = arith.muli %iota3A, %parallel_loop3A_328 : vector<16xi32>
        %parallel_loop3A_330 = arith.constant 16 : i32
        %parallel_loop3A_331 = arith.muli %parallel_loop3A_228, %parallel_loop3A_330 : i32
        %parallel_loop3A_332 = arith.constant 64 : i32
        %parallel_loop3A_333 = arith.muli %parallel_loop3A_331, %parallel_loop3A_332 : i32
        %parallel_loop3A_334 = vector.broadcast %parallel_loop3A_333 : i32 to vector<16xi32>
        %parallel_loop3A_335 = arith.addi %parallel_loop3A_329, %parallel_loop3A_334 : vector<16xi32>
        %parallel_loop3A_336 = arith.constant 0 : i32
        %parallel_loop3A_337 = arith.constant 64 : i32
        %parallel_loop3A_338 = arith.constant 1 : i32
        scf.for %parallel_loop3A_339 = %parallel_loop3A_336 to %parallel_loop3A_337 step %parallel_loop3A_338  : i32 {
          %parallel_loop3A_340 = arith.constant 16 : i32
          %parallel_loop3A_341 = arith.constant 0 : i32
          %parallel_loop3A_342 = arith.cmpi eq, %parallel_loop3A_340, %parallel_loop3A_341 : i32
          %parallel_loop3A_343 = arith.constant 1 : i32
          %parallel_loop3A_344 = arith.select %parallel_loop3A_342, %parallel_loop3A_343, %parallel_loop3A_340 : i32
          %parallel_loop3A_345 = arith.remsi %parallel_loop3A_339, %parallel_loop3A_344 : i32
          %parallel_loop3A_346 = arith.constant 0 : i32
          %parallel_loop3A_347 = arith.cmpi ne, %parallel_loop3A_345, %parallel_loop3A_346 : i32
          %parallel_loop3A_348 = arith.constant 0 : i32
          %parallel_loop3A_349 = arith.cmpi slt, %parallel_loop3A_345, %parallel_loop3A_348 : i32
          %parallel_loop3A_350 = arith.constant 0 : i32
          %parallel_loop3A_351 = arith.cmpi slt, %parallel_loop3A_344, %parallel_loop3A_350 : i32
          %parallel_loop3A_352 = arith.xori %parallel_loop3A_349, %parallel_loop3A_351 : i1
          %parallel_loop3A_353 = arith.andi %parallel_loop3A_352, %parallel_loop3A_347 : i1
          %parallel_loop3A_354 = arith.addi %parallel_loop3A_345, %parallel_loop3A_344 : i32
          %parallel_loop3A_355 = arith.select %parallel_loop3A_353, %parallel_loop3A_354, %parallel_loop3A_345 : i32
          %parallel_loop3A_356 = vector.broadcast %parallel_loop3A_355 : i32 to vector<16xi32>
          %parallel_loop3A_357 = arith.xori %parallel_loop3A_356, %iota3A : vector<16xi32>
          %parallel_loop3A_358 = arith.constant 16 : i32
          %parallel_loop3A_359 = arith.divsi %parallel_loop3A_339, %parallel_loop3A_358 : i32
          %parallel_loop3A_360 = arith.constant 0 : i32
          %parallel_loop3A_361 = arith.cmpi sgt, %parallel_loop3A_339, %parallel_loop3A_360 : i32
          %parallel_loop3A_362 = arith.extui %parallel_loop3A_361 : i1 to i32
          %parallel_loop3A_363 = arith.constant 0 : i32
          %parallel_loop3A_364 = arith.cmpi slt, %parallel_loop3A_339, %parallel_loop3A_363 : i32
          %parallel_loop3A_365 = arith.extui %parallel_loop3A_364 : i1 to i32
          %parallel_loop3A_366 = arith.subi %parallel_loop3A_362, %parallel_loop3A_365 : i32
          %parallel_loop3A_367 = arith.constant 0 : i32
          %parallel_loop3A_368 = arith.cmpi sgt, %parallel_loop3A_358, %parallel_loop3A_367 : i32
          %parallel_loop3A_369 = arith.extui %parallel_loop3A_368 : i1 to i32
          %parallel_loop3A_370 = arith.constant 0 : i32
          %parallel_loop3A_371 = arith.cmpi slt, %parallel_loop3A_358, %parallel_loop3A_370 : i32
          %parallel_loop3A_372 = arith.extui %parallel_loop3A_371 : i1 to i32
          %parallel_loop3A_373 = arith.subi %parallel_loop3A_369, %parallel_loop3A_372 : i32
          %parallel_loop3A_374 = arith.cmpi ne, %parallel_loop3A_366, %parallel_loop3A_373 : i32
          %parallel_loop3A_375 = arith.remsi %parallel_loop3A_339, %parallel_loop3A_358 : i32
          %parallel_loop3A_376 = arith.constant 0 : i32
          %parallel_loop3A_377 = arith.cmpi ne, %parallel_loop3A_375, %parallel_loop3A_376 : i32
          %parallel_loop3A_378 = arith.andi %parallel_loop3A_374, %parallel_loop3A_377 : i1
          %parallel_loop3A_379 = arith.constant 1 : i32
          %parallel_loop3A_380 = arith.subi %parallel_loop3A_359, %parallel_loop3A_379 : i32
          %parallel_loop3A_381 = arith.select %parallel_loop3A_378, %parallel_loop3A_380, %parallel_loop3A_359 : i32
          %parallel_loop3A_382 = arith.constant 16 : i32
          %parallel_loop3A_383 = arith.muli %parallel_loop3A_381, %parallel_loop3A_382 : i32
          %parallel_loop3A_384 = vector.broadcast %parallel_loop3A_383 : i32 to vector<16xi32>
          %parallel_loop3A_385 = arith.addi %parallel_loop3A_357, %parallel_loop3A_384 : vector<16xi32>
          %parallel_loop3A_386 = arith.addi %parallel_loop3A_335, %parallel_loop3A_385 : vector<16xi32>
          %parallel_loop3A_387 = tpu.vector_load_idx %arg15[%parallel_loop3A_386] : memref<16384xf32, #tpu.memory_space<vmem>>[vector<16xi32>], vector<16xf32>,
          %parallel_loop3A_388 = arith.mulf %parallel_loop3A_387, %parallel_loop3A_284 : vector<16xf32>
          %parallel_loop3A_389 = arith.constant 8 : i32
          %parallel_loop3A_390 = arith.divsi %parallel_loop3A_339, %parallel_loop3A_389 : i32
          %parallel_loop3A_391 = arith.constant 0 : i32
          %parallel_loop3A_392 = arith.cmpi sgt, %parallel_loop3A_339, %parallel_loop3A_391 : i32
          %parallel_loop3A_393 = arith.extui %parallel_loop3A_392 : i1 to i32
          %parallel_loop3A_394 = arith.constant 0 : i32
          %parallel_loop3A_395 = arith.cmpi slt, %parallel_loop3A_339, %parallel_loop3A_394 : i32
          %parallel_loop3A_396 = arith.extui %parallel_loop3A_395 : i1 to i32
          %parallel_loop3A_397 = arith.subi %parallel_loop3A_393, %parallel_loop3A_396 : i32
          %parallel_loop3A_398 = arith.constant 0 : i32
          %parallel_loop3A_399 = arith.cmpi sgt, %parallel_loop3A_389, %parallel_loop3A_398 : i32
          %parallel_loop3A_400 = arith.extui %parallel_loop3A_399 : i1 to i32
          %parallel_loop3A_401 = arith.constant 0 : i32
          %parallel_loop3A_402 = arith.cmpi slt, %parallel_loop3A_389, %parallel_loop3A_401 : i32
          %parallel_loop3A_403 = arith.extui %parallel_loop3A_402 : i1 to i32
          %parallel_loop3A_404 = arith.subi %parallel_loop3A_400, %parallel_loop3A_403 : i32
          %parallel_loop3A_405 = arith.cmpi ne, %parallel_loop3A_397, %parallel_loop3A_404 : i32
          %parallel_loop3A_406 = arith.remsi %parallel_loop3A_339, %parallel_loop3A_389 : i32
          %parallel_loop3A_407 = arith.constant 0 : i32
          %parallel_loop3A_408 = arith.cmpi ne, %parallel_loop3A_406, %parallel_loop3A_407 : i32
          %parallel_loop3A_409 = arith.andi %parallel_loop3A_405, %parallel_loop3A_408 : i1
          %parallel_loop3A_410 = arith.constant 1 : i32
          %parallel_loop3A_411 = arith.subi %parallel_loop3A_390, %parallel_loop3A_410 : i32
          %parallel_loop3A_412 = arith.select %parallel_loop3A_409, %parallel_loop3A_411, %parallel_loop3A_390 : i32
          %parallel_loop3A_413 = arith.constant 8 : i32
          %parallel_loop3A_414 = arith.constant 0 : i32
          %parallel_loop3A_415 = arith.cmpi eq, %parallel_loop3A_413, %parallel_loop3A_414 : i32
          %parallel_loop3A_416 = arith.constant 1 : i32
          %parallel_loop3A_417 = arith.select %parallel_loop3A_415, %parallel_loop3A_416, %parallel_loop3A_413 : i32
          %parallel_loop3A_418 = arith.remsi %parallel_loop3A_339, %parallel_loop3A_417 : i32
          %parallel_loop3A_419 = arith.constant 0 : i32
          %parallel_loop3A_420 = arith.cmpi ne, %parallel_loop3A_418, %parallel_loop3A_419 : i32
          %parallel_loop3A_421 = arith.constant 0 : i32
          %parallel_loop3A_422 = arith.cmpi slt, %parallel_loop3A_418, %parallel_loop3A_421 : i32
          %parallel_loop3A_423 = arith.constant 0 : i32
          %parallel_loop3A_424 = arith.cmpi slt, %parallel_loop3A_417, %parallel_loop3A_423 : i32
          %parallel_loop3A_425 = arith.xori %parallel_loop3A_422, %parallel_loop3A_424 : i1
          %parallel_loop3A_426 = arith.andi %parallel_loop3A_425, %parallel_loop3A_420 : i1
          %parallel_loop3A_427 = arith.addi %parallel_loop3A_418, %parallel_loop3A_417 : i32
          %parallel_loop3A_428 = arith.select %parallel_loop3A_426, %parallel_loop3A_427, %parallel_loop3A_418 : i32
          %parallel_loop3A_429 = arith.index_cast %parallel_loop3A_412 : i32 to index
          %parallel_loop3A_430 = arith.index_cast %parallel_loop3A_308 : i32 to index
          %parallel_loop3A_431 = arith.index_cast %parallel_loop3A_428 : i32 to index
          %parallel_loop3A_432 = arith.index_cast %parallel_loop3A_326 : i32 to index
          %parallel_loop3A_433 = tpu.vector_load %arg14[%parallel_loop3A_429, %parallel_loop3A_430, %parallel_loop3A_431, %parallel_loop3A_432] {strides = array<i32>} : memref<8x2x8x128xf32, #tpu.memory_space<vmem>>, vector<16xf32>,
          tpu.vector_store %arg14[%parallel_loop3A_429, %parallel_loop3A_430, %parallel_loop3A_431, %parallel_loop3A_432], %parallel_loop3A_388 {strides = array<i32>} : memref<8x2x8x128xf32, #tpu.memory_space<vmem>>, vector<16xf32>,
        } {sc.loop_unroll_factor = 8 : i64, sc.parallel_access}
      } {sc.loop_unroll_factor = 1 : i64, sc.parallel_access}
      %mul3A_215 = arith.constant 200 : i32
      %mul3A_216 = arith.muli %add3A, %mul3A_215 : i32
      %mul3A_217 = arith.constant 2 : i32
      %mul3A_218 = arith.muli %add3A_190, %mul3A_217 : i32
      %add3A_219 = arith.addi %mul3A_216, %mul3A_218 : i32
      %dma_start3A_220 = arith.constant 0 : i32
      %dma_start3A_221 = arith.constant 0 : i32
      %dma_start3A_222 = arith.constant 0 : i32
      %dma_start3A_223 = tpu.memref_slice %arg8[%dma_start3A_220, %add3A_219, %dma_start3A_221, %dma_start3A_222] : memref<8x6400x8x128xf32, #tpu.memory_space<hbm>> -> memref<8x2x8x128xf32, #tpu.memory_space<hbm>>
      %dma_start3A_224 = arith.constant 0 : i32
      %dma_start3A_225 = arith.constant 0 : i32
      %dma_start3A_226 = arith.constant 0 : i32
      %dma_start3A_227 = tpu.memref_slice %arg8[%dma_start3A_224, %add3A_219, %dma_start3A_225, %dma_start3A_226] : memref<8x6400x8x128xf32, #tpu.memory_space<hbm>> -> memref<8x2x8x128xf32, #tpu.memory_space<hbm>>
      tpu.enqueue_dma source(%arg14 : memref<8x2x8x128xf32, #tpu.memory_space<vmem>>) target(%dma_start3A_227 : memref<8x2x8x128xf32, #tpu.memory_space<hbm>>) target_semaphore(%arg21 : memref<!tpu.dma_semaphore, #tpu.memory_space<semaphore_mem>>)
    }
    %scan3A_129 = arith.constant 50 : i32
    %dma_wait3A_130 = arith.constant 0 : i32
    %dma_wait3A_131 = arith.constant 0 : i32
    %dma_wait3A_132 = arith.constant 0 : i32
    %dma_wait3A_133 = arith.constant 0 : i32
    %dma_wait3A_134 = tpu.memref_slice %arg8[%dma_wait3A_130, %dma_wait3A_131, %dma_wait3A_132, %dma_wait3A_133] : memref<8x6400x8x128xf32, #tpu.memory_space<hbm>> -> memref<8x2x8x128xf32, #tpu.memory_space<hbm>>
    %dma_wait3A_135 = arith.constant 0 : i32
    %dma_wait3A_136 = arith.constant 0 : i32
    %dma_wait3A_137 = arith.constant 0 : i32
    %dma_wait3A_138 = arith.constant 0 : i32
    %dma_wait3A_139 = tpu.memref_slice %arg8[%dma_wait3A_135, %dma_wait3A_136, %dma_wait3A_137, %dma_wait3A_138] : memref<8x6400x8x128xf32, #tpu.memory_space<hbm>> -> memref<8x2x8x128xf32, #tpu.memory_space<hbm>>
    tpu.wait_dma2 semaphore(%arg20 : memref<!tpu.dma_semaphore, #tpu.memory_space<semaphore_mem>>) src(%arg13 : memref<8x2x8x128xf32, #tpu.memory_space<vmem>>) dst(%dma_wait3A_139 : memref<8x2x8x128xf32, #tpu.memory_space<hbm>>)
    %dma_wait3A_140 = arith.constant 0 : i32
    %dma_wait3A_141 = arith.constant 0 : i32
    %dma_wait3A_142 = arith.constant 0 : i32
    %dma_wait3A_143 = arith.constant 0 : i32
    %dma_wait3A_144 = tpu.memref_slice %arg8[%dma_wait3A_140, %dma_wait3A_141, %dma_wait3A_142, %dma_wait3A_143] : memref<8x6400x8x128xf32, #tpu.memory_space<hbm>> -> memref<8x2x8x128xf32, #tpu.memory_space<hbm>>
    %dma_wait3A_145 = arith.constant 0 : i32
    %dma_wait3A_146 = arith.constant 0 : i32
    %dma_wait3A_147 = arith.constant 0 : i32
    %dma_wait3A_148 = arith.constant 0 : i32
    %dma_wait3A_149 = tpu.memref_slice %arg8[%dma_wait3A_145, %dma_wait3A_146, %dma_wait3A_147, %dma_wait3A_148] : memref<8x6400x8x128xf32, #tpu.memory_space<hbm>> -> memref<8x2x8x128xf32, #tpu.memory_space<hbm>>
    tpu.wait_dma2 semaphore(%arg21 : memref<!tpu.dma_semaphore, #tpu.memory_space<semaphore_mem>>) src(%arg14 : memref<8x2x8x128xf32, #tpu.memory_space<vmem>>) dst(%dma_wait3A_149 : memref<8x2x8x128xf32, #tpu.memory_space<hbm>>)
    return
  }
}

</mosaic_0001>

<sc_bundles>
// kernel: _sc_call.3.cloned.1.call-start
scs
__scs_entry_jumppad:
0x0: {  	(pc) =	sbr.rel $0x88, $3  }
0x1: {  	(tag) =	ssettag $0x0;
	lr =	simm.s32 $0x1  }
0x2: {  	[smem:$0x3F9D] =	sst lr;
	_ =	strace $0xD0000000  }
0x3: {  	_ = 	snop  }
0x4: {  	_ = 	snop  }
0x5: {  	_ = 	snop  }
0x6: {  	_ = 	snop  }
0x7: {  	_ = 	snop  }
__scs_overlays_trampoline_lowered:
0x8: {  	[smem:$0x3FAC] =	sst s0  }
0x9: {  	[smem:$0x3FAD] =	sst s1  }
0xa: {  	[smem:$0x3FAE] =	sst s2  }
0xb: {  	[smem:$0x3FAF] =	sst s3  }
0xc: {  	[smem:$0x3FB0] =	sst s4  }
0xd: {  	[smem:$0x3FB1] =	sst s5  }
0xe: {  	[smem:$0x3FB2] =	sst s6  }
0xf: {  	[smem:$0x3FB3] =	sst s7  }
0x10: {  	[smem:$0x3FB4] =	sst s8  }
0x11: {  	[smem:$0x3FB5] =	sst s9;
	s0 =	simm.s32 @!p0 $0x0  }
0x12: {  	s1 =	sld [smem:$0x3F9B];
	s0 =	simm.s32 @p0 $0x1  }
0x13: {  	[smem:$0x3FB6] =	sst s0;
	s0 =	simm.s32 @!p1 $0x0  }
0x14: {  	s2 =	sld [smem:$0x3F9A];
	s0 =	simm.s32 @p1 $0x1  }
0x15: {  	[smem:$0x3FB7] =	sst s0;
	s0 =	simm.s32 @!p2 $0x0  }
0x16: {  	s3 =	sld [smem:$0x3FDB];
	s0 =	simm.s32 @p2 $0x1  }
0x17: {  	s4 =	simm.s32 $0x1BF5;
	[smem:$0x3FB9] =	sst s0  }
0x18: {  	s0 =	sld [smem:$0x3F9C];
	_ =	swait.ge [sflag:s4], $0x0  }
0x19: {  	s7 =	sld [smem:$0x3F9D]  }
0x1a: {  	s8 =	sadd.s32 $0xFFFFE003, lr  }
0x1b: {  	s9 =	sadd.s32 $0xFFFFFEF7, lr;
	s5 =	simm.s32 $0xFFFFFFFF;
	p2 =	slt.u32 s8, $0xFFFFF086  }
0x1c: {  	p1 =	slt.u32 s9, $0xF7A;
	s5 =	simm.s32 @!p2 $0x0  }
0x1d: {  	s5 =	simm.s32 @p1 $0x1;
	p0 =	seq.s32 s7, s2  }
0x1e: {  	s7 =	smul.u32 @!p0 $0xF7A, s2;
	p2 =	seq.s32 @!p0 s5, $0x0  }
0x1f: {  	s9 =	smul.u32 $0xF7A, s1;
	s8 =	simm.s32 @!p0 $0x1BF5;
	p2 =	por !p2, p0  }
0x20: {  	[sflag:s8] =	ssyncset.s32 @!p0 $0xFFFFF086;
	s6 =	sadd.s32 @!p0 s3, s7;
	s7 =	simm.s32 @!p0 $0x108  }
0x21: {  	s3 =	sadd.s32 s3, s9;
	s6 =	sadd.s32 @!p0 $0x88, s6;
	s7 =	simm.s32 @p2 $0x1082  }
0x22: {  	[simem:s7], [sflag:s8] =	dma.local @!p0 [hbm:s6], $0xF7A  }
0x23: {  	s9 =	sor.u32 $0xD0000000, s2;
	s6 =	simm.s32 $0x108;
	_ =	swait.ge @!p0 [sflag:s8], $0x0  }
0x24: {  	s3 =	sadd.s32 $0x88, s3;
	s6 =	simm.s32 @!p1 $0x1082;
	[sflag:s4] =	ssyncset.s32 $0xFFFFF086  }
0x25: {  	[simem:s6], [sflag:s4] =	dma.local [hbm:s3], $0xF7A  }
0x26: {  	[smem:$0x3F9D] =	sst s1;
	(tag) =	ssettag s2;
	_ =	strace s9  }
0x27: {  	s1 =	sld [smem:$0x3FAD]  }
0x28: {  	s2 =	sld [smem:$0x3FAE]  }
0x29: {  	s4 =	sld [smem:$0x3FB0]  }
0x2a: {  	p0 =	seq.s32 s5, $0x0;
	s5 =	sld [smem:$0x3FB1]  }
0x2b: {  	s6 =	sld [smem:$0x3FB2]  }
0x2c: {  	s7 =	sld [smem:$0x3FB3]  }
0x2d: {  	s3 =	simm.s32 $0x108;
	s8 =	sld [smem:$0x3FB4]  }
0x2e: {  	s3 =	simm.s32 @!p0 $0x1082;
	s9 =	sld [smem:$0x3FB5]  }
0x2f: {  	lr =	sadd.s32 s0, s3;
	s0 =	sld [smem:$0x3FAC]  }
0x30: {  	s3 =	sld [smem:$0x3FAF]  }
0x31: {  	[smem:$0x3FB8] =	sst s10  }
0x32: {  	s10 =	sld [smem:$0x3FB6];
	_ =	sdelay $0x3  }
0x33: {  	p0 =	seq.s32 s10, $0x1;
	s10 =	sld [smem:$0x3FB8];
	_ =	sdelay $0x3  }
0x34: {  	[smem:$0x3FB8] =	sst s10  }
0x35: {  	s10 =	sld [smem:$0x3FB7];
	_ =	sdelay $0x3  }
0x36: {  	p1 =	seq.s32 s10, $0x1;
	s10 =	sld [smem:$0x3FB8];
	_ =	sdelay $0x3  }
0x37: {  	[smem:$0x3FB8] =	sst s10  }
0x38: {  	s10 =	sld [smem:$0x3FB9]  }
0x39: {  	_ = 	snop;
	(pc) =	sbr.ind lr, $3  }
0x3a: {  	_ = 	snop  }
0x3b: {  	_ = 	snop  }
0x3c: {  	p2 =	seq.s32 s10, $0x1;
	s10 =	sld [smem:$0x3FB8]  }
0x3d: {  	_ =	shalt  }
0x3e: {  	_ =	shalt  }
0x3f: {  	_ =	shalt  }
0x40: {  	_ =	shalt  }
0x41: {  	_ =	shalt  }
0x42: {  	_ =	shalt  }
0x43: {  	_ =	shalt  }
0x44: {  	_ =	shalt  }
0x45: {  	_ =	shalt  }
0x46: {  	_ =	shalt  }
0x47: {  	_ =	shalt  }
0x48: {  	_ =	shalt  }
0x49: {  	_ =	shalt  }
0x4a: {  	_ =	shalt  }
0x4b: {  	_ =	shalt  }
0x4c: {  	_ =	shalt  }
0x4d: {  	_ =	shalt  }
0x4e: {  	_ =	shalt  }
0x4f: {  	_ =	shalt  }
0x50: {  	_ =	shalt  }
0x51: {  	_ =	shalt  }
0x52: {  	_ =	shalt  }
0x53: {  	_ =	shalt  }
0x54: {  	_ =	shalt  }
0x55: {  	_ =	shalt  }
0x56: {  	_ =	shalt  }
0x57: {  	_ =	shalt  }
0x58: {  	_ =	shalt  }
0x59: {  	_ =	shalt  }
0x5a: {  	_ =	shalt  }
0x5b: {  	_ =	shalt  }
0x5c: {  	_ =	shalt  }
0x5d: {  	_ =	shalt  }
0x5e: {  	_ =	shalt  }
0x5f: {  	_ =	shalt  }
0x60: {  	_ =	shalt  }
0x61: {  	_ =	shalt  }
0x62: {  	_ =	shalt  }
0x63: {  	_ =	shalt  }
0x64: {  	_ =	shalt  }
0x65: {  	_ =	shalt  }
0x66: {  	_ =	shalt  }
0x67: {  	_ =	shalt  }
0x68: {  	_ =	shalt  }
0x69: {  	_ =	shalt  }
0x6a: {  	_ =	shalt  }
0x6b: {  	_ =	shalt  }
0x6c: {  	_ =	shalt  }
0x6d: {  	_ =	shalt  }
0x6e: {  	_ =	shalt  }
0x6f: {  	_ =	shalt  }
0x70: {  	_ =	shalt  }
0x71: {  	_ =	shalt  }
0x72: {  	_ =	shalt  }
0x73: {  	_ =	shalt  }
0x74: {  	_ =	shalt  }
0x75: {  	_ =	shalt  }
0x76: {  	_ =	shalt  }
0x77: {  	_ =	shalt  }
0x78: {  	_ =	shalt  }
0x79: {  	_ =	shalt  }
0x7a: {  	_ =	shalt  }
0x7b: {  	_ =	shalt  }
0x7c: {  	_ =	shalt  }
0x7d: {  	_ =	shalt  }
0x7e: {  	_ =	shalt  }
0x7f: {  	_ =	shalt  }
0x80: {  	_ =	shalt  }
0x81: {  	_ =	shalt  }
0x82: {  	_ =	shalt  }
0x83: {  	_ =	shalt  }
0x84: {  	_ =	shalt  }
0x85: {  	_ =	shalt  }
0x86: {  	_ =	shalt  }
0x87: {  	_ =	shalt  }
.Lfunc_end0:
.L_simem_size_0:
called_computation_lowered:
.L_overlay_start_0:
0x88: {  	s2 =	sld [smem:$0x3FD9]  }
0x89: {  	s3 =	sld [smem:$0x3FFE];
	_ =	sdelay $0x1  }
0x8a: {  	s1 =	srdreg.scid  }
0x8b: {  	s0 =	sand.u32 $0x1, s1  }
0x8c: {  	s14 =	sshll.u32 s0, $0xA;
	s2 =	sadd.s32 s3, s2  }
0x8d: {  	s2 =	sadd.s32 s2, s14  }
0x8e: {  	[smem:$0x3FC4] =	sst s2  }
0x8f: {  	_ = 	snop  }
0x90: {  	s2 =	sld [smem:$0x3FD0]  }
0x91: {  	s15 =	sld [smem:$0x3FC8]  }
0x92: {  	s4 =	sld [smem:$0x3FC7]  }
0x93: {  	s6 =	simm.s32 $0xA;
	s7 =	simm.s32 $0x10;
	s5 =	sld [smem:$0x3FC6]  }
0x94: {  	[smem:s7], [sflag:s6] =	dma.local [hbm:s2], $0x1  }
0x95: {  	_ =	swait.eq [sflag:s6], $0x1  }
0x96: {  	s16 =	sld [smem:$0x10]  }
0x97: {  	s17 =	sld [smem:$0x11];
	[sflag:s6] =	ssyncset.done $0x0  }
0x98: {  	s8 =	sld [smem:$0x12];
	[sflag:s6] =	ssyncadd.s32 $0xFFFFFFFF  }
0x99: {  	s18 =	sld [smem:$0x13];
	(tm) =	ssettm $0x1  }
0x9a: {  	s9 =	sld [smem:$0x3FFB];
	_ =	sdelay $0x3  }
0x9b: {  	_ =	strace s9  }
0x9c: {  	s9 =	sld [smem:$0x3FFC];
	_ =	sdelay $0x3  }
0x9d: {  	_ =	strace s9  }
0x9e: {  	s9 =	sld [smem:$0x3FFD];
	_ =	sdelay $0x3  }
0x9f: {  	_ =	strace s9  }
0xa0: {  	_ =	strace $0x8FFFFFFF  }
0xa1: {  	s19 =	sld [smem:$0x3FDB];
	_ =	sdelay $0x1  }
0xa2: {  	s10 =	simm.s32 $_scs_section_size  }
0xa3: {  	s11 =	simm.s32 $_size__tile_overlayer_lowered;
	s12 =	simm.s32 $_tile_overlayer_lowered  }
0xa4: {  	s22 =	simm.s32 $0x1BFF;
	s21 =	sshll.u32 s12, $0x1;
	s9 =	sadd.s32 s10, s19  }
0xa5: {  	s13 =	simm.s32 $0x0;
	s20 =	sshll.u32 s11, $0x1;
	s11 =	sadd.s32 s21, s9  }
0xa6: {  	[timem:s13], [sflag:s22] =	dma.local [hbm:s11], s20  }
0xa7: {  	_ =	swait.ge [sflag:s22], s20  }
0xa8: {  	s10 =	ssub.s32 $0x0, s20;
	[sflag:s22] =	ssyncset.done $0x0  }
0xa9: {  	[sflag:s22] =	ssyncadd.s32 s10;
	_ =	sdelay $0x1  }
0xaa: {  	s23 =	simm.s32 $0x1B8B  }
0xab: {  	_ =	swait.ge [sflag:s23], $0x1  }
0xac: {  	[sflag:s23] =	ssyncset.done $0x0  }
0xad: {  	s25 =	simm.s32 $0x1B8E;
	s24 =	sld [smem:$0x3FFE];
	[sflag:s23] =	ssyncadd.s32 $0xFFFFFFFF  }
0xae: {  	s26 =	simm.s32 $execute0_lowered;
	[smem:$0x3FD2] =	sst s25  }
0xaf: {  	s11 =	sshll.u32 s26, $0x1;
	_ =	strace $0x80000046;
	[dreg:$0x1] =	wrdreg $0xFFFFFFFF  }
0xb0: {  	s28 =	simm.s32 $_size_execute0_lowered;
	s9 =	sadd.s32 s9, s11;
	[dreg:$0x0] =	wrdreg $0x0  }
0xb1: {  	s11 =	sshll.u32 s28, $0x1;
	[dreg:$0x2] =	wrdreg s9  }
0xb2: {  	[dreg:$0x3] =	wrdreg s11  }
0xb3: {  	[dreg:$0x4] =	wrdreg $0xC0  }
0xb4: {  	_ =	task [dreg:s13], $0x5FFFF  }
0xb5: {  	[dreg:$0x1] =	wrdreg $0xFFFFFFFF  }
0xb6: {  	[dreg:$0x0] =	wrdreg $0x60  }
0xb7: {  	[dreg:$0x2] =	wrdreg s24  }
0xb8: {  	[dreg:$0x3] =	wrdreg s15  }
0xb9: {  	[dreg:$0x4] =	wrdreg s4  }
0xba: {  	[dreg:$0x5] =	wrdreg s5  }
0xbb: {  	[dreg:$0x6] =	wrdreg s16  }
0xbc: {  	[dreg:$0x7] =	wrdreg s17  }
0xbd: {  	[dreg:$0x8] =	wrdreg s8  }
0xbe: {  	[dreg:$0x9] =	wrdreg s18  }
0xbf: {  	[dreg:$0xa] =	wrdreg $0x9  }
0xc0: {  	_ =	task.clear_ibuf [dreg:s13], $0xBFFFF;
	_ =	strace $0x90000046  }
0xc1: {  	s29 =	simm.s32 $0x9;
	_ =	strace $0x80000048  }
0xc2: {  	_ =	swait.ge [sflag:s29], $0x1  }
0xc3: {  	[sflag:s29] =	ssyncadd.s32 $0xFFFFFFFF  }
0xc4: {  	_ =	strace $0x90000048  }
0xc5: {  	_ =	sfence  }
0xc6: {  	s30 =	sld [smem:$0x0];
	_ =	sdelay $0x2  }
0xc7: {  	s31 =	sshll.u32 s1, $0xD;
	s1 =	sshrl.u32 s1, $0x2  }
0xc8: {  	s3 =	sand.u32 $0x4000, s31;
	s1 =	sadd.s32 s1, s30  }
0xc9: {  	s0 =	sor.u32 s3, s0;
	s1 =	sshll.u32 s1, $0x11  }
0xca: {  	s0 =	sor.u32 s1, s0  }
0xcb: {  	s0 =	sadd.s32 $0x8F2B, s0  }
0xcc: {  	[sflag:s0] =	ssyncadd.remote.s32 $0x1  }
0xcd: {  	_ =	sfence.sel $0xFFFF  }
0xce: {  	[dreg:$0x0] =	wrdreg $0xFFFFFFFF;
	(pc) =	sbr.abs _section_cstart, $3  }
0xcf: {  	[dreg:$0x1] =	wrdreg $0xFFFFFFFF  }
0xd0: {  	_ =	task.clear_ibuf [dreg:s13], $0x2FFFF;
	_ =	strace $0x9FFFFFFF  }
0xd1: {  	(tm) =	ssettm $0x7FFFFFFF  }
tec
execute0_lowered:
.L_overlay_start_1:
0x0: {  	(tag) =	ssettag $0x1  }
0x1: {  	s2 =	rddreg [dreg:$0x0]  }
0x2: {  	s4 =	rddreg [dreg:$0x1];
	v0 =	vimm.s32 $0xC3824100  }
0x3: {  	s8 =	rddreg [dreg:$0x2];
	v0 =	vunpack.c.0.s8.s32 v0  }
0x4: {  	s10 =	rddreg [dreg:$0x3]  }
0x5: {  	s3 =	rddreg [dreg:$0x4];
	vm0 =	vcmask $0xF00;
	v0 =	vand.u32 $0xFF, v0  }
0x6: {  	s6 =	srdreg.scid;
	s0 =	stileid.u32;
	vm5 =	vcmask $0x1310;
	v0 =	vnsel vm0, $0x3C7, v0  }
0x7: {  	vm6 =	vcmask $0x1714;
	s15 =	simm.s32 $0x80;
	s18 =	simm.s32 $0x1;
	s19 =	simm.s32 $0xA400;
	v0 =	vsel vm5, $0x104, v0  }
0x8: {  	vm7 =	vcmask $0x1B18;
	s20 =	simm.s32 $0xC400;
	s21 =	simm.s32 $0x16400;
	s22 =	simm.s32 $0x800;
	v0 =	vsel vm6, $0x145, v0  }
0x9: {  	vm8 =	vcmask $0x1F1C;
	s23 =	simm.s32 $0x640000;
	s7 =	sand.u32 $0x1, s6;
	s9 =	sshll.u32 s0, $0x1;
	v0 =	vsel vm7, $0x186, v0  }
0xa: {  	vm9 =	vcmask $0x2320;
	s29 =	simm.s32 $0x4;
	s1 =	simm.s32 $0x0;
	s12 =	sor.u32 s7, s9;
	v0 =	vsel vm8, $0x1C7, v0  }
0xb: {  	vm10 =	vcmask $0x2724;
	s6 =	simm.s32 $0x0;
	s11 =	ssub.s32 $0x2, s7;
	s13 =	smul.u32 $0xC80, s12;
	v0 =	vsel vm9, $0x200, v0  }
0xc: {  	vm11 =	vcmask $0x2B28;
	[smem:$0x7FF] =	sst s6;
	s7 =	sadd.s32 $0xF42C00, s2;
	s24 =	sshrl.u32 s11, $0x1;
	v1 =	vsel vm10, $0x241, v0  }
0xd: {  	vm12 =	vcmask $0x2F2C;
	vm13 =	vcmask $0x3330;
	_ =	strace $0x80000047;
	s9 =	smul.u32 $0x32000, s12;
	s26 =	sadd.s32 s4, s13;
	v2 =	vsel vm11, $0x282, v1  }
0xe: {  	vm14 =	vcmask $0x3734;
	vm15 =	vcmask $0x3B38;
	s25 =	ssub.s32 s11, s24;
	s28 =	sadd.s32 s8, s13;
	[dreg:$0x9] =	wrdreg s26;
	v3 =	vsel vm12, $0x2C3, v2  }
0xf: {  	v5 =	vimm.f32 $1.000000000e+00;
	s11 =	smul.u32 $0x6400, s12;
	s30 =	sadd.s32 s10, s13;
	[dreg:$0xa] =	wrdreg s28;
	v0 =	vlaneseq.u32;
	v3 =	vsel vm13, $0x304, v3  }
0x10: {  	s24 =	simm.s32 $0xE400;
	s31 =	smax.u32 s25, $0x1;
	[dreg:$0xb] =	wrdreg s30;
	v1 =	vimm.f32 $8.000000000e+00;
	v4 =	vshrl.u32 v0, $0x3;
	v3 =	vsel vm14, $0x345, v3  }
0x11: {  	s25 =	simm.s32 $0x2;
	[dreg:$0xc] =	wrdreg s31;
	s26 =	simm.s32 $0x12400;
	v2 =	vmul.u32 $0x40, v0;
	v4 =	vmul.u32 $0x8, v4;
	v3 =	vsel vm15, $0x386, v3  }
.LBB2_1:
0x12: {  	[dreg:$0xd] =	wrdreg s1  }
0x13: {  	s0 =	rddreg [dreg:$0x9];
	s28 =	simm.s32 $0x5  }
0x14: {  	[tilespmem:s6], [sflag:$0x5] =	stream.linear.gather [hbm4b:s0+s6], $0x6400, $0x38;
	[tilespmem:$0x1A600] =	vst v63  }
0x15: {  	_ =	swait.ge [sflag:s28], $0x6400  }
0x16: {  	[sflag:s28] =	ssyncset.done $0x0  }
0x17: {  	s30 =	simm.s32 $0x6400;
	[sflag:s28] =	ssyncadd.s32 $0xFFFF9C00  }
0x18: {  	[tilespmem:s30], [sflag:$0x1] =	stream.indirect.gather [hbm4b:s7+s15], $0x40, s6, s15, $0xb8;
	[tilespmem:$0x1A600] =	vst v63  }
0x19: {  	s31 =	simm.s32 $0x8400;
	s2 =	simm.s32 $0x0  }
0x1a: {  	[tilespmem:s31], [sflag:$0x1] =	stream.indirect.gather [hbm4b:s7+s15], $0x40, s15, s15, $0xb8;
	[tilespmem:$0x1A600] =	vst v63  }
.LBB2_2:
0x1b: {  	_ =	swait.ge [sflag:s18], $0x4000;
	s8 =	sshllo.u32 s2, $0x1  }
0x1c: {  	[sflag:s18] =	ssyncset.done $0x0;
	s4 =	sshll.u32 s8, $0x8  }
0x1d: {  	[sflag:s18] =	ssyncadd.s32 $0xFFFFC000;
	s10 =	sand.u32 $0x3FFFFF00, s4  }
0x1e: {  	[tilespmem:s19], [sflag:$0x2] =	stream.indirect.gather [hbm4b:s7+s15], $0x40, s10, s15, $0xb8;
	[tilespmem:$0x1A600] =	vst v63  }
0x1f: {  	p0 =	sne.s32 s2, $0x0;
	s4 =	sor.u32 $0x80, s10  }
0x20: {  	[tilespmem:s20], [sflag:$0x2] =	stream.indirect.gather [hbm4b:s7+s15], $0x40, s4, s15, $0xb8;
	[tilespmem:$0x1A600] =	vst v63  }
0x21: {  	s4 =	simm.s32 @p0 $0x3  }
0x22: {  	s12 =	simm.s32 $0x0;
	_ =	swait.ge @p0 [sflag:s4], $0x4000  }
0x23: {  	s12 =	sand.u32 $0xC, s12;
	[sflag:s4] =	ssyncset.done @p0 $0x0  }
0x24: {  	s31 =	simm.s32 $0x0;
	v10 =	vxor.u32 s12, v0;
	[sflag:s4] =	ssyncadd.s32 @p0 $0xFFFFC000;
	s4 =	simm.s32 $0x6480  }
0x25: {  	s13 =	simm.s32 $0x1;
	s1 =	simm.s32 $0x3;
	v7 =	vor.u32 s31, v10;
	v6 =	vld [tilespmem:s4+$0xFFFFFF80]  }
0x26: {  	s0 =	sand.u32 $0xD, s13;
	s13 =	sand.u32 $0xF, s1  }
0x27: {  	s14 =	simm.s32 $0x2;
	s17 =	simm.s32 $0xC0;
	v18 =	vxor.u32 s13, v0  }
0x28: {  	s5 =	simm.s32 $0x40;
	s14 =	sand.u32 $0xE, s14;
	v13 =	vxor.u32 s0, v0;
	v12 =	vor.u32 s17, v18;
	v11 =	vld [tilespmem:s4+$0x40]  }
0x29: {  	s30 =	simm.s32 $0x80;
	v15 =	vxor.u32 s14, v0;
	v9 =	vor.u32 s5, v13;
	v8 =	vld [tilespmem:s4+$0xFFFFFFC0]  }
0x2a: {  	v16 =	vor.u32 s30, v15;
	s31 =	simm.s32 $0x10;
	v14 =	vld [tilespmem:s4+$0x0];
	[tilespmem:v7+s21+$0x0] =	vst.idx.msk $0xffff, v6  }
0x2b: {  	v7 =	vor.u32 s31, v10;
	v6 =	vld [tilespmem:s4+$0xFFFFFF90]  }
0x2c: {  	s12 =	simm.s32 $0x6580  }
0x2d: {  	s0 =	simm.s32 $0xD0;
	v19 =	vld [tilespmem:s12+$0xFFFFFF80];
	[tilespmem:v12+s21+$0x0] =	vst.idx.msk $0xffff, v11  }
0x2e: {  	s5 =	simm.s32 $0x50;
	[tilespmem:v9+s21+$0x0] =	vst.idx.msk $0xffff, v8;
	v11 =	vor.u32 s0, v18;
	v8 =	vld [tilespmem:s4+$0x50]  }
0x2f: {  	s13 =	simm.s32 $0x4;
	s17 =	simm.s32 $0x90;
	v17 =	vor.u32 s5, v13;
	[tilespmem:v16+s21+$0x0] =	vst.idx.msk $0xffff, v14;
	v9 =	vld [tilespmem:s4+$0xFFFFFFD0]  }
0x30: {  	s1 =	simm.s32 $0x20;
	s30 =	sand.u32 $0xC, s13;
	v21 =	vor.u32 s17, v15;
	v12 =	vld [tilespmem:s4+$0x10];
	[tilespmem:v7+s21+$0x0] =	vst.idx.msk $0xffff, v6  }
0x31: {  	v14 =	vor.u32 s1, v10;
	s31 =	simm.s32 $0x100;
	v6 =	vxor.u32 s30, v0;
	v16 =	vld [tilespmem:s4+$0xFFFFFFA0]  }
0x32: {  	s28 =	simm.s32 $0x5;
	v20 =	vld [tilespmem:s12+$0x40];
	v22 =	vor.u32 s31, v6  }
0x33: {  	s28 =	sand.u32 $0xD, s28;
	v23 =	vld [tilespmem:s12+$0xFFFFFFC0];
	s0 =	simm.s32 $0xE0;
	s30 =	simm.s32 $0x6;
	[tilespmem:v11+s21+$0x0] =	vst.idx.msk $0xffff, v8  }
0x34: {  	s5 =	simm.s32 $0x140;
	v11 =	vor.u32 s0, v18;
	v8 =	vxor.u32 s28, v0;
	[tilespmem:v17+s21+$0x0] =	vst.idx.msk $0xffff, v9;
	s1 =	sand.u32 $0xE, s30;
	v24 =	vld [tilespmem:s4+$0x60]  }
0x35: {  	v26 =	vld [tilespmem:s12+$0x0];
	[tilespmem:v21+s21+$0x0] =	vst.idx.msk $0xffff, v12;
	v25 =	vor.u32 s5, v8;
	s30 =	simm.s32 $0x180;
	v7 =	vxor.u32 s1, v0  }
0x36: {  	s0 =	simm.s32 $0x60;
	s31 =	simm.s32 $0x7;
	[tilespmem:v14+s21+$0x0] =	vst.idx.msk $0xffff, v16;
	v14 =	vor.u32 s30, v7;
	v16 =	vld [tilespmem:s4+$0xFFFFFFE0]  }
0x37: {  	v28 =	vor.u32 s0, v13;
	s17 =	sand.u32 $0xF, s31;
	s1 =	simm.s32 $0xA0;
	[tilespmem:v22+s21+$0x0] =	vst.idx.msk $0xffff, v19;
	v19 =	vld [tilespmem:s4+$0x20]  }
0x38: {  	s5 =	simm.s32 $0x1C0;
	v9 =	vxor.u32 s17, v0;
	v21 =	vor.u32 s1, v15;
	v27 =	vld [tilespmem:s4+$0xFFFFFFB0]  }
0x39: {  	v22 =	vor.u32 s5, v9;
	s30 =	simm.s32 $0x110;
	[tilespmem:v11+s21+$0x0] =	vst.idx.msk $0xffff, v24;
	v29 =	vld [tilespmem:s12+$0xFFFFFF90]  }
0x3a: {  	s31 =	simm.s32 $0x30;
	[tilespmem:v25+s21+$0x0] =	vst.idx.msk $0xffff, v23;
	v63 =	vor.u32 s30, v6;
	v11 =	vld [tilespmem:s4+$0x70]  }
0x3b: {  	v23 =	vor.u32 s31, v10;
	v17 =	vld [tilespmem:s12+$0xFFFFFFD0];
	[tilespmem:v14+s21+$0x0] =	vst.idx.msk $0xffff, v26  }
0x3c: {  	s1 =	simm.s32 $0x150;
	[tilespmem:v28+s21+$0x0] =	vst.idx.msk $0xffff, v16;
	v12 =	vld [tilespmem:s12+$0x10]  }
0x3d: {  	s28 =	simm.s32 $0x70;
	[tilespmem:v21+s21+$0x0] =	vst.idx.msk $0xffff, v19;
	v21 =	vor.u32 s1, v8;
	v16 =	vld [tilespmem:s4+$0xFFFFFFF0]  }
0x3e: {  	s16 =	simm.s32 $0xF0;
	s0 =	simm.s32 $0x120;
	s5 =	simm.s32 $0xB0;
	[tilespmem:v22+s21+$0x0] =	vst.idx.msk $0xffff, v20;
	v19 =	vor.u32 s28, v13;
	v14 =	vld [tilespmem:s4+$0x30]  }
0x3f: {  	s14 =	simm.s32 $0x1F0;
	s17 =	simm.s32 $0x190;
	v10 =	vor.u32 s0, v6;
	s31 =	simm.s32 $0x1D0;
	v15 =	vor.u32 s5, v15;
	[tilespmem:v63+s21+$0x0] =	vst.idx.msk $0xffff, v29;
	v20 =	vld [tilespmem:s12+$0x50]  }
0x40: {  	s28 =	simm.s32 $0x1E0;
	v22 =	vor.u32 s31, v9;
	v13 =	vor.u32 s16, v18;
	s16 =	simm.s32 $0x6680;
	s4 =	simm.s32 $0x2F0;
	[tilespmem:v23+s21+$0x0] =	vst.idx.msk $0xffff, v27;
	v18 =	vld [tilespmem:s12+$0xFFFFFFA0]  }
.LBB2_3:
0x41: {  	s30 =	sadd.s32 $0x5, s13  }
0x42: {  	v23 =	vld [tilespmem:s16+$0xFFFFFF80];
	s31 =	sadd.s32 $0x6, s13;
	[tilespmem:v21+s21+$0x0] =	vst.idx.msk $0xffff, v17;
	s0 =	smov.u32 s13;
	s13 =	sadd.s32 $0x4, s13  }
0x43: {  	v17 =	vor.u32 s17, v7;
	v21 =	vor.u32 s28, v9;
	s1 =	sand.u32 $0xC, s13;
	s30 =	sand.u32 $0xD, s30;
	s31 =	sand.u32 $0xE, s31;
	v24 =	vld [tilespmem:s16+$0x40];
	[tilespmem:v19+s21+$0x0] =	vst.idx.msk $0xffff, v16  }
0x44: {  	s17 =	sadd.s32 $0xFFFFFF30, s4;
	s0 =	sadd.s32 $0x7, s0;
	v16 =	vxor.u32 s1, v0;
	s1 =	sadd.s32 $0xFFFFFF10, s4;
	v25 =	vxor.u32 s30, v0;
	v26 =	vxor.u32 s31, v0;
	[tilespmem:v15+s21+$0x0] =	vst.idx.msk $0xffff, v14  }
0x45: {  	s0 =	sand.u32 $0xF, s0;
	v14 =	vor.u32 s1, v16;
	v15 =	vor.u32 s17, v16;
	s1 =	sadd.s32 $0xFFFFFF50, s4;
	v19 =	vld [tilespmem:s16+$0xFFFFFFC0];
	s17 =	sadd.s32 $0xFFFFFFA0, s4;
	[tilespmem:v22+s21+$0x0] =	vst.idx.msk $0xffff, v20  }
0x46: {  	s28 =	sadd.s32 $0xFFFFFFF0, s4;
	p0 =	slt.u32 s13, $0xFC;
	v27 =	vxor.u32 s0, v0;
	v20 =	vor.u32 s1, v25;
	s1 =	sadd.s32 $0xFFFFFF90, s4;
	v22 =	vld [tilespmem:s12+$0x60];
	[tilespmem:v13+s21+$0x0] =	vst.idx.msk $0xffff, v11  }
0x47: {  	v13 =	vld [tilespmem:s16+$0x0];
	v28 =	vor.u32 s1, v26;
	[tilespmem:v10+s21+$0x0] =	vst.idx.msk $0xffff, v18;
	v10 =	vmov v15  }
0x48: {  	s0 =	sadd.s32 $0xFFFFFFD0, s4;
	s1 =	sadd.s32 $0xFFFFFF70, s14;
	v29 =	vld [tilespmem:s12+$0xFFFFFFB0]  }
0x49: {  	v15 =	vor.u32 s0, v27;
	s0 =	sadd.s32 $0xFFFFFFB0, s14;
	v30 =	vor.u32 s1, v8;
	v18 =	vld [tilespmem:s12+$0xFFFFFFE0];
	[tilespmem:v17+s21+$0x0] =	vst.idx.msk $0xffff, v12  }
0x4a: {  	[tilespmem:v14+s21+$0x0] =	vst.idx.msk $0xffff, v23;
	v14 =	vld [tilespmem:s12+$0x20];
	v23 =	vor.u32 s0, v7  }
0x4b: {  	s0 =	sadd.s32 $0xFFFFFF20, s4;
	v31 =	vld [tilespmem:s16+$0xFFFFFF90];
	[tilespmem:v21+s21+$0x0] =	vst.idx.msk $0xffff, v22  }
0x4c: {  	v22 =	vor.u32 s0, v16;
	s0 =	sadd.s32 $0xFFFFFF40, s14;
	[tilespmem:v20+s21+$0x0] =	vst.idx.msk $0xffff, v19;
	v11 =	vld [tilespmem:s12+$0x70]  }
0x4d: {  	s1 =	sadd.s32 $0xFFFFFF60, s4;
	v17 =	vld [tilespmem:s16+$0xFFFFFFD0];
	[tilespmem:v28+s21+$0x0] =	vst.idx.msk $0xffff, v13;
	v28 =	vor.u32 s0, v6;
	v6 =	vmov v16  }
.Ltmp0:
0x4e: {  	v21 =	vor.u32 s1, v25;
	s0 =	sadd.s32 $0xFFFFFF80, s14;
	v12 =	vld [tilespmem:s16+$0x10];
	[tilespmem:v30+s21+$0x0] =	vst.idx.msk $0xffff, v18;
	(pc) =	sbr.rel @p0 .LBB2_3-.Ltmp0, $4  }
0x4f: {  	v19 =	vor.u32 s0, v8;
	s0 =	sadd.s32 $0xFFFFFFC0, s14;
	v8 =	vmov v25;
	v16 =	vld [tilespmem:s12+$0xFFFFFFF0];
	[tilespmem:v23+s21+$0x0] =	vst.idx.msk $0xffff, v14  }
0x50: {  	s1 =	sadd.s32 $0xFFFFFFE0, s4;
	[tilespmem:v15+s21+$0x0] =	vst.idx.msk $0xffff, v24;
	v14 =	vld [tilespmem:s12+$0x30];
	v15 =	vor.u32 s0, v7;
	v7 =	vmov v26;
	s12 =	smov.u32 s16  }
0x51: {  	v13 =	vor.u32 s14, v9;
	v9 =	vmov v27;
	s14 =	smov.u32 s4;
	[tilespmem:v22+s21+$0x0] =	vst.idx.msk $0xffff, v31;
	v20 =	vld [tilespmem:s16+$0x50];
	v22 =	vor.u32 s1, v27  }
0x52: {  	s4 =	sadd.s32 $0x100, s4;
	s16 =	sadd.s32 $0x100, s16;
	v18 =	vld [tilespmem:s12+$0xFFFFFFA0];
	[tilespmem:v28+s21+$0x0] =	vst.idx.msk $0xffff, v29  }
0x53: {  	_ = 	snop  }
0x54: {  	v23 =	vor.u32 s17, v7;
	_ =	sdelay $0x2  }
0x55: {  	[tilespmem:v21+s21+$0x0] =	vst.idx.msk $0xffff, v17;
	s0 =	sadd.s32 $0xFFFFFF70, s14  }
0x56: {  	v17 =	vld [tilespmem:s12+$0xFFFFFFE0];
	v56 =	vor.u32 s0, v8;
	[tilespmem:v22+s21+$0x0] =	vst.idx.msk $0xffff, v20  }
0x57: {  	s17 =	sadd.s32 $0xFFFFFFB0, s14;
	v58 =	vor.u32 s28, v9;
	v59 =	vld [tilespmem:s12+$0x60];
	[tilespmem:v23+s21+$0x0] =	vst.idx.msk $0xffff, v12  }
0x58: {  	v57 =	vor.u32 s17, v7;
	v12 =	vld [tilespmem:s12+$0x20]  }
0x59: {  	[tilespmem:v13+s21+$0x0] =	vst.idx.msk $0xffff, v11  }
0x5a: {  	s28 =	sadd.s32 $0xFFFFFF40, s14;
	[tilespmem:v10+s21+$0x0] =	vst.idx.msk $0xffff, v18  }
0x5b: {  	s30 =	sadd.s32 $0xFFFFFF80, s14;
	v6 =	vor.u32 s28, v6;
	v10 =	vld [tilespmem:s12+$0xFFFFFFB0];
	[tilespmem:v56+s21+$0x0] =	vst.idx.msk $0xffff, v17  }
0x5c: {  	v61 =	vor.u32 s30, v8;
	v60 =	vld [tilespmem:s12+$0xFFFFFFF0];
	[tilespmem:v58+s21+$0x0] =	vst.idx.msk $0xffff, v59  }
0x5d: {  	s31 =	sadd.s32 $0xFFFFFFC0, s14;
	v63 =	vor.u32 s14, v9;
	v62 =	vld [tilespmem:s12+$0x70];
	[tilespmem:v57+s21+$0x0] =	vst.idx.msk $0xffff, v12  }
0x5e: {  	[tilespmem:v19+s21+$0x0] =	vst.idx.msk $0xffff, v16;
	v7 =	vor.u32 s31, v7;
	v12 =	vld [tilespmem:s12+$0x30]  }
0x5f: {  	[tilespmem:v15+s21+$0x0] =	vst.idx.msk $0xffff, v14  }
0x60: {  	[tilespmem:v6+s21+$0x0] =	vst.idx.msk $0xffff, v10  }
0x61: {  	[tilespmem:v61+s21+$0x0] =	vst.idx.msk $0xffff, v60  }
0x62: {  	s4 =	sshll.u32 s2, $0x9;
	[tilespmem:v63+s21+$0x0] =	vst.idx.msk $0xffff, v62  }
0x63: {  	s13 =	simm.s32 $0x0;
	s14 =	simm.s32 $0x0;
	s12 =	sand.u32 $0x3FFFFE00, s4;
	[tilespmem:v7+s21+$0x0] =	vst.idx.msk $0xffff, v12  }
.LBB2_5:
0x64: {  	s0 =	sshll.u32 s14, $0x4  }
0x65: {  	s1 =	sand.u32 $0x3FFFFF80, s0  }
0x66: {  	s0 =	sand.u32 $0x70, s0;
	s1 =	sadd.s32 s1, s12  }
0x67: {  	s0 =	sadd.s32 s0, s1  }
0x68: {  	v6 =	vld [tilespmem:s0+$0x0];
	s0 =	simm.s32 $0x0  }
0x69: {  	s31 =	sshll.u32 s14, $0xA;
	s4 =	sand.u32 $0x8, s0  }
0x6a: {  	v7 =	vor.u32 s31, v2;
	v8 =	vor.u32 s31, v3;
	s5 =	sor.u32 $0x1, s4;
	s16 =	sor.u32 $0x2, s4  }
0x6b: {  	v9 =	vxor.u32 s4, v4;
	s17 =	sor.u32 $0x4, s4;
	s28 =	sor.u32 $0x3, s4;
	s30 =	sor.u32 $0x5, s4;
	v10 =	vxor.u32 s5, v0;
	v11 =	vxor.u32 s16, v0  }
0x6c: {  	s31 =	sor.u32 $0x7, s4;
	v12 =	vxor.u32 s17, v0;
	v13 =	vxor.u32 s30, v0;
	v14 =	vxor.u32 s28, v0  }
0x6d: {  	s0 =	sand.u32 $0x30, s0;
	s4 =	sor.u32 $0x6, s4;
	v9 =	vor.u32 v9, v8;
	v15 =	vxor.u32 s31, v0;
	v11 =	vor.u32 v11, v7  }
0x6e: {  	v16 =	vxor.u32 s4, v0;
	v14 =	vor.u32 v14, v7;
	v11 =	vor.u32 s0, v11  }
0x6f: {  	v13 =	vor.u32 v13, v7;
	v12 =	vor.u32 v12, v7;
	v14 =	vor.u32 s0, v14  }
0x70: {  	v10 =	vor.u32 v10, v7;
	v16 =	vor.u32 v16, v7;
	v13 =	vor.u32 s0, v13  }
0x71: {  	s16 =	simm.s32 $0x8;
	v9 =	vor.u32 s0, v9;
	vm0 =	veq.s32 v6, $0x0;
	v17 =	vor.u32 s0, v12  }
0x72: {  	s1 =	sand.u32 $0x8, s16;
	v12 =	vor.u32 v15, v7;
	v16 =	vor.u32 s0, v16;
	v25 =	vor.u32 s0, v10  }
0x73: {  	v10 =	vxor.u32 s1, v4;
	s5 =	sor.u32 $0x1, s1;
	s17 =	sor.u32 $0x2, s1;
	s31 =	sor.u32 $0x4, s1;
	v6 =	vsel vm0, $0x0, v1;
	v18 =	vor.u32 s0, v12;
	v11 =	vld.idx.msk [tilespmem:v11+s21+$0x0], $0xffff  }
0x74: {  	s28 =	sshll.u32 s14, $0x9;
	v19 =	vxor.u32 s5, v0;
	v20 =	vxor.u32 s17, v0;
	s5 =	sor.u32 $0x5, s1;
	v22 =	vxor.u32 s31, v0;
	s31 =	sor.u32 $0x6, s1;
	v14 =	vld.idx.msk [tilespmem:v14+s21+$0x0], $0xffff  }
0x75: {  	s30 =	sor.u32 $0x3, s1;
	s17 =	sand.u32 $0x7, s13;
	v10 =	vor.u32 v10, v8;
	v24 =	vxor.u32 s5, v0;
	s5 =	sor.u32 $0x7, s1;
	v26 =	vxor.u32 s31, v0;
	v12 =	vld.idx.msk [tilespmem:v13+s21+$0x0], $0xffff  }
0x76: {  	s4 =	sshll.u32 s17, $0x6;
	v23 =	vor.u32 v22, v7;
	v21 =	vxor.u32 s5, v0;
	v13 =	vxor.u32 s30, v0;
	s30 =	sand.u32 $0xFFFFF000, s28;
	v15 =	vld.idx.msk [tilespmem:v17+s21+$0x0], $0xffff  }
0x77: {  	v27 =	vor.u32 v21, v7;
	v17 =	vor.u32 v19, v7;
	v19 =	vld.idx.msk [tilespmem:v16+s21+$0x0], $0xffff;
	s28 =	sand.u32 $0x30, s16;
	v16 =	vor.u32 v20, v7;
	s31 =	sor.u32 s4, s30  }
0x78: {  	v20 =	vor.u32 v24, v7;
	v13 =	vor.u32 v13, v7;
	v21 =	vor.u32 s28, v16;
	v16 =	vld.idx.msk [tilespmem:v9+s21+$0x0], $0xffff;
	s0 =	sshrl.u32 s31, $0x2  }
0x79: {  	v24 =	vor.u32 v26, v7;
	v9 =	vor.u32 s28, v10;
	v18 =	vld.idx.msk [tilespmem:v18+s21+$0x0], $0xffff;
	v22 =	vor.u32 s28, v13;
	s17 =	sadd.s32 $0xE600, s0  }
0x7a: {  	v10 =	vor.u32 s28, v17;
	v20 =	vor.u32 s28, v20;
	v17 =	vld.idx.msk [tilespmem:v25+s21+$0x0], $0xffff;
	v13 =	vor.u32 s28, v27;
	s4 =	smov.u32 s17  }
.LBB2_6:
0x7b: {  	s16 =	sadd.s32 $0x8, s16;
	v23 =	vor.u32 s28, v23;
	v25 =	vmul.f32 v11, v6;
	v26 =	vmul.f32 v14, v6;
	s17 =	sadd.s32 $0x800, s17  }
0x7c: {  	v24 =	vor.u32 s28, v24;
	v27 =	vmul.f32 v15, v6;
	v15 =	vmul.f32 v19, v6;
	s0 =	sand.u32 $0x8, s16;
	p0 =	slt.u32 s16, $0x38  }
0x7d: {  	v19 =	vxor.u32 s0, v4;
	s1 =	sor.u32 $0x1, s0;
	s28 =	sor.u32 $0x2, s0;
	s30 =	sor.u32 $0x3, s0;
	v11 =	vld.idx.msk [tilespmem:v21+s21+$0x0], $0xffff;
	[tilespmem:s4+$0xFFFFFF00] =	vst v25;
	v21 =	vmul.f32 v12, v6  }
0x7e: {  	s31 =	sor.u32 $0x6, s0;
	v29 =	vmul.f32 v16, v6;
	v25 =	vxor.u32 s1, v0;
	v28 =	vxor.u32 s28, v0;
	s1 =	sor.u32 $0x4, s0;
	s28 =	sor.u32 $0x5, s0;
	v14 =	vld.idx.msk [tilespmem:v22+s21+$0x0], $0xffff;
	[tilespmem:s4+$0x100] =	vst v15  }
0x7f: {  	s0 =	sor.u32 $0x7, s0;
	v18 =	vmul.f32 v18, v6;
	v16 =	vxor.u32 s1, v0;
	v22 =	vxor.u32 s28, v0;
	v12 =	vld.idx.msk [tilespmem:v20+s21+$0x0], $0xffff;
	[tilespmem:s4+$0xFFFFFF80] =	vst v26  }
0x80: {  	v20 =	vor.u32 v19, v8;
	v26 =	vxor.u32 s30, v0;
	v30 =	vxor.u32 s0, v0;
	v15 =	vld.idx.msk [tilespmem:v23+s21+$0x0], $0xffff;
	[tilespmem:s4+$0x0] =	vst v27  }
.Ltmp1:
0x81: {  	v25 =	vor.u32 v25, v7;
	v17 =	vmul.f32 v17, v6;
	v27 =	vxor.u32 s31, v0;
	v19 =	vld.idx.msk [tilespmem:v24+s21+$0x0], $0xffff;
	[tilespmem:s4+$0x80] =	vst v21;
	(pc) =	sbr.rel @p0 .LBB2_6-.Ltmp1, $4  }
0x82: {  	s28 =	sand.u32 $0x30, s16;
	v21 =	vor.u32 v28, v7;
	v24 =	vor.u32 v26, v7;
	v26 =	vor.u32 v30, v7;
	[tilespmem:s4+$0x180] =	vst v18  }
0x83: {  	v23 =	vor.u32 v16, v7;
	v28 =	vor.u32 v22, v7;
	v21 =	vor.u32 s28, v21;
	v16 =	vld.idx.msk [tilespmem:v9+s21+$0x0], $0xffff;
	[tilespmem:s4+$0xFFFFFE80] =	vst v17  }
0x84: {  	v25 =	vor.u32 s28, v25;
	v22 =	vor.u32 s28, v24;
	v9 =	vor.u32 s28, v20;
	v18 =	vld.idx.msk [tilespmem:v13+s21+$0x0], $0xffff;
	[tilespmem:s4+$0xFFFFFE00] =	vst v29;
	s4 =	smov.u32 s17  }
0x85: {  	v24 =	vor.u32 v27, v7;
	v20 =	vor.u32 s28, v28;
	v13 =	vor.u32 s28, v26;
	v17 =	vld.idx.msk [tilespmem:v10+s21+$0x0], $0xffff;
	v10 =	vmovc v25  }
0x86: {  	_ = 	snop  }
0x87: {  	v8 =	vmul.f32 v11, v6  }
0x88: {  	v19 =	vmul.f32 v19, v6  }
0x89: {  	v7 =	vor.u32 s28, v24;
	v14 =	vmul.f32 v14, v6;
	[tilespmem:s4+$0xFFFFFF00] =	vst v8  }
0x8a: {  	v52 =	vor.u32 s28, v23;
	v53 =	vmul.f32 v15, v6;
	v54 =	vld.idx.msk [tilespmem:v21+s21+$0x0], $0xffff;
	[tilespmem:s4+$0x100] =	vst v19  }
0x8b: {  	v12 =	vmul.f32 v12, v6;
	v55 =	vld.idx.msk [tilespmem:v22+s21+$0x0], $0xffff;
	[tilespmem:s4+$0xFFFFFF80] =	vst v14  }
0x8c: {  	v60 =	vld.idx.msk [tilespmem:v13+s21+$0x0], $0xffff;
	[tilespmem:s4+$0x0] =	vst v53;
	v58 =	vmul.f32 v16, v6  }
0x8d: {  	v10 =	vld.idx.msk [tilespmem:v10+s21+$0x0], $0xffff;
	[tilespmem:s4+$0x80] =	vst v12;
	v18 =	vmul.f32 v18, v6  }
0x8e: {  	v57 =	vmul.f32 v17, v6;
	[tilespmem:s4+$0xFFFFFE00] =	vst v58;
	v7 =	vld.idx.msk [tilespmem:v7+s21+$0x0], $0xffff  }
0x8f: {  	v56 =	vld.idx.msk [tilespmem:v52+s21+$0x0], $0xffff;
	[tilespmem:s4+$0x180] =	vst v18;
	v61 =	vmul.f32 v54, v6  }
0x90: {  	v59 =	vld.idx.msk [tilespmem:v20+s21+$0x0], $0xffff;
	s0 =	sadd.s32 $0x800, s17;
	v62 =	vmul.f32 v55, v6;
	[tilespmem:s4+$0xFFFFFE80] =	vst v57  }
0x91: {  	v9 =	vld.idx.msk [tilespmem:v9+s21+$0x0], $0xffff;
	v11 =	vmul.f32 v60, v6;
	[tilespmem:s0+$0xFFFFFF00] =	vst v61  }
0x92: {  	s14 =	sadd.s32 $0x1, s14;
	v63 =	vmul.f32 v10, v6;
	[tilespmem:s0+$0xFFFFFF80] =	vst v62  }
0x93: {  	p0 =	sne.s32 s14, $0x10;
	[tilespmem:s0+$0x180] =	vst v11;
	v7 =	vmul.f32 v7, v6  }
.Ltmp2:
0x94: {  	[tilespmem:s0+$0xFFFFFE80] =	vst v63;
	v8 =	vmul.f32 v56, v6;
	(pc) =	sbr.rel @p0 .LBB2_5-.Ltmp2, $4  }
0x95: {  	[tilespmem:s0+$0x100] =	vst v7;
	v7 =	vmul.f32 v59, v6  }
0x96: {  	[tilespmem:s0+$0x0] =	vst v8;
	v6 =	vmul.f32 v9, v6  }
0x97: {  	[tilespmem:s0+$0x80] =	vst v7  }
0x98: {  	s13 =	sadd.s32 $0x1, s13;
	[tilespmem:s0+$0xFFFFFE00] =	vst v6  }
0x99: {  	s0 =	sshll.u32 s2, $0xC  }
0x9a: {  	s0 =	sadd.s32 s9, s0  }
0x9b: {  	s0 =	sshrl.u32 s0, $0x3  }
0x9c: {  	s0 =	sadd.s32 s3, s0  }
0x9d: {  	[hbm4b:s0+s22] =	stream.strided.scatter [tilespmem:s24], [sflag:$0x3], $0x4000, s23, s22, $0x38;
	[tilespmem:$0x1A600] =	vst v63  }
0x9e: {  	p0 =	seq.s32 s2, $0x31;
	_ =	swait.ge [sflag:s25], $0x4000  }
0x9f: {  	s1 =	simm.s32 @!p0 $0x80;
	[sflag:s25] =	ssyncset.done $0x0  }
0xa0: {  	s4 =	simm.s32 @!p0 $0x6400;
	s0 =	sadd.s32 @!p0 $0x200, s12;
	[sflag:s25] =	ssyncadd.s32 $0xFFFFC000  }
0xa1: {  	[tilespmem:s4], [sflag:$0x1] =	stream.indirect.gather @!p0 [hbm4b:s7+s1], $0x40, s0, s1, $0xb8;
	[tilespmem:$0x1A600] =	vst v63  }
0xa2: {  	p1 =	seq.s32 @!p0 s2, $0x0;
	s0 =	sadd.s32 @!p0 $0x280, s12;
	s4 =	simm.s32 @!p0 $0x8400  }
0xa3: {  	[tilespmem:s4], [sflag:$0x1] =	stream.indirect.gather @!p0 [hbm4b:s7+s1], $0x40, s0, s1, $0xb8;
	[tilespmem:$0x1A600] =	vst v63  }
0xa4: {  	p0 =	por p0, !p1  }
0xa5: {  	s4 =	simm.s32 $0x0;
	_ =	swait.ge @p0 [sflag:s29], $0x4000  }
0xa6: {  	s5 =	simm.s32 $0x0;
	s0 =	sand.u32 $0xC, s4;
	[sflag:s29] =	ssyncset.done @p0 $0x0  }
0xa7: {  	s12 =	simm.s32 $0x1;
	s4 =	simm.s32 $0xA480;
	v10 =	vxor.u32 s0, v0;
	[sflag:s29] =	ssyncadd.s32 @p0 $0xFFFFC000  }
0xa8: {  	s14 =	simm.s32 $0x3;
	s13 =	sand.u32 $0xD, s12;
	v7 =	vor.u32 s5, v10;
	v6 =	vld [tilespmem:s4+$0xFFFFFF80]  }
0xa9: {  	s16 =	simm.s32 $0x2;
	s17 =	simm.s32 $0x40;
	v13 =	vxor.u32 s13, v0;
	s1 =	sand.u32 $0xF, s14  }
0xaa: {  	s30 =	simm.s32 $0xC0;
	s12 =	sand.u32 $0xE, s16;
	v9 =	vor.u32 s17, v13;
	v18 =	vxor.u32 s1, v0;
	v8 =	vld [tilespmem:s4+$0xFFFFFFC0]  }
0xab: {  	s31 =	simm.s32 $0x80;
	v16 =	vxor.u32 s12, v0;
	v12 =	vor.u32 s30, v18;
	v11 =	vld [tilespmem:s4+$0x40]  }
0xac: {  	v15 =	vor.u32 s31, v16;
	v14 =	vld [tilespmem:s4+$0x0]  }
0xad: {  	s5 =	simm.s32 $0x10;
	[tilespmem:v7+s21+$0x0] =	vst.idx.msk $0xffff, v6  }
0xae: {  	v7 =	vor.u32 s5, v10;
	v6 =	vld [tilespmem:s4+$0xFFFFFF90]  }
0xaf: {  	[tilespmem:v9+s21+$0x0] =	vst.idx.msk $0xffff, v8  }
0xb0: {  	s12 =	simm.s32 $0xD0;
	[tilespmem:v12+s21+$0x0] =	vst.idx.msk $0xffff, v11;
	v9 =	vld [tilespmem:s4+$0xFFFFFFD0]  }
0xb1: {  	s13 =	simm.s32 $0x20;
	s14 =	simm.s32 $0x50;
	[tilespmem:v15+s21+$0x0] =	vst.idx.msk $0xffff, v14;
	v11 =	vor.u32 s12, v18;
	v8 =	vld [tilespmem:s4+$0x50]  }
0xb2: {  	s16 =	simm.s32 $0x90;
	v17 =	vor.u32 s14, v13;
	v14 =	vor.u32 s13, v10;
	s12 =	simm.s32 $0xA580;
	s13 =	simm.s32 $0x4;
	v12 =	vld [tilespmem:s4+$0x10]  }
0xb3: {  	v21 =	vor.u32 s16, v16;
	v19 =	vld [tilespmem:s12+$0xFFFFFF80];
	s17 =	sand.u32 $0xC, s13;
	[tilespmem:v7+s21+$0x0] =	vst.idx.msk $0xffff, v6  }
0xb4: {  	s30 =	simm.s32 $0x100;
	v6 =	vxor.u32 s17, v0;
	v15 =	vld [tilespmem:s4+$0xFFFFFFA0]  }
0xb5: {  	s14 =	simm.s32 $0x5;
	v20 =	vld [tilespmem:s12+$0x40];
	v22 =	vor.u32 s30, v6  }
0xb6: {  	s31 =	simm.s32 $0xE0;
	s16 =	simm.s32 $0x6;
	s14 =	sand.u32 $0xD, s14;
	v23 =	vld [tilespmem:s12+$0xFFFFFFC0];
	[tilespmem:v11+s21+$0x0] =	vst.idx.msk $0xffff, v8  }
0xb7: {  	s5 =	sand.u32 $0xE, s16;
	s16 =	simm.s32 $0x140;
	v11 =	vor.u32 s31, v18;
	v8 =	vxor.u32 s14, v0;
	[tilespmem:v17+s21+$0x0] =	vst.idx.msk $0xffff, v9;
	v24 =	vld [tilespmem:s4+$0x60]  }
0xb8: {  	v26 =	vld [tilespmem:s12+$0x0];
	v7 =	vxor.u32 s5, v0;
	s17 =	simm.s32 $0x180;
	[tilespmem:v21+s21+$0x0] =	vst.idx.msk $0xffff, v12;
	v25 =	vor.u32 s16, v8  }
0xb9: {  	s31 =	simm.s32 $0x60;
	s30 =	simm.s32 $0x7;
	[tilespmem:v14+s21+$0x0] =	vst.idx.msk $0xffff, v15;
	v14 =	vor.u32 s17, v7;
	v15 =	vld [tilespmem:s4+$0xFFFFFFE0]  }
0xba: {  	s5 =	simm.s32 $0xA0;
	v28 =	vor.u32 s31, v13;
	s1 =	sand.u32 $0xF, s30;
	[tilespmem:v22+s21+$0x0] =	vst.idx.msk $0xffff, v19;
	v19 =	vld [tilespmem:s4+$0x20]  }
0xbb: {  	s14 =	simm.s32 $0x1C0;
	v21 =	vor.u32 s5, v16;
	v9 =	vxor.u32 s1, v0;
	v27 =	vld [tilespmem:s4+$0xFFFFFFB0]  }
0xbc: {  	s16 =	simm.s32 $0x110;
	v22 =	vor.u32 s14, v9;
	[tilespmem:v11+s21+$0x0] =	vst.idx.msk $0xffff, v24;
	v29 =	vld [tilespmem:s12+$0xFFFFFF90]  }
0xbd: {  	v63 =	vor.u32 s16, v6;
	[tilespmem:v25+s21+$0x0] =	vst.idx.msk $0xffff, v23;
	s17 =	simm.s32 $0x30;
	v11 =	vld [tilespmem:s4+$0x70]  }
0xbe: {  	v17 =	vld [tilespmem:s12+$0xFFFFFFD0];
	v23 =	vor.u32 s17, v10;
	[tilespmem:v14+s21+$0x0] =	vst.idx.msk $0xffff, v26  }
0xbf: {  	s31 =	simm.s32 $0x150;
	[tilespmem:v28+s21+$0x0] =	vst.idx.msk $0xffff, v15;
	v12 =	vld [tilespmem:s12+$0x10]  }
0xc0: {  	s5 =	simm.s32 $0x70;
	s30 =	simm.s32 $0x120;
	[tilespmem:v21+s21+$0x0] =	vst.idx.msk $0xffff, v19;
	v21 =	vor.u32 s31, v8;
	v15 =	vld [tilespmem:s4+$0xFFFFFFF0]  }
0xc1: {  	s28 =	simm.s32 $0x1E0;
	v10 =	vor.u32 s30, v6;
	s30 =	simm.s32 $0xB0;
	[tilespmem:v22+s21+$0x0] =	vst.idx.msk $0xffff, v20;
	v19 =	vor.u32 s5, v13;
	v14 =	vld [tilespmem:s4+$0x30]  }
0xc2: {  	s16 =	simm.s32 $0xF0;
	s14 =	simm.s32 $0x1F0;
	v16 =	vor.u32 s30, v16;
	s31 =	simm.s32 $0x1D0;
	[tilespmem:v63+s21+$0x0] =	vst.idx.msk $0xffff, v29;
	v20 =	vld [tilespmem:s12+$0x50]  }
0xc3: {  	s17 =	simm.s32 $0x190;
	v13 =	vor.u32 s16, v18;
	s16 =	simm.s32 $0xA680;
	v22 =	vor.u32 s31, v9;
	s4 =	simm.s32 $0x2F0;
	[tilespmem:v23+s21+$0x0] =	vst.idx.msk $0xffff, v27;
	v18 =	vld [tilespmem:s12+$0xFFFFFFA0]  }
.LBB2_9:
0xc4: {  	s0 =	sadd.s32 $0x5, s13  }
0xc5: {  	v23 =	vld [tilespmem:s16+$0xFFFFFF80];
	s1 =	sadd.s32 $0x6, s13;
	[tilespmem:v21+s21+$0x0] =	vst.idx.msk $0xffff, v17;
	s30 =	smov.u32 s13;
	s13 =	sadd.s32 $0x4, s13  }
0xc6: {  	v17 =	vor.u32 s17, v7;
	v21 =	vor.u32 s28, v9;
	s31 =	sand.u32 $0xC, s13;
	s0 =	sand.u32 $0xD, s0;
	s1 =	sand.u32 $0xE, s1;
	v24 =	vld [tilespmem:s16+$0x40];
	[tilespmem:v19+s21+$0x0] =	vst.idx.msk $0xffff, v15  }
0xc7: {  	s17 =	sadd.s32 $0xFFFFFF10, s4;
	s28 =	sadd.s32 $0xFFFFFF30, s4;
	v15 =	vxor.u32 s31, v0;
	v25 =	vxor.u32 s0, v0;
	v26 =	vxor.u32 s1, v0;
	s0 =	sadd.s32 $0x7, s30;
	[tilespmem:v16+s21+$0x0] =	vst.idx.msk $0xffff, v14  }
0xc8: {  	s1 =	sadd.s32 $0xFFFFFF50, s4;
	v14 =	vor.u32 s17, v15;
	v16 =	vor.u32 s28, v15;
	v19 =	vld [tilespmem:s16+$0xFFFFFFC0];
	s17 =	sadd.s32 $0xFFFFFFA0, s4;
	s0 =	sand.u32 $0xF, s0;
	[tilespmem:v22+s21+$0x0] =	vst.idx.msk $0xffff, v20  }
0xc9: {  	p0 =	slt.u32 s13, $0xFC;
	v20 =	vor.u32 s1, v25;
	s1 =	sadd.s32 $0xFFFFFF90, s4;
	s28 =	sadd.s32 $0xFFFFFFF0, s4;
	v27 =	vxor.u32 s0, v0;
	v22 =	vld [tilespmem:s12+$0x60];
	[tilespmem:v13+s21+$0x0] =	vst.idx.msk $0xffff, v11  }
0xca: {  	v28 =	vor.u32 s1, v26;
	v13 =	vld [tilespmem:s16+$0x0];
	[tilespmem:v10+s21+$0x0] =	vst.idx.msk $0xffff, v18;
	v10 =	vmov v16  }
0xcb: {  	s0 =	sadd.s32 $0xFFFFFFD0, s4;
	s1 =	sadd.s32 $0xFFFFFF70, s14;
	v29 =	vld [tilespmem:s12+$0xFFFFFFB0]  }
0xcc: {  	v16 =	vor.u32 s0, v27;
	v30 =	vor.u32 s1, v8;
	s0 =	sadd.s32 $0xFFFFFFB0, s14;
	v18 =	vld [tilespmem:s12+$0xFFFFFFE0];
	[tilespmem:v17+s21+$0x0] =	vst.idx.msk $0xffff, v12  }
0xcd: {  	[tilespmem:v14+s21+$0x0] =	vst.idx.msk $0xffff, v23;
	v14 =	vld [tilespmem:s12+$0x20];
	v23 =	vor.u32 s0, v7  }
0xce: {  	s0 =	sadd.s32 $0xFFFFFF20, s4;
	v31 =	vld [tilespmem:s16+$0xFFFFFF90];
	[tilespmem:v21+s21+$0x0] =	vst.idx.msk $0xffff, v22  }
0xcf: {  	v22 =	vor.u32 s0, v15;
	s0 =	sadd.s32 $0xFFFFFF40, s14;
	[tilespmem:v20+s21+$0x0] =	vst.idx.msk $0xffff, v19;
	v11 =	vld [tilespmem:s12+$0x70]  }
0xd0: {  	s1 =	sadd.s32 $0xFFFFFF60, s4;
	v17 =	vld [tilespmem:s16+$0xFFFFFFD0];
	[tilespmem:v28+s21+$0x0] =	vst.idx.msk $0xffff, v13;
	v28 =	vor.u32 s0, v6;
	v6 =	vmov v15  }
.Ltmp3:
0xd1: {  	v21 =	vor.u32 s1, v25;
	s0 =	sadd.s32 $0xFFFFFF80, s14;
	v12 =	vld [tilespmem:s16+$0x10];
	[tilespmem:v30+s21+$0x0] =	vst.idx.msk $0xffff, v18;
	(pc) =	sbr.rel @p0 .LBB2_9-.Ltmp3, $4  }
0xd2: {  	v19 =	vor.u32 s0, v8;
	s0 =	sadd.s32 $0xFFFFFFC0, s14;
	v8 =	vmov v25;
	v15 =	vld [tilespmem:s12+$0xFFFFFFF0];
	[tilespmem:v23+s21+$0x0] =	vst.idx.msk $0xffff, v14  }
0xd3: {  	s1 =	sadd.s32 $0xFFFFFFE0, s4;
	[tilespmem:v16+s21+$0x0] =	vst.idx.msk $0xffff, v24;
	v14 =	vld [tilespmem:s12+$0x30];
	v16 =	vor.u32 s0, v7;
	v7 =	vmov v26;
	s12 =	smov.u32 s16  }
0xd4: {  	v13 =	vor.u32 s14, v9;
	v9 =	vmov v27;
	s14 =	smov.u32 s4;
	[tilespmem:v22+s21+$0x0] =	vst.idx.msk $0xffff, v31;
	v20 =	vld [tilespmem:s16+$0x50];
	v22 =	vor.u32 s1, v27  }
0xd5: {  	s4 =	sadd.s32 $0x100, s4;
	s16 =	sadd.s32 $0x100, s16;
	v18 =	vld [tilespmem:s12+$0xFFFFFFA0];
	[tilespmem:v28+s21+$0x0] =	vst.idx.msk $0xffff, v29  }
0xd6: {  	_ = 	snop  }
0xd7: {  	v23 =	vor.u32 s17, v7;
	_ =	sdelay $0x2  }
0xd8: {  	[tilespmem:v21+s21+$0x0] =	vst.idx.msk $0xffff, v17;
	s0 =	sadd.s32 $0xFFFFFF70, s14  }
0xd9: {  	v17 =	vld [tilespmem:s12+$0xFFFFFFE0];
	v56 =	vor.u32 s0, v8;
	[tilespmem:v22+s21+$0x0] =	vst.idx.msk $0xffff, v20  }
0xda: {  	s17 =	sadd.s32 $0xFFFFFFB0, s14;
	v58 =	vor.u32 s28, v9;
	v59 =	vld [tilespmem:s12+$0x60];
	[tilespmem:v23+s21+$0x0] =	vst.idx.msk $0xffff, v12  }
0xdb: {  	v57 =	vor.u32 s17, v7;
	v12 =	vld [tilespmem:s12+$0x20]  }
0xdc: {  	[tilespmem:v13+s21+$0x0] =	vst.idx.msk $0xffff, v11  }
0xdd: {  	s28 =	sadd.s32 $0xFFFFFF40, s14;
	[tilespmem:v10+s21+$0x0] =	vst.idx.msk $0xffff, v18  }
0xde: {  	s30 =	sadd.s32 $0xFFFFFF80, s14;
	v6 =	vor.u32 s28, v6;
	v10 =	vld [tilespmem:s12+$0xFFFFFFB0];
	[tilespmem:v56+s21+$0x0] =	vst.idx.msk $0xffff, v17  }
0xdf: {  	v61 =	vor.u32 s30, v8;
	v60 =	vld [tilespmem:s12+$0xFFFFFFF0];
	[tilespmem:v58+s21+$0x0] =	vst.idx.msk $0xffff, v59  }
0xe0: {  	s31 =	sadd.s32 $0xFFFFFFC0, s14;
	v63 =	vor.u32 s14, v9;
	v62 =	vld [tilespmem:s12+$0x70];
	[tilespmem:v57+s21+$0x0] =	vst.idx.msk $0xffff, v12  }
0xe1: {  	[tilespmem:v19+s21+$0x0] =	vst.idx.msk $0xffff, v15;
	v7 =	vor.u32 s31, v7;
	v12 =	vld [tilespmem:s12+$0x30]  }
0xe2: {  	[tilespmem:v16+s21+$0x0] =	vst.idx.msk $0xffff, v14  }
0xe3: {  	[tilespmem:v6+s21+$0x0] =	vst.idx.msk $0xffff, v10  }
0xe4: {  	[tilespmem:v61+s21+$0x0] =	vst.idx.msk $0xffff, v60  }
0xe5: {  	[tilespmem:v63+s21+$0x0] =	vst.idx.msk $0xffff, v62  }
0xe6: {  	s13 =	simm.s32 $0x0;
	s12 =	simm.s32 $0x0;
	[tilespmem:v7+s21+$0x0] =	vst.idx.msk $0xffff, v12  }
.LBB2_11:
0xe7: {  	s0 =	sshll.u32 s13, $0x4;
	s5 =	simm.s32 $0x0;
	s17 =	sshll.u32 s13, $0xA  }
0xe8: {  	s1 =	sand.u32 $0x3FFFFF80, s0;
	s0 =	sand.u32 $0x70, s0;
	s4 =	sand.u32 $0x8, s5  }
0xe9: {  	v7 =	vor.u32 s17, v2;
	v8 =	vor.u32 s17, v3;
	s1 =	sadd.s32 s1, s10;
	s28 =	sor.u32 $0x1, s4;
	s14 =	sor.u32 $0x2, s4  }
0xea: {  	v9 =	vxor.u32 s4, v4;
	s16 =	sor.u32 $0x4, s4;
	s17 =	sor.u32 $0x3, s4;
	s30 =	sor.u32 $0x5, s4;
	v10 =	vxor.u32 s28, v0;
	v11 =	vxor.u32 s14, v0  }
0xeb: {  	s31 =	sor.u32 $0x7, s4;
	s0 =	sadd.s32 s0, s1;
	v12 =	vxor.u32 s16, v0;
	v13 =	vxor.u32 s30, v0;
	v14 =	vxor.u32 s17, v0  }
0xec: {  	s4 =	sor.u32 $0x6, s4;
	v9 =	vor.u32 v9, v8;
	v15 =	vxor.u32 s31, v0;
	v6 =	vld [tilespmem:s0+$0x0];
	s0 =	sand.u32 $0x30, s5;
	v11 =	vor.u32 v11, v7  }
0xed: {  	v16 =	vxor.u32 s4, v0;
	v14 =	vor.u32 v14, v7;
	v11 =	vor.u32 s0, v11  }
0xee: {  	v13 =	vor.u32 v13, v7;
	v12 =	vor.u32 v12, v7;
	v14 =	vor.u32 s0, v14  }
0xef: {  	s14 =	simm.s32 $0x8;
	v10 =	vor.u32 v10, v7;
	v16 =	vor.u32 v16, v7;
	v13 =	vor.u32 s0, v13  }
0xf0: {  	s1 =	sand.u32 $0x8, s14;
	v17 =	vor.u32 s0, v12;
	v12 =	vor.u32 v15, v7;
	v9 =	vor.u32 s0, v9  }
0xf1: {  	v16 =	vor.u32 s0, v16;
	v25 =	vor.u32 s0, v10;
	v10 =	vxor.u32 s1, v4;
	s5 =	sor.u32 $0x1, s1;
	s16 =	sor.u32 $0x2, s1  }
0xf2: {  	s17 =	sor.u32 $0x4, s1;
	v18 =	vor.u32 s0, v12;
	v19 =	vxor.u32 s5, v0;
	v20 =	vxor.u32 s16, v0;
	s5 =	sor.u32 $0x5, s1;
	v11 =	vld.idx.msk [tilespmem:v11+s21+$0x0], $0xffff  }
0xf3: {  	s31 =	sor.u32 $0x6, s1;
	v22 =	vxor.u32 s17, v0;
	v10 =	vor.u32 v10, v8;
	v24 =	vxor.u32 s5, v0;
	s5 =	sor.u32 $0x7, s1;
	v14 =	vld.idx.msk [tilespmem:v14+s21+$0x0], $0xffff  }
0xf4: {  	s30 =	sshll.u32 s13, $0x9;
	s16 =	sand.u32 $0x7, s12;
	v26 =	vxor.u32 s31, v0;
	v21 =	vxor.u32 s5, v0;
	vm0 =	veq.s32 v6, $0x0;
	v12 =	vld.idx.msk [tilespmem:v13+s21+$0x0], $0xffff  }
0xf5: {  	s30 =	sand.u32 $0xFFFFF000, s30;
	s28 =	sor.u32 $0x3, s1;
	s4 =	sshll.u32 s16, $0x6;
	v23 =	vor.u32 v22, v7;
	v27 =	vor.u32 v21, v7;
	v6 =	vsel vm0, $0x0, v1;
	v15 =	vld.idx.msk [tilespmem:v17+s21+$0x0], $0xffff  }
0xf6: {  	s17 =	sand.u32 $0x30, s14;
	s31 =	sor.u32 s4, s30;
	v13 =	vxor.u32 s28, v0;
	v17 =	vor.u32 v19, v7;
	v19 =	vld.idx.msk [tilespmem:v16+s21+$0x0], $0xffff;
	v16 =	vor.u32 v20, v7  }
0xf7: {  	s0 =	sshrl.u32 s31, $0x2;
	v20 =	vor.u32 v24, v7;
	v13 =	vor.u32 v13, v7;
	v21 =	vor.u32 s17, v16;
	v16 =	vld.idx.msk [tilespmem:v9+s21+$0x0], $0xffff  }
0xf8: {  	s16 =	sadd.s32 $0x12600, s0;
	v24 =	vor.u32 v26, v7;
	v9 =	vor.u32 s17, v10;
	v18 =	vld.idx.msk [tilespmem:v18+s21+$0x0], $0xffff;
	v22 =	vor.u32 s17, v13  }
0xf9: {  	v10 =	vor.u32 s17, v17;
	v20 =	vor.u32 s17, v20;
	v17 =	vld.idx.msk [tilespmem:v25+s21+$0x0], $0xffff;
	s4 =	smov.u32 s16;
	v13 =	vor.u32 s17, v27  }
.LBB2_12:
0xfa: {  	s14 =	sadd.s32 $0x8, s14;
	v23 =	vor.u32 s17, v23;
	v25 =	vmul.f32 v11, v6;
	v26 =	vmul.f32 v14, v6;
	s16 =	sadd.s32 $0x800, s16  }
0xfb: {  	v24 =	vor.u32 s17, v24;
	v27 =	vmul.f32 v15, v6;
	v15 =	vmul.f32 v19, v6;
	s0 =	sand.u32 $0x8, s14;
	p0 =	slt.u32 s14, $0x38  }
0xfc: {  	v19 =	vxor.u32 s0, v4;
	s1 =	sor.u32 $0x1, s0;
	s17 =	sor.u32 $0x2, s0;
	s28 =	sor.u32 $0x3, s0;
	v11 =	vld.idx.msk [tilespmem:v21+s21+$0x0], $0xffff;
	[tilespmem:s4+$0xFFFFFF00] =	vst v25;
	v21 =	vmul.f32 v12, v6  }
0xfd: {  	s30 =	sor.u32 $0x6, s0;
	v29 =	vmul.f32 v16, v6;
	v25 =	vxor.u32 s1, v0;
	v28 =	vxor.u32 s17, v0;
	s1 =	sor.u32 $0x4, s0;
	s17 =	sor.u32 $0x5, s0;
	v14 =	vld.idx.msk [tilespmem:v22+s21+$0x0], $0xffff;
	[tilespmem:s4+$0x100] =	vst v15  }
0xfe: {  	s0 =	sor.u32 $0x7, s0;
	v18 =	vmul.f32 v18, v6;
	v16 =	vxor.u32 s1, v0;
	v22 =	vxor.u32 s17, v0;
	v12 =	vld.idx.msk [tilespmem:v20+s21+$0x0], $0xffff;
	[tilespmem:s4+$0xFFFFFF80] =	vst v26  }
0xff: {  	v20 =	vor.u32 v19, v8;
	v26 =	vxor.u32 s28, v0;
	v30 =	vxor.u32 s0, v0;
	v15 =	vld.idx.msk [tilespmem:v23+s21+$0x0], $0xffff;
	[tilespmem:s4+$0x0] =	vst v27  }
.Ltmp4:
0x100: {  	v25 =	vor.u32 v25, v7;
	v17 =	vmul.f32 v17, v6;
	v27 =	vxor.u32 s30, v0;
	v19 =	vld.idx.msk [tilespmem:v24+s21+$0x0], $0xffff;
	[tilespmem:s4+$0x80] =	vst v21;
	(pc) =	sbr.rel @p0 .LBB2_12-.Ltmp4, $4  }
0x101: {  	s17 =	sand.u32 $0x30, s14;
	v21 =	vor.u32 v28, v7;
	v24 =	vor.u32 v26, v7;
	v26 =	vor.u32 v30, v7;
	[tilespmem:s4+$0x180] =	vst v18  }
0x102: {  	v23 =	vor.u32 v16, v7;
	v28 =	vor.u32 v22, v7;
	v21 =	vor.u32 s17, v21;
	v16 =	vld.idx.msk [tilespmem:v9+s21+$0x0], $0xffff;
	[tilespmem:s4+$0xFFFFFE80] =	vst v17  }
0x103: {  	v25 =	vor.u32 s17, v25;
	v22 =	vor.u32 s17, v24;
	v9 =	vor.u32 s17, v20;
	v18 =	vld.idx.msk [tilespmem:v13+s21+$0x0], $0xffff;
	[tilespmem:s4+$0xFFFFFE00] =	vst v29;
	s4 =	smov.u32 s16  }
0x104: {  	v24 =	vor.u32 v27, v7;
	v20 =	vor.u32 s17, v28;
	v13 =	vor.u32 s17, v26;
	v17 =	vld.idx.msk [tilespmem:v10+s21+$0x0], $0xffff;
	v10 =	vmovc v25  }
0x105: {  	_ = 	snop  }
0x106: {  	v8 =	vmul.f32 v11, v6  }
0x107: {  	v19 =	vmul.f32 v19, v6  }
0x108: {  	v7 =	vor.u32 s17, v24;
	v14 =	vmul.f32 v14, v6;
	[tilespmem:s4+$0xFFFFFF00] =	vst v8  }
0x109: {  	v52 =	vor.u32 s17, v23;
	v53 =	vmul.f32 v15, v6;
	v54 =	vld.idx.msk [tilespmem:v21+s21+$0x0], $0xffff;
	[tilespmem:s4+$0x100] =	vst v19  }
0x10a: {  	v12 =	vmul.f32 v12, v6;
	v55 =	vld.idx.msk [tilespmem:v22+s21+$0x0], $0xffff;
	[tilespmem:s4+$0xFFFFFF80] =	vst v14  }
0x10b: {  	v60 =	vld.idx.msk [tilespmem:v13+s21+$0x0], $0xffff;
	[tilespmem:s4+$0x0] =	vst v53;
	v58 =	vmul.f32 v16, v6  }
0x10c: {  	v10 =	vld.idx.msk [tilespmem:v10+s21+$0x0], $0xffff;
	[tilespmem:s4+$0x80] =	vst v12;
	v18 =	vmul.f32 v18, v6  }
0x10d: {  	v57 =	vmul.f32 v17, v6;
	[tilespmem:s4+$0xFFFFFE00] =	vst v58;
	v7 =	vld.idx.msk [tilespmem:v7+s21+$0x0], $0xffff  }
0x10e: {  	v56 =	vld.idx.msk [tilespmem:v52+s21+$0x0], $0xffff;
	[tilespmem:s4+$0x180] =	vst v18;
	v61 =	vmul.f32 v54, v6  }
0x10f: {  	v59 =	vld.idx.msk [tilespmem:v20+s21+$0x0], $0xffff;
	s0 =	sadd.s32 $0x800, s16;
	v62 =	vmul.f32 v55, v6;
	[tilespmem:s4+$0xFFFFFE80] =	vst v57  }
0x110: {  	v9 =	vld.idx.msk [tilespmem:v9+s21+$0x0], $0xffff;
	v11 =	vmul.f32 v60, v6;
	[tilespmem:s0+$0xFFFFFF00] =	vst v61  }
0x111: {  	s13 =	sadd.s32 $0x1, s13;
	v63 =	vmul.f32 v10, v6;
	[tilespmem:s0+$0xFFFFFF80] =	vst v62  }
0x112: {  	p0 =	sne.s32 s13, $0x10;
	[tilespmem:s0+$0x180] =	vst v11;
	v7 =	vmul.f32 v7, v6  }
.Ltmp5:
0x113: {  	[tilespmem:s0+$0xFFFFFE80] =	vst v63;
	v8 =	vmul.f32 v56, v6;
	(pc) =	sbr.rel @p0 .LBB2_11-.Ltmp5, $4  }
0x114: {  	[tilespmem:s0+$0x100] =	vst v7;
	v7 =	vmul.f32 v59, v6  }
0x115: {  	[tilespmem:s0+$0x0] =	vst v8;
	v6 =	vmul.f32 v9, v6  }
0x116: {  	[tilespmem:s0+$0x80] =	vst v7  }
0x117: {  	s12 =	sadd.s32 $0x1, s12;
	[tilespmem:s0+$0xFFFFFE00] =	vst v6  }
0x118: {  	s2 =	sadd.s32 $0x1, s2  }
0x119: {  	p0 =	sne.s32 s2, $0x32  }
.Ltmp6:
0x11a: {  	s0 =	sshll.u32 s8, $0xB;
	(pc) =	sbr.rel @p0 .LBB2_2-.Ltmp6, $4  }
0x11b: {  	s0 =	sadd.s32 s9, s0  }
0x11c: {  	s0 =	sshrl.u32 s0, $0x3  }
0x11d: {  	s0 =	sadd.s32 s3, s0  }
0x11e: {  	[hbm4b:s0+s22] =	stream.strided.scatter [tilespmem:s26], [sflag:$0x4], $0x4000, s23, s22, $0x38;
	[tilespmem:$0x1A600] =	vst v63  }
0x11f: {  	s0 =	simm.s32 $0x3  }
0x120: {  	_ =	swait.ge [sflag:s0], $0x4000  }
0x121: {  	[sflag:s0] =	ssyncset.done $0x0  }
0x122: {  	[sflag:s0] =	ssyncadd.s32 $0xFFFFC000  }
0x123: {  	_ =	swait.ge [sflag:s29], $0x4000  }
0x124: {  	s2 =	simm.s32 $0x0;
	[sflag:s29] =	ssyncset.done $0x0  }
0x125: {  	s28 =	simm.s32 $0x5;
	s17 =	rddreg [dreg:$0xa];
	[sflag:s29] =	ssyncadd.s32 $0xFFFFC000  }
0x126: {  	[tilespmem:s2], [sflag:$0x5] =	stream.linear.gather [hbm4b:s17+s2], $0x6400, $0x38;
	[tilespmem:$0x1A600] =	vst v63  }
0x127: {  	_ =	swait.ge [sflag:s28], $0x6400  }
0x128: {  	[sflag:s28] =	ssyncset.done $0x0  }
0x129: {  	s30 =	simm.s32 $0x6400;
	[sflag:s28] =	ssyncadd.s32 $0xFFFF9C00  }
0x12a: {  	[tilespmem:s30], [sflag:$0x1] =	stream.indirect.gather [hbm4b:s7+s15], $0x40, s2, s15, $0xb8;
	[tilespmem:$0x1A600] =	vst v63  }
0x12b: {  	s31 =	simm.s32 $0x8400  }
0x12c: {  	[tilespmem:s31], [sflag:$0x1] =	stream.indirect.gather [hbm4b:s7+s15], $0x40, s15, s15, $0xb8;
	[tilespmem:$0x1A600] =	vst v63  }
.LBB2_16:
0x12d: {  	_ =	swait.ge [sflag:s18], $0x4000;
	s10 =	sshllo.u32 s2, $0x1  }
0x12e: {  	[sflag:s18] =	ssyncset.done $0x0;
	s8 =	sshll.u32 s10, $0x8  }
0x12f: {  	[sflag:s18] =	ssyncadd.s32 $0xFFFFC000;
	s12 =	sand.u32 $0x3FFFFF00, s8  }
0x130: {  	[tilespmem:s19], [sflag:$0x2] =	stream.indirect.gather [hbm4b:s7+s15], $0x40, s12, s15, $0xb8;
	[tilespmem:$0x1A600] =	vst v63  }
0x131: {  	p0 =	sne.s32 s2, $0x0;
	s0 =	sor.u32 $0x80, s12  }
0x132: {  	[tilespmem:s20], [sflag:$0x2] =	stream.indirect.gather [hbm4b:s7+s15], $0x40, s0, s15, $0xb8;
	[tilespmem:$0x1A600] =	vst v63  }
0x133: {  	s0 =	simm.s32 @p0 $0x3  }
0x134: {  	_ =	swait.ge @p0 [sflag:s0], $0x4000  }
0x135: {  	[sflag:s0] =	ssyncset.done @p0 $0x0  }
0x136: {  	s4 =	simm.s32 $0x6480;
	[sflag:s0] =	ssyncadd.s32 @p0 $0xFFFFC000  }
0x137: {  	s13 =	simm.s32 $0x0;
	s1 =	simm.s32 $0x1;
	_ =	swait.ge @p0 [sflag:s0], $0x100  }
0x138: {  	s31 =	simm.s32 $0x3;
	s16 =	sand.u32 $0xD, s1;
	[sflag:s0] =	ssyncset.done @p0 $0x0  }
0x139: {  	s3 =	simm.s32 $0x40;
	s1 =	sand.u32 $0xF, s31;
	v13 =	vxor.u32 s16, v0;
	[sflag:s0] =	ssyncadd.s32 @p0 $0xFFFFFF00  }
0x13a: {  	s5 =	simm.s32 $0xC0;
	v18 =	vxor.u32 s1, v0;
	v9 =	vor.u32 s3, v13;
	s0 =	sand.u32 $0xC, s13;
	v8 =	vld [tilespmem:s4+$0xFFFFFFC0]  }
0x13b: {  	s14 =	simm.s32 $0x0;
	v12 =	vor.u32 s5, v18;
	v10 =	vxor.u32 s0, v0;
	v11 =	vld [tilespmem:s4+$0x40]  }
0x13c: {  	v6 =	vld [tilespmem:s4+$0xFFFFFF80];
	v7 =	vor.u32 s14, v10  }
0x13d: {  	s13 =	simm.s32 $0x2  }
0x13e: {  	s13 =	sand.u32 $0xE, s13  }
0x13f: {  	v15 =	vxor.u32 s13, v0;
	s14 =	simm.s32 $0x80;
	[tilespmem:v9+s21+$0x0] =	vst.idx.msk $0xffff, v8  }
0x140: {  	s31 =	simm.s32 $0xD0;
	v14 =	vld [tilespmem:s4+$0x0];
	v16 =	vor.u32 s14, v15;
	[tilespmem:v12+s21+$0x0] =	vst.idx.msk $0xffff, v11  }
0x141: {  	s16 =	simm.s32 $0x10;
	v11 =	vor.u32 s31, v18;
	[tilespmem:v7+s21+$0x0] =	vst.idx.msk $0xffff, v6;
	v8 =	vld [tilespmem:s4+$0x50]  }
0x142: {  	v7 =	vor.u32 s16, v10;
	v6 =	vld [tilespmem:s4+$0xFFFFFF90];
	_ =	sdelay $0x1  }
0x143: {  	s3 =	simm.s32 $0x50  }
0x144: {  	s5 =	simm.s32 $0x90;
	v17 =	vor.u32 s3, v13;
	v9 =	vld [tilespmem:s4+$0xFFFFFFD0];
	[tilespmem:v16+s21+$0x0] =	vst.idx.msk $0xffff, v14  }
0x145: {  	s3 =	simm.s32 $0xE0;
	s14 =	simm.s32 $0x4;
	v21 =	vor.u32 s5, v15;
	v12 =	vld [tilespmem:s4+$0x10];
	[tilespmem:v11+s21+$0x0] =	vst.idx.msk $0xffff, v8  }
0x146: {  	s1 =	simm.s32 $0x20;
	s31 =	sand.u32 $0xC, s14;
	v11 =	vor.u32 s3, v18;
	[tilespmem:v7+s21+$0x0] =	vst.idx.msk $0xffff, v6;
	v24 =	vld [tilespmem:s4+$0x60]  }
0x147: {  	s13 =	simm.s32 $0x6580;
	v14 =	vor.u32 s1, v10;
	s1 =	simm.s32 $0x100;
	v6 =	vxor.u32 s31, v0;
	v16 =	vld [tilespmem:s4+$0xFFFFFFA0]  }
0x148: {  	v19 =	vld [tilespmem:s13+$0xFFFFFF80];
	s16 =	simm.s32 $0x5;
	v22 =	vor.u32 s1, v6  }
0x149: {  	s28 =	simm.s32 $0x6;
	v20 =	vld [tilespmem:s13+$0x40];
	s16 =	sand.u32 $0xD, s16;
	[tilespmem:v17+s21+$0x0] =	vst.idx.msk $0xffff, v9  }
0x14a: {  	v23 =	vld [tilespmem:s13+$0xFFFFFFC0];
	s5 =	sand.u32 $0xE, s28;
	v8 =	vxor.u32 s16, v0;
	s31 =	simm.s32 $0x140;
	[tilespmem:v21+s21+$0x0] =	vst.idx.msk $0xffff, v12  }
0x14b: {  	v26 =	vld [tilespmem:s13+$0x0];
	v7 =	vxor.u32 s5, v0;
	v25 =	vor.u32 s31, v8;
	s1 =	simm.s32 $0x180;
	[tilespmem:v11+s21+$0x0] =	vst.idx.msk $0xffff, v24  }
0x14c: {  	s5 =	simm.s32 $0x60;
	[tilespmem:v14+s21+$0x0] =	vst.idx.msk $0xffff, v16;
	v14 =	vor.u32 s1, v7;
	v16 =	vld [tilespmem:s4+$0xFFFFFFE0]  }
0x14d: {  	s3 =	simm.s32 $0x7;
	s16 =	simm.s32 $0xA0;
	v28 =	vor.u32 s5, v13;
	[tilespmem:v22+s21+$0x0] =	vst.idx.msk $0xffff, v19;
	v19 =	vld [tilespmem:s4+$0x20]  }
0x14e: {  	v21 =	vor.u32 s16, v15;
	s1 =	sand.u32 $0xF, s3;
	s3 =	simm.s32 $0x110;
	v11 =	vld [tilespmem:s4+$0x70]  }
0x14f: {  	s31 =	simm.s32 $0x1C0;
	v9 =	vxor.u32 s1, v0;
	v29 =	vld [tilespmem:s13+$0xFFFFFF90];
	v63 =	vor.u32 s3, v6  }
0x150: {  	s5 =	simm.s32 $0x30;
	[tilespmem:v25+s21+$0x0] =	vst.idx.msk $0xffff, v23;
	v27 =	vld [tilespmem:s4+$0xFFFFFFB0];
	v22 =	vor.u32 s31, v9  }
0x151: {  	v23 =	vor.u32 s5, v10;
	v17 =	vld [tilespmem:s13+$0xFFFFFFD0];
	[tilespmem:v14+s21+$0x0] =	vst.idx.msk $0xffff, v26  }
0x152: {  	s31 =	simm.s32 $0x150;
	[tilespmem:v28+s21+$0x0] =	vst.idx.msk $0xffff, v16;
	v12 =	vld [tilespmem:s13+$0x10]  }
0x153: {  	s3 =	simm.s32 $0x70;
	[tilespmem:v21+s21+$0x0] =	vst.idx.msk $0xffff, v19;
	v21 =	vor.u32 s31, v8;
	v16 =	vld [tilespmem:s4+$0xFFFFFFF0]  }
0x154: {  	s17 =	simm.s32 $0xF0;
	s30 =	simm.s32 $0x1E0;
	s5 =	simm.s32 $0xB0;
	v19 =	vor.u32 s3, v13;
	v14 =	vld [tilespmem:s4+$0x30];
	[tilespmem:v63+s21+$0x0] =	vst.idx.msk $0xffff, v29  }
0x155: {  	s28 =	simm.s32 $0x190;
	s16 =	simm.s32 $0x120;
	v15 =	vor.u32 s5, v15;
	s31 =	simm.s32 $0x1D0;
	v13 =	vor.u32 s17, v18;
	[tilespmem:v22+s21+$0x0] =	vst.idx.msk $0xffff, v20;
	v18 =	vld [tilespmem:s13+$0xFFFFFFA0]  }
0x156: {  	v10 =	vor.u32 s16, v6;
	s16 =	simm.s32 $0x1F0;
	s17 =	simm.s32 $0x6680;
	s4 =	simm.s32 $0x2F0;
	[tilespmem:v23+s21+$0x0] =	vst.idx.msk $0xffff, v27;
	v22 =	vor.u32 s31, v9;
	v20 =	vld [tilespmem:s13+$0x50]  }
.LBB2_17:
0x157: {  	s0 =	sadd.s32 $0x5, s14  }
0x158: {  	v23 =	vld [tilespmem:s17+$0xFFFFFF80];
	s1 =	sadd.s32 $0x6, s14;
	[tilespmem:v21+s21+$0x0] =	vst.idx.msk $0xffff, v17;
	s31 =	smov.u32 s14;
	s14 =	sadd.s32 $0x4, s14  }
0x159: {  	v17 =	vor.u32 s28, v7;
	v21 =	vor.u32 s30, v9;
	s3 =	sand.u32 $0xC, s14;
	s0 =	sand.u32 $0xD, s0;
	s1 =	sand.u32 $0xE, s1;
	v24 =	vld [tilespmem:s17+$0x40];
	[tilespmem:v19+s21+$0x0] =	vst.idx.msk $0xffff, v16  }
0x15a: {  	s28 =	sadd.s32 $0xFFFFFF30, s4;
	v16 =	vxor.u32 s3, v0;
	s3 =	sadd.s32 $0xFFFFFF10, s4;
	v25 =	vxor.u32 s0, v0;
	v26 =	vxor.u32 s1, v0;
	s0 =	sadd.s32 $0x7, s31;
	[tilespmem:v15+s21+$0x0] =	vst.idx.msk $0xffff, v14  }
0x15b: {  	s1 =	sadd.s32 $0xFFFFFF50, s4;
	v14 =	vor.u32 s3, v16;
	v15 =	vor.u32 s28, v16;
	v19 =	vld [tilespmem:s17+$0xFFFFFFC0];
	s28 =	sadd.s32 $0xFFFFFFA0, s4;
	s0 =	sand.u32 $0xF, s0;
	[tilespmem:v22+s21+$0x0] =	vst.idx.msk $0xffff, v20  }
0x15c: {  	s30 =	sadd.s32 $0xFFFFFFF0, s4;
	p0 =	slt.u32 s14, $0xFC;
	v20 =	vor.u32 s1, v25;
	s1 =	sadd.s32 $0xFFFFFF90, s4;
	v27 =	vxor.u32 s0, v0;
	v22 =	vld [tilespmem:s13+$0x60];
	[tilespmem:v13+s21+$0x0] =	vst.idx.msk $0xffff, v11  }
0x15d: {  	v28 =	vor.u32 s1, v26;
	v13 =	vld [tilespmem:s17+$0x0];
	[tilespmem:v10+s21+$0x0] =	vst.idx.msk $0xffff, v18;
	v10 =	vmov v15  }
0x15e: {  	s0 =	sadd.s32 $0xFFFFFFD0, s4;
	s1 =	sadd.s32 $0xFFFFFF70, s16;
	v29 =	vld [tilespmem:s13+$0xFFFFFFB0]  }
0x15f: {  	v15 =	vor.u32 s0, v27;
	v30 =	vor.u32 s1, v8;
	s0 =	sadd.s32 $0xFFFFFFB0, s16;
	v18 =	vld [tilespmem:s13+$0xFFFFFFE0];
	[tilespmem:v17+s21+$0x0] =	vst.idx.msk $0xffff, v12  }
0x160: {  	[tilespmem:v14+s21+$0x0] =	vst.idx.msk $0xffff, v23;
	v14 =	vld [tilespmem:s13+$0x20];
	v23 =	vor.u32 s0, v7  }
0x161: {  	s0 =	sadd.s32 $0xFFFFFF20, s4;
	v31 =	vld [tilespmem:s17+$0xFFFFFF90];
	[tilespmem:v21+s21+$0x0] =	vst.idx.msk $0xffff, v22  }
0x162: {  	v22 =	vor.u32 s0, v16;
	s0 =	sadd.s32 $0xFFFFFF40, s16;
	[tilespmem:v20+s21+$0x0] =	vst.idx.msk $0xffff, v19;
	v11 =	vld [tilespmem:s13+$0x70]  }
0x163: {  	s1 =	sadd.s32 $0xFFFFFF60, s4;
	v17 =	vld [tilespmem:s17+$0xFFFFFFD0];
	[tilespmem:v28+s21+$0x0] =	vst.idx.msk $0xffff, v13;
	v28 =	vor.u32 s0, v6;
	v6 =	vmov v16  }
.Ltmp7:
0x164: {  	v21 =	vor.u32 s1, v25;
	s0 =	sadd.s32 $0xFFFFFF80, s16;
	v12 =	vld [tilespmem:s17+$0x10];
	[tilespmem:v30+s21+$0x0] =	vst.idx.msk $0xffff, v18;
	(pc) =	sbr.rel @p0 .LBB2_17-.Ltmp7, $4  }
0x165: {  	v19 =	vor.u32 s0, v8;
	s0 =	sadd.s32 $0xFFFFFFC0, s16;
	v8 =	vmov v25;
	v16 =	vld [tilespmem:s13+$0xFFFFFFF0];
	[tilespmem:v23+s21+$0x0] =	vst.idx.msk $0xffff, v14  }
0x166: {  	s1 =	sadd.s32 $0xFFFFFFE0, s4;
	[tilespmem:v15+s21+$0x0] =	vst.idx.msk $0xffff, v24;
	v14 =	vld [tilespmem:s13+$0x30];
	v15 =	vor.u32 s0, v7;
	v7 =	vmov v26;
	s13 =	smov.u32 s17  }
0x167: {  	v13 =	vor.u32 s16, v9;
	v9 =	vmov v27;
	s16 =	smov.u32 s4;
	[tilespmem:v22+s21+$0x0] =	vst.idx.msk $0xffff, v31;
	v20 =	vld [tilespmem:s17+$0x50];
	v22 =	vor.u32 s1, v27  }
0x168: {  	s4 =	sadd.s32 $0x100, s4;
	s17 =	sadd.s32 $0x100, s17;
	v18 =	vld [tilespmem:s13+$0xFFFFFFA0];
	[tilespmem:v28+s21+$0x0] =	vst.idx.msk $0xffff, v29  }
0x169: {  	_ = 	snop  }
0x16a: {  	v23 =	vor.u32 s28, v7;
	_ =	sdelay $0x2  }
0x16b: {  	[tilespmem:v21+s21+$0x0] =	vst.idx.msk $0xffff, v17;
	s0 =	sadd.s32 $0xFFFFFF70, s16  }
0x16c: {  	v17 =	vld [tilespmem:s13+$0xFFFFFFE0];
	v56 =	vor.u32 s0, v8;
	[tilespmem:v22+s21+$0x0] =	vst.idx.msk $0xffff, v20  }
0x16d: {  	s17 =	sadd.s32 $0xFFFFFFB0, s16;
	v58 =	vor.u32 s30, v9;
	v59 =	vld [tilespmem:s13+$0x60];
	[tilespmem:v23+s21+$0x0] =	vst.idx.msk $0xffff, v12  }
0x16e: {  	v57 =	vor.u32 s17, v7;
	v12 =	vld [tilespmem:s13+$0x20]  }
0x16f: {  	[tilespmem:v13+s21+$0x0] =	vst.idx.msk $0xffff, v11  }
0x170: {  	s28 =	sadd.s32 $0xFFFFFF40, s16;
	[tilespmem:v10+s21+$0x0] =	vst.idx.msk $0xffff, v18  }
0x171: {  	s30 =	sadd.s32 $0xFFFFFF80, s16;
	v6 =	vor.u32 s28, v6;
	v10 =	vld [tilespmem:s13+$0xFFFFFFB0];
	[tilespmem:v56+s21+$0x0] =	vst.idx.msk $0xffff, v17  }
0x172: {  	v61 =	vor.u32 s30, v8;
	v60 =	vld [tilespmem:s13+$0xFFFFFFF0];
	[tilespmem:v58+s21+$0x0] =	vst.idx.msk $0xffff, v59  }
0x173: {  	s31 =	sadd.s32 $0xFFFFFFC0, s16;
	v63 =	vor.u32 s16, v9;
	v62 =	vld [tilespmem:s13+$0x70];
	[tilespmem:v57+s21+$0x0] =	vst.idx.msk $0xffff, v12  }
0x174: {  	[tilespmem:v19+s21+$0x0] =	vst.idx.msk $0xffff, v16;
	v7 =	vor.u32 s31, v7;
	v12 =	vld [tilespmem:s13+$0x30]  }
0x175: {  	[tilespmem:v15+s21+$0x0] =	vst.idx.msk $0xffff, v14  }
0x176: {  	[tilespmem:v6+s21+$0x0] =	vst.idx.msk $0xffff, v10  }
0x177: {  	[tilespmem:v61+s21+$0x0] =	vst.idx.msk $0xffff, v60  }
0x178: {  	s16 =	sshll.u32 s2, $0x9;
	[tilespmem:v63+s21+$0x0] =	vst.idx.msk $0xffff, v62  }
0x179: {  	s14 =	simm.s32 $0x0;
	s17 =	simm.s32 $0x0;
	s13 =	sand.u32 $0x3FFFFE00, s16;
	[tilespmem:v7+s21+$0x0] =	vst.idx.msk $0xffff, v12  }
.LBB2_19:
0x17a: {  	s0 =	sshll.u32 s14, $0x4  }
0x17b: {  	s1 =	sand.u32 $0x3FFFFF80, s0  }
0x17c: {  	s3 =	sand.u32 $0x70, s0;
	s1 =	sadd.s32 s1, s13  }
0x17d: {  	s1 =	sadd.s32 s3, s1  }
0x17e: {  	v6 =	vld [tilespmem:s1+$0x0];
	s1 =	simm.s32 $0x0  }
0x17f: {  	s5 =	sshll.u32 s14, $0xA;
	s4 =	sand.u32 $0x8, s1  }
0x180: {  	v7 =	vor.u32 s5, v2;
	v8 =	vor.u32 s5, v3;
	s5 =	sor.u32 $0x1, s4;
	s28 =	sor.u32 $0x2, s4  }
0x181: {  	v9 =	vxor.u32 s4, v4;
	s30 =	sor.u32 $0x4, s4;
	s31 =	sor.u32 $0x3, s4;
	v10 =	vxor.u32 s5, v0;
	v11 =	vxor.u32 s28, v0  }
0x182: {  	s5 =	sor.u32 $0x5, s4;
	v12 =	vxor.u32 s30, v0;
	v14 =	vxor.u32 s31, v0;
	v9 =	vor.u32 v9, v8  }
0x183: {  	s1 =	sand.u32 $0x30, s1;
	v13 =	vxor.u32 s5, v0;
	v11 =	vor.u32 v11, v7;
	v14 =	vor.u32 v14, v7  }
0x184: {  	v12 =	vor.u32 v12, v7;
	v10 =	vor.u32 v10, v7;
	v11 =	vor.u32 s1, v11  }
0x185: {  	s5 =	sor.u32 $0x7, s4;
	s4 =	sor.u32 $0x6, s4;
	vm0 =	veq.s32 v6, $0x0;
	v13 =	vor.u32 v13, v7;
	v14 =	vor.u32 s1, v14  }
0x186: {  	s0 =	sand.u32 $0x3FFFFFF0, s0;
	s28 =	simm.s32 $0x8;
	v16 =	vxor.u32 s4, v0;
	v17 =	vor.u32 s1, v12;
	v6 =	vsel vm0, $0x0, v5  }
0x187: {  	v15 =	vxor.u32 s5, v0;
	v13 =	vor.u32 s1, v13;
	v16 =	vor.u32 v16, v7;
	[tilespmem:s0+$0x1A400] =	vst v6;
	s0 =	sand.u32 $0x8, s28  }
0x188: {  	v9 =	vor.u32 s1, v9;
	v12 =	vor.u32 v15, v7;
	v16 =	vor.u32 s1, v16;
	s3 =	sor.u32 $0x1, s0  }
0x189: {  	v25 =	vor.u32 s1, v10;
	v18 =	vor.u32 s1, v12;
	v10 =	vxor.u32 s0, v4;
	s5 =	sor.u32 $0x2, s0;
	s4 =	sor.u32 $0x4, s0;
	s31 =	sor.u32 $0x3, s0;
	v11 =	vld.idx.msk [tilespmem:v11+s21+$0x0], $0xffff  }
0x18a: {  	v19 =	vxor.u32 s3, v0;
	v20 =	vxor.u32 s5, v0;
	s5 =	sor.u32 $0x5, s0;
	v22 =	vxor.u32 s4, v0;
	s4 =	sor.u32 $0x6, s0;
	s0 =	sor.u32 $0x7, s0;
	v14 =	vld.idx.msk [tilespmem:v14+s21+$0x0], $0xffff  }
0x18b: {  	s30 =	sshll.u32 s14, $0x9;
	s3 =	sand.u32 $0x7, s17;
	v10 =	vor.u32 v10, v8;
	v24 =	vxor.u32 s5, v0;
	v21 =	vxor.u32 s0, v0;
	v15 =	vld.idx.msk [tilespmem:v17+s21+$0x0], $0xffff  }
0x18c: {  	s5 =	sand.u32 $0xFFFFF000, s30;
	s3 =	sshll.u32 s3, $0x6;
	v17 =	vor.u32 v19, v7;
	v26 =	vxor.u32 s4, v0;
	v23 =	vor.u32 v22, v7;
	v12 =	vld.idx.msk [tilespmem:v13+s21+$0x0], $0xffff  }
0x18d: {  	v13 =	vxor.u32 s31, v0;
	s5 =	sor.u32 s3, s5;
	s31 =	sand.u32 $0x30, s28;
	v27 =	vor.u32 v21, v7;
	v19 =	vld.idx.msk [tilespmem:v16+s21+$0x0], $0xffff;
	v16 =	vor.u32 v20, v7  }
0x18e: {  	v13 =	vor.u32 v13, v7;
	s0 =	sshrl.u32 s5, $0x2;
	v20 =	vor.u32 v24, v7;
	v18 =	vld.idx.msk [tilespmem:v18+s21+$0x0], $0xffff;
	v21 =	vor.u32 s31, v16  }
0x18f: {  	v24 =	vor.u32 v26, v7;
	v16 =	vld.idx.msk [tilespmem:v9+s21+$0x0], $0xffff;
	s30 =	sadd.s32 $0xE600, s0;
	v9 =	vor.u32 s31, v10;
	v22 =	vor.u32 s31, v13  }
0x190: {  	v10 =	vor.u32 s31, v17;
	v20 =	vor.u32 s31, v20;
	v13 =	vor.u32 s31, v27;
	v17 =	vld.idx.msk [tilespmem:v25+s21+$0x0], $0xffff;
	s4 =	smov.u32 s30  }
.LBB2_20:
0x191: {  	s28 =	sadd.s32 $0x8, s28;
	v23 =	vor.u32 s31, v23;
	v25 =	vmul.f32 v11, v6;
	v26 =	vmul.f32 v14, v6;
	s30 =	sadd.s32 $0x800, s30  }
0x192: {  	v24 =	vor.u32 s31, v24;
	v27 =	vmul.f32 v15, v6;
	v15 =	vmul.f32 v19, v6;
	s0 =	sand.u32 $0x8, s28;
	p0 =	slt.u32 s28, $0x38  }
0x193: {  	v19 =	vxor.u32 s0, v4;
	s1 =	sor.u32 $0x1, s0;
	s3 =	sor.u32 $0x2, s0;
	s31 =	sor.u32 $0x3, s0;
	v11 =	vld.idx.msk [tilespmem:v21+s21+$0x0], $0xffff;
	[tilespmem:s4+$0xFFFFFF00] =	vst v25;
	v21 =	vmul.f32 v12, v6  }
0x194: {  	s5 =	sor.u32 $0x6, s0;
	v29 =	vmul.f32 v16, v6;
	v25 =	vxor.u32 s1, v0;
	v28 =	vxor.u32 s3, v0;
	s1 =	sor.u32 $0x4, s0;
	s3 =	sor.u32 $0x5, s0;
	v14 =	vld.idx.msk [tilespmem:v22+s21+$0x0], $0xffff;
	[tilespmem:s4+$0x100] =	vst v15  }
0x195: {  	s0 =	sor.u32 $0x7, s0;
	v18 =	vmul.f32 v18, v6;
	v16 =	vxor.u32 s1, v0;
	v22 =	vxor.u32 s3, v0;
	v12 =	vld.idx.msk [tilespmem:v20+s21+$0x0], $0xffff;
	[tilespmem:s4+$0xFFFFFF80] =	vst v26  }
0x196: {  	v20 =	vor.u32 v19, v8;
	v26 =	vxor.u32 s31, v0;
	v30 =	vxor.u32 s0, v0;
	v15 =	vld.idx.msk [tilespmem:v23+s21+$0x0], $0xffff;
	[tilespmem:s4+$0x0] =	vst v27  }
.Ltmp8:
0x197: {  	v25 =	vor.u32 v25, v7;
	v17 =	vmul.f32 v17, v6;
	v27 =	vxor.u32 s5, v0;
	v19 =	vld.idx.msk [tilespmem:v24+s21+$0x0], $0xffff;
	[tilespmem:s4+$0x80] =	vst v21;
	(pc) =	sbr.rel @p0 .LBB2_20-.Ltmp8, $4  }
0x198: {  	s31 =	sand.u32 $0x30, s28;
	v21 =	vor.u32 v28, v7;
	v24 =	vor.u32 v26, v7;
	v26 =	vor.u32 v30, v7;
	[tilespmem:s4+$0x180] =	vst v18  }
0x199: {  	v23 =	vor.u32 v16, v7;
	v28 =	vor.u32 v22, v7;
	v21 =	vor.u32 s31, v21;
	v16 =	vld.idx.msk [tilespmem:v9+s21+$0x0], $0xffff;
	[tilespmem:s4+$0xFFFFFE80] =	vst v17  }
0x19a: {  	v25 =	vor.u32 s31, v25;
	v22 =	vor.u32 s31, v24;
	v9 =	vor.u32 s31, v20;
	v18 =	vld.idx.msk [tilespmem:v13+s21+$0x0], $0xffff;
	[tilespmem:s4+$0xFFFFFE00] =	vst v29;
	s4 =	smov.u32 s30  }
0x19b: {  	v24 =	vor.u32 v27, v7;
	v20 =	vor.u32 s31, v28;
	v13 =	vor.u32 s31, v26;
	v17 =	vld.idx.msk [tilespmem:v10+s21+$0x0], $0xffff;
	v10 =	vmovc v25  }
0x19c: {  	_ = 	snop  }
0x19d: {  	v8 =	vmul.f32 v11, v6  }
0x19e: {  	v19 =	vmul.f32 v19, v6  }
0x19f: {  	v7 =	vor.u32 s31, v24;
	v14 =	vmul.f32 v14, v6;
	[tilespmem:s4+$0xFFFFFF00] =	vst v8  }
0x1a0: {  	v52 =	vor.u32 s31, v23;
	v53 =	vmul.f32 v15, v6;
	v54 =	vld.idx.msk [tilespmem:v21+s21+$0x0], $0xffff;
	[tilespmem:s4+$0x100] =	vst v19  }
0x1a1: {  	v12 =	vmul.f32 v12, v6;
	v55 =	vld.idx.msk [tilespmem:v22+s21+$0x0], $0xffff;
	[tilespmem:s4+$0xFFFFFF80] =	vst v14  }
0x1a2: {  	v60 =	vld.idx.msk [tilespmem:v13+s21+$0x0], $0xffff;
	[tilespmem:s4+$0x0] =	vst v53;
	v58 =	vmul.f32 v16, v6  }
0x1a3: {  	v10 =	vld.idx.msk [tilespmem:v10+s21+$0x0], $0xffff;
	[tilespmem:s4+$0x80] =	vst v12;
	v18 =	vmul.f32 v18, v6  }
0x1a4: {  	v57 =	vmul.f32 v17, v6;
	[tilespmem:s4+$0xFFFFFE00] =	vst v58;
	v7 =	vld.idx.msk [tilespmem:v7+s21+$0x0], $0xffff  }
0x1a5: {  	v56 =	vld.idx.msk [tilespmem:v52+s21+$0x0], $0xffff;
	[tilespmem:s4+$0x180] =	vst v18;
	v61 =	vmul.f32 v54, v6  }
0x1a6: {  	v59 =	vld.idx.msk [tilespmem:v20+s21+$0x0], $0xffff;
	s0 =	sadd.s32 $0x800, s30;
	v62 =	vmul.f32 v55, v6;
	[tilespmem:s4+$0xFFFFFE80] =	vst v57  }
0x1a7: {  	v9 =	vld.idx.msk [tilespmem:v9+s21+$0x0], $0xffff;
	v11 =	vmul.f32 v60, v6;
	[tilespmem:s0+$0xFFFFFF00] =	vst v61  }
0x1a8: {  	s14 =	sadd.s32 $0x1, s14;
	v63 =	vmul.f32 v10, v6;
	[tilespmem:s0+$0xFFFFFF80] =	vst v62  }
0x1a9: {  	p0 =	sne.s32 s14, $0x10;
	[tilespmem:s0+$0x180] =	vst v11;
	v7 =	vmul.f32 v7, v6  }
.Ltmp9:
0x1aa: {  	[tilespmem:s0+$0xFFFFFE80] =	vst v63;
	v8 =	vmul.f32 v56, v6;
	(pc) =	sbr.rel @p0 .LBB2_19-.Ltmp9, $4  }
0x1ab: {  	[tilespmem:s0+$0x100] =	vst v7;
	v7 =	vmul.f32 v59, v6  }
0x1ac: {  	[tilespmem:s0+$0x0] =	vst v8;
	v6 =	vmul.f32 v9, v6  }
0x1ad: {  	[tilespmem:s0+$0x80] =	vst v7  }
0x1ae: {  	s17 =	sadd.s32 $0x1, s17;
	[tilespmem:s0+$0xFFFFFE00] =	vst v6  }
0x1af: {  	s0 =	sshll.u32 s2, $0xC  }
0x1b0: {  	s0 =	sadd.s32 s9, s0  }
0x1b1: {  	s1 =	rddreg [dreg:$0x5];
	s0 =	sshrl.u32 s0, $0x3  }
0x1b2: {  	s4 =	sadd.s32 s11, s16;
	s0 =	sadd.s32 s1, s0  }
0x1b3: {  	[hbm4b:s0+s22] =	stream.strided.scatter [tilespmem:s24], [sflag:$0x3], $0x4000, s23, s22, $0x38;
	[tilespmem:$0x1A600] =	vst v63  }
0x1b4: {  	s5 =	rddreg [dreg:$0x7];
	s0 =	sshrl.u32 s4, $0x3  }
0x1b5: {  	s14 =	simm.s32 $0x1A400;
	s0 =	sadd.s32 s5, s0  }
0x1b6: {  	[hbm4b:s0+s6] =	stream.linear.scatter [tilespmem:s14], [sflag:$0x3], $0x100, $0x38;
	[tilespmem:$0x1A600] =	vst v63  }
0x1b7: {  	p0 =	seq.s32 s2, $0x31;
	_ =	swait.ge [sflag:s25], $0x4000  }
0x1b8: {  	s3 =	simm.s32 @!p0 $0x6400;
	[sflag:s25] =	ssyncset.done $0x0  }
0x1b9: {  	s1 =	simm.s32 @!p0 $0x80;
	s0 =	sadd.s32 @!p0 $0x200, s13;
	[sflag:s25] =	ssyncadd.s32 $0xFFFFC000  }
0x1ba: {  	[tilespmem:s3], [sflag:$0x1] =	stream.indirect.gather @!p0 [hbm4b:s7+s1], $0x40, s0, s1, $0xb8;
	[tilespmem:$0x1A600] =	vst v63  }
0x1bb: {  	p1 =	seq.s32 @!p0 s2, $0x0;
	s0 =	sadd.s32 @!p0 $0x280, s13;
	s3 =	simm.s32 @!p0 $0x8400  }
0x1bc: {  	[tilespmem:s3], [sflag:$0x1] =	stream.indirect.gather @!p0 [hbm4b:s7+s1], $0x40, s0, s1, $0xb8;
	[tilespmem:$0x1A600] =	vst v63  }
0x1bd: {  	p0 =	por p0, !p1  }
0x1be: {  	_ =	swait.ge @p0 [sflag:s29], $0x4000  }
0x1bf: {  	[sflag:s29] =	ssyncset.done @p0 $0x0  }
0x1c0: {  	[sflag:s29] =	ssyncadd.s32 @p0 $0xFFFFC000  }
0x1c1: {  	s16 =	simm.s32 $0x0;
	_ =	swait.ge @p0 [sflag:s29], $0x100  }
0x1c2: {  	s0 =	sand.u32 $0xC, s16;
	[sflag:s29] =	ssyncset.done @p0 $0x0  }
0x1c3: {  	s17 =	simm.s32 $0x0;
	s4 =	simm.s32 $0xA480;
	v10 =	vxor.u32 s0, v0;
	[sflag:s29] =	ssyncadd.s32 @p0 $0xFFFFFF00  }
0x1c4: {  	s5 =	simm.s32 $0x3;
	v7 =	vor.u32 s17, v10;
	v6 =	vld [tilespmem:s4+$0xFFFFFF80]  }
0x1c5: {  	s31 =	simm.s32 $0x1;
	s1 =	sand.u32 $0xF, s5  }
0x1c6: {  	s13 =	simm.s32 $0x2;
	s3 =	sand.u32 $0xD, s31;
	s16 =	simm.s32 $0xC0;
	v18 =	vxor.u32 s1, v0  }
0x1c7: {  	s14 =	simm.s32 $0x40;
	v13 =	vxor.u32 s3, v0;
	s3 =	sand.u32 $0xE, s13;
	v12 =	vor.u32 s16, v18;
	v11 =	vld [tilespmem:s4+$0x40]  }
0x1c8: {  	v9 =	vor.u32 s14, v13;
	v16 =	vxor.u32 s3, v0;
	s17 =	simm.s32 $0x80;
	v8 =	vld [tilespmem:s4+$0xFFFFFFC0]  }
0x1c9: {  	s31 =	simm.s32 $0x10;
	v15 =	vor.u32 s17, v16;
	v14 =	vld [tilespmem:s4+$0x0];
	[tilespmem:v7+s21+$0x0] =	vst.idx.msk $0xffff, v6  }
0x1ca: {  	v7 =	vor.u32 s31, v10;
	v6 =	vld [tilespmem:s4+$0xFFFFFF90]  }
0x1cb: {  	s13 =	simm.s32 $0xA580  }
0x1cc: {  	s1 =	simm.s32 $0xD0;
	v19 =	vld [tilespmem:s13+$0xFFFFFF80];
	[tilespmem:v12+s21+$0x0] =	vst.idx.msk $0xffff, v11  }
0x1cd: {  	s5 =	simm.s32 $0x50;
	[tilespmem:v9+s21+$0x0] =	vst.idx.msk $0xffff, v8;
	v11 =	vor.u32 s1, v18;
	v8 =	vld [tilespmem:s4+$0x50]  }
0x1ce: {  	s14 =	simm.s32 $0x4;
	s16 =	simm.s32 $0x90;
	v17 =	vor.u32 s5, v13;
	[tilespmem:v15+s21+$0x0] =	vst.idx.msk $0xffff, v14;
	v9 =	vld [tilespmem:s4+$0xFFFFFFD0]  }
0x1cf: {  	s3 =	simm.s32 $0x20;
	s17 =	sand.u32 $0xC, s14;
	v21 =	vor.u32 s16, v16;
	v12 =	vld [tilespmem:s4+$0x10];
	[tilespmem:v7+s21+$0x0] =	vst.idx.msk $0xffff, v6  }
0x1d0: {  	s16 =	simm.s32 $0x100;
	v14 =	vor.u32 s3, v10;
	v6 =	vxor.u32 s17, v0;
	v15 =	vld [tilespmem:s4+$0xFFFFFFA0]  }
0x1d1: {  	v20 =	vld [tilespmem:s13+$0x40];
	s31 =	simm.s32 $0x5;
	v22 =	vor.u32 s16, v6  }
0x1d2: {  	s5 =	simm.s32 $0x6;
	v23 =	vld [tilespmem:s13+$0xFFFFFFC0];
	s3 =	sand.u32 $0xD, s31;
	s17 =	simm.s32 $0xE0;
	[tilespmem:v11+s21+$0x0] =	vst.idx.msk $0xffff, v8  }
0x1d3: {  	s31 =	sand.u32 $0xE, s5;
	v8 =	vxor.u32 s3, v0;
	s3 =	simm.s32 $0x140;
	[tilespmem:v17+s21+$0x0] =	vst.idx.msk $0xffff, v9;
	v11 =	vor.u32 s17, v18;
	v24 =	vld [tilespmem:s4+$0x60]  }
0x1d4: {  	v26 =	vld [tilespmem:s13+$0x0];
	s5 =	simm.s32 $0x180;
	v7 =	vxor.u32 s31, v0;
	[tilespmem:v21+s21+$0x0] =	vst.idx.msk $0xffff, v12;
	v25 =	vor.u32 s3, v8  }
0x1d5: {  	s16 =	simm.s32 $0x7;
	s17 =	simm.s32 $0x60;
	[tilespmem:v14+s21+$0x0] =	vst.idx.msk $0xffff, v15;
	v14 =	vor.u32 s5, v7;
	v15 =	vld [tilespmem:s4+$0xFFFFFFE0]  }
0x1d6: {  	s31 =	simm.s32 $0xA0;
	s1 =	sand.u32 $0xF, s16;
	v28 =	vor.u32 s17, v13;
	[tilespmem:v22+s21+$0x0] =	vst.idx.msk $0xffff, v19;
	v19 =	vld [tilespmem:s4+$0x20]  }
0x1d7: {  	s3 =	simm.s32 $0x1C0;
	v21 =	vor.u32 s31, v16;
	v9 =	vxor.u32 s1, v0;
	v27 =	vld [tilespmem:s4+$0xFFFFFFB0]  }
0x1d8: {  	v22 =	vor.u32 s3, v9;
	s5 =	simm.s32 $0x110;
	[tilespmem:v11+s21+$0x0] =	vst.idx.msk $0xffff, v24;
	v29 =	vld [tilespmem:s13+$0xFFFFFF90]  }
0x1d9: {  	s16 =	simm.s32 $0x30;
	[tilespmem:v25+s21+$0x0] =	vst.idx.msk $0xffff, v23;
	v63 =	vor.u32 s5, v6;
	v11 =	vld [tilespmem:s4+$0x70]  }
0x1da: {  	v23 =	vor.u32 s16, v10;
	v17 =	vld [tilespmem:s13+$0xFFFFFFD0];
	[tilespmem:v14+s21+$0x0] =	vst.idx.msk $0xffff, v26  }
0x1db: {  	s31 =	simm.s32 $0x150;
	[tilespmem:v28+s21+$0x0] =	vst.idx.msk $0xffff, v15;
	v12 =	vld [tilespmem:s13+$0x10]  }
0x1dc: {  	s17 =	simm.s32 $0x120;
	s5 =	simm.s32 $0x70;
	[tilespmem:v21+s21+$0x0] =	vst.idx.msk $0xffff, v19;
	v21 =	vor.u32 s31, v8;
	v15 =	vld [tilespmem:s4+$0xFFFFFFF0]  }
0x1dd: {  	s28 =	simm.s32 $0x190;
	v10 =	vor.u32 s17, v6;
	s17 =	simm.s32 $0xB0;
	[tilespmem:v22+s21+$0x0] =	vst.idx.msk $0xffff, v20;
	v19 =	vor.u32 s5, v13;
	v14 =	vld [tilespmem:s4+$0x30]  }
0x1de: {  	s30 =	simm.s32 $0x1E0;
	s3 =	simm.s32 $0xF0;
	v16 =	vor.u32 s17, v16;
	s31 =	simm.s32 $0x1D0;
	[tilespmem:v63+s21+$0x0] =	vst.idx.msk $0xffff, v29;
	v20 =	vld [tilespmem:s13+$0x50]  }
0x1df: {  	s16 =	simm.s32 $0x1F0;
	s17 =	simm.s32 $0xA680;
	v13 =	vor.u32 s3, v18;
	v22 =	vor.u32 s31, v9;
	s4 =	simm.s32 $0x2F0;
	[tilespmem:v23+s21+$0x0] =	vst.idx.msk $0xffff, v27;
	v18 =	vld [tilespmem:s13+$0xFFFFFFA0]  }
.LBB2_23:
0x1e0: {  	s0 =	sadd.s32 $0x5, s14  }
0x1e1: {  	v23 =	vld [tilespmem:s17+$0xFFFFFF80];
	s1 =	sadd.s32 $0x6, s14;
	[tilespmem:v21+s21+$0x0] =	vst.idx.msk $0xffff, v17;
	s3 =	smov.u32 s14;
	s14 =	sadd.s32 $0x4, s14  }
0x1e2: {  	v17 =	vor.u32 s28, v7;
	v21 =	vor.u32 s30, v9;
	s5 =	sand.u32 $0xC, s14;
	s0 =	sand.u32 $0xD, s0;
	s1 =	sand.u32 $0xE, s1;
	v24 =	vld [tilespmem:s17+$0x40];
	[tilespmem:v19+s21+$0x0] =	vst.idx.msk $0xffff, v15  }
0x1e3: {  	s28 =	sadd.s32 $0xFFFFFF30, s4;
	v15 =	vxor.u32 s5, v0;
	s5 =	sadd.s32 $0xFFFFFF10, s4;
	v25 =	vxor.u32 s0, v0;
	v26 =	vxor.u32 s1, v0;
	s0 =	sadd.s32 $0x7, s3;
	[tilespmem:v16+s21+$0x0] =	vst.idx.msk $0xffff, v14  }
0x1e4: {  	s1 =	sadd.s32 $0xFFFFFF50, s4;
	v14 =	vor.u32 s5, v15;
	v16 =	vor.u32 s28, v15;
	v19 =	vld [tilespmem:s17+$0xFFFFFFC0];
	s28 =	sadd.s32 $0xFFFFFFA0, s4;
	s0 =	sand.u32 $0xF, s0;
	[tilespmem:v22+s21+$0x0] =	vst.idx.msk $0xffff, v20  }
0x1e5: {  	s30 =	sadd.s32 $0xFFFFFFF0, s4;
	p0 =	slt.u32 s14, $0xFC;
	v20 =	vor.u32 s1, v25;
	s1 =	sadd.s32 $0xFFFFFF90, s4;
	v27 =	vxor.u32 s0, v0;
	v22 =	vld [tilespmem:s13+$0x60];
	[tilespmem:v13+s21+$0x0] =	vst.idx.msk $0xffff, v11  }
0x1e6: {  	v28 =	vor.u32 s1, v26;
	v13 =	vld [tilespmem:s17+$0x0];
	[tilespmem:v10+s21+$0x0] =	vst.idx.msk $0xffff, v18;
	v10 =	vmov v16  }
0x1e7: {  	s0 =	sadd.s32 $0xFFFFFFD0, s4;
	s1 =	sadd.s32 $0xFFFFFF70, s16;
	v29 =	vld [tilespmem:s13+$0xFFFFFFB0]  }
0x1e8: {  	v16 =	vor.u32 s0, v27;
	v30 =	vor.u32 s1, v8;
	s0 =	sadd.s32 $0xFFFFFFB0, s16;
	v18 =	vld [tilespmem:s13+$0xFFFFFFE0];
	[tilespmem:v17+s21+$0x0] =	vst.idx.msk $0xffff, v12  }
0x1e9: {  	[tilespmem:v14+s21+$0x0] =	vst.idx.msk $0xffff, v23;
	v14 =	vld [tilespmem:s13+$0x20];
	v23 =	vor.u32 s0, v7  }
0x1ea: {  	s0 =	sadd.s32 $0xFFFFFF20, s4;
	v31 =	vld [tilespmem:s17+$0xFFFFFF90];
	[tilespmem:v21+s21+$0x0] =	vst.idx.msk $0xffff, v22  }
0x1eb: {  	v22 =	vor.u32 s0, v15;
	s0 =	sadd.s32 $0xFFFFFF40, s16;
	[tilespmem:v20+s21+$0x0] =	vst.idx.msk $0xffff, v19;
	v11 =	vld [tilespmem:s13+$0x70]  }
0x1ec: {  	s1 =	sadd.s32 $0xFFFFFF60, s4;
	v17 =	vld [tilespmem:s17+$0xFFFFFFD0];
	[tilespmem:v28+s21+$0x0] =	vst.idx.msk $0xffff, v13;
	v28 =	vor.u32 s0, v6;
	v6 =	vmov v15  }
.Ltmp10:
0x1ed: {  	v21 =	vor.u32 s1, v25;
	s0 =	sadd.s32 $0xFFFFFF80, s16;
	v12 =	vld [tilespmem:s17+$0x10];
	[tilespmem:v30+s21+$0x0] =	vst.idx.msk $0xffff, v18;
	(pc) =	sbr.rel @p0 .LBB2_23-.Ltmp10, $4  }
0x1ee: {  	v19 =	vor.u32 s0, v8;
	s0 =	sadd.s32 $0xFFFFFFC0, s16;
	v8 =	vmov v25;
	v15 =	vld [tilespmem:s13+$0xFFFFFFF0];
	[tilespmem:v23+s21+$0x0] =	vst.idx.msk $0xffff, v14  }
0x1ef: {  	s1 =	sadd.s32 $0xFFFFFFE0, s4;
	[tilespmem:v16+s21+$0x0] =	vst.idx.msk $0xffff, v24;
	v14 =	vld [tilespmem:s13+$0x30];
	v16 =	vor.u32 s0, v7;
	v7 =	vmov v26;
	s13 =	smov.u32 s17  }
0x1f0: {  	v13 =	vor.u32 s16, v9;
	v9 =	vmov v27;
	s16 =	smov.u32 s4;
	[tilespmem:v22+s21+$0x0] =	vst.idx.msk $0xffff, v31;
	v20 =	vld [tilespmem:s17+$0x50];
	v22 =	vor.u32 s1, v27  }
0x1f1: {  	s4 =	sadd.s32 $0x100, s4;
	s17 =	sadd.s32 $0x100, s17;
	v18 =	vld [tilespmem:s13+$0xFFFFFFA0];
	[tilespmem:v28+s21+$0x0] =	vst.idx.msk $0xffff, v29  }
0x1f2: {  	_ = 	snop  }
0x1f3: {  	v23 =	vor.u32 s28, v7;
	_ =	sdelay $0x2  }
0x1f4: {  	[tilespmem:v21+s21+$0x0] =	vst.idx.msk $0xffff, v17;
	s0 =	sadd.s32 $0xFFFFFF70, s16  }
0x1f5: {  	v17 =	vld [tilespmem:s13+$0xFFFFFFE0];
	v56 =	vor.u32 s0, v8;
	[tilespmem:v22+s21+$0x0] =	vst.idx.msk $0xffff, v20  }
0x1f6: {  	s17 =	sadd.s32 $0xFFFFFFB0, s16;
	v58 =	vor.u32 s30, v9;
	v59 =	vld [tilespmem:s13+$0x60];
	[tilespmem:v23+s21+$0x0] =	vst.idx.msk $0xffff, v12  }
0x1f7: {  	v57 =	vor.u32 s17, v7;
	v12 =	vld [tilespmem:s13+$0x20]  }
0x1f8: {  	[tilespmem:v13+s21+$0x0] =	vst.idx.msk $0xffff, v11  }
0x1f9: {  	s28 =	sadd.s32 $0xFFFFFF40, s16;
	[tilespmem:v10+s21+$0x0] =	vst.idx.msk $0xffff, v18  }
0x1fa: {  	s30 =	sadd.s32 $0xFFFFFF80, s16;
	v6 =	vor.u32 s28, v6;
	v10 =	vld [tilespmem:s13+$0xFFFFFFB0];
	[tilespmem:v56+s21+$0x0] =	vst.idx.msk $0xffff, v17  }
0x1fb: {  	v61 =	vor.u32 s30, v8;
	v60 =	vld [tilespmem:s13+$0xFFFFFFF0];
	[tilespmem:v58+s21+$0x0] =	vst.idx.msk $0xffff, v59  }
0x1fc: {  	s31 =	sadd.s32 $0xFFFFFFC0, s16;
	v63 =	vor.u32 s16, v9;
	v62 =	vld [tilespmem:s13+$0x70];
	[tilespmem:v57+s21+$0x0] =	vst.idx.msk $0xffff, v12  }
0x1fd: {  	[tilespmem:v19+s21+$0x0] =	vst.idx.msk $0xffff, v15;
	v7 =	vor.u32 s31, v7;
	v12 =	vld [tilespmem:s13+$0x30]  }
0x1fe: {  	[tilespmem:v16+s21+$0x0] =	vst.idx.msk $0xffff, v14  }
0x1ff: {  	[tilespmem:v6+s21+$0x0] =	vst.idx.msk $0xffff, v10  }
0x200: {  	[tilespmem:v61+s21+$0x0] =	vst.idx.msk $0xffff, v60  }
0x201: {  	[tilespmem:v63+s21+$0x0] =	vst.idx.msk $0xffff, v62  }
0x202: {  	s14 =	simm.s32 $0x0;
	s13 =	simm.s32 $0x0;
	[tilespmem:v7+s21+$0x0] =	vst.idx.msk $0xffff, v12  }
.LBB2_25:
0x203: {  	s0 =	sshll.u32 s14, $0x4  }
0x204: {  	s1 =	sand.u32 $0x3FFFFF80, s0  }
0x205: {  	s3 =	sand.u32 $0x70, s0;
	s1 =	sadd.s32 s1, s12  }
0x206: {  	s1 =	sadd.s32 s3, s1  }
0x207: {  	v6 =	vld [tilespmem:s1+$0x0];
	s1 =	simm.s32 $0x0  }
0x208: {  	s30 =	sshll.u32 s14, $0xA;
	s4 =	sand.u32 $0x8, s1  }
0x209: {  	v7 =	vor.u32 s30, v2;
	v8 =	vor.u32 s30, v3;
	s31 =	sor.u32 $0x1, s4;
	s5 =	sor.u32 $0x2, s4  }
0x20a: {  	v9 =	vxor.u32 s4, v4;
	s16 =	sor.u32 $0x4, s4;
	s17 =	sor.u32 $0x3, s4;
	s30 =	sor.u32 $0x5, s4;
	v10 =	vxor.u32 s31, v0;
	v11 =	vxor.u32 s5, v0  }
0x20b: {  	v12 =	vxor.u32 s16, v0;
	v13 =	vxor.u32 s30, v0;
	v14 =	vxor.u32 s17, v0  }
0x20c: {  	s1 =	sand.u32 $0x30, s1;
	s31 =	sor.u32 $0x7, s4;
	v9 =	vor.u32 v9, v8;
	v11 =	vor.u32 v11, v7;
	v14 =	vor.u32 v14, v7  }
0x20d: {  	s4 =	sor.u32 $0x6, s4;
	v15 =	vxor.u32 s31, v0;
	v13 =	vor.u32 v13, v7;
	v11 =	vor.u32 s1, v11  }
0x20e: {  	v16 =	vxor.u32 s4, v0;
	v12 =	vor.u32 v12, v7;
	v14 =	vor.u32 s1, v14  }
0x20f: {  	v10 =	vor.u32 v10, v7;
	vm0 =	veq.s32 v6, $0x0;
	v13 =	vor.u32 s1, v13  }
0x210: {  	s0 =	sand.u32 $0x3FFFFFF0, s0;
	s16 =	simm.s32 $0x8;
	v16 =	vor.u32 v16, v7;
	v17 =	vor.u32 s1, v12;
	v6 =	vsel vm0, $0x0, v5  }
0x211: {  	v9 =	vor.u32 s1, v9;
	v12 =	vor.u32 v15, v7;
	v16 =	vor.u32 s1, v16;
	[tilespmem:s0+$0x1A500] =	vst v6;
	s0 =	sand.u32 $0x8, s16  }
0x212: {  	v25 =	vor.u32 s1, v10;
	v18 =	vor.u32 s1, v12;
	v10 =	vxor.u32 s0, v4;
	s3 =	sor.u32 $0x1, s0;
	s4 =	sor.u32 $0x2, s0;
	s17 =	sor.u32 $0x4, s0;
	v11 =	vld.idx.msk [tilespmem:v11+s21+$0x0], $0xffff  }
0x213: {  	s5 =	sshll.u32 s14, $0x9;
	s31 =	sor.u32 $0x6, s0;
	v19 =	vxor.u32 s3, v0;
	v20 =	vxor.u32 s4, v0;
	s3 =	sor.u32 $0x5, s0;
	v22 =	vxor.u32 s17, v0;
	v14 =	vld.idx.msk [tilespmem:v14+s21+$0x0], $0xffff  }
0x214: {  	s30 =	sor.u32 $0x3, s0;
	s4 =	sand.u32 $0x7, s13;
	s0 =	sor.u32 $0x7, s0;
	v10 =	vor.u32 v10, v8;
	v26 =	vxor.u32 s31, v0;
	v24 =	vxor.u32 s3, v0;
	v12 =	vld.idx.msk [tilespmem:v13+s21+$0x0], $0xffff  }
0x215: {  	v13 =	vxor.u32 s30, v0;
	s30 =	sand.u32 $0xFFFFF000, s5;
	s3 =	sshll.u32 s4, $0x6;
	v21 =	vxor.u32 s0, v0;
	v15 =	vld.idx.msk [tilespmem:v17+s21+$0x0], $0xffff;
	v17 =	vor.u32 v19, v7  }
0x216: {  	s28 =	sand.u32 $0x30, s16;
	v23 =	vor.u32 v22, v7;
	s31 =	sor.u32 s3, s30;
	v19 =	vld.idx.msk [tilespmem:v16+s21+$0x0], $0xffff;
	v16 =	vor.u32 v20, v7;
	v13 =	vor.u32 v13, v7  }
0x217: {  	v27 =	vor.u32 v21, v7;
	v20 =	vor.u32 v24, v7;
	v18 =	vld.idx.msk [tilespmem:v18+s21+$0x0], $0xffff;
	s0 =	sshrl.u32 s31, $0x2;
	v21 =	vor.u32 s28, v16  }
0x218: {  	v24 =	vor.u32 v26, v7;
	v16 =	vld.idx.msk [tilespmem:v9+s21+$0x0], $0xffff;
	v9 =	vor.u32 s28, v10;
	v22 =	vor.u32 s28, v13;
	s4 =	sadd.s32 $0x12600, s0  }
0x219: {  	v10 =	vor.u32 s28, v17;
	v20 =	vor.u32 s28, v20;
	v13 =	vor.u32 s28, v27;
	v17 =	vld.idx.msk [tilespmem:v25+s21+$0x0], $0xffff;
	s17 =	smov.u32 s4  }
.LBB2_26:
0x21a: {  	s16 =	sadd.s32 $0x8, s16;
	v23 =	vor.u32 s28, v23;
	v25 =	vmul.f32 v11, v6;
	v26 =	vmul.f32 v14, v6;
	s4 =	sadd.s32 $0x800, s4  }
0x21b: {  	v24 =	vor.u32 s28, v24;
	v27 =	vmul.f32 v15, v6;
	v15 =	vmul.f32 v19, v6;
	s0 =	sand.u32 $0x8, s16;
	p0 =	slt.u32 s16, $0x38  }
0x21c: {  	v19 =	vxor.u32 s0, v4;
	s1 =	sor.u32 $0x1, s0;
	s3 =	sor.u32 $0x2, s0;
	s5 =	sor.u32 $0x3, s0;
	v11 =	vld.idx.msk [tilespmem:v21+s21+$0x0], $0xffff;
	[tilespmem:s17+$0xFFFFFF00] =	vst v25;
	v21 =	vmul.f32 v12, v6  }
0x21d: {  	s28 =	sor.u32 $0x6, s0;
	v29 =	vmul.f32 v16, v6;
	v25 =	vxor.u32 s1, v0;
	v28 =	vxor.u32 s3, v0;
	s1 =	sor.u32 $0x4, s0;
	s3 =	sor.u32 $0x5, s0;
	v14 =	vld.idx.msk [tilespmem:v22+s21+$0x0], $0xffff;
	[tilespmem:s17+$0x100] =	vst v15  }
0x21e: {  	s0 =	sor.u32 $0x7, s0;
	v18 =	vmul.f32 v18, v6;
	v16 =	vxor.u32 s1, v0;
	v22 =	vxor.u32 s3, v0;
	v12 =	vld.idx.msk [tilespmem:v20+s21+$0x0], $0xffff;
	[tilespmem:s17+$0xFFFFFF80] =	vst v26  }
0x21f: {  	v20 =	vor.u32 v19, v8;
	v26 =	vxor.u32 s5, v0;
	v30 =	vxor.u32 s0, v0;
	v15 =	vld.idx.msk [tilespmem:v23+s21+$0x0], $0xffff;
	[tilespmem:s17+$0x0] =	vst v27  }
.Ltmp11:
0x220: {  	v25 =	vor.u32 v25, v7;
	v17 =	vmul.f32 v17, v6;
	v27 =	vxor.u32 s28, v0;
	v19 =	vld.idx.msk [tilespmem:v24+s21+$0x0], $0xffff;
	[tilespmem:s17+$0x80] =	vst v21;
	(pc) =	sbr.rel @p0 .LBB2_26-.Ltmp11, $4  }
0x221: {  	s28 =	sand.u32 $0x30, s16;
	v21 =	vor.u32 v28, v7;
	v24 =	vor.u32 v26, v7;
	v26 =	vor.u32 v30, v7;
	[tilespmem:s17+$0x180] =	vst v18  }
0x222: {  	v23 =	vor.u32 v16, v7;
	v28 =	vor.u32 v22, v7;
	v21 =	vor.u32 s28, v21;
	v16 =	vld.idx.msk [tilespmem:v9+s21+$0x0], $0xffff;
	[tilespmem:s17+$0xFFFFFE80] =	vst v17  }
0x223: {  	v25 =	vor.u32 s28, v25;
	v22 =	vor.u32 s28, v24;
	v9 =	vor.u32 s28, v20;
	v18 =	vld.idx.msk [tilespmem:v13+s21+$0x0], $0xffff;
	[tilespmem:s17+$0xFFFFFE00] =	vst v29;
	s17 =	smov.u32 s4  }
0x224: {  	v24 =	vor.u32 v27, v7;
	v20 =	vor.u32 s28, v28;
	v13 =	vor.u32 s28, v26;
	v17 =	vld.idx.msk [tilespmem:v10+s21+$0x0], $0xffff;
	v10 =	vmovc v25  }
0x225: {  	_ = 	snop  }
0x226: {  	v8 =	vmul.f32 v11, v6  }
0x227: {  	v19 =	vmul.f32 v19, v6  }
0x228: {  	v7 =	vor.u32 s28, v24;
	v14 =	vmul.f32 v14, v6;
	[tilespmem:s17+$0xFFFFFF00] =	vst v8  }
0x229: {  	v52 =	vor.u32 s28, v23;
	v53 =	vmul.f32 v15, v6;
	v54 =	vld.idx.msk [tilespmem:v21+s21+$0x0], $0xffff;
	[tilespmem:s17+$0x100] =	vst v19  }
0x22a: {  	v12 =	vmul.f32 v12, v6;
	v55 =	vld.idx.msk [tilespmem:v22+s21+$0x0], $0xffff;
	[tilespmem:s17+$0xFFFFFF80] =	vst v14  }
0x22b: {  	v60 =	vld.idx.msk [tilespmem:v13+s21+$0x0], $0xffff;
	[tilespmem:s17+$0x0] =	vst v53;
	v58 =	vmul.f32 v16, v6  }
0x22c: {  	v10 =	vld.idx.msk [tilespmem:v10+s21+$0x0], $0xffff;
	[tilespmem:s17+$0x80] =	vst v12;
	v18 =	vmul.f32 v18, v6  }
0x22d: {  	v57 =	vmul.f32 v17, v6;
	[tilespmem:s17+$0xFFFFFE00] =	vst v58;
	v7 =	vld.idx.msk [tilespmem:v7+s21+$0x0], $0xffff  }
0x22e: {  	v56 =	vld.idx.msk [tilespmem:v52+s21+$0x0], $0xffff;
	[tilespmem:s17+$0x180] =	vst v18;
	v61 =	vmul.f32 v54, v6  }
0x22f: {  	v59 =	vld.idx.msk [tilespmem:v20+s21+$0x0], $0xffff;
	s0 =	sadd.s32 $0x800, s4;
	v62 =	vmul.f32 v55, v6;
	[tilespmem:s17+$0xFFFFFE80] =	vst v57  }
0x230: {  	v9 =	vld.idx.msk [tilespmem:v9+s21+$0x0], $0xffff;
	v11 =	vmul.f32 v60, v6;
	[tilespmem:s0+$0xFFFFFF00] =	vst v61  }
0x231: {  	s14 =	sadd.s32 $0x1, s14;
	v63 =	vmul.f32 v10, v6;
	[tilespmem:s0+$0xFFFFFF80] =	vst v62  }
0x232: {  	p0 =	sne.s32 s14, $0x10;
	[tilespmem:s0+$0x180] =	vst v11;
	v7 =	vmul.f32 v7, v6  }
.Ltmp12:
0x233: {  	[tilespmem:s0+$0xFFFFFE80] =	vst v63;
	v8 =	vmul.f32 v56, v6;
	(pc) =	sbr.rel @p0 .LBB2_25-.Ltmp12, $4  }
0x234: {  	[tilespmem:s0+$0x100] =	vst v7;
	v7 =	vmul.f32 v59, v6  }
0x235: {  	[tilespmem:s0+$0x0] =	vst v8;
	v6 =	vmul.f32 v9, v6  }
0x236: {  	[tilespmem:s0+$0x80] =	vst v7  }
0x237: {  	s13 =	sadd.s32 $0x1, s13;
	[tilespmem:s0+$0xFFFFFE00] =	vst v6  }
0x238: {  	s0 =	sshll.u32 s10, $0xB  }
0x239: {  	s2 =	sadd.s32 $0x1, s2;
	s0 =	sadd.s32 s9, s0  }
0x23a: {  	s1 =	rddreg [dreg:$0x5];
	p0 =	sne.s32 s2, $0x32;
	s0 =	sshrl.u32 s0, $0x3  }
.Ltmp13:
0x23b: {  	s28 =	sadd.s32 s11, s8;
	s0 =	sadd.s32 s1, s0;
	(pc) =	sbr.rel @p0 .LBB2_16-.Ltmp13, $4  }
0x23c: {  	[hbm4b:s0+s22] =	stream.strided.scatter [tilespmem:s26], [sflag:$0x4], $0x4000, s23, s22, $0x38;
	[tilespmem:$0x1A600] =	vst v63  }
0x23d: {  	s30 =	rddreg [dreg:$0x7];
	s0 =	sshrl.u32 s28, $0x3  }
0x23e: {  	s31 =	simm.s32 $0x1A500;
	s0 =	sadd.s32 s30, s0  }
0x23f: {  	[hbm4b:s0+s6] =	stream.linear.scatter [tilespmem:s31], [sflag:$0x4], $0x100, $0x38;
	[tilespmem:$0x1A600] =	vst v63  }
0x240: {  	s0 =	simm.s32 $0x3  }
0x241: {  	_ =	swait.ge [sflag:s0], $0x4000  }
0x242: {  	[sflag:s0] =	ssyncset.done $0x0  }
0x243: {  	[sflag:s0] =	ssyncadd.s32 $0xFFFFC000  }
0x244: {  	_ =	swait.ge [sflag:s0], $0x100  }
0x245: {  	[sflag:s0] =	ssyncset.done $0x0  }
0x246: {  	[sflag:s0] =	ssyncadd.s32 $0xFFFFFF00  }
0x247: {  	_ =	swait.ge [sflag:s29], $0x4000  }
0x248: {  	[sflag:s29] =	ssyncset.done $0x0  }
0x249: {  	[sflag:s29] =	ssyncadd.s32 $0xFFFFC000  }
0x24a: {  	_ =	swait.ge [sflag:s29], $0x100  }
0x24b: {  	s2 =	simm.s32 $0x0;
	[sflag:s29] =	ssyncset.done $0x0  }
0x24c: {  	s28 =	simm.s32 $0x5;
	s17 =	rddreg [dreg:$0xb];
	[sflag:s29] =	ssyncadd.s32 $0xFFFFFF00  }
0x24d: {  	[tilespmem:s2], [sflag:$0x5] =	stream.linear.gather [hbm4b:s17+s2], $0x6400, $0x38;
	[tilespmem:$0x1A600] =	vst v63  }
0x24e: {  	_ =	swait.ge [sflag:s28], $0x6400  }
0x24f: {  	[sflag:s28] =	ssyncset.done $0x0  }
0x250: {  	s30 =	simm.s32 $0x6400;
	[sflag:s28] =	ssyncadd.s32 $0xFFFF9C00  }
0x251: {  	[tilespmem:s30], [sflag:$0x1] =	stream.indirect.gather [hbm4b:s7+s15], $0x40, s2, s15, $0xb8;
	[tilespmem:$0x1A600] =	vst v63  }
0x252: {  	s31 =	simm.s32 $0x8400  }
0x253: {  	[tilespmem:s31], [sflag:$0x1] =	stream.indirect.gather [hbm4b:s7+s15], $0x40, s15, s15, $0xb8;
	[tilespmem:$0x1A600] =	vst v63  }
.LBB2_30:
0x254: {  	_ =	swait.ge [sflag:s18], $0x4000;
	s8 =	sshllo.u32 s2, $0x1  }
0x255: {  	[sflag:s18] =	ssyncset.done $0x0;
	s0 =	sshll.u32 s8, $0x8  }
0x256: {  	[sflag:s18] =	ssyncadd.s32 $0xFFFFC000;
	s10 =	sand.u32 $0x3FFFFF00, s0  }
0x257: {  	[tilespmem:s19], [sflag:$0x2] =	stream.indirect.gather [hbm4b:s7+s15], $0x40, s10, s15, $0xb8;
	[tilespmem:$0x1A600] =	vst v63  }
0x258: {  	p0 =	sne.s32 s2, $0x0;
	s0 =	sor.u32 $0x80, s10  }
0x259: {  	[tilespmem:s20], [sflag:$0x2] =	stream.indirect.gather [hbm4b:s7+s15], $0x40, s0, s15, $0xb8;
	[tilespmem:$0x1A600] =	vst v63  }
0x25a: {  	s4 =	simm.s32 $0x6480;
	s0 =	simm.s32 @p0 $0x3  }
0x25b: {  	s13 =	simm.s32 $0x0;
	s1 =	simm.s32 $0x1;
	_ =	swait.ge @p0 [sflag:s0], $0x4000  }
0x25c: {  	s30 =	simm.s32 $0x3;
	s17 =	sand.u32 $0xD, s1;
	[sflag:s0] =	ssyncset.done @p0 $0x0  }
0x25d: {  	s31 =	simm.s32 $0x40;
	s1 =	sand.u32 $0xF, s30;
	v13 =	vxor.u32 s17, v0;
	[sflag:s0] =	ssyncadd.s32 @p0 $0xFFFFC000  }
0x25e: {  	v18 =	vxor.u32 s1, v0;
	s1 =	simm.s32 $0xC0;
	v9 =	vor.u32 s31, v13;
	s0 =	sand.u32 $0xC, s13;
	v8 =	vld [tilespmem:s4+$0xFFFFFFC0]  }
0x25f: {  	s14 =	simm.s32 $0x0;
	v12 =	vor.u32 s1, v18;
	v10 =	vxor.u32 s0, v0;
	v11 =	vld [tilespmem:s4+$0x40]  }
0x260: {  	v6 =	vld [tilespmem:s4+$0xFFFFFF80];
	v7 =	vor.u32 s14, v10  }
0x261: {  	s3 =	simm.s32 $0x2  }
0x262: {  	s3 =	sand.u32 $0xE, s3  }
0x263: {  	v15 =	vxor.u32 s3, v0;
	s3 =	simm.s32 $0x80;
	[tilespmem:v9+s21+$0x0] =	vst.idx.msk $0xffff, v8  }
0x264: {  	s12 =	simm.s32 $0xD0;
	v16 =	vor.u32 s3, v15;
	v14 =	vld [tilespmem:s4+$0x0];
	[tilespmem:v12+s21+$0x0] =	vst.idx.msk $0xffff, v11  }
0x265: {  	s5 =	simm.s32 $0x10;
	v11 =	vor.u32 s12, v18;
	[tilespmem:v7+s21+$0x0] =	vst.idx.msk $0xffff, v6;
	v8 =	vld [tilespmem:s4+$0x50]  }
0x266: {  	v7 =	vor.u32 s5, v10;
	v6 =	vld [tilespmem:s4+$0xFFFFFF90];
	_ =	sdelay $0x1  }
0x267: {  	s14 =	simm.s32 $0x50  }
0x268: {  	s17 =	simm.s32 $0x90;
	s13 =	simm.s32 $0x20;
	v17 =	vor.u32 s14, v13;
	[tilespmem:v16+s21+$0x0] =	vst.idx.msk $0xffff, v14;
	v9 =	vld [tilespmem:s4+$0xFFFFFFD0]  }
0x269: {  	v21 =	vor.u32 s17, v15;
	s17 =	simm.s32 $0xE0;
	v14 =	vor.u32 s13, v10;
	s13 =	simm.s32 $0x4;
	v12 =	vld [tilespmem:s4+$0x10];
	[tilespmem:v11+s21+$0x0] =	vst.idx.msk $0xffff, v8  }
0x26a: {  	s30 =	sand.u32 $0xC, s13;
	v11 =	vor.u32 s17, v18;
	[tilespmem:v7+s21+$0x0] =	vst.idx.msk $0xffff, v6;
	v24 =	vld [tilespmem:s4+$0x60]  }
0x26b: {  	s31 =	simm.s32 $0x5;
	s14 =	simm.s32 $0x100;
	s12 =	simm.s32 $0x6580;
	v6 =	vxor.u32 s30, v0;
	v16 =	vld [tilespmem:s4+$0xFFFFFFA0]  }
0x26c: {  	s3 =	sand.u32 $0xD, s31;
	v19 =	vld [tilespmem:s12+$0xFFFFFF80];
	v22 =	vor.u32 s14, v6  }
0x26d: {  	s31 =	simm.s32 $0x140;
	v20 =	vld [tilespmem:s12+$0x40];
	s5 =	simm.s32 $0x6;
	v8 =	vxor.u32 s3, v0;
	[tilespmem:v17+s21+$0x0] =	vst.idx.msk $0xffff, v9  }
0x26e: {  	v23 =	vld [tilespmem:s12+$0xFFFFFFC0];
	[tilespmem:v21+s21+$0x0] =	vst.idx.msk $0xffff, v12;
	s30 =	sand.u32 $0xE, s5;
	v25 =	vor.u32 s31, v8  }
0x26f: {  	s1 =	simm.s32 $0x180;
	v26 =	vld [tilespmem:s12+$0x0];
	v7 =	vxor.u32 s30, v0;
	[tilespmem:v11+s21+$0x0] =	vst.idx.msk $0xffff, v24  }
0x270: {  	s5 =	simm.s32 $0x60;
	[tilespmem:v14+s21+$0x0] =	vst.idx.msk $0xffff, v16;
	v14 =	vor.u32 s1, v7;
	v16 =	vld [tilespmem:s4+$0xFFFFFFE0]  }
0x271: {  	s3 =	simm.s32 $0x7;
	v28 =	vor.u32 s5, v13;
	s14 =	simm.s32 $0xA0;
	[tilespmem:v22+s21+$0x0] =	vst.idx.msk $0xffff, v19;
	v19 =	vld [tilespmem:s4+$0x20]  }
0x272: {  	s30 =	simm.s32 $0x110;
	v21 =	vor.u32 s14, v15;
	s1 =	sand.u32 $0xF, s3;
	v11 =	vld [tilespmem:s4+$0x70]  }
0x273: {  	s17 =	simm.s32 $0x1C0;
	v63 =	vor.u32 s30, v6;
	[tilespmem:v25+s21+$0x0] =	vst.idx.msk $0xffff, v23;
	v9 =	vxor.u32 s1, v0;
	v29 =	vld [tilespmem:s12+$0xFFFFFF90]  }
0x274: {  	s31 =	simm.s32 $0x30;
	v17 =	vld [tilespmem:s12+$0xFFFFFFD0];
	v22 =	vor.u32 s17, v9  }
0x275: {  	v23 =	vor.u32 s31, v10;
	v27 =	vld [tilespmem:s4+$0xFFFFFFB0];
	[tilespmem:v14+s21+$0x0] =	vst.idx.msk $0xffff, v26  }
0x276: {  	s3 =	simm.s32 $0x150;
	[tilespmem:v28+s21+$0x0] =	vst.idx.msk $0xffff, v16;
	v12 =	vld [tilespmem:s12+$0x10]  }
0x277: {  	s5 =	simm.s32 $0x70;
	[tilespmem:v21+s21+$0x0] =	vst.idx.msk $0xffff, v19;
	v21 =	vor.u32 s3, v8;
	v16 =	vld [tilespmem:s4+$0xFFFFFFF0]  }
0x278: {  	s16 =	simm.s32 $0xF0;
	s28 =	simm.s32 $0x1E0;
	s30 =	simm.s32 $0xB0;
	v19 =	vor.u32 s5, v13;
	v14 =	vld [tilespmem:s4+$0x30];
	[tilespmem:v63+s21+$0x0] =	vst.idx.msk $0xffff, v29  }
0x279: {  	s14 =	simm.s32 $0x1F0;
	v15 =	vor.u32 s30, v15;
	s31 =	simm.s32 $0x1D0;
	s1 =	simm.s32 $0x120;
	v13 =	vor.u32 s16, v18;
	[tilespmem:v22+s21+$0x0] =	vst.idx.msk $0xffff, v20;
	v18 =	vld [tilespmem:s12+$0xFFFFFFA0]  }
0x27a: {  	v10 =	vor.u32 s1, v6;
	s17 =	simm.s32 $0x190;
	s16 =	simm.s32 $0x6680;
	s4 =	simm.s32 $0x2F0;
	[tilespmem:v23+s21+$0x0] =	vst.idx.msk $0xffff, v27;
	v22 =	vor.u32 s31, v9;
	v20 =	vld [tilespmem:s12+$0x50]  }
.LBB2_31:
0x27b: {  	s0 =	sadd.s32 $0x5, s13  }
0x27c: {  	v23 =	vld [tilespmem:s16+$0xFFFFFF80];
	s1 =	sadd.s32 $0x6, s13;
	[tilespmem:v21+s21+$0x0] =	vst.idx.msk $0xffff, v17;
	s3 =	smov.u32 s13;
	s13 =	sadd.s32 $0x4, s13  }
0x27d: {  	v17 =	vor.u32 s17, v7;
	v21 =	vor.u32 s28, v9;
	s5 =	sand.u32 $0xC, s13;
	s0 =	sand.u32 $0xD, s0;
	s1 =	sand.u32 $0xE, s1;
	v24 =	vld [tilespmem:s16+$0x40];
	[tilespmem:v19+s21+$0x0] =	vst.idx.msk $0xffff, v16  }
0x27e: {  	s17 =	sadd.s32 $0xFFFFFF30, s4;
	v16 =	vxor.u32 s5, v0;
	s5 =	sadd.s32 $0xFFFFFF10, s4;
	v25 =	vxor.u32 s0, v0;
	v26 =	vxor.u32 s1, v0;
	s0 =	sadd.s32 $0x7, s3;
	[tilespmem:v15+s21+$0x0] =	vst.idx.msk $0xffff, v14  }
0x27f: {  	s1 =	sadd.s32 $0xFFFFFF50, s4;
	v14 =	vor.u32 s5, v16;
	v15 =	vor.u32 s17, v16;
	v19 =	vld [tilespmem:s16+$0xFFFFFFC0];
	s17 =	sadd.s32 $0xFFFFFFA0, s4;
	s0 =	sand.u32 $0xF, s0;
	[tilespmem:v22+s21+$0x0] =	vst.idx.msk $0xffff, v20  }
0x280: {  	s28 =	sadd.s32 $0xFFFFFFF0, s4;
	p0 =	slt.u32 s13, $0xFC;
	v20 =	vor.u32 s1, v25;
	s1 =	sadd.s32 $0xFFFFFF90, s4;
	v27 =	vxor.u32 s0, v0;
	v22 =	vld [tilespmem:s12+$0x60];
	[tilespmem:v13+s21+$0x0] =	vst.idx.msk $0xffff, v11  }
0x281: {  	v28 =	vor.u32 s1, v26;
	v13 =	vld [tilespmem:s16+$0x0];
	[tilespmem:v10+s21+$0x0] =	vst.idx.msk $0xffff, v18;
	v10 =	vmov v15  }
0x282: {  	s0 =	sadd.s32 $0xFFFFFFD0, s4;
	s1 =	sadd.s32 $0xFFFFFF70, s14;
	v29 =	vld [tilespmem:s12+$0xFFFFFFB0]  }
0x283: {  	v15 =	vor.u32 s0, v27;
	v30 =	vor.u32 s1, v8;
	s0 =	sadd.s32 $0xFFFFFFB0, s14;
	v18 =	vld [tilespmem:s12+$0xFFFFFFE0];
	[tilespmem:v17+s21+$0x0] =	vst.idx.msk $0xffff, v12  }
0x284: {  	[tilespmem:v14+s21+$0x0] =	vst.idx.msk $0xffff, v23;
	v14 =	vld [tilespmem:s12+$0x20];
	v23 =	vor.u32 s0, v7  }
0x285: {  	s0 =	sadd.s32 $0xFFFFFF20, s4;
	v31 =	vld [tilespmem:s16+$0xFFFFFF90];
	[tilespmem:v21+s21+$0x0] =	vst.idx.msk $0xffff, v22  }
0x286: {  	v22 =	vor.u32 s0, v16;
	s0 =	sadd.s32 $0xFFFFFF40, s14;
	[tilespmem:v20+s21+$0x0] =	vst.idx.msk $0xffff, v19;
	v11 =	vld [tilespmem:s12+$0x70]  }
0x287: {  	s1 =	sadd.s32 $0xFFFFFF60, s4;
	v17 =	vld [tilespmem:s16+$0xFFFFFFD0];
	[tilespmem:v28+s21+$0x0] =	vst.idx.msk $0xffff, v13;
	v28 =	vor.u32 s0, v6;
	v6 =	vmov v16  }
.Ltmp14:
0x288: {  	v21 =	vor.u32 s1, v25;
	s0 =	sadd.s32 $0xFFFFFF80, s14;
	v12 =	vld [tilespmem:s16+$0x10];
	[tilespmem:v30+s21+$0x0] =	vst.idx.msk $0xffff, v18;
	(pc) =	sbr.rel @p0 .LBB2_31-.Ltmp14, $4  }
0x289: {  	v19 =	vor.u32 s0, v8;
	s0 =	sadd.s32 $0xFFFFFFC0, s14;
	v8 =	vmov v25;
	v16 =	vld [tilespmem:s12+$0xFFFFFFF0];
	[tilespmem:v23+s21+$0x0] =	vst.idx.msk $0xffff, v14  }
0x28a: {  	s1 =	sadd.s32 $0xFFFFFFE0, s4;
	[tilespmem:v15+s21+$0x0] =	vst.idx.msk $0xffff, v24;
	v14 =	vld [tilespmem:s12+$0x30];
	v15 =	vor.u32 s0, v7;
	v7 =	vmov v26;
	s12 =	smov.u32 s16  }
0x28b: {  	v13 =	vor.u32 s14, v9;
	v9 =	vmov v27;
	s14 =	smov.u32 s4;
	[tilespmem:v22+s21+$0x0] =	vst.idx.msk $0xffff, v31;
	v20 =	vld [tilespmem:s16+$0x50];
	v22 =	vor.u32 s1, v27  }
0x28c: {  	s4 =	sadd.s32 $0x100, s4;
	s16 =	sadd.s32 $0x100, s16;
	v18 =	vld [tilespmem:s12+$0xFFFFFFA0];
	[tilespmem:v28+s21+$0x0] =	vst.idx.msk $0xffff, v29  }
0x28d: {  	_ = 	snop  }
0x28e: {  	v23 =	vor.u32 s17, v7;
	_ =	sdelay $0x2  }
0x28f: {  	[tilespmem:v21+s21+$0x0] =	vst.idx.msk $0xffff, v17;
	s0 =	sadd.s32 $0xFFFFFF70, s14  }
0x290: {  	v17 =	vld [tilespmem:s12+$0xFFFFFFE0];
	v56 =	vor.u32 s0, v8;
	[tilespmem:v22+s21+$0x0] =	vst.idx.msk $0xffff, v20  }
0x291: {  	s16 =	sadd.s32 $0xFFFFFFB0, s14;
	v58 =	vor.u32 s28, v9;
	v59 =	vld [tilespmem:s12+$0x60];
	[tilespmem:v23+s21+$0x0] =	vst.idx.msk $0xffff, v12  }
0x292: {  	v57 =	vor.u32 s16, v7;
	v12 =	vld [tilespmem:s12+$0x20]  }
0x293: {  	[tilespmem:v13+s21+$0x0] =	vst.idx.msk $0xffff, v11  }
0x294: {  	s17 =	sadd.s32 $0xFFFFFF40, s14;
	[tilespmem:v10+s21+$0x0] =	vst.idx.msk $0xffff, v18  }
0x295: {  	s28 =	sadd.s32 $0xFFFFFF80, s14;
	v6 =	vor.u32 s17, v6;
	v10 =	vld [tilespmem:s12+$0xFFFFFFB0];
	[tilespmem:v56+s21+$0x0] =	vst.idx.msk $0xffff, v17  }
0x296: {  	v61 =	vor.u32 s28, v8;
	v60 =	vld [tilespmem:s12+$0xFFFFFFF0];
	[tilespmem:v58+s21+$0x0] =	vst.idx.msk $0xffff, v59  }
0x297: {  	s30 =	sadd.s32 $0xFFFFFFC0, s14;
	v63 =	vor.u32 s14, v9;
	v62 =	vld [tilespmem:s12+$0x70];
	[tilespmem:v57+s21+$0x0] =	vst.idx.msk $0xffff, v12  }
0x298: {  	[tilespmem:v19+s21+$0x0] =	vst.idx.msk $0xffff, v16;
	v7 =	vor.u32 s30, v7;
	v12 =	vld [tilespmem:s12+$0x30]  }
0x299: {  	[tilespmem:v15+s21+$0x0] =	vst.idx.msk $0xffff, v14  }
0x29a: {  	[tilespmem:v6+s21+$0x0] =	vst.idx.msk $0xffff, v10  }
0x29b: {  	[tilespmem:v61+s21+$0x0] =	vst.idx.msk $0xffff, v60  }
0x29c: {  	s31 =	sshll.u32 s2, $0x9;
	[tilespmem:v63+s21+$0x0] =	vst.idx.msk $0xffff, v62  }
0x29d: {  	s13 =	simm.s32 $0x0;
	s14 =	simm.s32 $0x0;
	s12 =	sand.u32 $0x3FFFFE00, s31;
	[tilespmem:v7+s21+$0x0] =	vst.idx.msk $0xffff, v12  }
.LBB2_33:
0x29e: {  	s0 =	sshll.u32 s14, $0x4;
	s31 =	simm.s32 $0x0;
	s16 =	sshll.u32 s14, $0xA  }
0x29f: {  	s1 =	sand.u32 $0x3FFFFF80, s0;
	s0 =	sand.u32 $0x70, s0;
	s3 =	sand.u32 $0x8, s31  }
0x2a0: {  	v7 =	vor.u32 s16, v2;
	v8 =	vor.u32 s16, v3;
	s1 =	sadd.s32 s1, s12;
	s17 =	sor.u32 $0x1, s3;
	s4 =	sor.u32 $0x2, s3  }
0x2a1: {  	v9 =	vxor.u32 s3, v4;
	s5 =	sor.u32 $0x4, s3;
	s16 =	sor.u32 $0x3, s3;
	s30 =	sor.u32 $0x5, s3;
	v10 =	vxor.u32 s17, v0;
	v11 =	vxor.u32 s4, v0  }
0x2a2: {  	s0 =	sadd.s32 s0, s1;
	v12 =	vxor.u32 s5, v0;
	v13 =	vxor.u32 s30, v0;
	v14 =	vxor.u32 s16, v0  }
0x2a3: {  	v9 =	vor.u32 v9, v8;
	v6 =	vld [tilespmem:s0+$0x0];
	s0 =	sand.u32 $0x30, s31;
	v11 =	vor.u32 v11, v7;
	v14 =	vor.u32 v14, v7  }
0x2a4: {  	s31 =	sor.u32 $0x7, s3;
	v13 =	vor.u32 v13, v7;
	v12 =	vor.u32 v12, v7;
	v11 =	vor.u32 s0, v11  }
0x2a5: {  	s3 =	sor.u32 $0x6, s3;
	v10 =	vor.u32 v10, v7;
	v15 =	vxor.u32 s31, v0;
	v14 =	vor.u32 s0, v14  }
0x2a6: {  	s16 =	simm.s32 $0x8;
	v16 =	vxor.u32 s3, v0;
	v13 =	vor.u32 s0, v13;
	v17 =	vor.u32 s0, v12  }
0x2a7: {  	s1 =	sand.u32 $0x8, s16;
	v9 =	vor.u32 s0, v9;
	v25 =	vor.u32 s0, v10;
	v16 =	vor.u32 v16, v7  }
0x2a8: {  	v10 =	vxor.u32 s1, v4;
	s3 =	sor.u32 $0x1, s1;
	s4 =	sor.u32 $0x2, s1;
	v12 =	vor.u32 v15, v7;
	v16 =	vor.u32 s0, v16  }
0x2a9: {  	s5 =	sor.u32 $0x4, s1;
	s31 =	sor.u32 $0x6, s1;
	v19 =	vxor.u32 s3, v0;
	v20 =	vxor.u32 s4, v0;
	v18 =	vor.u32 s0, v12;
	v11 =	vld.idx.msk [tilespmem:v11+s21+$0x0], $0xffff  }
0x2aa: {  	s17 =	sor.u32 $0x3, s1;
	s3 =	sor.u32 $0x5, s1;
	v22 =	vxor.u32 s5, v0;
	s1 =	sor.u32 $0x7, s1;
	v10 =	vor.u32 v10, v8;
	v26 =	vxor.u32 s31, v0;
	v14 =	vld.idx.msk [tilespmem:v14+s21+$0x0], $0xffff  }
0x2ab: {  	s30 =	sshll.u32 s14, $0x9;
	s4 =	sand.u32 $0x7, s13;
	v24 =	vxor.u32 s3, v0;
	v21 =	vxor.u32 s1, v0;
	vm0 =	veq.s32 v6, $0x0;
	v12 =	vld.idx.msk [tilespmem:v13+s21+$0x0], $0xffff  }
0x2ac: {  	s30 =	sand.u32 $0xFFFFF000, s30;
	s3 =	sshll.u32 s4, $0x6;
	v23 =	vor.u32 v22, v7;
	v27 =	vor.u32 v21, v7;
	v6 =	vsel vm0, $0x0, v5;
	v15 =	vld.idx.msk [tilespmem:v17+s21+$0x0], $0xffff  }
0x2ad: {  	s28 =	sand.u32 $0x30, s16;
	s31 =	sor.u32 s3, s30;
	v13 =	vxor.u32 s17, v0;
	v17 =	vor.u32 v19, v7;
	v19 =	vld.idx.msk [tilespmem:v16+s21+$0x0], $0xffff;
	v16 =	vor.u32 v20, v7  }
0x2ae: {  	s0 =	sshrl.u32 s31, $0x2;
	v13 =	vor.u32 v13, v7;
	v20 =	vor.u32 v24, v7;
	v18 =	vld.idx.msk [tilespmem:v18+s21+$0x0], $0xffff;
	v21 =	vor.u32 s28, v16  }
0x2af: {  	s4 =	sadd.s32 $0xE600, s0;
	v22 =	vor.u32 s28, v13;
	v24 =	vor.u32 v26, v7;
	v13 =	vor.u32 s28, v27;
	v16 =	vld.idx.msk [tilespmem:v9+s21+$0x0], $0xffff  }
0x2b0: {  	s17 =	smov.u32 s4;
	v9 =	vor.u32 s28, v10;
	v10 =	vor.u32 s28, v17;
	v20 =	vor.u32 s28, v20;
	v17 =	vld.idx.msk [tilespmem:v25+s21+$0x0], $0xffff  }
.LBB2_34:
0x2b1: {  	s16 =	sadd.s32 $0x8, s16;
	v23 =	vor.u32 s28, v23;
	v25 =	vmul.f32 v11, v6;
	v26 =	vmul.f32 v14, v6;
	s4 =	sadd.s32 $0x800, s4  }
0x2b2: {  	v24 =	vor.u32 s28, v24;
	v27 =	vmul.f32 v15, v6;
	v15 =	vmul.f32 v19, v6;
	s0 =	sand.u32 $0x8, s16;
	p0 =	slt.u32 s16, $0x38  }
0x2b3: {  	v19 =	vxor.u32 s0, v4;
	s1 =	sor.u32 $0x1, s0;
	s3 =	sor.u32 $0x2, s0;
	s5 =	sor.u32 $0x3, s0;
	v11 =	vld.idx.msk [tilespmem:v21+s21+$0x0], $0xffff;
	[tilespmem:s17+$0xFFFFFF00] =	vst v25;
	v21 =	vmul.f32 v12, v6  }
0x2b4: {  	s28 =	sor.u32 $0x6, s0;
	v29 =	vmul.f32 v16, v6;
	v25 =	vxor.u32 s1, v0;
	v28 =	vxor.u32 s3, v0;
	s1 =	sor.u32 $0x4, s0;
	s3 =	sor.u32 $0x5, s0;
	v14 =	vld.idx.msk [tilespmem:v22+s21+$0x0], $0xffff;
	[tilespmem:s17+$0x100] =	vst v15  }
0x2b5: {  	s0 =	sor.u32 $0x7, s0;
	v18 =	vmul.f32 v18, v6;
	v16 =	vxor.u32 s1, v0;
	v22 =	vxor.u32 s3, v0;
	v12 =	vld.idx.msk [tilespmem:v20+s21+$0x0], $0xffff;
	[tilespmem:s17+$0xFFFFFF80] =	vst v26  }
0x2b6: {  	v20 =	vor.u32 v19, v8;
	v26 =	vxor.u32 s5, v0;
	v30 =	vxor.u32 s0, v0;
	v15 =	vld.idx.msk [tilespmem:v23+s21+$0x0], $0xffff;
	[tilespmem:s17+$0x0] =	vst v27  }
.Ltmp15:
0x2b7: {  	v25 =	vor.u32 v25, v7;
	v17 =	vmul.f32 v17, v6;
	v27 =	vxor.u32 s28, v0;
	v19 =	vld.idx.msk [tilespmem:v24+s21+$0x0], $0xffff;
	[tilespmem:s17+$0x80] =	vst v21;
	(pc) =	sbr.rel @p0 .LBB2_34-.Ltmp15, $4  }
0x2b8: {  	s28 =	sand.u32 $0x30, s16;
	v21 =	vor.u32 v28, v7;
	v24 =	vor.u32 v26, v7;
	v26 =	vor.u32 v30, v7;
	[tilespmem:s17+$0x180] =	vst v18  }
0x2b9: {  	v23 =	vor.u32 v16, v7;
	v28 =	vor.u32 v22, v7;
	v21 =	vor.u32 s28, v21;
	v16 =	vld.idx.msk [tilespmem:v9+s21+$0x0], $0xffff;
	[tilespmem:s17+$0xFFFFFE80] =	vst v17  }
0x2ba: {  	v25 =	vor.u32 s28, v25;
	v22 =	vor.u32 s28, v24;
	v9 =	vor.u32 s28, v20;
	v18 =	vld.idx.msk [tilespmem:v13+s21+$0x0], $0xffff;
	[tilespmem:s17+$0xFFFFFE00] =	vst v29;
	s17 =	smov.u32 s4  }
0x2bb: {  	v24 =	vor.u32 v27, v7;
	v20 =	vor.u32 s28, v28;
	v13 =	vor.u32 s28, v26;
	v17 =	vld.idx.msk [tilespmem:v10+s21+$0x0], $0xffff;
	v10 =	vmovc v25  }
0x2bc: {  	_ = 	snop  }
0x2bd: {  	v8 =	vmul.f32 v11, v6  }
0x2be: {  	v19 =	vmul.f32 v19, v6  }
0x2bf: {  	v7 =	vor.u32 s28, v24;
	v14 =	vmul.f32 v14, v6;
	[tilespmem:s17+$0xFFFFFF00] =	vst v8  }
0x2c0: {  	v52 =	vor.u32 s28, v23;
	v53 =	vmul.f32 v15, v6;
	v54 =	vld.idx.msk [tilespmem:v21+s21+$0x0], $0xffff;
	[tilespmem:s17+$0x100] =	vst v19  }
0x2c1: {  	v12 =	vmul.f32 v12, v6;
	v55 =	vld.idx.msk [tilespmem:v22+s21+$0x0], $0xffff;
	[tilespmem:s17+$0xFFFFFF80] =	vst v14  }
0x2c2: {  	v60 =	vld.idx.msk [tilespmem:v13+s21+$0x0], $0xffff;
	[tilespmem:s17+$0x0] =	vst v53;
	v58 =	vmul.f32 v16, v6  }
0x2c3: {  	v10 =	vld.idx.msk [tilespmem:v10+s21+$0x0], $0xffff;
	[tilespmem:s17+$0x80] =	vst v12;
	v18 =	vmul.f32 v18, v6  }
0x2c4: {  	v57 =	vmul.f32 v17, v6;
	[tilespmem:s17+$0xFFFFFE00] =	vst v58;
	v7 =	vld.idx.msk [tilespmem:v7+s21+$0x0], $0xffff  }
0x2c5: {  	v56 =	vld.idx.msk [tilespmem:v52+s21+$0x0], $0xffff;
	[tilespmem:s17+$0x180] =	vst v18;
	v61 =	vmul.f32 v54, v6  }
0x2c6: {  	v59 =	vld.idx.msk [tilespmem:v20+s21+$0x0], $0xffff;
	s0 =	sadd.s32 $0x800, s4;
	v62 =	vmul.f32 v55, v6;
	[tilespmem:s17+$0xFFFFFE80] =	vst v57  }
0x2c7: {  	v9 =	vld.idx.msk [tilespmem:v9+s21+$0x0], $0xffff;
	v11 =	vmul.f32 v60, v6;
	[tilespmem:s0+$0xFFFFFF00] =	vst v61  }
0x2c8: {  	s14 =	sadd.s32 $0x1, s14;
	v63 =	vmul.f32 v10, v6;
	[tilespmem:s0+$0xFFFFFF80] =	vst v62  }
0x2c9: {  	p0 =	sne.s32 s14, $0x10;
	[tilespmem:s0+$0x180] =	vst v11;
	v7 =	vmul.f32 v7, v6  }
.Ltmp16:
0x2ca: {  	[tilespmem:s0+$0xFFFFFE80] =	vst v63;
	v8 =	vmul.f32 v56, v6;
	(pc) =	sbr.rel @p0 .LBB2_33-.Ltmp16, $4  }
0x2cb: {  	[tilespmem:s0+$0x100] =	vst v7;
	v7 =	vmul.f32 v59, v6  }
0x2cc: {  	[tilespmem:s0+$0x0] =	vst v8;
	v6 =	vmul.f32 v9, v6  }
0x2cd: {  	[tilespmem:s0+$0x80] =	vst v7  }
0x2ce: {  	s13 =	sadd.s32 $0x1, s13;
	[tilespmem:s0+$0xFFFFFE00] =	vst v6  }
0x2cf: {  	s0 =	sshll.u32 s2, $0xC  }
0x2d0: {  	s0 =	sadd.s32 s9, s0  }
0x2d1: {  	s1 =	rddreg [dreg:$0x6];
	s0 =	sshrl.u32 s0, $0x3  }
0x2d2: {  	s0 =	sadd.s32 s1, s0  }
0x2d3: {  	[hbm4b:s0+s22] =	stream.strided.scatter [tilespmem:s24], [sflag:$0x3], $0x4000, s23, s22, $0x38;
	[tilespmem:$0x1A600] =	vst v63  }
0x2d4: {  	p0 =	seq.s32 s2, $0x31;
	_ =	swait.ge [sflag:s25], $0x4000  }
0x2d5: {  	s3 =	simm.s32 @!p0 $0x6400;
	[sflag:s25] =	ssyncset.done $0x0  }
0x2d6: {  	s1 =	simm.s32 @!p0 $0x80;
	s0 =	sadd.s32 @!p0 $0x200, s12;
	[sflag:s25] =	ssyncadd.s32 $0xFFFFC000  }
0x2d7: {  	[tilespmem:s3], [sflag:$0x1] =	stream.indirect.gather @!p0 [hbm4b:s7+s1], $0x40, s0, s1, $0xb8;
	[tilespmem:$0x1A600] =	vst v63  }
0x2d8: {  	p1 =	seq.s32 @!p0 s2, $0x0;
	s0 =	sadd.s32 @!p0 $0x280, s12;
	s3 =	simm.s32 @!p0 $0x8400  }
0x2d9: {  	[tilespmem:s3], [sflag:$0x1] =	stream.indirect.gather @!p0 [hbm4b:s7+s1], $0x40, s0, s1, $0xb8;
	[tilespmem:$0x1A600] =	vst v63  }
0x2da: {  	p0 =	por p0, !p1  }
0x2db: {  	s17 =	simm.s32 $0x0;
	_ =	swait.ge @p0 [sflag:s29], $0x4000  }
0x2dc: {  	s0 =	sand.u32 $0xC, s17;
	[sflag:s29] =	ssyncset.done @p0 $0x0  }
0x2dd: {  	s4 =	simm.s32 $0xA480;
	s30 =	simm.s32 $0x0;
	v10 =	vxor.u32 s0, v0;
	[sflag:s29] =	ssyncadd.s32 @p0 $0xFFFFC000  }
0x2de: {  	s5 =	simm.s32 $0x3;
	v7 =	vor.u32 s30, v10;
	v6 =	vld [tilespmem:s4+$0xFFFFFF80]  }
0x2df: {  	s31 =	simm.s32 $0x1;
	s1 =	sand.u32 $0xF, s5  }
0x2e0: {  	s14 =	simm.s32 $0xC0;
	s12 =	simm.s32 $0x2;
	s3 =	sand.u32 $0xD, s31;
	v18 =	vxor.u32 s1, v0  }
0x2e1: {  	s13 =	simm.s32 $0x40;
	v13 =	vxor.u32 s3, v0;
	s3 =	sand.u32 $0xE, s12;
	v12 =	vor.u32 s14, v18;
	v11 =	vld [tilespmem:s4+$0x40]  }
0x2e2: {  	s16 =	simm.s32 $0x80;
	v9 =	vor.u32 s13, v13;
	v16 =	vxor.u32 s3, v0;
	v8 =	vld [tilespmem:s4+$0xFFFFFFC0]  }
0x2e3: {  	s17 =	simm.s32 $0x10;
	v15 =	vor.u32 s16, v16;
	v14 =	vld [tilespmem:s4+$0x0];
	[tilespmem:v7+s21+$0x0] =	vst.idx.msk $0xffff, v6  }
0x2e4: {  	v7 =	vor.u32 s17, v10;
	v6 =	vld [tilespmem:s4+$0xFFFFFF90]  }
0x2e5: {  	s12 =	simm.s32 $0xA580  }
0x2e6: {  	s30 =	simm.s32 $0xD0;
	v19 =	vld [tilespmem:s12+$0xFFFFFF80];
	[tilespmem:v12+s21+$0x0] =	vst.idx.msk $0xffff, v11  }
0x2e7: {  	s1 =	simm.s32 $0x50;
	[tilespmem:v9+s21+$0x0] =	vst.idx.msk $0xffff, v8;
	v11 =	vor.u32 s30, v18;
	v8 =	vld [tilespmem:s4+$0x50]  }
0x2e8: {  	s13 =	simm.s32 $0x4;
	s3 =	simm.s32 $0x90;
	v17 =	vor.u32 s1, v13;
	[tilespmem:v15+s21+$0x0] =	vst.idx.msk $0xffff, v14;
	v9 =	vld [tilespmem:s4+$0xFFFFFFD0]  }
0x2e9: {  	s31 =	simm.s32 $0x20;
	s5 =	sand.u32 $0xC, s13;
	v21 =	vor.u32 s3, v16;
	v12 =	vld [tilespmem:s4+$0x10];
	[tilespmem:v7+s21+$0x0] =	vst.idx.msk $0xffff, v6  }
0x2ea: {  	s16 =	simm.s32 $0x100;
	v14 =	vor.u32 s31, v10;
	v6 =	vxor.u32 s5, v0;
	v15 =	vld [tilespmem:s4+$0xFFFFFFA0]  }
0x2eb: {  	s14 =	simm.s32 $0x5;
	v20 =	vld [tilespmem:s12+$0x40];
	v22 =	vor.u32 s16, v6  }
0x2ec: {  	s3 =	sand.u32 $0xD, s14;
	v23 =	vld [tilespmem:s12+$0xFFFFFFC0];
	s17 =	simm.s32 $0xE0;
	s5 =	simm.s32 $0x6;
	[tilespmem:v11+s21+$0x0] =	vst.idx.msk $0xffff, v8  }
0x2ed: {  	s31 =	simm.s32 $0x140;
	v11 =	vor.u32 s17, v18;
	v8 =	vxor.u32 s3, v0;
	[tilespmem:v17+s21+$0x0] =	vst.idx.msk $0xffff, v9;
	s30 =	sand.u32 $0xE, s5;
	v24 =	vld [tilespmem:s4+$0x60]  }
0x2ee: {  	v26 =	vld [tilespmem:s12+$0x0];
	s3 =	simm.s32 $0x180;
	[tilespmem:v21+s21+$0x0] =	vst.idx.msk $0xffff, v12;
	v25 =	vor.u32 s31, v8;
	v7 =	vxor.u32 s30, v0  }
0x2ef: {  	s14 =	simm.s32 $0x60;
	s5 =	simm.s32 $0x7;
	[tilespmem:v14+s21+$0x0] =	vst.idx.msk $0xffff, v15;
	v14 =	vor.u32 s3, v7;
	v15 =	vld [tilespmem:s4+$0xFFFFFFE0]  }
0x2f0: {  	v28 =	vor.u32 s14, v13;
	s16 =	simm.s32 $0xA0;
	s1 =	sand.u32 $0xF, s5;
	[tilespmem:v22+s21+$0x0] =	vst.idx.msk $0xffff, v19;
	v19 =	vld [tilespmem:s4+$0x20]  }
0x2f1: {  	s17 =	simm.s32 $0x1C0;
	v21 =	vor.u32 s16, v16;
	v9 =	vxor.u32 s1, v0;
	v27 =	vld [tilespmem:s4+$0xFFFFFFB0]  }
0x2f2: {  	s30 =	simm.s32 $0x110;
	v22 =	vor.u32 s17, v9;
	[tilespmem:v11+s21+$0x0] =	vst.idx.msk $0xffff, v24;
	v29 =	vld [tilespmem:s12+$0xFFFFFF90]  }
0x2f3: {  	s31 =	simm.s32 $0x30;
	v63 =	vor.u32 s30, v6;
	[tilespmem:v25+s21+$0x0] =	vst.idx.msk $0xffff, v23;
	v11 =	vld [tilespmem:s4+$0x70]  }
0x2f4: {  	v23 =	vor.u32 s31, v10;
	v17 =	vld [tilespmem:s12+$0xFFFFFFD0];
	[tilespmem:v14+s21+$0x0] =	vst.idx.msk $0xffff, v26  }
0x2f5: {  	s3 =	simm.s32 $0x150;
	[tilespmem:v28+s21+$0x0] =	vst.idx.msk $0xffff, v15;
	v12 =	vld [tilespmem:s12+$0x10]  }
0x2f6: {  	s16 =	simm.s32 $0x70;
	[tilespmem:v21+s21+$0x0] =	vst.idx.msk $0xffff, v19;
	v21 =	vor.u32 s3, v8;
	v15 =	vld [tilespmem:s4+$0xFFFFFFF0]  }
0x2f7: {  	s28 =	simm.s32 $0x1E0;
	s1 =	simm.s32 $0x120;
	s30 =	simm.s32 $0xB0;
	[tilespmem:v22+s21+$0x0] =	vst.idx.msk $0xffff, v20;
	v19 =	vor.u32 s16, v13;
	v14 =	vld [tilespmem:s4+$0x30]  }
0x2f8: {  	s14 =	simm.s32 $0x1F0;
	s5 =	simm.s32 $0xF0;
	v16 =	vor.u32 s30, v16;
	v10 =	vor.u32 s1, v6;
	s31 =	simm.s32 $0x1D0;
	[tilespmem:v63+s21+$0x0] =	vst.idx.msk $0xffff, v29;
	v20 =	vld [tilespmem:s12+$0x50]  }
0x2f9: {  	s17 =	simm.s32 $0x190;
	v22 =	vor.u32 s31, v9;
	v13 =	vor.u32 s5, v18;
	s16 =	simm.s32 $0xA680;
	s4 =	simm.s32 $0x2F0;
	[tilespmem:v23+s21+$0x0] =	vst.idx.msk $0xffff, v27;
	v18 =	vld [tilespmem:s12+$0xFFFFFFA0]  }
.LBB2_37:
0x2fa: {  	s0 =	sadd.s32 $0x5, s13  }
0x2fb: {  	v23 =	vld [tilespmem:s16+$0xFFFFFF80];
	s1 =	sadd.s32 $0x6, s13;
	[tilespmem:v21+s21+$0x0] =	vst.idx.msk $0xffff, v17;
	s3 =	smov.u32 s13;
	s13 =	sadd.s32 $0x4, s13  }
0x2fc: {  	v17 =	vor.u32 s17, v7;
	v21 =	vor.u32 s28, v9;
	s5 =	sand.u32 $0xC, s13;
	s0 =	sand.u32 $0xD, s0;
	s1 =	sand.u32 $0xE, s1;
	v24 =	vld [tilespmem:s16+$0x40];
	[tilespmem:v19+s21+$0x0] =	vst.idx.msk $0xffff, v15  }
0x2fd: {  	s17 =	sadd.s32 $0xFFFFFF30, s4;
	v15 =	vxor.u32 s5, v0;
	s5 =	sadd.s32 $0xFFFFFF10, s4;
	v25 =	vxor.u32 s0, v0;
	v26 =	vxor.u32 s1, v0;
	s0 =	sadd.s32 $0x7, s3;
	[tilespmem:v16+s21+$0x0] =	vst.idx.msk $0xffff, v14  }
0x2fe: {  	s1 =	sadd.s32 $0xFFFFFF50, s4;
	v14 =	vor.u32 s5, v15;
	v16 =	vor.u32 s17, v15;
	v19 =	vld [tilespmem:s16+$0xFFFFFFC0];
	s17 =	sadd.s32 $0xFFFFFFA0, s4;
	s0 =	sand.u32 $0xF, s0;
	[tilespmem:v22+s21+$0x0] =	vst.idx.msk $0xffff, v20  }
0x2ff: {  	s28 =	sadd.s32 $0xFFFFFFF0, s4;
	p0 =	slt.u32 s13, $0xFC;
	v20 =	vor.u32 s1, v25;
	s1 =	sadd.s32 $0xFFFFFF90, s4;
	v27 =	vxor.u32 s0, v0;
	v22 =	vld [tilespmem:s12+$0x60];
	[tilespmem:v13+s21+$0x0] =	vst.idx.msk $0xffff, v11  }
0x300: {  	v28 =	vor.u32 s1, v26;
	v13 =	vld [tilespmem:s16+$0x0];
	[tilespmem:v10+s21+$0x0] =	vst.idx.msk $0xffff, v18;
	v10 =	vmov v16  }
0x301: {  	s0 =	sadd.s32 $0xFFFFFFD0, s4;
	s1 =	sadd.s32 $0xFFFFFF70, s14;
	v29 =	vld [tilespmem:s12+$0xFFFFFFB0]  }
0x302: {  	v16 =	vor.u32 s0, v27;
	v30 =	vor.u32 s1, v8;
	s0 =	sadd.s32 $0xFFFFFFB0, s14;
	v18 =	vld [tilespmem:s12+$0xFFFFFFE0];
	[tilespmem:v17+s21+$0x0] =	vst.idx.msk $0xffff, v12  }
0x303: {  	[tilespmem:v14+s21+$0x0] =	vst.idx.msk $0xffff, v23;
	v14 =	vld [tilespmem:s12+$0x20];
	v23 =	vor.u32 s0, v7  }
0x304: {  	s0 =	sadd.s32 $0xFFFFFF20, s4;
	v31 =	vld [tilespmem:s16+$0xFFFFFF90];
	[tilespmem:v21+s21+$0x0] =	vst.idx.msk $0xffff, v22  }
0x305: {  	v22 =	vor.u32 s0, v15;
	s0 =	sadd.s32 $0xFFFFFF40, s14;
	[tilespmem:v20+s21+$0x0] =	vst.idx.msk $0xffff, v19;
	v11 =	vld [tilespmem:s12+$0x70]  }
0x306: {  	s1 =	sadd.s32 $0xFFFFFF60, s4;
	v17 =	vld [tilespmem:s16+$0xFFFFFFD0];
	[tilespmem:v28+s21+$0x0] =	vst.idx.msk $0xffff, v13;
	v28 =	vor.u32 s0, v6;
	v6 =	vmov v15  }
.Ltmp17:
0x307: {  	v21 =	vor.u32 s1, v25;
	s0 =	sadd.s32 $0xFFFFFF80, s14;
	v12 =	vld [tilespmem:s16+$0x10];
	[tilespmem:v30+s21+$0x0] =	vst.idx.msk $0xffff, v18;
	(pc) =	sbr.rel @p0 .LBB2_37-.Ltmp17, $4  }
0x308: {  	v19 =	vor.u32 s0, v8;
	s0 =	sadd.s32 $0xFFFFFFC0, s14;
	v8 =	vmov v25;
	v15 =	vld [tilespmem:s12+$0xFFFFFFF0];
	[tilespmem:v23+s21+$0x0] =	vst.idx.msk $0xffff, v14  }
0x309: {  	s1 =	sadd.s32 $0xFFFFFFE0, s4;
	[tilespmem:v16+s21+$0x0] =	vst.idx.msk $0xffff, v24;
	v14 =	vld [tilespmem:s12+$0x30];
	v16 =	vor.u32 s0, v7;
	v7 =	vmov v26;
	s12 =	smov.u32 s16  }
0x30a: {  	v13 =	vor.u32 s14, v9;
	v9 =	vmov v27;
	s14 =	smov.u32 s4;
	[tilespmem:v22+s21+$0x0] =	vst.idx.msk $0xffff, v31;
	v20 =	vld [tilespmem:s16+$0x50];
	v22 =	vor.u32 s1, v27  }
0x30b: {  	s4 =	sadd.s32 $0x100, s4;
	s16 =	sadd.s32 $0x100, s16;
	v18 =	vld [tilespmem:s12+$0xFFFFFFA0];
	[tilespmem:v28+s21+$0x0] =	vst.idx.msk $0xffff, v29  }
0x30c: {  	_ = 	snop  }
0x30d: {  	v23 =	vor.u32 s17, v7;
	_ =	sdelay $0x2  }
0x30e: {  	[tilespmem:v21+s21+$0x0] =	vst.idx.msk $0xffff, v17;
	s0 =	sadd.s32 $0xFFFFFF70, s14  }
0x30f: {  	v17 =	vld [tilespmem:s12+$0xFFFFFFE0];
	v56 =	vor.u32 s0, v8;
	[tilespmem:v22+s21+$0x0] =	vst.idx.msk $0xffff, v20  }
0x310: {  	s17 =	sadd.s32 $0xFFFFFFB0, s14;
	v58 =	vor.u32 s28, v9;
	v59 =	vld [tilespmem:s12+$0x60];
	[tilespmem:v23+s21+$0x0] =	vst.idx.msk $0xffff, v12  }
0x311: {  	v57 =	vor.u32 s17, v7;
	v12 =	vld [tilespmem:s12+$0x20]  }
0x312: {  	[tilespmem:v13+s21+$0x0] =	vst.idx.msk $0xffff, v11  }
0x313: {  	s28 =	sadd.s32 $0xFFFFFF40, s14;
	[tilespmem:v10+s21+$0x0] =	vst.idx.msk $0xffff, v18  }
0x314: {  	s30 =	sadd.s32 $0xFFFFFF80, s14;
	v6 =	vor.u32 s28, v6;
	v10 =	vld [tilespmem:s12+$0xFFFFFFB0];
	[tilespmem:v56+s21+$0x0] =	vst.idx.msk $0xffff, v17  }
0x315: {  	v61 =	vor.u32 s30, v8;
	v60 =	vld [tilespmem:s12+$0xFFFFFFF0];
	[tilespmem:v58+s21+$0x0] =	vst.idx.msk $0xffff, v59  }
0x316: {  	s31 =	sadd.s32 $0xFFFFFFC0, s14;
	v63 =	vor.u32 s14, v9;
	v62 =	vld [tilespmem:s12+$0x70];
	[tilespmem:v57+s21+$0x0] =	vst.idx.msk $0xffff, v12  }
0x317: {  	[tilespmem:v19+s21+$0x0] =	vst.idx.msk $0xffff, v15;
	v7 =	vor.u32 s31, v7;
	v12 =	vld [tilespmem:s12+$0x30]  }
0x318: {  	[tilespmem:v16+s21+$0x0] =	vst.idx.msk $0xffff, v14  }
0x319: {  	[tilespmem:v6+s21+$0x0] =	vst.idx.msk $0xffff, v10  }
0x31a: {  	[tilespmem:v61+s21+$0x0] =	vst.idx.msk $0xffff, v60  }
0x31b: {  	[tilespmem:v63+s21+$0x0] =	vst.idx.msk $0xffff, v62  }
0x31c: {  	s13 =	simm.s32 $0x0;
	s12 =	simm.s32 $0x0;
	[tilespmem:v7+s21+$0x0] =	vst.idx.msk $0xffff, v12  }
.LBB2_39:
0x31d: {  	s0 =	sshll.u32 s13, $0x4;
	s17 =	simm.s32 $0x0;
	s28 =	sshll.u32 s13, $0xA  }
0x31e: {  	s1 =	sand.u32 $0x3FFFFF80, s0;
	s0 =	sand.u32 $0x70, s0;
	s3 =	sand.u32 $0x8, s17  }
0x31f: {  	v7 =	vor.u32 s28, v2;
	v8 =	vor.u32 s28, v3;
	s1 =	sadd.s32 s1, s10;
	s30 =	sor.u32 $0x1, s3;
	s4 =	sor.u32 $0x2, s3  }
0x320: {  	v9 =	vxor.u32 s3, v4;
	s5 =	sor.u32 $0x4, s3;
	s14 =	sor.u32 $0x3, s3;
	s31 =	sor.u32 $0x5, s3;
	v10 =	vxor.u32 s30, v0;
	v11 =	vxor.u32 s4, v0  }
0x321: {  	s0 =	sadd.s32 s0, s1;
	v12 =	vxor.u32 s5, v0;
	v13 =	vxor.u32 s31, v0;
	v14 =	vxor.u32 s14, v0  }
0x322: {  	s4 =	sor.u32 $0x7, s3;
	v9 =	vor.u32 v9, v8;
	v6 =	vld [tilespmem:s0+$0x0];
	s0 =	sand.u32 $0x30, s17;
	v11 =	vor.u32 v11, v7;
	v14 =	vor.u32 v14, v7  }
0x323: {  	s3 =	sor.u32 $0x6, s3;
	v15 =	vxor.u32 s4, v0;
	v13 =	vor.u32 v13, v7;
	v11 =	vor.u32 s0, v11  }
0x324: {  	v16 =	vxor.u32 s3, v0;
	v12 =	vor.u32 v12, v7;
	v14 =	vor.u32 s0, v14  }
0x325: {  	s14 =	simm.s32 $0x8;
	v10 =	vor.u32 v10, v7;
	v13 =	vor.u32 s0, v13;
	v16 =	vor.u32 v16, v7  }
0x326: {  	s5 =	sand.u32 $0x8, s14;
	v17 =	vor.u32 s0, v12;
	v12 =	vor.u32 v15, v7;
	v9 =	vor.u32 s0, v9  }
0x327: {  	v25 =	vor.u32 s0, v10;
	v10 =	vxor.u32 s5, v4;
	s17 =	sor.u32 $0x1, s5;
	s28 =	sor.u32 $0x2, s5;
	v16 =	vor.u32 s0, v16  }
0x328: {  	s30 =	sor.u32 $0x4, s5;
	s3 =	sor.u32 $0x5, s5;
	v18 =	vor.u32 s0, v12;
	v19 =	vxor.u32 s17, v0;
	v20 =	vxor.u32 s28, v0;
	v11 =	vld.idx.msk [tilespmem:v11+s21+$0x0], $0xffff  }
0x329: {  	v22 =	vxor.u32 s30, v0;
	s17 =	sor.u32 $0x6, s5;
	v24 =	vxor.u32 s3, v0;
	s28 =	sor.u32 $0x7, s5;
	v10 =	vor.u32 v10, v8;
	v14 =	vld.idx.msk [tilespmem:v14+s21+$0x0], $0xffff  }
0x32a: {  	s31 =	sshll.u32 s13, $0x9;
	s4 =	sand.u32 $0x7, s12;
	v21 =	vxor.u32 s28, v0;
	v26 =	vxor.u32 s17, v0;
	vm0 =	veq.s32 v6, $0x0;
	v12 =	vld.idx.msk [tilespmem:v13+s21+$0x0], $0xffff  }
0x32b: {  	s16 =	sor.u32 $0x3, s5;
	s30 =	sand.u32 $0xFFFFF000, s31;
	s3 =	sshll.u32 s4, $0x6;
	v23 =	vor.u32 v22, v7;
	v27 =	vor.u32 v21, v7;
	v6 =	vsel vm0, $0x0, v5;
	v15 =	vld.idx.msk [tilespmem:v17+s21+$0x0], $0xffff  }
0x32c: {  	s31 =	sor.u32 s3, s30;
	s17 =	sand.u32 $0x30, s14;
	v13 =	vxor.u32 s16, v0;
	v17 =	vor.u32 v19, v7;
	v19 =	vld.idx.msk [tilespmem:v16+s21+$0x0], $0xffff;
	v16 =	vor.u32 v20, v7  }
0x32d: {  	s0 =	sshrl.u32 s31, $0x2;
	v13 =	vor.u32 v13, v7;
	v20 =	vor.u32 v24, v7;
	v18 =	vld.idx.msk [tilespmem:v18+s21+$0x0], $0xffff;
	v21 =	vor.u32 s17, v16  }
0x32e: {  	s4 =	sadd.s32 $0x12600, s0;
	v24 =	vor.u32 v26, v7;
	v16 =	vld.idx.msk [tilespmem:v9+s21+$0x0], $0xffff;
	v9 =	vor.u32 s17, v10;
	v22 =	vor.u32 s17, v13  }
0x32f: {  	s16 =	smov.u32 s4;
	v10 =	vor.u32 s17, v17;
	v20 =	vor.u32 s17, v20;
	v13 =	vor.u32 s17, v27;
	v17 =	vld.idx.msk [tilespmem:v25+s21+$0x0], $0xffff  }
.LBB2_40:
0x330: {  	s14 =	sadd.s32 $0x8, s14;
	v23 =	vor.u32 s17, v23;
	v25 =	vmul.f32 v11, v6;
	v26 =	vmul.f32 v14, v6;
	s4 =	sadd.s32 $0x800, s4  }
0x331: {  	v24 =	vor.u32 s17, v24;
	v27 =	vmul.f32 v15, v6;
	v15 =	vmul.f32 v19, v6;
	s0 =	sand.u32 $0x8, s14;
	p0 =	slt.u32 s14, $0x38  }
0x332: {  	v19 =	vxor.u32 s0, v4;
	s1 =	sor.u32 $0x1, s0;
	s3 =	sor.u32 $0x2, s0;
	s5 =	sor.u32 $0x3, s0;
	v11 =	vld.idx.msk [tilespmem:v21+s21+$0x0], $0xffff;
	[tilespmem:s16+$0xFFFFFF00] =	vst v25;
	v21 =	vmul.f32 v12, v6  }
0x333: {  	s17 =	sor.u32 $0x6, s0;
	v29 =	vmul.f32 v16, v6;
	v25 =	vxor.u32 s1, v0;
	v28 =	vxor.u32 s3, v0;
	s1 =	sor.u32 $0x4, s0;
	s3 =	sor.u32 $0x5, s0;
	v14 =	vld.idx.msk [tilespmem:v22+s21+$0x0], $0xffff;
	[tilespmem:s16+$0x100] =	vst v15  }
0x334: {  	s0 =	sor.u32 $0x7, s0;
	v18 =	vmul.f32 v18, v6;
	v16 =	vxor.u32 s1, v0;
	v22 =	vxor.u32 s3, v0;
	v12 =	vld.idx.msk [tilespmem:v20+s21+$0x0], $0xffff;
	[tilespmem:s16+$0xFFFFFF80] =	vst v26  }
0x335: {  	v20 =	vor.u32 v19, v8;
	v26 =	vxor.u32 s5, v0;
	v30 =	vxor.u32 s0, v0;
	v15 =	vld.idx.msk [tilespmem:v23+s21+$0x0], $0xffff;
	[tilespmem:s16+$0x0] =	vst v27  }
.Ltmp18:
0x336: {  	v25 =	vor.u32 v25, v7;
	v17 =	vmul.f32 v17, v6;
	v27 =	vxor.u32 s17, v0;
	v19 =	vld.idx.msk [tilespmem:v24+s21+$0x0], $0xffff;
	[tilespmem:s16+$0x80] =	vst v21;
	(pc) =	sbr.rel @p0 .LBB2_40-.Ltmp18, $4  }
0x337: {  	s17 =	sand.u32 $0x30, s14;
	v21 =	vor.u32 v28, v7;
	v24 =	vor.u32 v26, v7;
	v26 =	vor.u32 v30, v7;
	[tilespmem:s16+$0x180] =	vst v18  }
0x338: {  	v23 =	vor.u32 v16, v7;
	v28 =	vor.u32 v22, v7;
	v21 =	vor.u32 s17, v21;
	v16 =	vld.idx.msk [tilespmem:v9+s21+$0x0], $0xffff;
	[tilespmem:s16+$0xFFFFFE80] =	vst v17  }
0x339: {  	v25 =	vor.u32 s17, v25;
	v22 =	vor.u32 s17, v24;
	v9 =	vor.u32 s17, v20;
	v18 =	vld.idx.msk [tilespmem:v13+s21+$0x0], $0xffff;
	[tilespmem:s16+$0xFFFFFE00] =	vst v29;
	s16 =	smov.u32 s4  }
0x33a: {  	v24 =	vor.u32 v27, v7;
	v20 =	vor.u32 s17, v28;
	v13 =	vor.u32 s17, v26;
	v17 =	vld.idx.msk [tilespmem:v10+s21+$0x0], $0xffff;
	v10 =	vmovc v25  }
0x33b: {  	_ = 	snop  }
0x33c: {  	v8 =	vmul.f32 v11, v6  }
0x33d: {  	v19 =	vmul.f32 v19, v6  }
0x33e: {  	v7 =	vor.u32 s17, v24;
	v14 =	vmul.f32 v14, v6;
	[tilespmem:s16+$0xFFFFFF00] =	vst v8  }
0x33f: {  	v52 =	vor.u32 s17, v23;
	v53 =	vmul.f32 v15, v6;
	v54 =	vld.idx.msk [tilespmem:v21+s21+$0x0], $0xffff;
	[tilespmem:s16+$0x100] =	vst v19  }
0x340: {  	v12 =	vmul.f32 v12, v6;
	v55 =	vld.idx.msk [tilespmem:v22+s21+$0x0], $0xffff;
	[tilespmem:s16+$0xFFFFFF80] =	vst v14  }
0x341: {  	v60 =	vld.idx.msk [tilespmem:v13+s21+$0x0], $0xffff;
	[tilespmem:s16+$0x0] =	vst v53;
	v58 =	vmul.f32 v16, v6  }
0x342: {  	v10 =	vld.idx.msk [tilespmem:v10+s21+$0x0], $0xffff;
	[tilespmem:s16+$0x80] =	vst v12;
	v18 =	vmul.f32 v18, v6  }
0x343: {  	v57 =	vmul.f32 v17, v6;
	[tilespmem:s16+$0xFFFFFE00] =	vst v58;
	v7 =	vld.idx.msk [tilespmem:v7+s21+$0x0], $0xffff  }
0x344: {  	v56 =	vld.idx.msk [tilespmem:v52+s21+$0x0], $0xffff;
	[tilespmem:s16+$0x180] =	vst v18;
	v61 =	vmul.f32 v54, v6  }
0x345: {  	v59 =	vld.idx.msk [tilespmem:v20+s21+$0x0], $0xffff;
	s0 =	sadd.s32 $0x800, s4;
	v62 =	vmul.f32 v55, v6;
	[tilespmem:s16+$0xFFFFFE80] =	vst v57  }
0x346: {  	v9 =	vld.idx.msk [tilespmem:v9+s21+$0x0], $0xffff;
	v11 =	vmul.f32 v60, v6;
	[tilespmem:s0+$0xFFFFFF00] =	vst v61  }
0x347: {  	s13 =	sadd.s32 $0x1, s13;
	v63 =	vmul.f32 v10, v6;
	[tilespmem:s0+$0xFFFFFF80] =	vst v62  }
0x348: {  	p0 =	sne.s32 s13, $0x10;
	[tilespmem:s0+$0x180] =	vst v11;
	v7 =	vmul.f32 v7, v6  }
.Ltmp19:
0x349: {  	[tilespmem:s0+$0xFFFFFE80] =	vst v63;
	v8 =	vmul.f32 v56, v6;
	(pc) =	sbr.rel @p0 .LBB2_39-.Ltmp19, $4  }
0x34a: {  	[tilespmem:s0+$0x100] =	vst v7;
	v7 =	vmul.f32 v59, v6  }
0x34b: {  	[tilespmem:s0+$0x0] =	vst v8;
	v6 =	vmul.f32 v9, v6  }
0x34c: {  	[tilespmem:s0+$0x80] =	vst v7  }
0x34d: {  	s12 =	sadd.s32 $0x1, s12;
	[tilespmem:s0+$0xFFFFFE00] =	vst v6  }
0x34e: {  	s2 =	sadd.s32 $0x1, s2  }
0x34f: {  	p0 =	sne.s32 s2, $0x32  }
.Ltmp20:
0x350: {  	s0 =	sshll.u32 s8, $0xB;
	(pc) =	sbr.rel @p0 .LBB2_30-.Ltmp20, $4  }
0x351: {  	s0 =	sadd.s32 s9, s0  }
0x352: {  	s1 =	rddreg [dreg:$0x6];
	s0 =	sshrl.u32 s0, $0x3  }
0x353: {  	s0 =	sadd.s32 s1, s0  }
0x354: {  	[hbm4b:s0+s22] =	stream.strided.scatter [tilespmem:s26], [sflag:$0x4], $0x4000, s23, s22, $0x38;
	[tilespmem:$0x1A600] =	vst v63  }
0x355: {  	s0 =	simm.s32 $0x3  }
0x356: {  	_ =	swait.ge [sflag:s0], $0x4000  }
0x357: {  	[sflag:s0] =	ssyncset.done $0x0  }
0x358: {  	[sflag:s0] =	ssyncadd.s32 $0xFFFFC000  }
0x359: {  	_ =	swait.ge [sflag:s29], $0x4000  }
0x35a: {  	s1 =	rddreg [dreg:$0xd]  }
0x35b: {  	s31 =	rddreg [dreg:$0xc];
	s1 =	sadd.s32 $0x1, s1  }
0x35c: {  	p0 =	sne.s32 s1, s31  }
.Ltmp21:
0x35d: {  	_ = 	snop;
	(pc) =	sbr.rel @p0 .LBB2_1-.Ltmp21, $4  }
0x35e: {  	_ = 	snop  }
0x35f: {  	[sflag:s29] =	ssyncset.done $0x0  }
0x360: {  	[sflag:s29] =	ssyncadd.s32 $0xFFFFC000  }
0x361: {  	s3 =	rddreg [dreg:$0x4]  }
0x362: {  	_ =	sfence.sel $0x180000  }
0x363: {  	[bflag:$0x0] =	sbarrier.arrive $0xFFFF  }
0x364: {  	_ =	strace $0x90000047  }
0x365: {  	s0 =	stileid.u32;
	[bflag:$0x2] =	sbarrier.arrive $0xFFFF  }
0x366: {  	p0 =	sne.s32 s0, $0x0;
	s0 =	rddreg [dreg:$0x8]  }
0x367: {  	s0 =	sadd.s32 @!p0 $0x100000, s0  }
0x368: {  	[sflag:s0] =	ssyncadd.tile.s32 @!p0 $0x1;
	_ =	shalt  }
.Lfunc_end2:
_tile_overlayer_lowered:
.L_overlay_start_2:
0x369: {  	(tag) =	ssettag $0x2  }
0x36a: {  	s0 =	rddreg [dreg:$0x0];
	s2 =	stileid.u32  }
0x36b: {  	s1 =	rddreg [dreg:$0x1];
	p0 =	sne.s32 s2, $0x0  }
0x36c: {  	s3 =	rddreg [dreg:$0x2];
	[bflag:$0x3] =	sbarrier.arrive $0xFFFF;
	s2 =	simm.s32 @!p0 $0x1C05  }
0x36d: {  	[timem:s3], [sflag:s2] =	dma.local @!p0 [hbm:s0], s1  }
0x36e: {  	s0 =	simm.s32 @!p0 $0x5  }
0x36f: {  	_ =	swait.ge @!p0 [sflag:s0], s1  }
0x370: {  	s1 =	ssub.s32 @!p0 $0x0, s1;
	[sflag:s0] =	ssyncset.done @!p0 $0x0  }
0x371: {  	[sflag:s0] =	ssyncadd.s32 @!p0 s1  }
0x372: {  	[bflag:$0x3] =	sbarrier.arrive $0xFFFF  }
0x373: {  	_ =	shalt  }

</sc_bundles>
